<compile_context>
chip_gen: v7x
topology: tpu7x:2x2x1
jax: 0.10.2.dev20260603
libtpu: 0.0.44.dev20260713+nightly
codegen_flags: <defaults>
</compile_context>

<pallas_src>
import functools

import jax
import jax.numpy as jnp
from jax import lax
from jax.experimental import pallas as pl
from jax.experimental.pallas import tpu as pltpu
from jax.experimental.pallas import tpu_sc as plsc

N_NODES = 10000
N_EDGES = 320000
H = 128

BLK_E = 3200
BLK_N = 2000

_F32 = jnp.float32


def _dot(a, b):
    return jnp.dot(a, b, preferred_element_type=_F32)


def _relu(x):
    return jnp.maximum(x, 0.0)



def _enc_edge_body(ea, W1, b1, W2, b2, W3, b3, e1e_out):
    h = _relu(_dot(ea[...], W1[...]) + b1[...])
    h = _relu(_dot(h, W2[...]) + b2[...])
    e1e_out[...] = _dot(h, W3[...]) + b3[...]


def _enc_node_body(x, W1, b1, W2, b2, W3, b3, Waxe, xe_out, cx_out):
    h = _relu(_dot(x[...], W1[...]) + b1[...])
    h = _relu(_dot(h, W2[...]) + b2[...])
    xe = _dot(h, W3[...]) + b3[...]
    xe_out[...] = xe
    cx_out[...] = _dot(xe, Waxe[...])


def _edge_fused1_body(gxd, gxs, e1e, urow, Wa0, Wb0, Wa1, Wb1, W2, b2, W3, b3,
                      zc_out, enew_out, sume_out):
    pid = pl.program_id(0)
    de = gxd[...] - gxs[...]
    e1 = e1e[...]
    zc = _dot(de, Wa0[...]) + _dot(e1, Wb0[...])
    zc_out[...] = zc
    z = zc + _dot(de, Wa1[...]) + _dot(e1, Wb1[...]) + urow[...]
    h1 = _relu(z)
    h2 = _relu(_dot(h1, W2[...]) + b2[...])
    en = _dot(h2, W3[...]) + b3[...]
    enew_out[...] = en

    @pl.when(pid == 0)
    def _init():
        sume_out[...] = jnp.zeros_like(sume_out)

    sume_out[...] += jnp.sum(en, axis=0, keepdims=True)


def _edge_stage2_body(zc, gd, gs, eh, urow, Wa1, Wb1, W2, b2, W3, b3,
                      enew_out, sume_out):
    pid = pl.program_id(0)
    z = (zc[...] + _dot(gd[...] - gs[...], Wa1[...])
         + _dot(eh[...], Wb1[...]) + urow[...])
    h1 = _relu(z)
    h2 = _relu(_dot(h1, W2[...]) + b2[...])
    en = _dot(h2, W3[...]) + b3[...]
    enew_out[...] = en

    @pl.when(pid == 0)
    def _init():
        sume_out[...] = jnp.zeros_like(sume_out)

    sume_out[...] += jnp.sum(en, axis=0, keepdims=True)


def _node_stage_body(eaggp, xh, cx, urow, A2, B, W2, b2, W3, b3,
                     xnew_out, sumx_out):
    pid = pl.program_id(0)
    eagg = eaggp[0] + eaggp[1]
    z = cx[...] + _dot(xh[...], A2[...]) + _dot(eagg, B[...]) + urow[...]
    h1 = _relu(z)
    h2 = _relu(_dot(h1, W2[...]) + b2[...])
    xn = _dot(h2, W3[...]) + b3[...]
    xnew_out[...] = xn

    @pl.when(pid == 0)
    def _init():
        sumx_out[...] = jnp.zeros_like(sumx_out)

    sumx_out[...] += jnp.sum(xn, axis=0, keepdims=True)


def _u_init_body(u1, u2, W1, b1, W2, b2, W3, b3, Wc0, Wc1, b1e, Cn0, Cn1, b1n,
                 us_out, urowe_out, urown_out):
    def mlp(v):
        h = _relu(_dot(v, W1[...]) + b1[...])
        h = _relu(_dot(h, W2[...]) + b2[...])
        return _dot(h, W3[...]) + b3[...]

    us = mlp(u1[...]) + mlp(u2[...])
    us_out[...] = us
    urowe_out[...] = _dot(us, Wc0[...]) + _dot(us, Wc1[...]) + b1e[...]
    urown_out[...] = _dot(us, Cn0[...]) + _dot(us, Cn1[...]) + b1n[...]


def _u_update_body(us, uh, sume, sumx,
                   Wu0, Wu1, Wux, Wue, b1u, W2, b2, W3, b3,
                   Wc0, Wc1, b1e, Cn0, Cn1, b1n,
                   unew_out, urowe_out, urown_out):
    z = (_dot(us[...], Wu0[...]) + _dot(uh[...], Wu1[...])
         + _dot(sumx[...], Wux[...]) + _dot(sume[...], Wue[...]) + b1u[...])
    h = _relu(z)
    h = _relu(_dot(h, W2[...]) + b2[...])
    un = _dot(h, W3[...]) + b3[...]
    unew_out[...] = un
    urowe_out[...] = _dot(us[...], Wc0[...]) + _dot(un, Wc1[...]) + b1e[...]
    urown_out[...] = _dot(us[...], Cn0[...]) + _dot(un, Cn1[...]) + b1n[...]


def _u_final_body(us, uh, sume, sumx,
                  Wu0, Wu1, Wux, Wue, b1u, W2, b2, W3, b3,
                  Wd1, bd1, Wd2, bd2, Wd3, bd3, y_out):
    z = (_dot(us[...], Wu0[...]) + _dot(uh[...], Wu1[...])
         + _dot(sumx[...], Wux[...]) + _dot(sume[...], Wue[...]) + b1u[...])
    h = _relu(z)
    h = _relu(_dot(h, W2[...]) + b2[...])
    un = _dot(h, W3[...]) + b3[...]
    h = _relu(_dot(un, Wd1[...]) + bd1[...])
    h = _relu(_dot(h, Wd2[...]) + bd2[...])
    y_out[...] = _dot(h, Wd3[...]) + bd3[...]


def _full(shape):
    return pl.BlockSpec(shape, lambda *_: tuple(0 for _ in shape))


def _rows(blk, width):
    return pl.BlockSpec((blk, width), lambda i: (i, 0))


def _sds(shape):
    return jax.ShapeDtypeStruct(shape, _F32)


def _enc_edge(ea, *ws):
    return pl.pallas_call(
        _enc_edge_body,
        grid=(N_EDGES // BLK_E,),
        in_specs=[_rows(BLK_E, 16)] + [_full(w.shape) for w in ws],
        out_specs=_rows(BLK_E, H),
        out_shape=_sds((N_EDGES, H)),
    )(ea, *ws)


def _enc_node(x, *ws):
    return pl.pallas_call(
        _enc_node_body,
        grid=(N_NODES // BLK_N,),
        in_specs=[_rows(BLK_N, H)] + [_full(w.shape) for w in ws],
        out_specs=[_rows(BLK_N, H)] * 2,
        out_shape=[_sds((N_NODES, H))] * 2,
    )(x, *ws)


def _edge_fused1(gxd, gxs, e1e, urow, *ws):
    return pl.pallas_call(
        _edge_fused1_body,
        grid=(N_EDGES // BLK_E,),
        in_specs=[_rows(BLK_E, H)] * 3 + [_full(urow.shape)] + [_full(w.shape) for w in ws],
        out_specs=[_rows(BLK_E, H), _rows(BLK_E, H), _full((1, H))],
        out_shape=[_sds((N_EDGES, H)), _sds((N_EDGES, H)), _sds((1, H))],
    )(gxd, gxs, e1e, urow, *ws)


def _edge_stage2(zc, gd, gs, eh, urow, *ws):
    return pl.pallas_call(
        _edge_stage2_body,
        grid=(N_EDGES // BLK_E,),
        in_specs=[_rows(BLK_E, H)] * 4 + [_full(urow.shape)] + [_full(w.shape) for w in ws],
        out_specs=[_rows(BLK_E, H), _full((1, H))],
        out_shape=[_sds((N_EDGES, H)), _sds((1, H))],
    )(zc, gd, gs, eh, urow, *ws)


def _node_stage(eaggp, xh, cx, urow, *ws):
    return pl.pallas_call(
        _node_stage_body,
        grid=(N_NODES // BLK_N,),
        in_specs=[pl.BlockSpec((2, BLK_N, H), lambda i: (0, i, 0))]
        + [_rows(BLK_N, H)] * 2
        + [_full(urow.shape)] + [_full(w.shape) for w in ws],
        out_specs=[_rows(BLK_N, H), _full((1, H))],
        out_shape=[_sds((N_NODES, H)), _sds((1, H))],
    )(eaggp, xh, cx, urow, *ws)


def _u_init(*args):
    return pl.pallas_call(
        _u_init_body,
        in_specs=[_full(a.shape) for a in args],
        out_specs=[_full((1, H))] * 3,
        out_shape=[_sds((1, H))] * 3,
    )(*args)


def _u_update(*args):
    return pl.pallas_call(
        _u_update_body,
        in_specs=[_full(a.shape) for a in args],
        out_specs=[_full((1, H))] * 3,
        out_shape=[_sds((1, H))] * 3,
    )(*args)


def _u_final(*args):
    return pl.pallas_call(
        _u_final_body,
        in_specs=[_full(a.shape) for a in args],
        out_specs=_full((1, H)),
        out_shape=_sds((1, H)),
    )(*args)



_NC, _NS = 2, 16
_NW = _NC * _NS
_EPW = N_EDGES // _NW
_KCH = 128
_NCH = _EPW // _KCH
_KTL = _EPW - _NCH * _KCH
_NPAD = 10240
_NPS = _NPAD // _NS


def _gather_rows(T, dst, src):
    mesh = plsc.VectorSubcoreMesh(core_axis_name="c", subcore_axis_name="s")

    @functools.partial(
        pl.kernel, mesh=mesh,
        out_type=[jax.ShapeDtypeStruct((N_EDGES, H), _F32)] * 2,
        scratch_types=[
            pltpu.VMEM((_KCH,), jnp.int32),
            pltpu.VMEM((_KCH, H), _F32),
            pltpu.VMEM((_KCH,), jnp.int32),
            pltpu.VMEM((_KCH, H), _F32),
            pltpu.VMEM((_KTL,), jnp.int32),
            pltpu.VMEM((_KTL, H), _F32),
            pltpu.VMEM((_KTL,), jnp.int32),
            pltpu.VMEM((_KTL, H), _F32),
            pltpu.SemaphoreType.DMA,
            pltpu.SemaphoreType.DMA,
        ],
    )
    def k(T_hbm, dst_hbm, src_hbm, gd_hbm, gs_hbm,
          idxd_v, rowsd_v, idxs_v, rowss_v,
          idxd_t, rowsd_t, idxs_t, rowss_t, semd, sems):
        wid = lax.axis_index("s") * _NC + lax.axis_index("c")
        base = wid * _EPW

        def body(i, c):
            off = base + i * _KCH
            pltpu.sync_copy(dst_hbm.at[pl.ds(off, _KCH)], idxd_v)
            pltpu.sync_copy(src_hbm.at[pl.ds(off, _KCH)], idxs_v)
            cpd = pltpu.async_copy(T_hbm.at[idxd_v], rowsd_v, semd)
            cps = pltpu.async_copy(T_hbm.at[idxs_v], rowss_v, sems)
            cpd.wait()
            pltpu.sync_copy(rowsd_v, gd_hbm.at[pl.ds(off, _KCH)])
            cps.wait()
            pltpu.sync_copy(rowss_v, gs_hbm.at[pl.ds(off, _KCH)])
            return c

        lax.fori_loop(0, _NCH, body, 0)

        offt = base + _NCH * _KCH
        pltpu.sync_copy(dst_hbm.at[pl.ds(offt, _KTL)], idxd_t)
        pltpu.sync_copy(src_hbm.at[pl.ds(offt, _KTL)], idxs_t)
        cpd = pltpu.async_copy(T_hbm.at[idxd_t], rowsd_t, semd)
        cps = pltpu.async_copy(T_hbm.at[idxs_t], rowss_t, sems)
        cpd.wait()
        pltpu.sync_copy(rowsd_t, gd_hbm.at[pl.ds(offt, _KTL)])
        cps.wait()
        pltpu.sync_copy(rowss_t, gs_hbm.at[pl.ds(offt, _KTL)])

    return k(T, dst, src)


def _segment_partials(e_new, dst):
    mesh = plsc.VectorSubcoreMesh(core_axis_name="c", subcore_axis_name="s")
    zeros = jnp.zeros((_NPAD, H), _F32)

    @functools.partial(
        pl.kernel, mesh=mesh,
        out_type=jax.ShapeDtypeStruct((_NC, _NPAD, H), _F32),
        scratch_types=[
            pltpu.VMEM((_KCH,), jnp.int32),
            pltpu.VMEM((_KCH, H), _F32),
            pltpu.VMEM((_KTL,), jnp.int32),
            pltpu.VMEM((_KTL, H), _F32),
            pltpu.VMEM_SHARED((_NPAD, H), _F32),
            pltpu.SemaphoreType.DMA,
        ],
    )
    def k(e_hbm, dst_hbm, z_hbm, out_hbm, idx_v, chunk_v, idx_t, chunk_t,
          accum, sem):
        cid = lax.axis_index("c")
        sid = lax.axis_index("s")
        wid = sid * _NC + cid
        pltpu.sync_copy(z_hbm.at[pl.ds(sid * _NPS, _NPS)],
                        accum.at[pl.ds(sid * _NPS, _NPS)])
        plsc.subcore_barrier()
        base = wid * _EPW

        def body(i, c):
            off = base + i * _KCH
            pltpu.sync_copy(dst_hbm.at[pl.ds(off, _KCH)], idx_v)
            pltpu.sync_copy(e_hbm.at[pl.ds(off, _KCH)], chunk_v)
            pltpu.sync_copy(chunk_v, accum.at[idx_v], add=True)
            return c

        lax.fori_loop(0, _NCH, body, 0)

        offt = base + _NCH * _KCH
        pltpu.sync_copy(dst_hbm.at[pl.ds(offt, _KTL)], idx_t)
        pltpu.sync_copy(e_hbm.at[pl.ds(offt, _KTL)], chunk_t)
        pltpu.sync_copy(chunk_t, accum.at[idx_t], add=True)

        plsc.subcore_barrier()
        pltpu.sync_copy(accum.at[pl.ds(sid * _NPS, _NPS)],
                        out_hbm.at[cid, pl.ds(sid * _NPS, _NPS)])

    return k(e_new, dst, zeros)



def kernel(x1, edge_index1, edge_attr1, u1, batch1,
           x2, edge_index2, edge_attr2, u2, batch2, params):
    p = params
    (We1, be1), (We2, be2), (We3, be3) = p["enc_e"]
    (Wx1, bx1), (Wx2, bx2), (Wx3, bx3) = p["enc_x"]
    (Wv1, bv1), (Wv2, bv2), (Wv3, bv3) = p["enc_u"]
    (Wre1, bre1), (Wre2, bre2), (Wre3, bre3) = p["rec_e"]
    (Wrx1, brx1), (Wrx2, brx2), (Wrx3, brx3) = p["rec_x"]
    (Wru1, bru1), (Wru2, bru2), (Wru3, bru3) = p["rec_u"]
    (Wd1, bd1), (Wd2, bd2), (Wd3, bd3) = p["dec"]

    r = lambda b: b.reshape(1, -1)

    Wa0, Wa1 = Wre1[0:128], Wre1[128:256]
    Wb0, Wb1 = Wre1[256:384], Wre1[384:512]
    Wc0, Wc1 = Wre1[512:640], Wre1[640:768]
    Waxe, A2, Bm = Wrx1[0:128], Wrx1[128:256], Wrx1[256:384]
    Cn0, Cn1 = Wrx1[384:512], Wrx1[512:640]
    Wu0, Wu1 = Wru1[0:128], Wru1[128:256]
    Wux, Wue = Wru1[256:384], Wru1[384:512]

    src1, dst1 = edge_index1[0], edge_index1[1]
    src2, dst2 = edge_index2[0], edge_index2[1]

    e1e_1 = _enc_edge(edge_attr1, We1, r(be1), We2, r(be2), We3, r(be3))
    e1e_2 = _enc_edge(edge_attr2, We1, r(be1), We2, r(be2), We3, r(be3))
    xe_1, Cx_1 = _enc_node(x1, Wx1, r(bx1), Wx2, r(bx2), Wx3, r(bx3), Waxe)
    xe_2, Cx_2 = _enc_node(x2, Wx1, r(bx1), Wx2, r(bx2), Wx3, r(bx3), Waxe)

    gxd1, gxs1 = _gather_rows(xe_1, dst1, src1)
    gxd2, gxs2 = _gather_rows(xe_2, dst2, src2)

    us, urow_e, urow_n = _u_init(u1, u2, Wv1, r(bv1), Wv2, r(bv2), Wv3, r(bv3),
                                 Wc0, Wc1, r(bre1), Cn0, Cn1, r(brx1))
    uh = us

    state = {
        1: dict(xh=xe_1, eh=e1e_1, gxd=gxd1, gxs=gxs1, Zc=None, Cx=Cx_1, src=src1, dst=dst1),
        2: dict(xh=xe_2, eh=e1e_2, gxd=gxd2, gxs=gxs2, Zc=None, Cx=Cx_2, src=src2, dst=dst2),
    }

    y = None
    stage = 0
    for pass_i in range(2):
        for g in (1, 2):
            st = state[g]
            stage += 1
            if pass_i == 0:
                st["Zc"], e_new, sum_e = _edge_fused1(
                    st["gxd"], st["gxs"], st["eh"], urow_e,
                    Wa0, Wb0, Wa1, Wb1, Wre2, r(bre2), Wre3, r(bre3))
            else:
                gd, gs = _gather_rows(st["xh"], st["dst"], st["src"])
                e_new, sum_e = _edge_stage2(st["Zc"], gd, gs, st["eh"], urow_e,
                                            Wa1, Wb1, Wre2, r(bre2), Wre3, r(bre3))
            eaggp = _segment_partials(e_new, st["dst"])
            x_new, sum_x = _node_stage(eaggp, st["xh"], st["Cx"], urow_n,
                                       A2, Bm, Wrx2, r(brx2), Wrx3, r(brx3))
            st["xh"], st["eh"] = x_new, e_new
            uargs = (us, uh, sum_e, sum_x, Wu0, Wu1, Wux, Wue, r(bru1),
                     Wru2, r(bru2), Wru3, r(bru3))
            if stage == 4:
                y = _u_final(*uargs, Wd1, r(bd1), Wd2, r(bd2), Wd3, r(bd3))
            else:
                uh, urow_e, urow_n = _u_update(*uargs, Wc0, Wc1, r(bre1),
                                               Cn0, Cn1, r(brx1))
    return y

# --- scband reference (transcript-rebuilt; emitter-appended) ---
"""Pipeline reference for scband-alternating-61933428408529 (READ-ONLY COPY).

The authoritative reference and input builder live on the scoring server;
editing this copy changes nothing except your own understanding.
"""

import jax, jax.numpy as jnp
import numpy as np

H = 128
F_E, F_X, F_U, F_OUT = 16, 128, 128, 128
N_PASSES = 2
N_INNER = 1
HIDDEN = [128, 128]
N_NODES = 10000
N_EDGES = 320000
N_GRAPHS = 1


def _init_mlp(key, din, dout):
    dims = [din] + HIDDEN + [dout]
    params = []
    for i in range(len(dims) - 1):
        key, k1 = jax.random.split(key)
        W = jax.random.normal(k1, (dims[i], dims[i + 1]), dtype=jnp.float32) / np.sqrt(dims[i])
        b = jnp.zeros((dims[i + 1],), dtype=jnp.float32)
        params.append((W, b))
    return params


def _mlp(params, x):
    for W, b in params[:-1]:
        x = jax.nn.relu(x @ W + b)
    W, b = params[-1]
    return x @ W + b


def _make_params(key):
    ks = jax.random.split(key, 8)
    return {
        "enc_e": _init_mlp(ks[0], F_E, H),
        "enc_x": _init_mlp(ks[1], F_X, H),
        "enc_u": _init_mlp(ks[2], F_U, H),
        "rec_e": _init_mlp(ks[3], 6 * H, H),
        "rec_x": _init_mlp(ks[4], 5 * H, H),
        "rec_u": _init_mlp(ks[5], 4 * H, H),
        "dec": _init_mlp(ks[6], H, F_OUT),
    }


def setup_inputs(seed: int = 0):
    key = jax.random.key(seed)
    ks = jax.random.split(key, 12)
    x1 = jax.random.normal(ks[0], (N_NODES, F_X), jnp.float32)
    edge_index1 = jax.random.randint(ks[1], (2, N_EDGES), 0, N_NODES)
    edge_attr1 = jax.random.normal(ks[2], (N_EDGES, F_E), jnp.float32)
    u1 = jax.random.normal(ks[3], (N_GRAPHS, F_U), jnp.float32)
    batch1 = jnp.zeros((N_NODES,), dtype=jnp.int32)
    x2 = jax.random.normal(ks[4], (N_NODES, F_X), jnp.float32)
    edge_index2 = jax.random.randint(ks[5], (2, N_EDGES), 0, N_NODES)
    edge_attr2 = jax.random.normal(ks[6], (N_EDGES, F_E), jnp.float32)
    u2 = jax.random.normal(ks[7], (N_GRAPHS, F_U), jnp.float32)
    batch2 = jnp.zeros((N_NODES,), dtype=jnp.int32)
    params = _make_params(ks[8])
    return {"x1": x1, "edge_index1": edge_index1, "edge_attr1": edge_attr1, "u1": u1, "batch1": batch1,
            "x2": x2, "edge_index2": edge_index2, "edge_attr2": edge_attr2, "u2": u2, "batch2": batch2,
            "params": params}


def _gn_pass(params, x_cat, e_cat, u_cat, src, dst, batch):
    # EdgeModelDiff: MLP on [x_dst - x_src, e, u[batch_e]]
    batch_e = batch[src]
    e_in = jnp.concatenate([x_cat[dst] - x_cat[src], e_cat, u_cat[batch_e]], axis=1)
    e_new = _mlp(params["rec_e"], e_in)
    # NodeModel: scatter-add edge messages to dst nodes, MLP on [x, e_agg, u[batch]]
    e_agg = jax.ops.segment_sum(e_new, dst, num_segments=N_NODES)
    x_in = jnp.concatenate([x_cat, e_agg, u_cat[batch]], axis=1)
    x_new = _mlp(params["rec_x"], x_in)
    # GlobalModel: MLP on [u, sum_x, sum_e]
    x_agg = jax.ops.segment_sum(x_new, batch, num_segments=N_GRAPHS)
    e_agg_g = jax.ops.segment_sum(e_new, batch_e, num_segments=N_GRAPHS)
    u_in = jnp.concatenate([u_cat, x_agg, e_agg_g], axis=1)
    u_new = _mlp(params["rec_u"], u_in)
    return x_new, e_new, u_new


def _forward(params, x1, edge_index1, edge_attr1, u1, batch1, x2, edge_index2, edge_attr2, u2, batch2):
    src1, dst1 = edge_index1[0], edge_index1[1]
    src2, dst2 = edge_index2[0], edge_index2[1]
    # direct encoders
    x1e = _mlp(params["enc_x"], x1)
    e1e = _mlp(params["enc_e"], edge_attr1)
    u1e = _mlp(params["enc_u"], u1)
    x2e = _mlp(params["enc_x"], x2)
    e2e = _mlp(params["enc_e"], edge_attr2)
    u2e = _mlp(params["enc_u"], u2)
    u_shared = u1e + u2e
    xh1, eh1 = x1e, e1e
    xh2, eh2 = x2e, e2e
    uh = u_shared
    for _ in range(N_PASSES):
        for _ in range(N_INNER):
            xh1, eh1, uh = _gn_pass(params,
                                    jnp.concatenate([x1e, xh1], axis=1),
                                    jnp.concatenate([e1e, eh1], axis=1),
                                    jnp.concatenate([u_shared, uh], axis=1),
                                    src1, dst1, batch1)
        for _ in range(N_INNER):
            xh2, eh2, uh = _gn_pass(params,
                                    jnp.concatenate([x2e, xh2], axis=1),
                                    jnp.concatenate([e2e, eh2], axis=1),
                                    jnp.concatenate([u_shared, uh], axis=1),
                                    src2, dst2, batch2)
    return _mlp(params["dec"], uh)


def reference(x1, edge_index1, edge_attr1, u1, batch1, x2, edge_index2, edge_attr2, u2, batch2, params):
    return _forward(params, x1, edge_index1, edge_attr1, u1, batch1,
                    x2, edge_index2, edge_attr2, u2, batch2)

if __name__ == "__main__":
    import jax
    _d = setup_inputs()
    print(jax.jit(kernel)(*tuple(_d.values())))

</pallas_src>

<mosaic_0001>
#map = affine_map<(d0, d1) -> (0, 0)>
#map1 = affine_map<(d0, d1) -> (0)>
#map2 = affine_map<(d0, d1) -> (0, 0, 0)>
module attributes {stable_mosaic.version = 14 : i64} {
  func.func @k(%arg0: i32, %arg1: i32, %arg2: memref<320000x128xf32, #tpu.memory_space<hbm>>, %arg3: memref<320000xi32, #tpu.memory_space<hbm>>, %arg4: memref<10240x128xf32, #tpu.memory_space<hbm>>, %arg5: memref<2x10240x128xf32, #tpu.memory_space<hbm>>, %arg6: memref<128xi32, #tpu.memory_space<vmem>>, %arg7: memref<128x128xf32, #tpu.memory_space<vmem>>, %arg8: memref<16xi32, #tpu.memory_space<vmem>>, %arg9: memref<16x128xf32, #tpu.memory_space<vmem>>, %arg10: memref<10240x128xf32, #tpu.memory_space<vmem_shared>>, %arg11: memref<!tpu.dma_semaphore, #tpu.memory_space<semaphore_mem>>) attributes {dimension_semantics = [#tpu.dimension_semantics<core_parallel>, #tpu.dimension_semantics<subcore_parallel>], iteration_bounds = array<i64: 2, 16>, scalar_prefetch = 0 : i64, scratch_operands = 6 : i64, tpu.core_type = #tpu.core_type<sc_vector_subcore>, window_params = [{transform_indices = #map}, {transform_indices = #map1}, {transform_indices = #map}, {transform_indices = #map2}]} {
    %mul3A = arith.constant 2 : i32
    %mul3A_0 = arith.muli %arg1, %mul3A : i32
    %add3A = arith.addi %mul3A_0, %arg0 : i32
    %mul3A_1 = arith.constant 640 : i32
    %mul3A_2 = arith.muli %arg1, %mul3A_1 : i32
    %mul3A_3 = arith.constant 640 : i32
    %mul3A_4 = arith.muli %arg1, %mul3A_3 : i32
    "tpu.region"() ({
      %run_scoped3A = tpu.sem_alloc : memref<!tpu.dma_semaphore, #tpu.memory_space<semaphore_mem>>
      %dma_start3A = arith.constant 0 : i32
      %dma_start3A_19 = tpu.memref_slice %arg10[%mul3A_4, %dma_start3A] : memref<10240x128xf32, #tpu.memory_space<vmem_shared>> -> memref<640x128xf32, #tpu.memory_space<vmem_shared>>
      %dma_start3A_20 = arith.constant 0 : i32
      %dma_start3A_21 = tpu.memref_slice %arg4[%mul3A_2, %dma_start3A_20] : memref<10240x128xf32, #tpu.memory_space<hbm>> -> memref<640x128xf32, #tpu.memory_space<hbm>>
      tpu.enqueue_dma source(%dma_start3A_21 : memref<640x128xf32, #tpu.memory_space<hbm>>) target(%dma_start3A_19 : memref<640x128xf32, #tpu.memory_space<vmem_shared>>) target_semaphore(%run_scoped3A : memref<!tpu.dma_semaphore, #tpu.memory_space<semaphore_mem>>)
      %dma_wait3A = arith.constant 0 : i32
      %dma_wait3A_22 = tpu.memref_slice %arg10[%mul3A_4, %dma_wait3A] : memref<10240x128xf32, #tpu.memory_space<vmem_shared>> -> memref<640x128xf32, #tpu.memory_space<vmem_shared>>
      %dma_wait3A_23 = arith.constant 0 : i32
      %dma_wait3A_24 = tpu.memref_slice %arg4[%mul3A_2, %dma_wait3A_23] : memref<10240x128xf32, #tpu.memory_space<hbm>> -> memref<640x128xf32, #tpu.memory_space<hbm>>
      tpu.wait_dma2 semaphore(%run_scoped3A : memref<!tpu.dma_semaphore, #tpu.memory_space<semaphore_mem>>) src(%dma_wait3A_24 : memref<640x128xf32, #tpu.memory_space<hbm>>) dst(%dma_wait3A_22 : memref<640x128xf32, #tpu.memory_space<vmem_shared>>)
      tpu.yield
    }) : () -> ()
    %barrier3A = arith.constant 0 : index
    tpu.barrier barrier_id(%barrier3A)
    %mul3A_5 = arith.constant 10000 : i32
    %mul3A_6 = arith.muli %add3A, %mul3A_5 : i32
    %scan3A = arith.constant 0 : i32
    %scan3A_7 = arith.constant 0 : i32
    %scan3A_8 = arith.constant 78 : i32
    %scan3A_9 = arith.addi %scan3A_7, %scan3A_8 : i32
    %scan3A_10 = arith.constant 1 : i32
    scf.for %scan3A_19 = %scan3A_7 to %scan3A_9 step %scan3A_10  : i32 {
      %mul3A_20 = arith.constant 128 : i32
      %mul3A_21 = arith.muli %scan3A_19, %mul3A_20 : i32
      %add3A_22 = arith.addi %mul3A_6, %mul3A_21 : i32
      "tpu.region"() ({
        %run_scoped3A = tpu.sem_alloc : memref<!tpu.dma_semaphore, #tpu.memory_space<semaphore_mem>>
        %dma_start3A = tpu.memref_slice %arg3[%add3A_22] : memref<320000xi32, #tpu.memory_space<hbm>> -> memref<128xi32, #tpu.memory_space<hbm>>
        %dma_start3A_23 = tpu.memref_slice %arg3[%add3A_22] : memref<320000xi32, #tpu.memory_space<hbm>> -> memref<128xi32, #tpu.memory_space<hbm>>
        tpu.enqueue_dma source(%dma_start3A_23 : memref<128xi32, #tpu.memory_space<hbm>>) target(%arg6 : memref<128xi32, #tpu.memory_space<vmem>>) target_semaphore(%run_scoped3A : memref<!tpu.dma_semaphore, #tpu.memory_space<semaphore_mem>>)
        %dma_wait3A = tpu.memref_slice %arg3[%add3A_22] : memref<320000xi32, #tpu.memory_space<hbm>> -> memref<128xi32, #tpu.memory_space<hbm>>
        %dma_wait3A_24 = tpu.memref_slice %arg3[%add3A_22] : memref<320000xi32, #tpu.memory_space<hbm>> -> memref<128xi32, #tpu.memory_space<hbm>>
        tpu.wait_dma2 semaphore(%run_scoped3A : memref<!tpu.dma_semaphore, #tpu.memory_space<semaphore_mem>>) src(%dma_wait3A_24 : memref<128xi32, #tpu.memory_space<hbm>>) dst(%arg6 : memref<128xi32, #tpu.memory_space<vmem>>)
        tpu.yield
      }) : () -> ()
      "tpu.region"() ({
        %run_scoped3A = tpu.sem_alloc : memref<!tpu.dma_semaphore, #tpu.memory_space<semaphore_mem>>
        %dma_start3A = arith.constant 0 : i32
        %dma_start3A_23 = tpu.memref_slice %arg2[%add3A_22, %dma_start3A] : memref<320000x128xf32, #tpu.memory_space<hbm>> -> memref<128x128xf32, #tpu.memory_space<hbm>>
        %dma_start3A_24 = arith.constant 0 : i32
        %dma_start3A_25 = tpu.memref_slice %arg2[%add3A_22, %dma_start3A_24] : memref<320000x128xf32, #tpu.memory_space<hbm>> -> memref<128x128xf32, #tpu.memory_space<hbm>>
        tpu.enqueue_dma source(%dma_start3A_25 : memref<128x128xf32, #tpu.memory_space<hbm>>) target(%arg7 : memref<128x128xf32, #tpu.memory_space<vmem>>) target_semaphore(%run_scoped3A : memref<!tpu.dma_semaphore, #tpu.memory_space<semaphore_mem>>)
        %dma_wait3A = arith.constant 0 : i32
        %dma_wait3A_26 = tpu.memref_slice %arg2[%add3A_22, %dma_wait3A] : memref<320000x128xf32, #tpu.memory_space<hbm>> -> memref<128x128xf32, #tpu.memory_space<hbm>>
        %dma_wait3A_27 = arith.constant 0 : i32
        %dma_wait3A_28 = tpu.memref_slice %arg2[%add3A_22, %dma_wait3A_27] : memref<320000x128xf32, #tpu.memory_space<hbm>> -> memref<128x128xf32, #tpu.memory_space<hbm>>
        tpu.wait_dma2 semaphore(%run_scoped3A : memref<!tpu.dma_semaphore, #tpu.memory_space<semaphore_mem>>) src(%dma_wait3A_28 : memref<128x128xf32, #tpu.memory_space<hbm>>) dst(%arg7 : memref<128x128xf32, #tpu.memory_space<vmem>>)
        tpu.yield
      }) : () -> ()
      "tpu.region"() ({
        %run_scoped3A = tpu.sem_alloc : memref<!tpu.dma_semaphore, #tpu.memory_space<semaphore_mem>>
        %dma_start3A = arith.constant 0 : i32
        %dma_start3A_23 = arith.constant 0 : i32
        %dma_start3A_24 = tpu.memref_slice %arg10[%dma_start3A, %dma_start3A_23] : memref<10240x128xf32, #tpu.memory_space<vmem_shared>> -> memref<10240x128xf32, #tpu.memory_space<vmem_shared>>
        tpu.enqueue_indirect_dma source(%arg7 : memref<128x128xf32, #tpu.memory_space<vmem>>) target(%dma_start3A_24 : memref<10240x128xf32, #tpu.memory_space<vmem_shared>>) offsets(%arg6 : memref<128xi32, #tpu.memory_space<vmem>>) semaphore(%run_scoped3A : memref<!tpu.dma_semaphore, #tpu.memory_space<semaphore_mem>>) {add = true}
        %dma_wait3A = arith.constant 0 : i32
        %dma_wait3A_25 = arith.constant 0 : i32
        %dma_wait3A_26 = tpu.memref_slice %arg10[%dma_wait3A, %dma_wait3A_25] : memref<10240x128xf32, #tpu.memory_space<vmem_shared>> -> memref<10240x128xf32, #tpu.memory_space<vmem_shared>>
        tpu.wait_indirect_dma semaphore(%run_scoped3A : memref<!tpu.dma_semaphore, #tpu.memory_space<semaphore_mem>>) src(%arg7 : memref<128x128xf32, #tpu.memory_space<vmem>>) dst(%dma_wait3A_26 : memref<10240x128xf32, #tpu.memory_space<vmem_shared>>)
        tpu.yield
      }) : () -> ()
    }
    %scan3A_11 = arith.constant 78 : i32
    %add3A_12 = arith.constant 9984 : i32
    %add3A_13 = arith.addi %mul3A_6, %add3A_12 : i32
    "tpu.region"() ({
      %run_scoped3A = tpu.sem_alloc : memref<!tpu.dma_semaphore, #tpu.memory_space<semaphore_mem>>
      %dma_start3A = tpu.memref_slice %arg3[%add3A_13] : memref<320000xi32, #tpu.memory_space<hbm>> -> memref<16xi32, #tpu.memory_space<hbm>>
      %dma_start3A_19 = tpu.memref_slice %arg3[%add3A_13] : memref<320000xi32, #tpu.memory_space<hbm>> -> memref<16xi32, #tpu.memory_space<hbm>>
      tpu.enqueue_dma source(%dma_start3A_19 : memref<16xi32, #tpu.memory_space<hbm>>) target(%arg8 : memref<16xi32, #tpu.memory_space<vmem>>) target_semaphore(%run_scoped3A : memref<!tpu.dma_semaphore, #tpu.memory_space<semaphore_mem>>)
      %dma_wait3A = tpu.memref_slice %arg3[%add3A_13] : memref<320000xi32, #tpu.memory_space<hbm>> -> memref<16xi32, #tpu.memory_space<hbm>>
      %dma_wait3A_20 = tpu.memref_slice %arg3[%add3A_13] : memref<320000xi32, #tpu.memory_space<hbm>> -> memref<16xi32, #tpu.memory_space<hbm>>
      tpu.wait_dma2 semaphore(%run_scoped3A : memref<!tpu.dma_semaphore, #tpu.memory_space<semaphore_mem>>) src(%dma_wait3A_20 : memref<16xi32, #tpu.memory_space<hbm>>) dst(%arg8 : memref<16xi32, #tpu.memory_space<vmem>>)
      tpu.yield
    }) : () -> ()
    "tpu.region"() ({
      %run_scoped3A = tpu.sem_alloc : memref<!tpu.dma_semaphore, #tpu.memory_space<semaphore_mem>>
      %dma_start3A = arith.constant 0 : i32
      %dma_start3A_19 = tpu.memref_slice %arg2[%add3A_13, %dma_start3A] : memref<320000x128xf32, #tpu.memory_space<hbm>> -> memref<16x128xf32, #tpu.memory_space<hbm>>
      %dma_start3A_20 = arith.constant 0 : i32
      %dma_start3A_21 = tpu.memref_slice %arg2[%add3A_13, %dma_start3A_20] : memref<320000x128xf32, #tpu.memory_space<hbm>> -> memref<16x128xf32, #tpu.memory_space<hbm>>
      tpu.enqueue_dma source(%dma_start3A_21 : memref<16x128xf32, #tpu.memory_space<hbm>>) target(%arg9 : memref<16x128xf32, #tpu.memory_space<vmem>>) target_semaphore(%run_scoped3A : memref<!tpu.dma_semaphore, #tpu.memory_space<semaphore_mem>>)
      %dma_wait3A = arith.constant 0 : i32
      %dma_wait3A_22 = tpu.memref_slice %arg2[%add3A_13, %dma_wait3A] : memref<320000x128xf32, #tpu.memory_space<hbm>> -> memref<16x128xf32, #tpu.memory_space<hbm>>
      %dma_wait3A_23 = arith.constant 0 : i32
      %dma_wait3A_24 = tpu.memref_slice %arg2[%add3A_13, %dma_wait3A_23] : memref<320000x128xf32, #tpu.memory_space<hbm>> -> memref<16x128xf32, #tpu.memory_space<hbm>>
      tpu.wait_dma2 semaphore(%run_scoped3A : memref<!tpu.dma_semaphore, #tpu.memory_space<semaphore_mem>>) src(%dma_wait3A_24 : memref<16x128xf32, #tpu.memory_space<hbm>>) dst(%arg9 : memref<16x128xf32, #tpu.memory_space<vmem>>)
      tpu.yield
    }) : () -> ()
    "tpu.region"() ({
      %run_scoped3A = tpu.sem_alloc : memref<!tpu.dma_semaphore, #tpu.memory_space<semaphore_mem>>
      %dma_start3A = arith.constant 0 : i32
      %dma_start3A_19 = arith.constant 0 : i32
      %dma_start3A_20 = tpu.memref_slice %arg10[%dma_start3A, %dma_start3A_19] : memref<10240x128xf32, #tpu.memory_space<vmem_shared>> -> memref<10240x128xf32, #tpu.memory_space<vmem_shared>>
      tpu.enqueue_indirect_dma source(%arg9 : memref<16x128xf32, #tpu.memory_space<vmem>>) target(%dma_start3A_20 : memref<10240x128xf32, #tpu.memory_space<vmem_shared>>) offsets(%arg8 : memref<16xi32, #tpu.memory_space<vmem>>) semaphore(%run_scoped3A : memref<!tpu.dma_semaphore, #tpu.memory_space<semaphore_mem>>) {add = true}
      %dma_wait3A = arith.constant 0 : i32
      %dma_wait3A_21 = arith.constant 0 : i32
      %dma_wait3A_22 = tpu.memref_slice %arg10[%dma_wait3A, %dma_wait3A_21] : memref<10240x128xf32, #tpu.memory_space<vmem_shared>> -> memref<10240x128xf32, #tpu.memory_space<vmem_shared>>
      tpu.wait_indirect_dma semaphore(%run_scoped3A : memref<!tpu.dma_semaphore, #tpu.memory_space<semaphore_mem>>) src(%arg9 : memref<16x128xf32, #tpu.memory_space<vmem>>) dst(%dma_wait3A_22 : memref<10240x128xf32, #tpu.memory_space<vmem_shared>>)
      tpu.yield
    }) : () -> ()
    %barrier3A_14 = arith.constant 0 : index
    tpu.barrier barrier_id(%barrier3A_14)
    %mul3A_15 = arith.constant 640 : i32
    %mul3A_16 = arith.muli %arg1, %mul3A_15 : i32
    %mul3A_17 = arith.constant 640 : i32
    %mul3A_18 = arith.muli %arg1, %mul3A_17 : i32
    "tpu.region"() ({
      %run_scoped3A = tpu.sem_alloc : memref<!tpu.dma_semaphore, #tpu.memory_space<semaphore_mem>>
      %dma_start3A = arith.constant 0 : i32
      %dma_start3A_19 = tpu.memref_slice %arg5[%arg0, %mul3A_18, %dma_start3A] : memref<2x10240x128xf32, #tpu.memory_space<hbm>> -> memref<1x640x128xf32, #tpu.memory_space<hbm>>
      %dma_start3A_20 = tpu.memref_squeeze %dma_start3A_19 : memref<1x640x128xf32, #tpu.memory_space<hbm>> -> memref<640x128xf32, #tpu.memory_space<hbm>>
      %dma_start3A_21 = arith.constant 0 : i32
      %dma_start3A_22 = tpu.memref_slice %arg10[%mul3A_16, %dma_start3A_21] : memref<10240x128xf32, #tpu.memory_space<vmem_shared>> -> memref<640x128xf32, #tpu.memory_space<vmem_shared>>
      tpu.enqueue_dma source(%dma_start3A_22 : memref<640x128xf32, #tpu.memory_space<vmem_shared>>) target(%dma_start3A_20 : memref<640x128xf32, #tpu.memory_space<hbm>>) target_semaphore(%run_scoped3A : memref<!tpu.dma_semaphore, #tpu.memory_space<semaphore_mem>>)
      %dma_wait3A = arith.constant 0 : i32
      %dma_wait3A_23 = tpu.memref_slice %arg5[%arg0, %mul3A_18, %dma_wait3A] : memref<2x10240x128xf32, #tpu.memory_space<hbm>> -> memref<1x640x128xf32, #tpu.memory_space<hbm>>
      %dma_wait3A_24 = tpu.memref_squeeze %dma_wait3A_23 : memref<1x640x128xf32, #tpu.memory_space<hbm>> -> memref<640x128xf32, #tpu.memory_space<hbm>>
      %dma_wait3A_25 = arith.constant 0 : i32
      %dma_wait3A_26 = tpu.memref_slice %arg10[%mul3A_16, %dma_wait3A_25] : memref<10240x128xf32, #tpu.memory_space<vmem_shared>> -> memref<640x128xf32, #tpu.memory_space<vmem_shared>>
      tpu.wait_dma2 semaphore(%run_scoped3A : memref<!tpu.dma_semaphore, #tpu.memory_space<semaphore_mem>>) src(%dma_wait3A_26 : memref<640x128xf32, #tpu.memory_space<vmem_shared>>) dst(%dma_wait3A_24 : memref<640x128xf32, #tpu.memory_space<hbm>>)
      tpu.yield
    }) : () -> ()
    return
  }
}

#map = affine_map<(d0, d1) -> (0, 0)>
#map1 = affine_map<(d0, d1) -> (0)>
module attributes {stable_mosaic.version = 14 : i64} {
  func.func @k(%arg0: i32, %arg1: i32, %arg2: memref<10000x128xf32, #tpu.memory_space<hbm>>, %arg3: memref<320000xi32, #tpu.memory_space<hbm>>, %arg4: memref<320000xi32, #tpu.memory_space<hbm>>, %arg5: memref<320000x128xf32, #tpu.memory_space<hbm>>, %arg6: memref<320000x128xf32, #tpu.memory_space<hbm>>, %arg7: memref<128xi32, #tpu.memory_space<vmem>>, %arg8: memref<128x128xf32, #tpu.memory_space<vmem>>, %arg9: memref<128xi32, #tpu.memory_space<vmem>>, %arg10: memref<128x128xf32, #tpu.memory_space<vmem>>, %arg11: memref<16xi32, #tpu.memory_space<vmem>>, %arg12: memref<16x128xf32, #tpu.memory_space<vmem>>, %arg13: memref<16xi32, #tpu.memory_space<vmem>>, %arg14: memref<16x128xf32, #tpu.memory_space<vmem>>, %arg15: memref<!tpu.dma_semaphore, #tpu.memory_space<semaphore_mem>>, %arg16: memref<!tpu.dma_semaphore, #tpu.memory_space<semaphore_mem>>) attributes {dimension_semantics = [#tpu.dimension_semantics<core_parallel>, #tpu.dimension_semantics<subcore_parallel>], iteration_bounds = array<i64: 2, 16>, scalar_prefetch = 0 : i64, scratch_operands = 10 : i64, tpu.core_type = #tpu.core_type<sc_vector_subcore>, window_params = [{transform_indices = #map}, {transform_indices = #map1}, {transform_indices = #map1}, {transform_indices = #map}, {transform_indices = #map}]} {
    %mul3A = arith.constant 2 : i32
    %mul3A_0 = arith.muli %arg1, %mul3A : i32
    %add3A = arith.addi %mul3A_0, %arg0 : i32
    %mul3A_1 = arith.constant 10000 : i32
    %mul3A_2 = arith.muli %add3A, %mul3A_1 : i32
    %scan3A = arith.constant 0 : i32
    %scan3A_3 = arith.constant 0 : i32
    %scan3A_4 = arith.constant 78 : i32
    %scan3A_5 = arith.addi %scan3A_3, %scan3A_4 : i32
    %scan3A_6 = arith.constant 1 : i32
    scf.for %scan3A_20 = %scan3A_3 to %scan3A_5 step %scan3A_6  : i32 {
      %mul3A_21 = arith.constant 128 : i32
      %mul3A_22 = arith.muli %scan3A_20, %mul3A_21 : i32
      %add3A_23 = arith.addi %mul3A_2, %mul3A_22 : i32
      "tpu.region"() ({
        %run_scoped3A = tpu.sem_alloc : memref<!tpu.dma_semaphore, #tpu.memory_space<semaphore_mem>>
        %dma_start3A_36 = tpu.memref_slice %arg3[%add3A_23] : memref<320000xi32, #tpu.memory_space<hbm>> -> memref<128xi32, #tpu.memory_space<hbm>>
        %dma_start3A_37 = tpu.memref_slice %arg3[%add3A_23] : memref<320000xi32, #tpu.memory_space<hbm>> -> memref<128xi32, #tpu.memory_space<hbm>>
        tpu.enqueue_dma source(%dma_start3A_37 : memref<128xi32, #tpu.memory_space<hbm>>) target(%arg7 : memref<128xi32, #tpu.memory_space<vmem>>) target_semaphore(%run_scoped3A : memref<!tpu.dma_semaphore, #tpu.memory_space<semaphore_mem>>)
        %dma_wait3A_38 = tpu.memref_slice %arg3[%add3A_23] : memref<320000xi32, #tpu.memory_space<hbm>> -> memref<128xi32, #tpu.memory_space<hbm>>
        %dma_wait3A_39 = tpu.memref_slice %arg3[%add3A_23] : memref<320000xi32, #tpu.memory_space<hbm>> -> memref<128xi32, #tpu.memory_space<hbm>>
        tpu.wait_dma2 semaphore(%run_scoped3A : memref<!tpu.dma_semaphore, #tpu.memory_space<semaphore_mem>>) src(%dma_wait3A_39 : memref<128xi32, #tpu.memory_space<hbm>>) dst(%arg7 : memref<128xi32, #tpu.memory_space<vmem>>)
        tpu.yield
      }) : () -> ()
      "tpu.region"() ({
        %run_scoped3A = tpu.sem_alloc : memref<!tpu.dma_semaphore, #tpu.memory_space<semaphore_mem>>
        %dma_start3A_36 = tpu.memref_slice %arg4[%add3A_23] : memref<320000xi32, #tpu.memory_space<hbm>> -> memref<128xi32, #tpu.memory_space<hbm>>
        %dma_start3A_37 = tpu.memref_slice %arg4[%add3A_23] : memref<320000xi32, #tpu.memory_space<hbm>> -> memref<128xi32, #tpu.memory_space<hbm>>
        tpu.enqueue_dma source(%dma_start3A_37 : memref<128xi32, #tpu.memory_space<hbm>>) target(%arg9 : memref<128xi32, #tpu.memory_space<vmem>>) target_semaphore(%run_scoped3A : memref<!tpu.dma_semaphore, #tpu.memory_space<semaphore_mem>>)
        %dma_wait3A_38 = tpu.memref_slice %arg4[%add3A_23] : memref<320000xi32, #tpu.memory_space<hbm>> -> memref<128xi32, #tpu.memory_space<hbm>>
        %dma_wait3A_39 = tpu.memref_slice %arg4[%add3A_23] : memref<320000xi32, #tpu.memory_space<hbm>> -> memref<128xi32, #tpu.memory_space<hbm>>
        tpu.wait_dma2 semaphore(%run_scoped3A : memref<!tpu.dma_semaphore, #tpu.memory_space<semaphore_mem>>) src(%dma_wait3A_39 : memref<128xi32, #tpu.memory_space<hbm>>) dst(%arg9 : memref<128xi32, #tpu.memory_space<vmem>>)
        tpu.yield
      }) : () -> ()
      %dma_start3A_24 = arith.constant 0 : i32
      %dma_start3A_25 = arith.constant 0 : i32
      %dma_start3A_26 = tpu.memref_slice %arg2[%dma_start3A_24, %dma_start3A_25] : memref<10000x128xf32, #tpu.memory_space<hbm>> -> memref<10000x128xf32, #tpu.memory_space<hbm>>
      tpu.enqueue_indirect_dma source(%dma_start3A_26 : memref<10000x128xf32, #tpu.memory_space<hbm>>) target(%arg8 : memref<128x128xf32, #tpu.memory_space<vmem>>) offsets(%arg7 : memref<128xi32, #tpu.memory_space<vmem>>) semaphore(%arg15 : memref<!tpu.dma_semaphore, #tpu.memory_space<semaphore_mem>>)
      %dma_start3A_27 = arith.constant 0 : i32
      %dma_start3A_28 = arith.constant 0 : i32
      %dma_start3A_29 = tpu.memref_slice %arg2[%dma_start3A_27, %dma_start3A_28] : memref<10000x128xf32, #tpu.memory_space<hbm>> -> memref<10000x128xf32, #tpu.memory_space<hbm>>
      tpu.enqueue_indirect_dma source(%dma_start3A_29 : memref<10000x128xf32, #tpu.memory_space<hbm>>) target(%arg10 : memref<128x128xf32, #tpu.memory_space<vmem>>) offsets(%arg9 : memref<128xi32, #tpu.memory_space<vmem>>) semaphore(%arg16 : memref<!tpu.dma_semaphore, #tpu.memory_space<semaphore_mem>>)
      %dma_wait3A_30 = arith.constant 0 : i32
      %dma_wait3A_31 = arith.constant 0 : i32
      %dma_wait3A_32 = tpu.memref_slice %arg2[%dma_wait3A_30, %dma_wait3A_31] : memref<10000x128xf32, #tpu.memory_space<hbm>> -> memref<10000x128xf32, #tpu.memory_space<hbm>>
      tpu.wait_indirect_dma semaphore(%arg15 : memref<!tpu.dma_semaphore, #tpu.memory_space<semaphore_mem>>) src(%dma_wait3A_32 : memref<10000x128xf32, #tpu.memory_space<hbm>>) dst(%arg8 : memref<128x128xf32, #tpu.memory_space<vmem>>)
      "tpu.region"() ({
        %run_scoped3A = tpu.sem_alloc : memref<!tpu.dma_semaphore, #tpu.memory_space<semaphore_mem>>
        %dma_start3A_36 = arith.constant 0 : i32
        %dma_start3A_37 = tpu.memref_slice %arg5[%add3A_23, %dma_start3A_36] : memref<320000x128xf32, #tpu.memory_space<hbm>> -> memref<128x128xf32, #tpu.memory_space<hbm>>
        %dma_start3A_38 = arith.constant 0 : i32
        %dma_start3A_39 = tpu.memref_slice %arg5[%add3A_23, %dma_start3A_38] : memref<320000x128xf32, #tpu.memory_space<hbm>> -> memref<128x128xf32, #tpu.memory_space<hbm>>
        tpu.enqueue_dma source(%arg8 : memref<128x128xf32, #tpu.memory_space<vmem>>) target(%dma_start3A_39 : memref<128x128xf32, #tpu.memory_space<hbm>>) target_semaphore(%run_scoped3A : memref<!tpu.dma_semaphore, #tpu.memory_space<semaphore_mem>>)
        %dma_wait3A_40 = arith.constant 0 : i32
        %dma_wait3A_41 = tpu.memref_slice %arg5[%add3A_23, %dma_wait3A_40] : memref<320000x128xf32, #tpu.memory_space<hbm>> -> memref<128x128xf32, #tpu.memory_space<hbm>>
        %dma_wait3A_42 = arith.constant 0 : i32
        %dma_wait3A_43 = tpu.memref_slice %arg5[%add3A_23, %dma_wait3A_42] : memref<320000x128xf32, #tpu.memory_space<hbm>> -> memref<128x128xf32, #tpu.memory_space<hbm>>
        tpu.wait_dma2 semaphore(%run_scoped3A : memref<!tpu.dma_semaphore, #tpu.memory_space<semaphore_mem>>) src(%arg8 : memref<128x128xf32, #tpu.memory_space<vmem>>) dst(%dma_wait3A_43 : memref<128x128xf32, #tpu.memory_space<hbm>>)
        tpu.yield
      }) : () -> ()
      %dma_wait3A_33 = arith.constant 0 : i32
      %dma_wait3A_34 = arith.constant 0 : i32
      %dma_wait3A_35 = tpu.memref_slice %arg2[%dma_wait3A_33, %dma_wait3A_34] : memref<10000x128xf32, #tpu.memory_space<hbm>> -> memref<10000x128xf32, #tpu.memory_space<hbm>>
      tpu.wait_indirect_dma semaphore(%arg16 : memref<!tpu.dma_semaphore, #tpu.memory_space<semaphore_mem>>) src(%dma_wait3A_35 : memref<10000x128xf32, #tpu.memory_space<hbm>>) dst(%arg10 : memref<128x128xf32, #tpu.memory_space<vmem>>)
      "tpu.region"() ({
        %run_scoped3A = tpu.sem_alloc : memref<!tpu.dma_semaphore, #tpu.memory_space<semaphore_mem>>
        %dma_start3A_36 = arith.constant 0 : i32
        %dma_start3A_37 = tpu.memref_slice %arg6[%add3A_23, %dma_start3A_36] : memref<320000x128xf32, #tpu.memory_space<hbm>> -> memref<128x128xf32, #tpu.memory_space<hbm>>
        %dma_start3A_38 = arith.constant 0 : i32
        %dma_start3A_39 = tpu.memref_slice %arg6[%add3A_23, %dma_start3A_38] : memref<320000x128xf32, #tpu.memory_space<hbm>> -> memref<128x128xf32, #tpu.memory_space<hbm>>
        tpu.enqueue_dma source(%arg10 : memref<128x128xf32, #tpu.memory_space<vmem>>) target(%dma_start3A_39 : memref<128x128xf32, #tpu.memory_space<hbm>>) target_semaphore(%run_scoped3A : memref<!tpu.dma_semaphore, #tpu.memory_space<semaphore_mem>>)
        %dma_wait3A_40 = arith.constant 0 : i32
        %dma_wait3A_41 = tpu.memref_slice %arg6[%add3A_23, %dma_wait3A_40] : memref<320000x128xf32, #tpu.memory_space<hbm>> -> memref<128x128xf32, #tpu.memory_space<hbm>>
        %dma_wait3A_42 = arith.constant 0 : i32
        %dma_wait3A_43 = tpu.memref_slice %arg6[%add3A_23, %dma_wait3A_42] : memref<320000x128xf32, #tpu.memory_space<hbm>> -> memref<128x128xf32, #tpu.memory_space<hbm>>
        tpu.wait_dma2 semaphore(%run_scoped3A : memref<!tpu.dma_semaphore, #tpu.memory_space<semaphore_mem>>) src(%arg10 : memref<128x128xf32, #tpu.memory_space<vmem>>) dst(%dma_wait3A_43 : memref<128x128xf32, #tpu.memory_space<hbm>>)
        tpu.yield
      }) : () -> ()
    }
    %scan3A_7 = arith.constant 78 : i32
    %add3A_8 = arith.constant 9984 : i32
    %add3A_9 = arith.addi %mul3A_2, %add3A_8 : i32
    "tpu.region"() ({
      %run_scoped3A = tpu.sem_alloc : memref<!tpu.dma_semaphore, #tpu.memory_space<semaphore_mem>>
      %dma_start3A_20 = tpu.memref_slice %arg3[%add3A_9] : memref<320000xi32, #tpu.memory_space<hbm>> -> memref<16xi32, #tpu.memory_space<hbm>>
      %dma_start3A_21 = tpu.memref_slice %arg3[%add3A_9] : memref<320000xi32, #tpu.memory_space<hbm>> -> memref<16xi32, #tpu.memory_space<hbm>>
      tpu.enqueue_dma source(%dma_start3A_21 : memref<16xi32, #tpu.memory_space<hbm>>) target(%arg11 : memref<16xi32, #tpu.memory_space<vmem>>) target_semaphore(%run_scoped3A : memref<!tpu.dma_semaphore, #tpu.memory_space<semaphore_mem>>)
      %dma_wait3A_22 = tpu.memref_slice %arg3[%add3A_9] : memref<320000xi32, #tpu.memory_space<hbm>> -> memref<16xi32, #tpu.memory_space<hbm>>
      %dma_wait3A_23 = tpu.memref_slice %arg3[%add3A_9] : memref<320000xi32, #tpu.memory_space<hbm>> -> memref<16xi32, #tpu.memory_space<hbm>>
      tpu.wait_dma2 semaphore(%run_scoped3A : memref<!tpu.dma_semaphore, #tpu.memory_space<semaphore_mem>>) src(%dma_wait3A_23 : memref<16xi32, #tpu.memory_space<hbm>>) dst(%arg11 : memref<16xi32, #tpu.memory_space<vmem>>)
      tpu.yield
    }) : () -> ()
    "tpu.region"() ({
      %run_scoped3A = tpu.sem_alloc : memref<!tpu.dma_semaphore, #tpu.memory_space<semaphore_mem>>
      %dma_start3A_20 = tpu.memref_slice %arg4[%add3A_9] : memref<320000xi32, #tpu.memory_space<hbm>> -> memref<16xi32, #tpu.memory_space<hbm>>
      %dma_start3A_21 = tpu.memref_slice %arg4[%add3A_9] : memref<320000xi32, #tpu.memory_space<hbm>> -> memref<16xi32, #tpu.memory_space<hbm>>
      tpu.enqueue_dma source(%dma_start3A_21 : memref<16xi32, #tpu.memory_space<hbm>>) target(%arg13 : memref<16xi32, #tpu.memory_space<vmem>>) target_semaphore(%run_scoped3A : memref<!tpu.dma_semaphore, #tpu.memory_space<semaphore_mem>>)
      %dma_wait3A_22 = tpu.memref_slice %arg4[%add3A_9] : memref<320000xi32, #tpu.memory_space<hbm>> -> memref<16xi32, #tpu.memory_space<hbm>>
      %dma_wait3A_23 = tpu.memref_slice %arg4[%add3A_9] : memref<320000xi32, #tpu.memory_space<hbm>> -> memref<16xi32, #tpu.memory_space<hbm>>
      tpu.wait_dma2 semaphore(%run_scoped3A : memref<!tpu.dma_semaphore, #tpu.memory_space<semaphore_mem>>) src(%dma_wait3A_23 : memref<16xi32, #tpu.memory_space<hbm>>) dst(%arg13 : memref<16xi32, #tpu.memory_space<vmem>>)
      tpu.yield
    }) : () -> ()
    %dma_start3A = arith.constant 0 : i32
    %dma_start3A_10 = arith.constant 0 : i32
    %dma_start3A_11 = tpu.memref_slice %arg2[%dma_start3A, %dma_start3A_10] : memref<10000x128xf32, #tpu.memory_space<hbm>> -> memref<10000x128xf32, #tpu.memory_space<hbm>>
    tpu.enqueue_indirect_dma source(%dma_start3A_11 : memref<10000x128xf32, #tpu.memory_space<hbm>>) target(%arg12 : memref<16x128xf32, #tpu.memory_space<vmem>>) offsets(%arg11 : memref<16xi32, #tpu.memory_space<vmem>>) semaphore(%arg15 : memref<!tpu.dma_semaphore, #tpu.memory_space<semaphore_mem>>)
    %dma_start3A_12 = arith.constant 0 : i32
    %dma_start3A_13 = arith.constant 0 : i32
    %dma_start3A_14 = tpu.memref_slice %arg2[%dma_start3A_12, %dma_start3A_13] : memref<10000x128xf32, #tpu.memory_space<hbm>> -> memref<10000x128xf32, #tpu.memory_space<hbm>>
    tpu.enqueue_indirect_dma source(%dma_start3A_14 : memref<10000x128xf32, #tpu.memory_space<hbm>>) target(%arg14 : memref<16x128xf32, #tpu.memory_space<vmem>>) offsets(%arg13 : memref<16xi32, #tpu.memory_space<vmem>>) semaphore(%arg16 : memref<!tpu.dma_semaphore, #tpu.memory_space<semaphore_mem>>)
    %dma_wait3A = arith.constant 0 : i32
    %dma_wait3A_15 = arith.constant 0 : i32
    %dma_wait3A_16 = tpu.memref_slice %arg2[%dma_wait3A, %dma_wait3A_15] : memref<10000x128xf32, #tpu.memory_space<hbm>> -> memref<10000x128xf32, #tpu.memory_space<hbm>>
    tpu.wait_indirect_dma semaphore(%arg15 : memref<!tpu.dma_semaphore, #tpu.memory_space<semaphore_mem>>) src(%dma_wait3A_16 : memref<10000x128xf32, #tpu.memory_space<hbm>>) dst(%arg12 : memref<16x128xf32, #tpu.memory_space<vmem>>)
    "tpu.region"() ({
      %run_scoped3A = tpu.sem_alloc : memref<!tpu.dma_semaphore, #tpu.memory_space<semaphore_mem>>
      %dma_start3A_20 = arith.constant 0 : i32
      %dma_start3A_21 = tpu.memref_slice %arg5[%add3A_9, %dma_start3A_20] : memref<320000x128xf32, #tpu.memory_space<hbm>> -> memref<16x128xf32, #tpu.memory_space<hbm>>
      %dma_start3A_22 = arith.constant 0 : i32
      %dma_start3A_23 = tpu.memref_slice %arg5[%add3A_9, %dma_start3A_22] : memref<320000x128xf32, #tpu.memory_space<hbm>> -> memref<16x128xf32, #tpu.memory_space<hbm>>
      tpu.enqueue_dma source(%arg12 : memref<16x128xf32, #tpu.memory_space<vmem>>) target(%dma_start3A_23 : memref<16x128xf32, #tpu.memory_space<hbm>>) target_semaphore(%run_scoped3A : memref<!tpu.dma_semaphore, #tpu.memory_space<semaphore_mem>>)
      %dma_wait3A_24 = arith.constant 0 : i32
      %dma_wait3A_25 = tpu.memref_slice %arg5[%add3A_9, %dma_wait3A_24] : memref<320000x128xf32, #tpu.memory_space<hbm>> -> memref<16x128xf32, #tpu.memory_space<hbm>>
      %dma_wait3A_26 = arith.constant 0 : i32
      %dma_wait3A_27 = tpu.memref_slice %arg5[%add3A_9, %dma_wait3A_26] : memref<320000x128xf32, #tpu.memory_space<hbm>> -> memref<16x128xf32, #tpu.memory_space<hbm>>
      tpu.wait_dma2 semaphore(%run_scoped3A : memref<!tpu.dma_semaphore, #tpu.memory_space<semaphore_mem>>) src(%arg12 : memref<16x128xf32, #tpu.memory_space<vmem>>) dst(%dma_wait3A_27 : memref<16x128xf32, #tpu.memory_space<hbm>>)
      tpu.yield
    }) : () -> ()
    %dma_wait3A_17 = arith.constant 0 : i32
    %dma_wait3A_18 = arith.constant 0 : i32
    %dma_wait3A_19 = tpu.memref_slice %arg2[%dma_wait3A_17, %dma_wait3A_18] : memref<10000x128xf32, #tpu.memory_space<hbm>> -> memref<10000x128xf32, #tpu.memory_space<hbm>>
    tpu.wait_indirect_dma semaphore(%arg16 : memref<!tpu.dma_semaphore, #tpu.memory_space<semaphore_mem>>) src(%dma_wait3A_19 : memref<10000x128xf32, #tpu.memory_space<hbm>>) dst(%arg14 : memref<16x128xf32, #tpu.memory_space<vmem>>)
    "tpu.region"() ({
      %run_scoped3A = tpu.sem_alloc : memref<!tpu.dma_semaphore, #tpu.memory_space<semaphore_mem>>
      %dma_start3A_20 = arith.constant 0 : i32
      %dma_start3A_21 = tpu.memref_slice %arg6[%add3A_9, %dma_start3A_20] : memref<320000x128xf32, #tpu.memory_space<hbm>> -> memref<16x128xf32, #tpu.memory_space<hbm>>
      %dma_start3A_22 = arith.constant 0 : i32
      %dma_start3A_23 = tpu.memref_slice %arg6[%add3A_9, %dma_start3A_22] : memref<320000x128xf32, #tpu.memory_space<hbm>> -> memref<16x128xf32, #tpu.memory_space<hbm>>
      tpu.enqueue_dma source(%arg14 : memref<16x128xf32, #tpu.memory_space<vmem>>) target(%dma_start3A_23 : memref<16x128xf32, #tpu.memory_space<hbm>>) target_semaphore(%run_scoped3A : memref<!tpu.dma_semaphore, #tpu.memory_space<semaphore_mem>>)
      %dma_wait3A_24 = arith.constant 0 : i32
      %dma_wait3A_25 = tpu.memref_slice %arg6[%add3A_9, %dma_wait3A_24] : memref<320000x128xf32, #tpu.memory_space<hbm>> -> memref<16x128xf32, #tpu.memory_space<hbm>>
      %dma_wait3A_26 = arith.constant 0 : i32
      %dma_wait3A_27 = tpu.memref_slice %arg6[%add3A_9, %dma_wait3A_26] : memref<320000x128xf32, #tpu.memory_space<hbm>> -> memref<16x128xf32, #tpu.memory_space<hbm>>
      tpu.wait_dma2 semaphore(%run_scoped3A : memref<!tpu.dma_semaphore, #tpu.memory_space<semaphore_mem>>) src(%arg14 : memref<16x128xf32, #tpu.memory_space<vmem>>) dst(%dma_wait3A_27 : memref<16x128xf32, #tpu.memory_space<hbm>>)
      tpu.yield
    }) : () -> ()
    return
  }
}

#map = affine_map<(d0, d1) -> (0, 0)>
#map1 = affine_map<(d0, d1) -> (0)>
#map2 = affine_map<(d0, d1) -> (0, 0, 0)>
module attributes {stable_mosaic.version = 14 : i64} {
  func.func @k(%arg0: i32, %arg1: i32, %arg2: memref<320000x128xf32, #tpu.memory_space<hbm>>, %arg3: memref<320000xi32, #tpu.memory_space<hbm>>, %arg4: memref<10240x128xf32, #tpu.memory_space<hbm>>, %arg5: memref<2x10240x128xf32, #tpu.memory_space<hbm>>, %arg6: memref<128xi32, #tpu.memory_space<vmem>>, %arg7: memref<128x128xf32, #tpu.memory_space<vmem>>, %arg8: memref<16xi32, #tpu.memory_space<vmem>>, %arg9: memref<16x128xf32, #tpu.memory_space<vmem>>, %arg10: memref<10240x128xf32, #tpu.memory_space<vmem_shared>>, %arg11: memref<!tpu.dma_semaphore, #tpu.memory_space<semaphore_mem>>) attributes {dimension_semantics = [#tpu.dimension_semantics<core_parallel>, #tpu.dimension_semantics<subcore_parallel>], iteration_bounds = array<i64: 2, 16>, scalar_prefetch = 0 : i64, scratch_operands = 6 : i64, tpu.core_type = #tpu.core_type<sc_vector_subcore>, window_params = [{transform_indices = #map}, {transform_indices = #map1}, {transform_indices = #map}, {transform_indices = #map2}]} {
    %mul3A = arith.constant 2 : i32
    %mul3A_0 = arith.muli %arg1, %mul3A : i32
    %add3A = arith.addi %mul3A_0, %arg0 : i32
    %mul3A_1 = arith.constant 640 : i32
    %mul3A_2 = arith.muli %arg1, %mul3A_1 : i32
    %mul3A_3 = arith.constant 640 : i32
    %mul3A_4 = arith.muli %arg1, %mul3A_3 : i32
    "tpu.region"() ({
      %run_scoped3A = tpu.sem_alloc : memref<!tpu.dma_semaphore, #tpu.memory_space<semaphore_mem>>
      %dma_start3A = arith.constant 0 : i32
      %dma_start3A_19 = tpu.memref_slice %arg10[%mul3A_4, %dma_start3A] : memref<10240x128xf32, #tpu.memory_space<vmem_shared>> -> memref<640x128xf32, #tpu.memory_space<vmem_shared>>
      %dma_start3A_20 = arith.constant 0 : i32
      %dma_start3A_21 = tpu.memref_slice %arg4[%mul3A_2, %dma_start3A_20] : memref<10240x128xf32, #tpu.memory_space<hbm>> -> memref<640x128xf32, #tpu.memory_space<hbm>>
      tpu.enqueue_dma source(%dma_start3A_21 : memref<640x128xf32, #tpu.memory_space<hbm>>) target(%dma_start3A_19 : memref<640x128xf32, #tpu.memory_space<vmem_shared>>) target_semaphore(%run_scoped3A : memref<!tpu.dma_semaphore, #tpu.memory_space<semaphore_mem>>)
      %dma_wait3A = arith.constant 0 : i32
      %dma_wait3A_22 = tpu.memref_slice %arg10[%mul3A_4, %dma_wait3A] : memref<10240x128xf32, #tpu.memory_space<vmem_shared>> -> memref<640x128xf32, #tpu.memory_space<vmem_shared>>
      %dma_wait3A_23 = arith.constant 0 : i32
      %dma_wait3A_24 = tpu.memref_slice %arg4[%mul3A_2, %dma_wait3A_23] : memref<10240x128xf32, #tpu.memory_space<hbm>> -> memref<640x128xf32, #tpu.memory_space<hbm>>
      tpu.wait_dma2 semaphore(%run_scoped3A : memref<!tpu.dma_semaphore, #tpu.memory_space<semaphore_mem>>) src(%dma_wait3A_24 : memref<640x128xf32, #tpu.memory_space<hbm>>) dst(%dma_wait3A_22 : memref<640x128xf32, #tpu.memory_space<vmem_shared>>)
      tpu.yield
    }) : () -> ()
    %barrier3A = arith.constant 0 : index
    tpu.barrier barrier_id(%barrier3A)
    %mul3A_5 = arith.constant 10000 : i32
    %mul3A_6 = arith.muli %add3A, %mul3A_5 : i32
    %scan3A = arith.constant 0 : i32
    %scan3A_7 = arith.constant 0 : i32
    %scan3A_8 = arith.constant 78 : i32
    %scan3A_9 = arith.addi %scan3A_7, %scan3A_8 : i32
    %scan3A_10 = arith.constant 1 : i32
    scf.for %scan3A_19 = %scan3A_7 to %scan3A_9 step %scan3A_10  : i32 {
      %mul3A_20 = arith.constant 128 : i32
      %mul3A_21 = arith.muli %scan3A_19, %mul3A_20 : i32
      %add3A_22 = arith.addi %mul3A_6, %mul3A_21 : i32
      "tpu.region"() ({
        %run_scoped3A = tpu.sem_alloc : memref<!tpu.dma_semaphore, #tpu.memory_space<semaphore_mem>>
        %dma_start3A = tpu.memref_slice %arg3[%add3A_22] : memref<320000xi32, #tpu.memory_space<hbm>> -> memref<128xi32, #tpu.memory_space<hbm>>
        %dma_start3A_23 = tpu.memref_slice %arg3[%add3A_22] : memref<320000xi32, #tpu.memory_space<hbm>> -> memref<128xi32, #tpu.memory_space<hbm>>
        tpu.enqueue_dma source(%dma_start3A_23 : memref<128xi32, #tpu.memory_space<hbm>>) target(%arg6 : memref<128xi32, #tpu.memory_space<vmem>>) target_semaphore(%run_scoped3A : memref<!tpu.dma_semaphore, #tpu.memory_space<semaphore_mem>>)
        %dma_wait3A = tpu.memref_slice %arg3[%add3A_22] : memref<320000xi32, #tpu.memory_space<hbm>> -> memref<128xi32, #tpu.memory_space<hbm>>
        %dma_wait3A_24 = tpu.memref_slice %arg3[%add3A_22] : memref<320000xi32, #tpu.memory_space<hbm>> -> memref<128xi32, #tpu.memory_space<hbm>>
        tpu.wait_dma2 semaphore(%run_scoped3A : memref<!tpu.dma_semaphore, #tpu.memory_space<semaphore_mem>>) src(%dma_wait3A_24 : memref<128xi32, #tpu.memory_space<hbm>>) dst(%arg6 : memref<128xi32, #tpu.memory_space<vmem>>)
        tpu.yield
      }) : () -> ()
      "tpu.region"() ({
        %run_scoped3A = tpu.sem_alloc : memref<!tpu.dma_semaphore, #tpu.memory_space<semaphore_mem>>
        %dma_start3A = arith.constant 0 : i32
        %dma_start3A_23 = tpu.memref_slice %arg2[%add3A_22, %dma_start3A] : memref<320000x128xf32, #tpu.memory_space<hbm>> -> memref<128x128xf32, #tpu.memory_space<hbm>>
        %dma_start3A_24 = arith.constant 0 : i32
        %dma_start3A_25 = tpu.memref_slice %arg2[%add3A_22, %dma_start3A_24] : memref<320000x128xf32, #tpu.memory_space<hbm>> -> memref<128x128xf32, #tpu.memory_space<hbm>>
        tpu.enqueue_dma source(%dma_start3A_25 : memref<128x128xf32, #tpu.memory_space<hbm>>) target(%arg7 : memref<128x128xf32, #tpu.memory_space<vmem>>) target_semaphore(%run_scoped3A : memref<!tpu.dma_semaphore, #tpu.memory_space<semaphore_mem>>)
        %dma_wait3A = arith.constant 0 : i32
        %dma_wait3A_26 = tpu.memref_slice %arg2[%add3A_22, %dma_wait3A] : memref<320000x128xf32, #tpu.memory_space<hbm>> -> memref<128x128xf32, #tpu.memory_space<hbm>>
        %dma_wait3A_27 = arith.constant 0 : i32
        %dma_wait3A_28 = tpu.memref_slice %arg2[%add3A_22, %dma_wait3A_27] : memref<320000x128xf32, #tpu.memory_space<hbm>> -> memref<128x128xf32, #tpu.memory_space<hbm>>
        tpu.wait_dma2 semaphore(%run_scoped3A : memref<!tpu.dma_semaphore, #tpu.memory_space<semaphore_mem>>) src(%dma_wait3A_28 : memref<128x128xf32, #tpu.memory_space<hbm>>) dst(%arg7 : memref<128x128xf32, #tpu.memory_space<vmem>>)
        tpu.yield
      }) : () -> ()
      "tpu.region"() ({
        %run_scoped3A = tpu.sem_alloc : memref<!tpu.dma_semaphore, #tpu.memory_space<semaphore_mem>>
        %dma_start3A = arith.constant 0 : i32
        %dma_start3A_23 = arith.constant 0 : i32
        %dma_start3A_24 = tpu.memref_slice %arg10[%dma_start3A, %dma_start3A_23] : memref<10240x128xf32, #tpu.memory_space<vmem_shared>> -> memref<10240x128xf32, #tpu.memory_space<vmem_shared>>
        tpu.enqueue_indirect_dma source(%arg7 : memref<128x128xf32, #tpu.memory_space<vmem>>) target(%dma_start3A_24 : memref<10240x128xf32, #tpu.memory_space<vmem_shared>>) offsets(%arg6 : memref<128xi32, #tpu.memory_space<vmem>>) semaphore(%run_scoped3A : memref<!tpu.dma_semaphore, #tpu.memory_space<semaphore_mem>>) {add = true}
        %dma_wait3A = arith.constant 0 : i32
        %dma_wait3A_25 = arith.constant 0 : i32
        %dma_wait3A_26 = tpu.memref_slice %arg10[%dma_wait3A, %dma_wait3A_25] : memref<10240x128xf32, #tpu.memory_space<vmem_shared>> -> memref<10240x128xf32, #tpu.memory_space<vmem_shared>>
        tpu.wait_indirect_dma semaphore(%run_scoped3A : memref<!tpu.dma_semaphore, #tpu.memory_space<semaphore_mem>>) src(%arg7 : memref<128x128xf32, #tpu.memory_space<vmem>>) dst(%dma_wait3A_26 : memref<10240x128xf32, #tpu.memory_space<vmem_shared>>)
        tpu.yield
      }) : () -> ()
    }
    %scan3A_11 = arith.constant 78 : i32
    %add3A_12 = arith.constant 9984 : i32
    %add3A_13 = arith.addi %mul3A_6, %add3A_12 : i32
    "tpu.region"() ({
      %run_scoped3A = tpu.sem_alloc : memref<!tpu.dma_semaphore, #tpu.memory_space<semaphore_mem>>
      %dma_start3A = tpu.memref_slice %arg3[%add3A_13] : memref<320000xi32, #tpu.memory_space<hbm>> -> memref<16xi32, #tpu.memory_space<hbm>>
      %dma_start3A_19 = tpu.memref_slice %arg3[%add3A_13] : memref<320000xi32, #tpu.memory_space<hbm>> -> memref<16xi32, #tpu.memory_space<hbm>>
      tpu.enqueue_dma source(%dma_start3A_19 : memref<16xi32, #tpu.memory_space<hbm>>) target(%arg8 : memref<16xi32, #tpu.memory_space<vmem>>) target_semaphore(%run_scoped3A : memref<!tpu.dma_semaphore, #tpu.memory_space<semaphore_mem>>)
      %dma_wait3A = tpu.memref_slice %arg3[%add3A_13] : memref<320000xi32, #tpu.memory_space<hbm>> -> memref<16xi32, #tpu.memory_space<hbm>>
      %dma_wait3A_20 = tpu.memref_slice %arg3[%add3A_13] : memref<320000xi32, #tpu.memory_space<hbm>> -> memref<16xi32, #tpu.memory_space<hbm>>
      tpu.wait_dma2 semaphore(%run_scoped3A : memref<!tpu.dma_semaphore, #tpu.memory_space<semaphore_mem>>) src(%dma_wait3A_20 : memref<16xi32, #tpu.memory_space<hbm>>) dst(%arg8 : memref<16xi32, #tpu.memory_space<vmem>>)
      tpu.yield
    }) : () -> ()
    "tpu.region"() ({
      %run_scoped3A = tpu.sem_alloc : memref<!tpu.dma_semaphore, #tpu.memory_space<semaphore_mem>>
      %dma_start3A = arith.constant 0 : i32
      %dma_start3A_19 = tpu.memref_slice %arg2[%add3A_13, %dma_start3A] : memref<320000x128xf32, #tpu.memory_space<hbm>> -> memref<16x128xf32, #tpu.memory_space<hbm>>
      %dma_start3A_20 = arith.constant 0 : i32
      %dma_start3A_21 = tpu.memref_slice %arg2[%add3A_13, %dma_start3A_20] : memref<320000x128xf32, #tpu.memory_space<hbm>> -> memref<16x128xf32, #tpu.memory_space<hbm>>
      tpu.enqueue_dma source(%dma_start3A_21 : memref<16x128xf32, #tpu.memory_space<hbm>>) target(%arg9 : memref<16x128xf32, #tpu.memory_space<vmem>>) target_semaphore(%run_scoped3A : memref<!tpu.dma_semaphore, #tpu.memory_space<semaphore_mem>>)
      %dma_wait3A = arith.constant 0 : i32
      %dma_wait3A_22 = tpu.memref_slice %arg2[%add3A_13, %dma_wait3A] : memref<320000x128xf32, #tpu.memory_space<hbm>> -> memref<16x128xf32, #tpu.memory_space<hbm>>
      %dma_wait3A_23 = arith.constant 0 : i32
      %dma_wait3A_24 = tpu.memref_slice %arg2[%add3A_13, %dma_wait3A_23] : memref<320000x128xf32, #tpu.memory_space<hbm>> -> memref<16x128xf32, #tpu.memory_space<hbm>>
      tpu.wait_dma2 semaphore(%run_scoped3A : memref<!tpu.dma_semaphore, #tpu.memory_space<semaphore_mem>>) src(%dma_wait3A_24 : memref<16x128xf32, #tpu.memory_space<hbm>>) dst(%arg9 : memref<16x128xf32, #tpu.memory_space<vmem>>)
      tpu.yield
    }) : () -> ()
    "tpu.region"() ({
      %run_scoped3A = tpu.sem_alloc : memref<!tpu.dma_semaphore, #tpu.memory_space<semaphore_mem>>
      %dma_start3A = arith.constant 0 : i32
      %dma_start3A_19 = arith.constant 0 : i32
      %dma_start3A_20 = tpu.memref_slice %arg10[%dma_start3A, %dma_start3A_19] : memref<10240x128xf32, #tpu.memory_space<vmem_shared>> -> memref<10240x128xf32, #tpu.memory_space<vmem_shared>>
      tpu.enqueue_indirect_dma source(%arg9 : memref<16x128xf32, #tpu.memory_space<vmem>>) target(%dma_start3A_20 : memref<10240x128xf32, #tpu.memory_space<vmem_shared>>) offsets(%arg8 : memref<16xi32, #tpu.memory_space<vmem>>) semaphore(%run_scoped3A : memref<!tpu.dma_semaphore, #tpu.memory_space<semaphore_mem>>) {add = true}
      %dma_wait3A = arith.constant 0 : i32
      %dma_wait3A_21 = arith.constant 0 : i32
      %dma_wait3A_22 = tpu.memref_slice %arg10[%dma_wait3A, %dma_wait3A_21] : memref<10240x128xf32, #tpu.memory_space<vmem_shared>> -> memref<10240x128xf32, #tpu.memory_space<vmem_shared>>
      tpu.wait_indirect_dma semaphore(%run_scoped3A : memref<!tpu.dma_semaphore, #tpu.memory_space<semaphore_mem>>) src(%arg9 : memref<16x128xf32, #tpu.memory_space<vmem>>) dst(%dma_wait3A_22 : memref<10240x128xf32, #tpu.memory_space<vmem_shared>>)
      tpu.yield
    }) : () -> ()
    %barrier3A_14 = arith.constant 0 : index
    tpu.barrier barrier_id(%barrier3A_14)
    %mul3A_15 = arith.constant 640 : i32
    %mul3A_16 = arith.muli %arg1, %mul3A_15 : i32
    %mul3A_17 = arith.constant 640 : i32
    %mul3A_18 = arith.muli %arg1, %mul3A_17 : i32
    "tpu.region"() ({
      %run_scoped3A = tpu.sem_alloc : memref<!tpu.dma_semaphore, #tpu.memory_space<semaphore_mem>>
      %dma_start3A = arith.constant 0 : i32
      %dma_start3A_19 = tpu.memref_slice %arg5[%arg0, %mul3A_18, %dma_start3A] : memref<2x10240x128xf32, #tpu.memory_space<hbm>> -> memref<1x640x128xf32, #tpu.memory_space<hbm>>
      %dma_start3A_20 = tpu.memref_squeeze %dma_start3A_19 : memref<1x640x128xf32, #tpu.memory_space<hbm>> -> memref<640x128xf32, #tpu.memory_space<hbm>>
      %dma_start3A_21 = arith.constant 0 : i32
      %dma_start3A_22 = tpu.memref_slice %arg10[%mul3A_16, %dma_start3A_21] : memref<10240x128xf32, #tpu.memory_space<vmem_shared>> -> memref<640x128xf32, #tpu.memory_space<vmem_shared>>
      tpu.enqueue_dma source(%dma_start3A_22 : memref<640x128xf32, #tpu.memory_space<vmem_shared>>) target(%dma_start3A_20 : memref<640x128xf32, #tpu.memory_space<hbm>>) target_semaphore(%run_scoped3A : memref<!tpu.dma_semaphore, #tpu.memory_space<semaphore_mem>>)
      %dma_wait3A = arith.constant 0 : i32
      %dma_wait3A_23 = tpu.memref_slice %arg5[%arg0, %mul3A_18, %dma_wait3A] : memref<2x10240x128xf32, #tpu.memory_space<hbm>> -> memref<1x640x128xf32, #tpu.memory_space<hbm>>
      %dma_wait3A_24 = tpu.memref_squeeze %dma_wait3A_23 : memref<1x640x128xf32, #tpu.memory_space<hbm>> -> memref<640x128xf32, #tpu.memory_space<hbm>>
      %dma_wait3A_25 = arith.constant 0 : i32
      %dma_wait3A_26 = tpu.memref_slice %arg10[%mul3A_16, %dma_wait3A_25] : memref<10240x128xf32, #tpu.memory_space<vmem_shared>> -> memref<640x128xf32, #tpu.memory_space<vmem_shared>>
      tpu.wait_dma2 semaphore(%run_scoped3A : memref<!tpu.dma_semaphore, #tpu.memory_space<semaphore_mem>>) src(%dma_wait3A_26 : memref<640x128xf32, #tpu.memory_space<vmem_shared>>) dst(%dma_wait3A_24 : memref<640x128xf32, #tpu.memory_space<hbm>>)
      tpu.yield
    }) : () -> ()
    return
  }
}

#map = affine_map<(d0, d1) -> (0, 0)>
#map1 = affine_map<(d0, d1) -> (0)>
module attributes {stable_mosaic.version = 14 : i64} {
  func.func @k(%arg0: i32, %arg1: i32, %arg2: memref<10000x128xf32, #tpu.memory_space<hbm>>, %arg3: memref<320000xi32, #tpu.memory_space<hbm>>, %arg4: memref<320000xi32, #tpu.memory_space<hbm>>, %arg5: memref<320000x128xf32, #tpu.memory_space<hbm>>, %arg6: memref<320000x128xf32, #tpu.memory_space<hbm>>, %arg7: memref<128xi32, #tpu.memory_space<vmem>>, %arg8: memref<128x128xf32, #tpu.memory_space<vmem>>, %arg9: memref<128xi32, #tpu.memory_space<vmem>>, %arg10: memref<128x128xf32, #tpu.memory_space<vmem>>, %arg11: memref<16xi32, #tpu.memory_space<vmem>>, %arg12: memref<16x128xf32, #tpu.memory_space<vmem>>, %arg13: memref<16xi32, #tpu.memory_space<vmem>>, %arg14: memref<16x128xf32, #tpu.memory_space<vmem>>, %arg15: memref<!tpu.dma_semaphore, #tpu.memory_space<semaphore_mem>>, %arg16: memref<!tpu.dma_semaphore, #tpu.memory_space<semaphore_mem>>) attributes {dimension_semantics = [#tpu.dimension_semantics<core_parallel>, #tpu.dimension_semantics<subcore_parallel>], iteration_bounds = array<i64: 2, 16>, scalar_prefetch = 0 : i64, scratch_operands = 10 : i64, tpu.core_type = #tpu.core_type<sc_vector_subcore>, window_params = [{transform_indices = #map}, {transform_indices = #map1}, {transform_indices = #map1}, {transform_indices = #map}, {transform_indices = #map}]} {
    %mul3A = arith.constant 2 : i32
    %mul3A_0 = arith.muli %arg1, %mul3A : i32
    %add3A = arith.addi %mul3A_0, %arg0 : i32
    %mul3A_1 = arith.constant 10000 : i32
    %mul3A_2 = arith.muli %add3A, %mul3A_1 : i32
    %scan3A = arith.constant 0 : i32
    %scan3A_3 = arith.constant 0 : i32
    %scan3A_4 = arith.constant 78 : i32
    %scan3A_5 = arith.addi %scan3A_3, %scan3A_4 : i32
    %scan3A_6 = arith.constant 1 : i32
    scf.for %scan3A_20 = %scan3A_3 to %scan3A_5 step %scan3A_6  : i32 {
      %mul3A_21 = arith.constant 128 : i32
      %mul3A_22 = arith.muli %scan3A_20, %mul3A_21 : i32
      %add3A_23 = arith.addi %mul3A_2, %mul3A_22 : i32
      "tpu.region"() ({
        %run_scoped3A = tpu.sem_alloc : memref<!tpu.dma_semaphore, #tpu.memory_space<semaphore_mem>>
        %dma_start3A_36 = tpu.memref_slice %arg3[%add3A_23] : memref<320000xi32, #tpu.memory_space<hbm>> -> memref<128xi32, #tpu.memory_space<hbm>>
        %dma_start3A_37 = tpu.memref_slice %arg3[%add3A_23] : memref<320000xi32, #tpu.memory_space<hbm>> -> memref<128xi32, #tpu.memory_space<hbm>>
        tpu.enqueue_dma source(%dma_start3A_37 : memref<128xi32, #tpu.memory_space<hbm>>) target(%arg7 : memref<128xi32, #tpu.memory_space<vmem>>) target_semaphore(%run_scoped3A : memref<!tpu.dma_semaphore, #tpu.memory_space<semaphore_mem>>)
        %dma_wait3A_38 = tpu.memref_slice %arg3[%add3A_23] : memref<320000xi32, #tpu.memory_space<hbm>> -> memref<128xi32, #tpu.memory_space<hbm>>
        %dma_wait3A_39 = tpu.memref_slice %arg3[%add3A_23] : memref<320000xi32, #tpu.memory_space<hbm>> -> memref<128xi32, #tpu.memory_space<hbm>>
        tpu.wait_dma2 semaphore(%run_scoped3A : memref<!tpu.dma_semaphore, #tpu.memory_space<semaphore_mem>>) src(%dma_wait3A_39 : memref<128xi32, #tpu.memory_space<hbm>>) dst(%arg7 : memref<128xi32, #tpu.memory_space<vmem>>)
        tpu.yield
      }) : () -> ()
      "tpu.region"() ({
        %run_scoped3A = tpu.sem_alloc : memref<!tpu.dma_semaphore, #tpu.memory_space<semaphore_mem>>
        %dma_start3A_36 = tpu.memref_slice %arg4[%add3A_23] : memref<320000xi32, #tpu.memory_space<hbm>> -> memref<128xi32, #tpu.memory_space<hbm>>
        %dma_start3A_37 = tpu.memref_slice %arg4[%add3A_23] : memref<320000xi32, #tpu.memory_space<hbm>> -> memref<128xi32, #tpu.memory_space<hbm>>
        tpu.enqueue_dma source(%dma_start3A_37 : memref<128xi32, #tpu.memory_space<hbm>>) target(%arg9 : memref<128xi32, #tpu.memory_space<vmem>>) target_semaphore(%run_scoped3A : memref<!tpu.dma_semaphore, #tpu.memory_space<semaphore_mem>>)
        %dma_wait3A_38 = tpu.memref_slice %arg4[%add3A_23] : memref<320000xi32, #tpu.memory_space<hbm>> -> memref<128xi32, #tpu.memory_space<hbm>>
        %dma_wait3A_39 = tpu.memref_slice %arg4[%add3A_23] : memref<320000xi32, #tpu.memory_space<hbm>> -> memref<128xi32, #tpu.memory_space<hbm>>
        tpu.wait_dma2 semaphore(%run_scoped3A : memref<!tpu.dma_semaphore, #tpu.memory_space<semaphore_mem>>) src(%dma_wait3A_39 : memref<128xi32, #tpu.memory_space<hbm>>) dst(%arg9 : memref<128xi32, #tpu.memory_space<vmem>>)
        tpu.yield
      }) : () -> ()
      %dma_start3A_24 = arith.constant 0 : i32
      %dma_start3A_25 = arith.constant 0 : i32
      %dma_start3A_26 = tpu.memref_slice %arg2[%dma_start3A_24, %dma_start3A_25] : memref<10000x128xf32, #tpu.memory_space<hbm>> -> memref<10000x128xf32, #tpu.memory_space<hbm>>
      tpu.enqueue_indirect_dma source(%dma_start3A_26 : memref<10000x128xf32, #tpu.memory_space<hbm>>) target(%arg8 : memref<128x128xf32, #tpu.memory_space<vmem>>) offsets(%arg7 : memref<128xi32, #tpu.memory_space<vmem>>) semaphore(%arg15 : memref<!tpu.dma_semaphore, #tpu.memory_space<semaphore_mem>>)
      %dma_start3A_27 = arith.constant 0 : i32
      %dma_start3A_28 = arith.constant 0 : i32
      %dma_start3A_29 = tpu.memref_slice %arg2[%dma_start3A_27, %dma_start3A_28] : memref<10000x128xf32, #tpu.memory_space<hbm>> -> memref<10000x128xf32, #tpu.memory_space<hbm>>
      tpu.enqueue_indirect_dma source(%dma_start3A_29 : memref<10000x128xf32, #tpu.memory_space<hbm>>) target(%arg10 : memref<128x128xf32, #tpu.memory_space<vmem>>) offsets(%arg9 : memref<128xi32, #tpu.memory_space<vmem>>) semaphore(%arg16 : memref<!tpu.dma_semaphore, #tpu.memory_space<semaphore_mem>>)
      %dma_wait3A_30 = arith.constant 0 : i32
      %dma_wait3A_31 = arith.constant 0 : i32
      %dma_wait3A_32 = tpu.memref_slice %arg2[%dma_wait3A_30, %dma_wait3A_31] : memref<10000x128xf32, #tpu.memory_space<hbm>> -> memref<10000x128xf32, #tpu.memory_space<hbm>>
      tpu.wait_indirect_dma semaphore(%arg15 : memref<!tpu.dma_semaphore, #tpu.memory_space<semaphore_mem>>) src(%dma_wait3A_32 : memref<10000x128xf32, #tpu.memory_space<hbm>>) dst(%arg8 : memref<128x128xf32, #tpu.memory_space<vmem>>)
      "tpu.region"() ({
        %run_scoped3A = tpu.sem_alloc : memref<!tpu.dma_semaphore, #tpu.memory_space<semaphore_mem>>
        %dma_start3A_36 = arith.constant 0 : i32
        %dma_start3A_37 = tpu.memref_slice %arg5[%add3A_23, %dma_start3A_36] : memref<320000x128xf32, #tpu.memory_space<hbm>> -> memref<128x128xf32, #tpu.memory_space<hbm>>
        %dma_start3A_38 = arith.constant 0 : i32
        %dma_start3A_39 = tpu.memref_slice %arg5[%add3A_23, %dma_start3A_38] : memref<320000x128xf32, #tpu.memory_space<hbm>> -> memref<128x128xf32, #tpu.memory_space<hbm>>
        tpu.enqueue_dma source(%arg8 : memref<128x128xf32, #tpu.memory_space<vmem>>) target(%dma_start3A_39 : memref<128x128xf32, #tpu.memory_space<hbm>>) target_semaphore(%run_scoped3A : memref<!tpu.dma_semaphore, #tpu.memory_space<semaphore_mem>>)
        %dma_wait3A_40 = arith.constant 0 : i32
        %dma_wait3A_41 = tpu.memref_slice %arg5[%add3A_23, %dma_wait3A_40] : memref<320000x128xf32, #tpu.memory_space<hbm>> -> memref<128x128xf32, #tpu.memory_space<hbm>>
        %dma_wait3A_42 = arith.constant 0 : i32
        %dma_wait3A_43 = tpu.memref_slice %arg5[%add3A_23, %dma_wait3A_42] : memref<320000x128xf32, #tpu.memory_space<hbm>> -> memref<128x128xf32, #tpu.memory_space<hbm>>
        tpu.wait_dma2 semaphore(%run_scoped3A : memref<!tpu.dma_semaphore, #tpu.memory_space<semaphore_mem>>) src(%arg8 : memref<128x128xf32, #tpu.memory_space<vmem>>) dst(%dma_wait3A_43 : memref<128x128xf32, #tpu.memory_space<hbm>>)
        tpu.yield
      }) : () -> ()
      %dma_wait3A_33 = arith.constant 0 : i32
      %dma_wait3A_34 = arith.constant 0 : i32
      %dma_wait3A_35 = tpu.memref_slice %arg2[%dma_wait3A_33, %dma_wait3A_34] : memref<10000x128xf32, #tpu.memory_space<hbm>> -> memref<10000x128xf32, #tpu.memory_space<hbm>>
      tpu.wait_indirect_dma semaphore(%arg16 : memref<!tpu.dma_semaphore, #tpu.memory_space<semaphore_mem>>) src(%dma_wait3A_35 : memref<10000x128xf32, #tpu.memory_space<hbm>>) dst(%arg10 : memref<128x128xf32, #tpu.memory_space<vmem>>)
      "tpu.region"() ({
        %run_scoped3A = tpu.sem_alloc : memref<!tpu.dma_semaphore, #tpu.memory_space<semaphore_mem>>
        %dma_start3A_36 = arith.constant 0 : i32
        %dma_start3A_37 = tpu.memref_slice %arg6[%add3A_23, %dma_start3A_36] : memref<320000x128xf32, #tpu.memory_space<hbm>> -> memref<128x128xf32, #tpu.memory_space<hbm>>
        %dma_start3A_38 = arith.constant 0 : i32
        %dma_start3A_39 = tpu.memref_slice %arg6[%add3A_23, %dma_start3A_38] : memref<320000x128xf32, #tpu.memory_space<hbm>> -> memref<128x128xf32, #tpu.memory_space<hbm>>
        tpu.enqueue_dma source(%arg10 : memref<128x128xf32, #tpu.memory_space<vmem>>) target(%dma_start3A_39 : memref<128x128xf32, #tpu.memory_space<hbm>>) target_semaphore(%run_scoped3A : memref<!tpu.dma_semaphore, #tpu.memory_space<semaphore_mem>>)
        %dma_wait3A_40 = arith.constant 0 : i32
        %dma_wait3A_41 = tpu.memref_slice %arg6[%add3A_23, %dma_wait3A_40] : memref<320000x128xf32, #tpu.memory_space<hbm>> -> memref<128x128xf32, #tpu.memory_space<hbm>>
        %dma_wait3A_42 = arith.constant 0 : i32
        %dma_wait3A_43 = tpu.memref_slice %arg6[%add3A_23, %dma_wait3A_42] : memref<320000x128xf32, #tpu.memory_space<hbm>> -> memref<128x128xf32, #tpu.memory_space<hbm>>
        tpu.wait_dma2 semaphore(%run_scoped3A : memref<!tpu.dma_semaphore, #tpu.memory_space<semaphore_mem>>) src(%arg10 : memref<128x128xf32, #tpu.memory_space<vmem>>) dst(%dma_wait3A_43 : memref<128x128xf32, #tpu.memory_space<hbm>>)
        tpu.yield
      }) : () -> ()
    }
    %scan3A_7 = arith.constant 78 : i32
    %add3A_8 = arith.constant 9984 : i32
    %add3A_9 = arith.addi %mul3A_2, %add3A_8 : i32
    "tpu.region"() ({
      %run_scoped3A = tpu.sem_alloc : memref<!tpu.dma_semaphore, #tpu.memory_space<semaphore_mem>>
      %dma_start3A_20 = tpu.memref_slice %arg3[%add3A_9] : memref<320000xi32, #tpu.memory_space<hbm>> -> memref<16xi32, #tpu.memory_space<hbm>>
      %dma_start3A_21 = tpu.memref_slice %arg3[%add3A_9] : memref<320000xi32, #tpu.memory_space<hbm>> -> memref<16xi32, #tpu.memory_space<hbm>>
      tpu.enqueue_dma source(%dma_start3A_21 : memref<16xi32, #tpu.memory_space<hbm>>) target(%arg11 : memref<16xi32, #tpu.memory_space<vmem>>) target_semaphore(%run_scoped3A : memref<!tpu.dma_semaphore, #tpu.memory_space<semaphore_mem>>)
      %dma_wait3A_22 = tpu.memref_slice %arg3[%add3A_9] : memref<320000xi32, #tpu.memory_space<hbm>> -> memref<16xi32, #tpu.memory_space<hbm>>
      %dma_wait3A_23 = tpu.memref_slice %arg3[%add3A_9] : memref<320000xi32, #tpu.memory_space<hbm>> -> memref<16xi32, #tpu.memory_space<hbm>>
      tpu.wait_dma2 semaphore(%run_scoped3A : memref<!tpu.dma_semaphore, #tpu.memory_space<semaphore_mem>>) src(%dma_wait3A_23 : memref<16xi32, #tpu.memory_space<hbm>>) dst(%arg11 : memref<16xi32, #tpu.memory_space<vmem>>)
      tpu.yield
    }) : () -> ()
    "tpu.region"() ({
      %run_scoped3A = tpu.sem_alloc : memref<!tpu.dma_semaphore, #tpu.memory_space<semaphore_mem>>
      %dma_start3A_20 = tpu.memref_slice %arg4[%add3A_9] : memref<320000xi32, #tpu.memory_space<hbm>> -> memref<16xi32, #tpu.memory_space<hbm>>
      %dma_start3A_21 = tpu.memref_slice %arg4[%add3A_9] : memref<320000xi32, #tpu.memory_space<hbm>> -> memref<16xi32, #tpu.memory_space<hbm>>
      tpu.enqueue_dma source(%dma_start3A_21 : memref<16xi32, #tpu.memory_space<hbm>>) target(%arg13 : memref<16xi32, #tpu.memory_space<vmem>>) target_semaphore(%run_scoped3A : memref<!tpu.dma_semaphore, #tpu.memory_space<semaphore_mem>>)
      %dma_wait3A_22 = tpu.memref_slice %arg4[%add3A_9] : memref<320000xi32, #tpu.memory_space<hbm>> -> memref<16xi32, #tpu.memory_space<hbm>>
      %dma_wait3A_23 = tpu.memref_slice %arg4[%add3A_9] : memref<320000xi32, #tpu.memory_space<hbm>> -> memref<16xi32, #tpu.memory_space<hbm>>
      tpu.wait_dma2 semaphore(%run_scoped3A : memref<!tpu.dma_semaphore, #tpu.memory_space<semaphore_mem>>) src(%dma_wait3A_23 : memref<16xi32, #tpu.memory_space<hbm>>) dst(%arg13 : memref<16xi32, #tpu.memory_space<vmem>>)
      tpu.yield
    }) : () -> ()
    %dma_start3A = arith.constant 0 : i32
    %dma_start3A_10 = arith.constant 0 : i32
    %dma_start3A_11 = tpu.memref_slice %arg2[%dma_start3A, %dma_start3A_10] : memref<10000x128xf32, #tpu.memory_space<hbm>> -> memref<10000x128xf32, #tpu.memory_space<hbm>>
    tpu.enqueue_indirect_dma source(%dma_start3A_11 : memref<10000x128xf32, #tpu.memory_space<hbm>>) target(%arg12 : memref<16x128xf32, #tpu.memory_space<vmem>>) offsets(%arg11 : memref<16xi32, #tpu.memory_space<vmem>>) semaphore(%arg15 : memref<!tpu.dma_semaphore, #tpu.memory_space<semaphore_mem>>)
    %dma_start3A_12 = arith.constant 0 : i32
    %dma_start3A_13 = arith.constant 0 : i32
    %dma_start3A_14 = tpu.memref_slice %arg2[%dma_start3A_12, %dma_start3A_13] : memref<10000x128xf32, #tpu.memory_space<hbm>> -> memref<10000x128xf32, #tpu.memory_space<hbm>>
    tpu.enqueue_indirect_dma source(%dma_start3A_14 : memref<10000x128xf32, #tpu.memory_space<hbm>>) target(%arg14 : memref<16x128xf32, #tpu.memory_space<vmem>>) offsets(%arg13 : memref<16xi32, #tpu.memory_space<vmem>>) semaphore(%arg16 : memref<!tpu.dma_semaphore, #tpu.memory_space<semaphore_mem>>)
    %dma_wait3A = arith.constant 0 : i32
    %dma_wait3A_15 = arith.constant 0 : i32
    %dma_wait3A_16 = tpu.memref_slice %arg2[%dma_wait3A, %dma_wait3A_15] : memref<10000x128xf32, #tpu.memory_space<hbm>> -> memref<10000x128xf32, #tpu.memory_space<hbm>>
    tpu.wait_indirect_dma semaphore(%arg15 : memref<!tpu.dma_semaphore, #tpu.memory_space<semaphore_mem>>) src(%dma_wait3A_16 : memref<10000x128xf32, #tpu.memory_space<hbm>>) dst(%arg12 : memref<16x128xf32, #tpu.memory_space<vmem>>)
    "tpu.region"() ({
      %run_scoped3A = tpu.sem_alloc : memref<!tpu.dma_semaphore, #tpu.memory_space<semaphore_mem>>
      %dma_start3A_20 = arith.constant 0 : i32
      %dma_start3A_21 = tpu.memref_slice %arg5[%add3A_9, %dma_start3A_20] : memref<320000x128xf32, #tpu.memory_space<hbm>> -> memref<16x128xf32, #tpu.memory_space<hbm>>
      %dma_start3A_22 = arith.constant 0 : i32
      %dma_start3A_23 = tpu.memref_slice %arg5[%add3A_9, %dma_start3A_22] : memref<320000x128xf32, #tpu.memory_space<hbm>> -> memref<16x128xf32, #tpu.memory_space<hbm>>
      tpu.enqueue_dma source(%arg12 : memref<16x128xf32, #tpu.memory_space<vmem>>) target(%dma_start3A_23 : memref<16x128xf32, #tpu.memory_space<hbm>>) target_semaphore(%run_scoped3A : memref<!tpu.dma_semaphore, #tpu.memory_space<semaphore_mem>>)
      %dma_wait3A_24 = arith.constant 0 : i32
      %dma_wait3A_25 = tpu.memref_slice %arg5[%add3A_9, %dma_wait3A_24] : memref<320000x128xf32, #tpu.memory_space<hbm>> -> memref<16x128xf32, #tpu.memory_space<hbm>>
      %dma_wait3A_26 = arith.constant 0 : i32
      %dma_wait3A_27 = tpu.memref_slice %arg5[%add3A_9, %dma_wait3A_26] : memref<320000x128xf32, #tpu.memory_space<hbm>> -> memref<16x128xf32, #tpu.memory_space<hbm>>
      tpu.wait_dma2 semaphore(%run_scoped3A : memref<!tpu.dma_semaphore, #tpu.memory_space<semaphore_mem>>) src(%arg12 : memref<16x128xf32, #tpu.memory_space<vmem>>) dst(%dma_wait3A_27 : memref<16x128xf32, #tpu.memory_space<hbm>>)
      tpu.yield
    }) : () -> ()
    %dma_wait3A_17 = arith.constant 0 : i32
    %dma_wait3A_18 = arith.constant 0 : i32
    %dma_wait3A_19 = tpu.memref_slice %arg2[%dma_wait3A_17, %dma_wait3A_18] : memref<10000x128xf32, #tpu.memory_space<hbm>> -> memref<10000x128xf32, #tpu.memory_space<hbm>>
    tpu.wait_indirect_dma semaphore(%arg16 : memref<!tpu.dma_semaphore, #tpu.memory_space<semaphore_mem>>) src(%dma_wait3A_19 : memref<10000x128xf32, #tpu.memory_space<hbm>>) dst(%arg14 : memref<16x128xf32, #tpu.memory_space<vmem>>)
    "tpu.region"() ({
      %run_scoped3A = tpu.sem_alloc : memref<!tpu.dma_semaphore, #tpu.memory_space<semaphore_mem>>
      %dma_start3A_20 = arith.constant 0 : i32
      %dma_start3A_21 = tpu.memref_slice %arg6[%add3A_9, %dma_start3A_20] : memref<320000x128xf32, #tpu.memory_space<hbm>> -> memref<16x128xf32, #tpu.memory_space<hbm>>
      %dma_start3A_22 = arith.constant 0 : i32
      %dma_start3A_23 = tpu.memref_slice %arg6[%add3A_9, %dma_start3A_22] : memref<320000x128xf32, #tpu.memory_space<hbm>> -> memref<16x128xf32, #tpu.memory_space<hbm>>
      tpu.enqueue_dma source(%arg14 : memref<16x128xf32, #tpu.memory_space<vmem>>) target(%dma_start3A_23 : memref<16x128xf32, #tpu.memory_space<hbm>>) target_semaphore(%run_scoped3A : memref<!tpu.dma_semaphore, #tpu.memory_space<semaphore_mem>>)
      %dma_wait3A_24 = arith.constant 0 : i32
      %dma_wait3A_25 = tpu.memref_slice %arg6[%add3A_9, %dma_wait3A_24] : memref<320000x128xf32, #tpu.memory_space<hbm>> -> memref<16x128xf32, #tpu.memory_space<hbm>>
      %dma_wait3A_26 = arith.constant 0 : i32
      %dma_wait3A_27 = tpu.memref_slice %arg6[%add3A_9, %dma_wait3A_26] : memref<320000x128xf32, #tpu.memory_space<hbm>> -> memref<16x128xf32, #tpu.memory_space<hbm>>
      tpu.wait_dma2 semaphore(%run_scoped3A : memref<!tpu.dma_semaphore, #tpu.memory_space<semaphore_mem>>) src(%arg14 : memref<16x128xf32, #tpu.memory_space<vmem>>) dst(%dma_wait3A_27 : memref<16x128xf32, #tpu.memory_space<hbm>>)
      tpu.yield
    }) : () -> ()
    return
  }
}

#map = affine_map<(d0, d1) -> (0, 0)>
#map1 = affine_map<(d0, d1) -> (0)>
module attributes {stable_mosaic.version = 14 : i64} {
  func.func @k(%arg0: i32, %arg1: i32, %arg2: memref<10000x128xf32, #tpu.memory_space<hbm>>, %arg3: memref<320000xi32, #tpu.memory_space<hbm>>, %arg4: memref<320000xi32, #tpu.memory_space<hbm>>, %arg5: memref<320000x128xf32, #tpu.memory_space<hbm>>, %arg6: memref<320000x128xf32, #tpu.memory_space<hbm>>, %arg7: memref<128xi32, #tpu.memory_space<vmem>>, %arg8: memref<128x128xf32, #tpu.memory_space<vmem>>, %arg9: memref<128xi32, #tpu.memory_space<vmem>>, %arg10: memref<128x128xf32, #tpu.memory_space<vmem>>, %arg11: memref<16xi32, #tpu.memory_space<vmem>>, %arg12: memref<16x128xf32, #tpu.memory_space<vmem>>, %arg13: memref<16xi32, #tpu.memory_space<vmem>>, %arg14: memref<16x128xf32, #tpu.memory_space<vmem>>, %arg15: memref<!tpu.dma_semaphore, #tpu.memory_space<semaphore_mem>>, %arg16: memref<!tpu.dma_semaphore, #tpu.memory_space<semaphore_mem>>) attributes {dimension_semantics = [#tpu.dimension_semantics<core_parallel>, #tpu.dimension_semantics<subcore_parallel>], iteration_bounds = array<i64: 2, 16>, scalar_prefetch = 0 : i64, scratch_operands = 10 : i64, tpu.core_type = #tpu.core_type<sc_vector_subcore>, window_params = [{transform_indices = #map}, {transform_indices = #map1}, {transform_indices = #map1}, {transform_indices = #map}, {transform_indices = #map}]} {
    %mul3A = arith.constant 2 : i32
    %mul3A_0 = arith.muli %arg1, %mul3A : i32
    %add3A = arith.addi %mul3A_0, %arg0 : i32
    %mul3A_1 = arith.constant 10000 : i32
    %mul3A_2 = arith.muli %add3A, %mul3A_1 : i32
    %scan3A = arith.constant 0 : i32
    %scan3A_3 = arith.constant 0 : i32
    %scan3A_4 = arith.constant 78 : i32
    %scan3A_5 = arith.addi %scan3A_3, %scan3A_4 : i32
    %scan3A_6 = arith.constant 1 : i32
    scf.for %scan3A_20 = %scan3A_3 to %scan3A_5 step %scan3A_6  : i32 {
      %mul3A_21 = arith.constant 128 : i32
      %mul3A_22 = arith.muli %scan3A_20, %mul3A_21 : i32
      %add3A_23 = arith.addi %mul3A_2, %mul3A_22 : i32
      "tpu.region"() ({
        %run_scoped3A = tpu.sem_alloc : memref<!tpu.dma_semaphore, #tpu.memory_space<semaphore_mem>>
        %dma_start3A_36 = tpu.memref_slice %arg3[%add3A_23] : memref<320000xi32, #tpu.memory_space<hbm>> -> memref<128xi32, #tpu.memory_space<hbm>>
        %dma_start3A_37 = tpu.memref_slice %arg3[%add3A_23] : memref<320000xi32, #tpu.memory_space<hbm>> -> memref<128xi32, #tpu.memory_space<hbm>>
        tpu.enqueue_dma source(%dma_start3A_37 : memref<128xi32, #tpu.memory_space<hbm>>) target(%arg7 : memref<128xi32, #tpu.memory_space<vmem>>) target_semaphore(%run_scoped3A : memref<!tpu.dma_semaphore, #tpu.memory_space<semaphore_mem>>)
        %dma_wait3A_38 = tpu.memref_slice %arg3[%add3A_23] : memref<320000xi32, #tpu.memory_space<hbm>> -> memref<128xi32, #tpu.memory_space<hbm>>
        %dma_wait3A_39 = tpu.memref_slice %arg3[%add3A_23] : memref<320000xi32, #tpu.memory_space<hbm>> -> memref<128xi32, #tpu.memory_space<hbm>>
        tpu.wait_dma2 semaphore(%run_scoped3A : memref<!tpu.dma_semaphore, #tpu.memory_space<semaphore_mem>>) src(%dma_wait3A_39 : memref<128xi32, #tpu.memory_space<hbm>>) dst(%arg7 : memref<128xi32, #tpu.memory_space<vmem>>)
        tpu.yield
      }) : () -> ()
      "tpu.region"() ({
        %run_scoped3A = tpu.sem_alloc : memref<!tpu.dma_semaphore, #tpu.memory_space<semaphore_mem>>
        %dma_start3A_36 = tpu.memref_slice %arg4[%add3A_23] : memref<320000xi32, #tpu.memory_space<hbm>> -> memref<128xi32, #tpu.memory_space<hbm>>
        %dma_start3A_37 = tpu.memref_slice %arg4[%add3A_23] : memref<320000xi32, #tpu.memory_space<hbm>> -> memref<128xi32, #tpu.memory_space<hbm>>
        tpu.enqueue_dma source(%dma_start3A_37 : memref<128xi32, #tpu.memory_space<hbm>>) target(%arg9 : memref<128xi32, #tpu.memory_space<vmem>>) target_semaphore(%run_scoped3A : memref<!tpu.dma_semaphore, #tpu.memory_space<semaphore_mem>>)
        %dma_wait3A_38 = tpu.memref_slice %arg4[%add3A_23] : memref<320000xi32, #tpu.memory_space<hbm>> -> memref<128xi32, #tpu.memory_space<hbm>>
        %dma_wait3A_39 = tpu.memref_slice %arg4[%add3A_23] : memref<320000xi32, #tpu.memory_space<hbm>> -> memref<128xi32, #tpu.memory_space<hbm>>
        tpu.wait_dma2 semaphore(%run_scoped3A : memref<!tpu.dma_semaphore, #tpu.memory_space<semaphore_mem>>) src(%dma_wait3A_39 : memref<128xi32, #tpu.memory_space<hbm>>) dst(%arg9 : memref<128xi32, #tpu.memory_space<vmem>>)
        tpu.yield
      }) : () -> ()
      %dma_start3A_24 = arith.constant 0 : i32
      %dma_start3A_25 = arith.constant 0 : i32
      %dma_start3A_26 = tpu.memref_slice %arg2[%dma_start3A_24, %dma_start3A_25] : memref<10000x128xf32, #tpu.memory_space<hbm>> -> memref<10000x128xf32, #tpu.memory_space<hbm>>
      tpu.enqueue_indirect_dma source(%dma_start3A_26 : memref<10000x128xf32, #tpu.memory_space<hbm>>) target(%arg8 : memref<128x128xf32, #tpu.memory_space<vmem>>) offsets(%arg7 : memref<128xi32, #tpu.memory_space<vmem>>) semaphore(%arg15 : memref<!tpu.dma_semaphore, #tpu.memory_space<semaphore_mem>>)
      %dma_start3A_27 = arith.constant 0 : i32
      %dma_start3A_28 = arith.constant 0 : i32
      %dma_start3A_29 = tpu.memref_slice %arg2[%dma_start3A_27, %dma_start3A_28] : memref<10000x128xf32, #tpu.memory_space<hbm>> -> memref<10000x128xf32, #tpu.memory_space<hbm>>
      tpu.enqueue_indirect_dma source(%dma_start3A_29 : memref<10000x128xf32, #tpu.memory_space<hbm>>) target(%arg10 : memref<128x128xf32, #tpu.memory_space<vmem>>) offsets(%arg9 : memref<128xi32, #tpu.memory_space<vmem>>) semaphore(%arg16 : memref<!tpu.dma_semaphore, #tpu.memory_space<semaphore_mem>>)
      %dma_wait3A_30 = arith.constant 0 : i32
      %dma_wait3A_31 = arith.constant 0 : i32
      %dma_wait3A_32 = tpu.memref_slice %arg2[%dma_wait3A_30, %dma_wait3A_31] : memref<10000x128xf32, #tpu.memory_space<hbm>> -> memref<10000x128xf32, #tpu.memory_space<hbm>>
      tpu.wait_indirect_dma semaphore(%arg15 : memref<!tpu.dma_semaphore, #tpu.memory_space<semaphore_mem>>) src(%dma_wait3A_32 : memref<10000x128xf32, #tpu.memory_space<hbm>>) dst(%arg8 : memref<128x128xf32, #tpu.memory_space<vmem>>)
      "tpu.region"() ({
        %run_scoped3A = tpu.sem_alloc : memref<!tpu.dma_semaphore, #tpu.memory_space<semaphore_mem>>
        %dma_start3A_36 = arith.constant 0 : i32
        %dma_start3A_37 = tpu.memref_slice %arg5[%add3A_23, %dma_start3A_36] : memref<320000x128xf32, #tpu.memory_space<hbm>> -> memref<128x128xf32, #tpu.memory_space<hbm>>
        %dma_start3A_38 = arith.constant 0 : i32
        %dma_start3A_39 = tpu.memref_slice %arg5[%add3A_23, %dma_start3A_38] : memref<320000x128xf32, #tpu.memory_space<hbm>> -> memref<128x128xf32, #tpu.memory_space<hbm>>
        tpu.enqueue_dma source(%arg8 : memref<128x128xf32, #tpu.memory_space<vmem>>) target(%dma_start3A_39 : memref<128x128xf32, #tpu.memory_space<hbm>>) target_semaphore(%run_scoped3A : memref<!tpu.dma_semaphore, #tpu.memory_space<semaphore_mem>>)
        %dma_wait3A_40 = arith.constant 0 : i32
        %dma_wait3A_41 = tpu.memref_slice %arg5[%add3A_23, %dma_wait3A_40] : memref<320000x128xf32, #tpu.memory_space<hbm>> -> memref<128x128xf32, #tpu.memory_space<hbm>>
        %dma_wait3A_42 = arith.constant 0 : i32
        %dma_wait3A_43 = tpu.memref_slice %arg5[%add3A_23, %dma_wait3A_42] : memref<320000x128xf32, #tpu.memory_space<hbm>> -> memref<128x128xf32, #tpu.memory_space<hbm>>
        tpu.wait_dma2 semaphore(%run_scoped3A : memref<!tpu.dma_semaphore, #tpu.memory_space<semaphore_mem>>) src(%arg8 : memref<128x128xf32, #tpu.memory_space<vmem>>) dst(%dma_wait3A_43 : memref<128x128xf32, #tpu.memory_space<hbm>>)
        tpu.yield
      }) : () -> ()
      %dma_wait3A_33 = arith.constant 0 : i32
      %dma_wait3A_34 = arith.constant 0 : i32
      %dma_wait3A_35 = tpu.memref_slice %arg2[%dma_wait3A_33, %dma_wait3A_34] : memref<10000x128xf32, #tpu.memory_space<hbm>> -> memref<10000x128xf32, #tpu.memory_space<hbm>>
      tpu.wait_indirect_dma semaphore(%arg16 : memref<!tpu.dma_semaphore, #tpu.memory_space<semaphore_mem>>) src(%dma_wait3A_35 : memref<10000x128xf32, #tpu.memory_space<hbm>>) dst(%arg10 : memref<128x128xf32, #tpu.memory_space<vmem>>)
      "tpu.region"() ({
        %run_scoped3A = tpu.sem_alloc : memref<!tpu.dma_semaphore, #tpu.memory_space<semaphore_mem>>
        %dma_start3A_36 = arith.constant 0 : i32
        %dma_start3A_37 = tpu.memref_slice %arg6[%add3A_23, %dma_start3A_36] : memref<320000x128xf32, #tpu.memory_space<hbm>> -> memref<128x128xf32, #tpu.memory_space<hbm>>
        %dma_start3A_38 = arith.constant 0 : i32
        %dma_start3A_39 = tpu.memref_slice %arg6[%add3A_23, %dma_start3A_38] : memref<320000x128xf32, #tpu.memory_space<hbm>> -> memref<128x128xf32, #tpu.memory_space<hbm>>
        tpu.enqueue_dma source(%arg10 : memref<128x128xf32, #tpu.memory_space<vmem>>) target(%dma_start3A_39 : memref<128x128xf32, #tpu.memory_space<hbm>>) target_semaphore(%run_scoped3A : memref<!tpu.dma_semaphore, #tpu.memory_space<semaphore_mem>>)
        %dma_wait3A_40 = arith.constant 0 : i32
        %dma_wait3A_41 = tpu.memref_slice %arg6[%add3A_23, %dma_wait3A_40] : memref<320000x128xf32, #tpu.memory_space<hbm>> -> memref<128x128xf32, #tpu.memory_space<hbm>>
        %dma_wait3A_42 = arith.constant 0 : i32
        %dma_wait3A_43 = tpu.memref_slice %arg6[%add3A_23, %dma_wait3A_42] : memref<320000x128xf32, #tpu.memory_space<hbm>> -> memref<128x128xf32, #tpu.memory_space<hbm>>
        tpu.wait_dma2 semaphore(%run_scoped3A : memref<!tpu.dma_semaphore, #tpu.memory_space<semaphore_mem>>) src(%arg10 : memref<128x128xf32, #tpu.memory_space<vmem>>) dst(%dma_wait3A_43 : memref<128x128xf32, #tpu.memory_space<hbm>>)
        tpu.yield
      }) : () -> ()
    }
    %scan3A_7 = arith.constant 78 : i32
    %add3A_8 = arith.constant 9984 : i32
    %add3A_9 = arith.addi %mul3A_2, %add3A_8 : i32
    "tpu.region"() ({
      %run_scoped3A = tpu.sem_alloc : memref<!tpu.dma_semaphore, #tpu.memory_space<semaphore_mem>>
      %dma_start3A_20 = tpu.memref_slice %arg3[%add3A_9] : memref<320000xi32, #tpu.memory_space<hbm>> -> memref<16xi32, #tpu.memory_space<hbm>>
      %dma_start3A_21 = tpu.memref_slice %arg3[%add3A_9] : memref<320000xi32, #tpu.memory_space<hbm>> -> memref<16xi32, #tpu.memory_space<hbm>>
      tpu.enqueue_dma source(%dma_start3A_21 : memref<16xi32, #tpu.memory_space<hbm>>) target(%arg11 : memref<16xi32, #tpu.memory_space<vmem>>) target_semaphore(%run_scoped3A : memref<!tpu.dma_semaphore, #tpu.memory_space<semaphore_mem>>)
      %dma_wait3A_22 = tpu.memref_slice %arg3[%add3A_9] : memref<320000xi32, #tpu.memory_space<hbm>> -> memref<16xi32, #tpu.memory_space<hbm>>
      %dma_wait3A_23 = tpu.memref_slice %arg3[%add3A_9] : memref<320000xi32, #tpu.memory_space<hbm>> -> memref<16xi32, #tpu.memory_space<hbm>>
      tpu.wait_dma2 semaphore(%run_scoped3A : memref<!tpu.dma_semaphore, #tpu.memory_space<semaphore_mem>>) src(%dma_wait3A_23 : memref<16xi32, #tpu.memory_space<hbm>>) dst(%arg11 : memref<16xi32, #tpu.memory_space<vmem>>)
      tpu.yield
    }) : () -> ()
    "tpu.region"() ({
      %run_scoped3A = tpu.sem_alloc : memref<!tpu.dma_semaphore, #tpu.memory_space<semaphore_mem>>
      %dma_start3A_20 = tpu.memref_slice %arg4[%add3A_9] : memref<320000xi32, #tpu.memory_space<hbm>> -> memref<16xi32, #tpu.memory_space<hbm>>
      %dma_start3A_21 = tpu.memref_slice %arg4[%add3A_9] : memref<320000xi32, #tpu.memory_space<hbm>> -> memref<16xi32, #tpu.memory_space<hbm>>
      tpu.enqueue_dma source(%dma_start3A_21 : memref<16xi32, #tpu.memory_space<hbm>>) target(%arg13 : memref<16xi32, #tpu.memory_space<vmem>>) target_semaphore(%run_scoped3A : memref<!tpu.dma_semaphore, #tpu.memory_space<semaphore_mem>>)
      %dma_wait3A_22 = tpu.memref_slice %arg4[%add3A_9] : memref<320000xi32, #tpu.memory_space<hbm>> -> memref<16xi32, #tpu.memory_space<hbm>>
      %dma_wait3A_23 = tpu.memref_slice %arg4[%add3A_9] : memref<320000xi32, #tpu.memory_space<hbm>> -> memref<16xi32, #tpu.memory_space<hbm>>
      tpu.wait_dma2 semaphore(%run_scoped3A : memref<!tpu.dma_semaphore, #tpu.memory_space<semaphore_mem>>) src(%dma_wait3A_23 : memref<16xi32, #tpu.memory_space<hbm>>) dst(%arg13 : memref<16xi32, #tpu.memory_space<vmem>>)
      tpu.yield
    }) : () -> ()
    %dma_start3A = arith.constant 0 : i32
    %dma_start3A_10 = arith.constant 0 : i32
    %dma_start3A_11 = tpu.memref_slice %arg2[%dma_start3A, %dma_start3A_10] : memref<10000x128xf32, #tpu.memory_space<hbm>> -> memref<10000x128xf32, #tpu.memory_space<hbm>>
    tpu.enqueue_indirect_dma source(%dma_start3A_11 : memref<10000x128xf32, #tpu.memory_space<hbm>>) target(%arg12 : memref<16x128xf32, #tpu.memory_space<vmem>>) offsets(%arg11 : memref<16xi32, #tpu.memory_space<vmem>>) semaphore(%arg15 : memref<!tpu.dma_semaphore, #tpu.memory_space<semaphore_mem>>)
    %dma_start3A_12 = arith.constant 0 : i32
    %dma_start3A_13 = arith.constant 0 : i32
    %dma_start3A_14 = tpu.memref_slice %arg2[%dma_start3A_12, %dma_start3A_13] : memref<10000x128xf32, #tpu.memory_space<hbm>> -> memref<10000x128xf32, #tpu.memory_space<hbm>>
    tpu.enqueue_indirect_dma source(%dma_start3A_14 : memref<10000x128xf32, #tpu.memory_space<hbm>>) target(%arg14 : memref<16x128xf32, #tpu.memory_space<vmem>>) offsets(%arg13 : memref<16xi32, #tpu.memory_space<vmem>>) semaphore(%arg16 : memref<!tpu.dma_semaphore, #tpu.memory_space<semaphore_mem>>)
    %dma_wait3A = arith.constant 0 : i32
    %dma_wait3A_15 = arith.constant 0 : i32
    %dma_wait3A_16 = tpu.memref_slice %arg2[%dma_wait3A, %dma_wait3A_15] : memref<10000x128xf32, #tpu.memory_space<hbm>> -> memref<10000x128xf32, #tpu.memory_space<hbm>>
    tpu.wait_indirect_dma semaphore(%arg15 : memref<!tpu.dma_semaphore, #tpu.memory_space<semaphore_mem>>) src(%dma_wait3A_16 : memref<10000x128xf32, #tpu.memory_space<hbm>>) dst(%arg12 : memref<16x128xf32, #tpu.memory_space<vmem>>)
    "tpu.region"() ({
      %run_scoped3A = tpu.sem_alloc : memref<!tpu.dma_semaphore, #tpu.memory_space<semaphore_mem>>
      %dma_start3A_20 = arith.constant 0 : i32
      %dma_start3A_21 = tpu.memref_slice %arg5[%add3A_9, %dma_start3A_20] : memref<320000x128xf32, #tpu.memory_space<hbm>> -> memref<16x128xf32, #tpu.memory_space<hbm>>
      %dma_start3A_22 = arith.constant 0 : i32
      %dma_start3A_23 = tpu.memref_slice %arg5[%add3A_9, %dma_start3A_22] : memref<320000x128xf32, #tpu.memory_space<hbm>> -> memref<16x128xf32, #tpu.memory_space<hbm>>
      tpu.enqueue_dma source(%arg12 : memref<16x128xf32, #tpu.memory_space<vmem>>) target(%dma_start3A_23 : memref<16x128xf32, #tpu.memory_space<hbm>>) target_semaphore(%run_scoped3A : memref<!tpu.dma_semaphore, #tpu.memory_space<semaphore_mem>>)
      %dma_wait3A_24 = arith.constant 0 : i32
      %dma_wait3A_25 = tpu.memref_slice %arg5[%add3A_9, %dma_wait3A_24] : memref<320000x128xf32, #tpu.memory_space<hbm>> -> memref<16x128xf32, #tpu.memory_space<hbm>>
      %dma_wait3A_26 = arith.constant 0 : i32
      %dma_wait3A_27 = tpu.memref_slice %arg5[%add3A_9, %dma_wait3A_26] : memref<320000x128xf32, #tpu.memory_space<hbm>> -> memref<16x128xf32, #tpu.memory_space<hbm>>
      tpu.wait_dma2 semaphore(%run_scoped3A : memref<!tpu.dma_semaphore, #tpu.memory_space<semaphore_mem>>) src(%arg12 : memref<16x128xf32, #tpu.memory_space<vmem>>) dst(%dma_wait3A_27 : memref<16x128xf32, #tpu.memory_space<hbm>>)
      tpu.yield
    }) : () -> ()
    %dma_wait3A_17 = arith.constant 0 : i32
    %dma_wait3A_18 = arith.constant 0 : i32
    %dma_wait3A_19 = tpu.memref_slice %arg2[%dma_wait3A_17, %dma_wait3A_18] : memref<10000x128xf32, #tpu.memory_space<hbm>> -> memref<10000x128xf32, #tpu.memory_space<hbm>>
    tpu.wait_indirect_dma semaphore(%arg16 : memref<!tpu.dma_semaphore, #tpu.memory_space<semaphore_mem>>) src(%dma_wait3A_19 : memref<10000x128xf32, #tpu.memory_space<hbm>>) dst(%arg14 : memref<16x128xf32, #tpu.memory_space<vmem>>)
    "tpu.region"() ({
      %run_scoped3A = tpu.sem_alloc : memref<!tpu.dma_semaphore, #tpu.memory_space<semaphore_mem>>
      %dma_start3A_20 = arith.constant 0 : i32
      %dma_start3A_21 = tpu.memref_slice %arg6[%add3A_9, %dma_start3A_20] : memref<320000x128xf32, #tpu.memory_space<hbm>> -> memref<16x128xf32, #tpu.memory_space<hbm>>
      %dma_start3A_22 = arith.constant 0 : i32
      %dma_start3A_23 = tpu.memref_slice %arg6[%add3A_9, %dma_start3A_22] : memref<320000x128xf32, #tpu.memory_space<hbm>> -> memref<16x128xf32, #tpu.memory_space<hbm>>
      tpu.enqueue_dma source(%arg14 : memref<16x128xf32, #tpu.memory_space<vmem>>) target(%dma_start3A_23 : memref<16x128xf32, #tpu.memory_space<hbm>>) target_semaphore(%run_scoped3A : memref<!tpu.dma_semaphore, #tpu.memory_space<semaphore_mem>>)
      %dma_wait3A_24 = arith.constant 0 : i32
      %dma_wait3A_25 = tpu.memref_slice %arg6[%add3A_9, %dma_wait3A_24] : memref<320000x128xf32, #tpu.memory_space<hbm>> -> memref<16x128xf32, #tpu.memory_space<hbm>>
      %dma_wait3A_26 = arith.constant 0 : i32
      %dma_wait3A_27 = tpu.memref_slice %arg6[%add3A_9, %dma_wait3A_26] : memref<320000x128xf32, #tpu.memory_space<hbm>> -> memref<16x128xf32, #tpu.memory_space<hbm>>
      tpu.wait_dma2 semaphore(%run_scoped3A : memref<!tpu.dma_semaphore, #tpu.memory_space<semaphore_mem>>) src(%arg14 : memref<16x128xf32, #tpu.memory_space<vmem>>) dst(%dma_wait3A_27 : memref<16x128xf32, #tpu.memory_space<hbm>>)
      tpu.yield
    }) : () -> ()
    return
  }
}

#map = affine_map<(d0, d1) -> (0, 0)>
#map1 = affine_map<(d0, d1) -> (0)>
#map2 = affine_map<(d0, d1) -> (0, 0, 0)>
module attributes {stable_mosaic.version = 14 : i64} {
  func.func @k(%arg0: i32, %arg1: i32, %arg2: memref<320000x128xf32, #tpu.memory_space<hbm>>, %arg3: memref<320000xi32, #tpu.memory_space<hbm>>, %arg4: memref<10240x128xf32, #tpu.memory_space<hbm>>, %arg5: memref<2x10240x128xf32, #tpu.memory_space<hbm>>, %arg6: memref<128xi32, #tpu.memory_space<vmem>>, %arg7: memref<128x128xf32, #tpu.memory_space<vmem>>, %arg8: memref<16xi32, #tpu.memory_space<vmem>>, %arg9: memref<16x128xf32, #tpu.memory_space<vmem>>, %arg10: memref<10240x128xf32, #tpu.memory_space<vmem_shared>>, %arg11: memref<!tpu.dma_semaphore, #tpu.memory_space<semaphore_mem>>) attributes {dimension_semantics = [#tpu.dimension_semantics<core_parallel>, #tpu.dimension_semantics<subcore_parallel>], iteration_bounds = array<i64: 2, 16>, scalar_prefetch = 0 : i64, scratch_operands = 6 : i64, tpu.core_type = #tpu.core_type<sc_vector_subcore>, window_params = [{transform_indices = #map}, {transform_indices = #map1}, {transform_indices = #map}, {transform_indices = #map2}]} {
    %mul3A = arith.constant 2 : i32
    %mul3A_0 = arith.muli %arg1, %mul3A : i32
    %add3A = arith.addi %mul3A_0, %arg0 : i32
    %mul3A_1 = arith.constant 640 : i32
    %mul3A_2 = arith.muli %arg1, %mul3A_1 : i32
    %mul3A_3 = arith.constant 640 : i32
    %mul3A_4 = arith.muli %arg1, %mul3A_3 : i32
    "tpu.region"() ({
      %run_scoped3A = tpu.sem_alloc : memref<!tpu.dma_semaphore, #tpu.memory_space<semaphore_mem>>
      %dma_start3A = arith.constant 0 : i32
      %dma_start3A_19 = tpu.memref_slice %arg10[%mul3A_4, %dma_start3A] : memref<10240x128xf32, #tpu.memory_space<vmem_shared>> -> memref<640x128xf32, #tpu.memory_space<vmem_shared>>
      %dma_start3A_20 = arith.constant 0 : i32
      %dma_start3A_21 = tpu.memref_slice %arg4[%mul3A_2, %dma_start3A_20] : memref<10240x128xf32, #tpu.memory_space<hbm>> -> memref<640x128xf32, #tpu.memory_space<hbm>>
      tpu.enqueue_dma source(%dma_start3A_21 : memref<640x128xf32, #tpu.memory_space<hbm>>) target(%dma_start3A_19 : memref<640x128xf32, #tpu.memory_space<vmem_shared>>) target_semaphore(%run_scoped3A : memref<!tpu.dma_semaphore, #tpu.memory_space<semaphore_mem>>)
      %dma_wait3A = arith.constant 0 : i32
      %dma_wait3A_22 = tpu.memref_slice %arg10[%mul3A_4, %dma_wait3A] : memref<10240x128xf32, #tpu.memory_space<vmem_shared>> -> memref<640x128xf32, #tpu.memory_space<vmem_shared>>
      %dma_wait3A_23 = arith.constant 0 : i32
      %dma_wait3A_24 = tpu.memref_slice %arg4[%mul3A_2, %dma_wait3A_23] : memref<10240x128xf32, #tpu.memory_space<hbm>> -> memref<640x128xf32, #tpu.memory_space<hbm>>
      tpu.wait_dma2 semaphore(%run_scoped3A : memref<!tpu.dma_semaphore, #tpu.memory_space<semaphore_mem>>) src(%dma_wait3A_24 : memref<640x128xf32, #tpu.memory_space<hbm>>) dst(%dma_wait3A_22 : memref<640x128xf32, #tpu.memory_space<vmem_shared>>)
      tpu.yield
    }) : () -> ()
    %barrier3A = arith.constant 0 : index
    tpu.barrier barrier_id(%barrier3A)
    %mul3A_5 = arith.constant 10000 : i32
    %mul3A_6 = arith.muli %add3A, %mul3A_5 : i32
    %scan3A = arith.constant 0 : i32
    %scan3A_7 = arith.constant 0 : i32
    %scan3A_8 = arith.constant 78 : i32
    %scan3A_9 = arith.addi %scan3A_7, %scan3A_8 : i32
    %scan3A_10 = arith.constant 1 : i32
    scf.for %scan3A_19 = %scan3A_7 to %scan3A_9 step %scan3A_10  : i32 {
      %mul3A_20 = arith.constant 128 : i32
      %mul3A_21 = arith.muli %scan3A_19, %mul3A_20 : i32
      %add3A_22 = arith.addi %mul3A_6, %mul3A_21 : i32
      "tpu.region"() ({
        %run_scoped3A = tpu.sem_alloc : memref<!tpu.dma_semaphore, #tpu.memory_space<semaphore_mem>>
        %dma_start3A = tpu.memref_slice %arg3[%add3A_22] : memref<320000xi32, #tpu.memory_space<hbm>> -> memref<128xi32, #tpu.memory_space<hbm>>
        %dma_start3A_23 = tpu.memref_slice %arg3[%add3A_22] : memref<320000xi32, #tpu.memory_space<hbm>> -> memref<128xi32, #tpu.memory_space<hbm>>
        tpu.enqueue_dma source(%dma_start3A_23 : memref<128xi32, #tpu.memory_space<hbm>>) target(%arg6 : memref<128xi32, #tpu.memory_space<vmem>>) target_semaphore(%run_scoped3A : memref<!tpu.dma_semaphore, #tpu.memory_space<semaphore_mem>>)
        %dma_wait3A = tpu.memref_slice %arg3[%add3A_22] : memref<320000xi32, #tpu.memory_space<hbm>> -> memref<128xi32, #tpu.memory_space<hbm>>
        %dma_wait3A_24 = tpu.memref_slice %arg3[%add3A_22] : memref<320000xi32, #tpu.memory_space<hbm>> -> memref<128xi32, #tpu.memory_space<hbm>>
        tpu.wait_dma2 semaphore(%run_scoped3A : memref<!tpu.dma_semaphore, #tpu.memory_space<semaphore_mem>>) src(%dma_wait3A_24 : memref<128xi32, #tpu.memory_space<hbm>>) dst(%arg6 : memref<128xi32, #tpu.memory_space<vmem>>)
        tpu.yield
      }) : () -> ()
      "tpu.region"() ({
        %run_scoped3A = tpu.sem_alloc : memref<!tpu.dma_semaphore, #tpu.memory_space<semaphore_mem>>
        %dma_start3A = arith.constant 0 : i32
        %dma_start3A_23 = tpu.memref_slice %arg2[%add3A_22, %dma_start3A] : memref<320000x128xf32, #tpu.memory_space<hbm>> -> memref<128x128xf32, #tpu.memory_space<hbm>>
        %dma_start3A_24 = arith.constant 0 : i32
        %dma_start3A_25 = tpu.memref_slice %arg2[%add3A_22, %dma_start3A_24] : memref<320000x128xf32, #tpu.memory_space<hbm>> -> memref<128x128xf32, #tpu.memory_space<hbm>>
        tpu.enqueue_dma source(%dma_start3A_25 : memref<128x128xf32, #tpu.memory_space<hbm>>) target(%arg7 : memref<128x128xf32, #tpu.memory_space<vmem>>) target_semaphore(%run_scoped3A : memref<!tpu.dma_semaphore, #tpu.memory_space<semaphore_mem>>)
        %dma_wait3A = arith.constant 0 : i32
        %dma_wait3A_26 = tpu.memref_slice %arg2[%add3A_22, %dma_wait3A] : memref<320000x128xf32, #tpu.memory_space<hbm>> -> memref<128x128xf32, #tpu.memory_space<hbm>>
        %dma_wait3A_27 = arith.constant 0 : i32
        %dma_wait3A_28 = tpu.memref_slice %arg2[%add3A_22, %dma_wait3A_27] : memref<320000x128xf32, #tpu.memory_space<hbm>> -> memref<128x128xf32, #tpu.memory_space<hbm>>
        tpu.wait_dma2 semaphore(%run_scoped3A : memref<!tpu.dma_semaphore, #tpu.memory_space<semaphore_mem>>) src(%dma_wait3A_28 : memref<128x128xf32, #tpu.memory_space<hbm>>) dst(%arg7 : memref<128x128xf32, #tpu.memory_space<vmem>>)
        tpu.yield
      }) : () -> ()
      "tpu.region"() ({
        %run_scoped3A = tpu.sem_alloc : memref<!tpu.dma_semaphore, #tpu.memory_space<semaphore_mem>>
        %dma_start3A = arith.constant 0 : i32
        %dma_start3A_23 = arith.constant 0 : i32
        %dma_start3A_24 = tpu.memref_slice %arg10[%dma_start3A, %dma_start3A_23] : memref<10240x128xf32, #tpu.memory_space<vmem_shared>> -> memref<10240x128xf32, #tpu.memory_space<vmem_shared>>
        tpu.enqueue_indirect_dma source(%arg7 : memref<128x128xf32, #tpu.memory_space<vmem>>) target(%dma_start3A_24 : memref<10240x128xf32, #tpu.memory_space<vmem_shared>>) offsets(%arg6 : memref<128xi32, #tpu.memory_space<vmem>>) semaphore(%run_scoped3A : memref<!tpu.dma_semaphore, #tpu.memory_space<semaphore_mem>>) {add = true}
        %dma_wait3A = arith.constant 0 : i32
        %dma_wait3A_25 = arith.constant 0 : i32
        %dma_wait3A_26 = tpu.memref_slice %arg10[%dma_wait3A, %dma_wait3A_25] : memref<10240x128xf32, #tpu.memory_space<vmem_shared>> -> memref<10240x128xf32, #tpu.memory_space<vmem_shared>>
        tpu.wait_indirect_dma semaphore(%run_scoped3A : memref<!tpu.dma_semaphore, #tpu.memory_space<semaphore_mem>>) src(%arg7 : memref<128x128xf32, #tpu.memory_space<vmem>>) dst(%dma_wait3A_26 : memref<10240x128xf32, #tpu.memory_space<vmem_shared>>)
        tpu.yield
      }) : () -> ()
    }
    %scan3A_11 = arith.constant 78 : i32
    %add3A_12 = arith.constant 9984 : i32
    %add3A_13 = arith.addi %mul3A_6, %add3A_12 : i32
    "tpu.region"() ({
      %run_scoped3A = tpu.sem_alloc : memref<!tpu.dma_semaphore, #tpu.memory_space<semaphore_mem>>
      %dma_start3A = tpu.memref_slice %arg3[%add3A_13] : memref<320000xi32, #tpu.memory_space<hbm>> -> memref<16xi32, #tpu.memory_space<hbm>>
      %dma_start3A_19 = tpu.memref_slice %arg3[%add3A_13] : memref<320000xi32, #tpu.memory_space<hbm>> -> memref<16xi32, #tpu.memory_space<hbm>>
      tpu.enqueue_dma source(%dma_start3A_19 : memref<16xi32, #tpu.memory_space<hbm>>) target(%arg8 : memref<16xi32, #tpu.memory_space<vmem>>) target_semaphore(%run_scoped3A : memref<!tpu.dma_semaphore, #tpu.memory_space<semaphore_mem>>)
      %dma_wait3A = tpu.memref_slice %arg3[%add3A_13] : memref<320000xi32, #tpu.memory_space<hbm>> -> memref<16xi32, #tpu.memory_space<hbm>>
      %dma_wait3A_20 = tpu.memref_slice %arg3[%add3A_13] : memref<320000xi32, #tpu.memory_space<hbm>> -> memref<16xi32, #tpu.memory_space<hbm>>
      tpu.wait_dma2 semaphore(%run_scoped3A : memref<!tpu.dma_semaphore, #tpu.memory_space<semaphore_mem>>) src(%dma_wait3A_20 : memref<16xi32, #tpu.memory_space<hbm>>) dst(%arg8 : memref<16xi32, #tpu.memory_space<vmem>>)
      tpu.yield
    }) : () -> ()
    "tpu.region"() ({
      %run_scoped3A = tpu.sem_alloc : memref<!tpu.dma_semaphore, #tpu.memory_space<semaphore_mem>>
      %dma_start3A = arith.constant 0 : i32
      %dma_start3A_19 = tpu.memref_slice %arg2[%add3A_13, %dma_start3A] : memref<320000x128xf32, #tpu.memory_space<hbm>> -> memref<16x128xf32, #tpu.memory_space<hbm>>
      %dma_start3A_20 = arith.constant 0 : i32
      %dma_start3A_21 = tpu.memref_slice %arg2[%add3A_13, %dma_start3A_20] : memref<320000x128xf32, #tpu.memory_space<hbm>> -> memref<16x128xf32, #tpu.memory_space<hbm>>
      tpu.enqueue_dma source(%dma_start3A_21 : memref<16x128xf32, #tpu.memory_space<hbm>>) target(%arg9 : memref<16x128xf32, #tpu.memory_space<vmem>>) target_semaphore(%run_scoped3A : memref<!tpu.dma_semaphore, #tpu.memory_space<semaphore_mem>>)
      %dma_wait3A = arith.constant 0 : i32
      %dma_wait3A_22 = tpu.memref_slice %arg2[%add3A_13, %dma_wait3A] : memref<320000x128xf32, #tpu.memory_space<hbm>> -> memref<16x128xf32, #tpu.memory_space<hbm>>
      %dma_wait3A_23 = arith.constant 0 : i32
      %dma_wait3A_24 = tpu.memref_slice %arg2[%add3A_13, %dma_wait3A_23] : memref<320000x128xf32, #tpu.memory_space<hbm>> -> memref<16x128xf32, #tpu.memory_space<hbm>>
      tpu.wait_dma2 semaphore(%run_scoped3A : memref<!tpu.dma_semaphore, #tpu.memory_space<semaphore_mem>>) src(%dma_wait3A_24 : memref<16x128xf32, #tpu.memory_space<hbm>>) dst(%arg9 : memref<16x128xf32, #tpu.memory_space<vmem>>)
      tpu.yield
    }) : () -> ()
    "tpu.region"() ({
      %run_scoped3A = tpu.sem_alloc : memref<!tpu.dma_semaphore, #tpu.memory_space<semaphore_mem>>
      %dma_start3A = arith.constant 0 : i32
      %dma_start3A_19 = arith.constant 0 : i32
      %dma_start3A_20 = tpu.memref_slice %arg10[%dma_start3A, %dma_start3A_19] : memref<10240x128xf32, #tpu.memory_space<vmem_shared>> -> memref<10240x128xf32, #tpu.memory_space<vmem_shared>>
      tpu.enqueue_indirect_dma source(%arg9 : memref<16x128xf32, #tpu.memory_space<vmem>>) target(%dma_start3A_20 : memref<10240x128xf32, #tpu.memory_space<vmem_shared>>) offsets(%arg8 : memref<16xi32, #tpu.memory_space<vmem>>) semaphore(%run_scoped3A : memref<!tpu.dma_semaphore, #tpu.memory_space<semaphore_mem>>) {add = true}
      %dma_wait3A = arith.constant 0 : i32
      %dma_wait3A_21 = arith.constant 0 : i32
      %dma_wait3A_22 = tpu.memref_slice %arg10[%dma_wait3A, %dma_wait3A_21] : memref<10240x128xf32, #tpu.memory_space<vmem_shared>> -> memref<10240x128xf32, #tpu.memory_space<vmem_shared>>
      tpu.wait_indirect_dma semaphore(%run_scoped3A : memref<!tpu.dma_semaphore, #tpu.memory_space<semaphore_mem>>) src(%arg9 : memref<16x128xf32, #tpu.memory_space<vmem>>) dst(%dma_wait3A_22 : memref<10240x128xf32, #tpu.memory_space<vmem_shared>>)
      tpu.yield
    }) : () -> ()
    %barrier3A_14 = arith.constant 0 : index
    tpu.barrier barrier_id(%barrier3A_14)
    %mul3A_15 = arith.constant 640 : i32
    %mul3A_16 = arith.muli %arg1, %mul3A_15 : i32
    %mul3A_17 = arith.constant 640 : i32
    %mul3A_18 = arith.muli %arg1, %mul3A_17 : i32
    "tpu.region"() ({
      %run_scoped3A = tpu.sem_alloc : memref<!tpu.dma_semaphore, #tpu.memory_space<semaphore_mem>>
      %dma_start3A = arith.constant 0 : i32
      %dma_start3A_19 = tpu.memref_slice %arg5[%arg0, %mul3A_18, %dma_start3A] : memref<2x10240x128xf32, #tpu.memory_space<hbm>> -> memref<1x640x128xf32, #tpu.memory_space<hbm>>
      %dma_start3A_20 = tpu.memref_squeeze %dma_start3A_19 : memref<1x640x128xf32, #tpu.memory_space<hbm>> -> memref<640x128xf32, #tpu.memory_space<hbm>>
      %dma_start3A_21 = arith.constant 0 : i32
      %dma_start3A_22 = tpu.memref_slice %arg10[%mul3A_16, %dma_start3A_21] : memref<10240x128xf32, #tpu.memory_space<vmem_shared>> -> memref<640x128xf32, #tpu.memory_space<vmem_shared>>
      tpu.enqueue_dma source(%dma_start3A_22 : memref<640x128xf32, #tpu.memory_space<vmem_shared>>) target(%dma_start3A_20 : memref<640x128xf32, #tpu.memory_space<hbm>>) target_semaphore(%run_scoped3A : memref<!tpu.dma_semaphore, #tpu.memory_space<semaphore_mem>>)
      %dma_wait3A = arith.constant 0 : i32
      %dma_wait3A_23 = tpu.memref_slice %arg5[%arg0, %mul3A_18, %dma_wait3A] : memref<2x10240x128xf32, #tpu.memory_space<hbm>> -> memref<1x640x128xf32, #tpu.memory_space<hbm>>
      %dma_wait3A_24 = tpu.memref_squeeze %dma_wait3A_23 : memref<1x640x128xf32, #tpu.memory_space<hbm>> -> memref<640x128xf32, #tpu.memory_space<hbm>>
      %dma_wait3A_25 = arith.constant 0 : i32
      %dma_wait3A_26 = tpu.memref_slice %arg10[%mul3A_16, %dma_wait3A_25] : memref<10240x128xf32, #tpu.memory_space<vmem_shared>> -> memref<640x128xf32, #tpu.memory_space<vmem_shared>>
      tpu.wait_dma2 semaphore(%run_scoped3A : memref<!tpu.dma_semaphore, #tpu.memory_space<semaphore_mem>>) src(%dma_wait3A_26 : memref<640x128xf32, #tpu.memory_space<vmem_shared>>) dst(%dma_wait3A_24 : memref<640x128xf32, #tpu.memory_space<hbm>>)
      tpu.yield
    }) : () -> ()
    return
  }
}

#map = affine_map<(d0, d1) -> (0, 0)>
#map1 = affine_map<(d0, d1) -> (0)>
module attributes {stable_mosaic.version = 14 : i64} {
  func.func @k(%arg0: i32, %arg1: i32, %arg2: memref<10000x128xf32, #tpu.memory_space<hbm>>, %arg3: memref<320000xi32, #tpu.memory_space<hbm>>, %arg4: memref<320000xi32, #tpu.memory_space<hbm>>, %arg5: memref<320000x128xf32, #tpu.memory_space<hbm>>, %arg6: memref<320000x128xf32, #tpu.memory_space<hbm>>, %arg7: memref<128xi32, #tpu.memory_space<vmem>>, %arg8: memref<128x128xf32, #tpu.memory_space<vmem>>, %arg9: memref<128xi32, #tpu.memory_space<vmem>>, %arg10: memref<128x128xf32, #tpu.memory_space<vmem>>, %arg11: memref<16xi32, #tpu.memory_space<vmem>>, %arg12: memref<16x128xf32, #tpu.memory_space<vmem>>, %arg13: memref<16xi32, #tpu.memory_space<vmem>>, %arg14: memref<16x128xf32, #tpu.memory_space<vmem>>, %arg15: memref<!tpu.dma_semaphore, #tpu.memory_space<semaphore_mem>>, %arg16: memref<!tpu.dma_semaphore, #tpu.memory_space<semaphore_mem>>) attributes {dimension_semantics = [#tpu.dimension_semantics<core_parallel>, #tpu.dimension_semantics<subcore_parallel>], iteration_bounds = array<i64: 2, 16>, scalar_prefetch = 0 : i64, scratch_operands = 10 : i64, tpu.core_type = #tpu.core_type<sc_vector_subcore>, window_params = [{transform_indices = #map}, {transform_indices = #map1}, {transform_indices = #map1}, {transform_indices = #map}, {transform_indices = #map}]} {
    %mul3A = arith.constant 2 : i32
    %mul3A_0 = arith.muli %arg1, %mul3A : i32
    %add3A = arith.addi %mul3A_0, %arg0 : i32
    %mul3A_1 = arith.constant 10000 : i32
    %mul3A_2 = arith.muli %add3A, %mul3A_1 : i32
    %scan3A = arith.constant 0 : i32
    %scan3A_3 = arith.constant 0 : i32
    %scan3A_4 = arith.constant 78 : i32
    %scan3A_5 = arith.addi %scan3A_3, %scan3A_4 : i32
    %scan3A_6 = arith.constant 1 : i32
    scf.for %scan3A_20 = %scan3A_3 to %scan3A_5 step %scan3A_6  : i32 {
      %mul3A_21 = arith.constant 128 : i32
      %mul3A_22 = arith.muli %scan3A_20, %mul3A_21 : i32
      %add3A_23 = arith.addi %mul3A_2, %mul3A_22 : i32
      "tpu.region"() ({
        %run_scoped3A = tpu.sem_alloc : memref<!tpu.dma_semaphore, #tpu.memory_space<semaphore_mem>>
        %dma_start3A_36 = tpu.memref_slice %arg3[%add3A_23] : memref<320000xi32, #tpu.memory_space<hbm>> -> memref<128xi32, #tpu.memory_space<hbm>>
        %dma_start3A_37 = tpu.memref_slice %arg3[%add3A_23] : memref<320000xi32, #tpu.memory_space<hbm>> -> memref<128xi32, #tpu.memory_space<hbm>>
        tpu.enqueue_dma source(%dma_start3A_37 : memref<128xi32, #tpu.memory_space<hbm>>) target(%arg7 : memref<128xi32, #tpu.memory_space<vmem>>) target_semaphore(%run_scoped3A : memref<!tpu.dma_semaphore, #tpu.memory_space<semaphore_mem>>)
        %dma_wait3A_38 = tpu.memref_slice %arg3[%add3A_23] : memref<320000xi32, #tpu.memory_space<hbm>> -> memref<128xi32, #tpu.memory_space<hbm>>
        %dma_wait3A_39 = tpu.memref_slice %arg3[%add3A_23] : memref<320000xi32, #tpu.memory_space<hbm>> -> memref<128xi32, #tpu.memory_space<hbm>>
        tpu.wait_dma2 semaphore(%run_scoped3A : memref<!tpu.dma_semaphore, #tpu.memory_space<semaphore_mem>>) src(%dma_wait3A_39 : memref<128xi32, #tpu.memory_space<hbm>>) dst(%arg7 : memref<128xi32, #tpu.memory_space<vmem>>)
        tpu.yield
      }) : () -> ()
      "tpu.region"() ({
        %run_scoped3A = tpu.sem_alloc : memref<!tpu.dma_semaphore, #tpu.memory_space<semaphore_mem>>
        %dma_start3A_36 = tpu.memref_slice %arg4[%add3A_23] : memref<320000xi32, #tpu.memory_space<hbm>> -> memref<128xi32, #tpu.memory_space<hbm>>
        %dma_start3A_37 = tpu.memref_slice %arg4[%add3A_23] : memref<320000xi32, #tpu.memory_space<hbm>> -> memref<128xi32, #tpu.memory_space<hbm>>
        tpu.enqueue_dma source(%dma_start3A_37 : memref<128xi32, #tpu.memory_space<hbm>>) target(%arg9 : memref<128xi32, #tpu.memory_space<vmem>>) target_semaphore(%run_scoped3A : memref<!tpu.dma_semaphore, #tpu.memory_space<semaphore_mem>>)
        %dma_wait3A_38 = tpu.memref_slice %arg4[%add3A_23] : memref<320000xi32, #tpu.memory_space<hbm>> -> memref<128xi32, #tpu.memory_space<hbm>>
        %dma_wait3A_39 = tpu.memref_slice %arg4[%add3A_23] : memref<320000xi32, #tpu.memory_space<hbm>> -> memref<128xi32, #tpu.memory_space<hbm>>
        tpu.wait_dma2 semaphore(%run_scoped3A : memref<!tpu.dma_semaphore, #tpu.memory_space<semaphore_mem>>) src(%dma_wait3A_39 : memref<128xi32, #tpu.memory_space<hbm>>) dst(%arg9 : memref<128xi32, #tpu.memory_space<vmem>>)
        tpu.yield
      }) : () -> ()
      %dma_start3A_24 = arith.constant 0 : i32
      %dma_start3A_25 = arith.constant 0 : i32
      %dma_start3A_26 = tpu.memref_slice %arg2[%dma_start3A_24, %dma_start3A_25] : memref<10000x128xf32, #tpu.memory_space<hbm>> -> memref<10000x128xf32, #tpu.memory_space<hbm>>
      tpu.enqueue_indirect_dma source(%dma_start3A_26 : memref<10000x128xf32, #tpu.memory_space<hbm>>) target(%arg8 : memref<128x128xf32, #tpu.memory_space<vmem>>) offsets(%arg7 : memref<128xi32, #tpu.memory_space<vmem>>) semaphore(%arg15 : memref<!tpu.dma_semaphore, #tpu.memory_space<semaphore_mem>>)
      %dma_start3A_27 = arith.constant 0 : i32
      %dma_start3A_28 = arith.constant 0 : i32
      %dma_start3A_29 = tpu.memref_slice %arg2[%dma_start3A_27, %dma_start3A_28] : memref<10000x128xf32, #tpu.memory_space<hbm>> -> memref<10000x128xf32, #tpu.memory_space<hbm>>
      tpu.enqueue_indirect_dma source(%dma_start3A_29 : memref<10000x128xf32, #tpu.memory_space<hbm>>) target(%arg10 : memref<128x128xf32, #tpu.memory_space<vmem>>) offsets(%arg9 : memref<128xi32, #tpu.memory_space<vmem>>) semaphore(%arg16 : memref<!tpu.dma_semaphore, #tpu.memory_space<semaphore_mem>>)
      %dma_wait3A_30 = arith.constant 0 : i32
      %dma_wait3A_31 = arith.constant 0 : i32
      %dma_wait3A_32 = tpu.memref_slice %arg2[%dma_wait3A_30, %dma_wait3A_31] : memref<10000x128xf32, #tpu.memory_space<hbm>> -> memref<10000x128xf32, #tpu.memory_space<hbm>>
      tpu.wait_indirect_dma semaphore(%arg15 : memref<!tpu.dma_semaphore, #tpu.memory_space<semaphore_mem>>) src(%dma_wait3A_32 : memref<10000x128xf32, #tpu.memory_space<hbm>>) dst(%arg8 : memref<128x128xf32, #tpu.memory_space<vmem>>)
      "tpu.region"() ({
        %run_scoped3A = tpu.sem_alloc : memref<!tpu.dma_semaphore, #tpu.memory_space<semaphore_mem>>
        %dma_start3A_36 = arith.constant 0 : i32
        %dma_start3A_37 = tpu.memref_slice %arg5[%add3A_23, %dma_start3A_36] : memref<320000x128xf32, #tpu.memory_space<hbm>> -> memref<128x128xf32, #tpu.memory_space<hbm>>
        %dma_start3A_38 = arith.constant 0 : i32
        %dma_start3A_39 = tpu.memref_slice %arg5[%add3A_23, %dma_start3A_38] : memref<320000x128xf32, #tpu.memory_space<hbm>> -> memref<128x128xf32, #tpu.memory_space<hbm>>
        tpu.enqueue_dma source(%arg8 : memref<128x128xf32, #tpu.memory_space<vmem>>) target(%dma_start3A_39 : memref<128x128xf32, #tpu.memory_space<hbm>>) target_semaphore(%run_scoped3A : memref<!tpu.dma_semaphore, #tpu.memory_space<semaphore_mem>>)
        %dma_wait3A_40 = arith.constant 0 : i32
        %dma_wait3A_41 = tpu.memref_slice %arg5[%add3A_23, %dma_wait3A_40] : memref<320000x128xf32, #tpu.memory_space<hbm>> -> memref<128x128xf32, #tpu.memory_space<hbm>>
        %dma_wait3A_42 = arith.constant 0 : i32
        %dma_wait3A_43 = tpu.memref_slice %arg5[%add3A_23, %dma_wait3A_42] : memref<320000x128xf32, #tpu.memory_space<hbm>> -> memref<128x128xf32, #tpu.memory_space<hbm>>
        tpu.wait_dma2 semaphore(%run_scoped3A : memref<!tpu.dma_semaphore, #tpu.memory_space<semaphore_mem>>) src(%arg8 : memref<128x128xf32, #tpu.memory_space<vmem>>) dst(%dma_wait3A_43 : memref<128x128xf32, #tpu.memory_space<hbm>>)
        tpu.yield
      }) : () -> ()
      %dma_wait3A_33 = arith.constant 0 : i32
      %dma_wait3A_34 = arith.constant 0 : i32
      %dma_wait3A_35 = tpu.memref_slice %arg2[%dma_wait3A_33, %dma_wait3A_34] : memref<10000x128xf32, #tpu.memory_space<hbm>> -> memref<10000x128xf32, #tpu.memory_space<hbm>>
      tpu.wait_indirect_dma semaphore(%arg16 : memref<!tpu.dma_semaphore, #tpu.memory_space<semaphore_mem>>) src(%dma_wait3A_35 : memref<10000x128xf32, #tpu.memory_space<hbm>>) dst(%arg10 : memref<128x128xf32, #tpu.memory_space<vmem>>)
      "tpu.region"() ({
        %run_scoped3A = tpu.sem_alloc : memref<!tpu.dma_semaphore, #tpu.memory_space<semaphore_mem>>
        %dma_start3A_36 = arith.constant 0 : i32
        %dma_start3A_37 = tpu.memref_slice %arg6[%add3A_23, %dma_start3A_36] : memref<320000x128xf32, #tpu.memory_space<hbm>> -> memref<128x128xf32, #tpu.memory_space<hbm>>
        %dma_start3A_38 = arith.constant 0 : i32
        %dma_start3A_39 = tpu.memref_slice %arg6[%add3A_23, %dma_start3A_38] : memref<320000x128xf32, #tpu.memory_space<hbm>> -> memref<128x128xf32, #tpu.memory_space<hbm>>
        tpu.enqueue_dma source(%arg10 : memref<128x128xf32, #tpu.memory_space<vmem>>) target(%dma_start3A_39 : memref<128x128xf32, #tpu.memory_space<hbm>>) target_semaphore(%run_scoped3A : memref<!tpu.dma_semaphore, #tpu.memory_space<semaphore_mem>>)
        %dma_wait3A_40 = arith.constant 0 : i32
        %dma_wait3A_41 = tpu.memref_slice %arg6[%add3A_23, %dma_wait3A_40] : memref<320000x128xf32, #tpu.memory_space<hbm>> -> memref<128x128xf32, #tpu.memory_space<hbm>>
        %dma_wait3A_42 = arith.constant 0 : i32
        %dma_wait3A_43 = tpu.memref_slice %arg6[%add3A_23, %dma_wait3A_42] : memref<320000x128xf32, #tpu.memory_space<hbm>> -> memref<128x128xf32, #tpu.memory_space<hbm>>
        tpu.wait_dma2 semaphore(%run_scoped3A : memref<!tpu.dma_semaphore, #tpu.memory_space<semaphore_mem>>) src(%arg10 : memref<128x128xf32, #tpu.memory_space<vmem>>) dst(%dma_wait3A_43 : memref<128x128xf32, #tpu.memory_space<hbm>>)
        tpu.yield
      }) : () -> ()
    }
    %scan3A_7 = arith.constant 78 : i32
    %add3A_8 = arith.constant 9984 : i32
    %add3A_9 = arith.addi %mul3A_2, %add3A_8 : i32
    "tpu.region"() ({
      %run_scoped3A = tpu.sem_alloc : memref<!tpu.dma_semaphore, #tpu.memory_space<semaphore_mem>>
      %dma_start3A_20 = tpu.memref_slice %arg3[%add3A_9] : memref<320000xi32, #tpu.memory_space<hbm>> -> memref<16xi32, #tpu.memory_space<hbm>>
      %dma_start3A_21 = tpu.memref_slice %arg3[%add3A_9] : memref<320000xi32, #tpu.memory_space<hbm>> -> memref<16xi32, #tpu.memory_space<hbm>>
      tpu.enqueue_dma source(%dma_start3A_21 : memref<16xi32, #tpu.memory_space<hbm>>) target(%arg11 : memref<16xi32, #tpu.memory_space<vmem>>) target_semaphore(%run_scoped3A : memref<!tpu.dma_semaphore, #tpu.memory_space<semaphore_mem>>)
      %dma_wait3A_22 = tpu.memref_slice %arg3[%add3A_9] : memref<320000xi32, #tpu.memory_space<hbm>> -> memref<16xi32, #tpu.memory_space<hbm>>
      %dma_wait3A_23 = tpu.memref_slice %arg3[%add3A_9] : memref<320000xi32, #tpu.memory_space<hbm>> -> memref<16xi32, #tpu.memory_space<hbm>>
      tpu.wait_dma2 semaphore(%run_scoped3A : memref<!tpu.dma_semaphore, #tpu.memory_space<semaphore_mem>>) src(%dma_wait3A_23 : memref<16xi32, #tpu.memory_space<hbm>>) dst(%arg11 : memref<16xi32, #tpu.memory_space<vmem>>)
      tpu.yield
    }) : () -> ()
    "tpu.region"() ({
      %run_scoped3A = tpu.sem_alloc : memref<!tpu.dma_semaphore, #tpu.memory_space<semaphore_mem>>
      %dma_start3A_20 = tpu.memref_slice %arg4[%add3A_9] : memref<320000xi32, #tpu.memory_space<hbm>> -> memref<16xi32, #tpu.memory_space<hbm>>
      %dma_start3A_21 = tpu.memref_slice %arg4[%add3A_9] : memref<320000xi32, #tpu.memory_space<hbm>> -> memref<16xi32, #tpu.memory_space<hbm>>
      tpu.enqueue_dma source(%dma_start3A_21 : memref<16xi32, #tpu.memory_space<hbm>>) target(%arg13 : memref<16xi32, #tpu.memory_space<vmem>>) target_semaphore(%run_scoped3A : memref<!tpu.dma_semaphore, #tpu.memory_space<semaphore_mem>>)
      %dma_wait3A_22 = tpu.memref_slice %arg4[%add3A_9] : memref<320000xi32, #tpu.memory_space<hbm>> -> memref<16xi32, #tpu.memory_space<hbm>>
      %dma_wait3A_23 = tpu.memref_slice %arg4[%add3A_9] : memref<320000xi32, #tpu.memory_space<hbm>> -> memref<16xi32, #tpu.memory_space<hbm>>
      tpu.wait_dma2 semaphore(%run_scoped3A : memref<!tpu.dma_semaphore, #tpu.memory_space<semaphore_mem>>) src(%dma_wait3A_23 : memref<16xi32, #tpu.memory_space<hbm>>) dst(%arg13 : memref<16xi32, #tpu.memory_space<vmem>>)
      tpu.yield
    }) : () -> ()
    %dma_start3A = arith.constant 0 : i32
    %dma_start3A_10 = arith.constant 0 : i32
    %dma_start3A_11 = tpu.memref_slice %arg2[%dma_start3A, %dma_start3A_10] : memref<10000x128xf32, #tpu.memory_space<hbm>> -> memref<10000x128xf32, #tpu.memory_space<hbm>>
    tpu.enqueue_indirect_dma source(%dma_start3A_11 : memref<10000x128xf32, #tpu.memory_space<hbm>>) target(%arg12 : memref<16x128xf32, #tpu.memory_space<vmem>>) offsets(%arg11 : memref<16xi32, #tpu.memory_space<vmem>>) semaphore(%arg15 : memref<!tpu.dma_semaphore, #tpu.memory_space<semaphore_mem>>)
    %dma_start3A_12 = arith.constant 0 : i32
    %dma_start3A_13 = arith.constant 0 : i32
    %dma_start3A_14 = tpu.memref_slice %arg2[%dma_start3A_12, %dma_start3A_13] : memref<10000x128xf32, #tpu.memory_space<hbm>> -> memref<10000x128xf32, #tpu.memory_space<hbm>>
    tpu.enqueue_indirect_dma source(%dma_start3A_14 : memref<10000x128xf32, #tpu.memory_space<hbm>>) target(%arg14 : memref<16x128xf32, #tpu.memory_space<vmem>>) offsets(%arg13 : memref<16xi32, #tpu.memory_space<vmem>>) semaphore(%arg16 : memref<!tpu.dma_semaphore, #tpu.memory_space<semaphore_mem>>)
    %dma_wait3A = arith.constant 0 : i32
    %dma_wait3A_15 = arith.constant 0 : i32
    %dma_wait3A_16 = tpu.memref_slice %arg2[%dma_wait3A, %dma_wait3A_15] : memref<10000x128xf32, #tpu.memory_space<hbm>> -> memref<10000x128xf32, #tpu.memory_space<hbm>>
    tpu.wait_indirect_dma semaphore(%arg15 : memref<!tpu.dma_semaphore, #tpu.memory_space<semaphore_mem>>) src(%dma_wait3A_16 : memref<10000x128xf32, #tpu.memory_space<hbm>>) dst(%arg12 : memref<16x128xf32, #tpu.memory_space<vmem>>)
    "tpu.region"() ({
      %run_scoped3A = tpu.sem_alloc : memref<!tpu.dma_semaphore, #tpu.memory_space<semaphore_mem>>
      %dma_start3A_20 = arith.constant 0 : i32
      %dma_start3A_21 = tpu.memref_slice %arg5[%add3A_9, %dma_start3A_20] : memref<320000x128xf32, #tpu.memory_space<hbm>> -> memref<16x128xf32, #tpu.memory_space<hbm>>
      %dma_start3A_22 = arith.constant 0 : i32
      %dma_start3A_23 = tpu.memref_slice %arg5[%add3A_9, %dma_start3A_22] : memref<320000x128xf32, #tpu.memory_space<hbm>> -> memref<16x128xf32, #tpu.memory_space<hbm>>
      tpu.enqueue_dma source(%arg12 : memref<16x128xf32, #tpu.memory_space<vmem>>) target(%dma_start3A_23 : memref<16x128xf32, #tpu.memory_space<hbm>>) target_semaphore(%run_scoped3A : memref<!tpu.dma_semaphore, #tpu.memory_space<semaphore_mem>>)
      %dma_wait3A_24 = arith.constant 0 : i32
      %dma_wait3A_25 = tpu.memref_slice %arg5[%add3A_9, %dma_wait3A_24] : memref<320000x128xf32, #tpu.memory_space<hbm>> -> memref<16x128xf32, #tpu.memory_space<hbm>>
      %dma_wait3A_26 = arith.constant 0 : i32
      %dma_wait3A_27 = tpu.memref_slice %arg5[%add3A_9, %dma_wait3A_26] : memref<320000x128xf32, #tpu.memory_space<hbm>> -> memref<16x128xf32, #tpu.memory_space<hbm>>
      tpu.wait_dma2 semaphore(%run_scoped3A : memref<!tpu.dma_semaphore, #tpu.memory_space<semaphore_mem>>) src(%arg12 : memref<16x128xf32, #tpu.memory_space<vmem>>) dst(%dma_wait3A_27 : memref<16x128xf32, #tpu.memory_space<hbm>>)
      tpu.yield
    }) : () -> ()
    %dma_wait3A_17 = arith.constant 0 : i32
    %dma_wait3A_18 = arith.constant 0 : i32
    %dma_wait3A_19 = tpu.memref_slice %arg2[%dma_wait3A_17, %dma_wait3A_18] : memref<10000x128xf32, #tpu.memory_space<hbm>> -> memref<10000x128xf32, #tpu.memory_space<hbm>>
    tpu.wait_indirect_dma semaphore(%arg16 : memref<!tpu.dma_semaphore, #tpu.memory_space<semaphore_mem>>) src(%dma_wait3A_19 : memref<10000x128xf32, #tpu.memory_space<hbm>>) dst(%arg14 : memref<16x128xf32, #tpu.memory_space<vmem>>)
    "tpu.region"() ({
      %run_scoped3A = tpu.sem_alloc : memref<!tpu.dma_semaphore, #tpu.memory_space<semaphore_mem>>
      %dma_start3A_20 = arith.constant 0 : i32
      %dma_start3A_21 = tpu.memref_slice %arg6[%add3A_9, %dma_start3A_20] : memref<320000x128xf32, #tpu.memory_space<hbm>> -> memref<16x128xf32, #tpu.memory_space<hbm>>
      %dma_start3A_22 = arith.constant 0 : i32
      %dma_start3A_23 = tpu.memref_slice %arg6[%add3A_9, %dma_start3A_22] : memref<320000x128xf32, #tpu.memory_space<hbm>> -> memref<16x128xf32, #tpu.memory_space<hbm>>
      tpu.enqueue_dma source(%arg14 : memref<16x128xf32, #tpu.memory_space<vmem>>) target(%dma_start3A_23 : memref<16x128xf32, #tpu.memory_space<hbm>>) target_semaphore(%run_scoped3A : memref<!tpu.dma_semaphore, #tpu.memory_space<semaphore_mem>>)
      %dma_wait3A_24 = arith.constant 0 : i32
      %dma_wait3A_25 = tpu.memref_slice %arg6[%add3A_9, %dma_wait3A_24] : memref<320000x128xf32, #tpu.memory_space<hbm>> -> memref<16x128xf32, #tpu.memory_space<hbm>>
      %dma_wait3A_26 = arith.constant 0 : i32
      %dma_wait3A_27 = tpu.memref_slice %arg6[%add3A_9, %dma_wait3A_26] : memref<320000x128xf32, #tpu.memory_space<hbm>> -> memref<16x128xf32, #tpu.memory_space<hbm>>
      tpu.wait_dma2 semaphore(%run_scoped3A : memref<!tpu.dma_semaphore, #tpu.memory_space<semaphore_mem>>) src(%arg14 : memref<16x128xf32, #tpu.memory_space<vmem>>) dst(%dma_wait3A_27 : memref<16x128xf32, #tpu.memory_space<hbm>>)
      tpu.yield
    }) : () -> ()
    return
  }
}

#map = affine_map<(d0, d1) -> (0, 0)>
#map1 = affine_map<(d0, d1) -> (0)>
#map2 = affine_map<(d0, d1) -> (0, 0, 0)>
module attributes {stable_mosaic.version = 14 : i64} {
  func.func @k(%arg0: i32, %arg1: i32, %arg2: memref<320000x128xf32, #tpu.memory_space<hbm>>, %arg3: memref<320000xi32, #tpu.memory_space<hbm>>, %arg4: memref<10240x128xf32, #tpu.memory_space<hbm>>, %arg5: memref<2x10240x128xf32, #tpu.memory_space<hbm>>, %arg6: memref<128xi32, #tpu.memory_space<vmem>>, %arg7: memref<128x128xf32, #tpu.memory_space<vmem>>, %arg8: memref<16xi32, #tpu.memory_space<vmem>>, %arg9: memref<16x128xf32, #tpu.memory_space<vmem>>, %arg10: memref<10240x128xf32, #tpu.memory_space<vmem_shared>>, %arg11: memref<!tpu.dma_semaphore, #tpu.memory_space<semaphore_mem>>) attributes {dimension_semantics = [#tpu.dimension_semantics<core_parallel>, #tpu.dimension_semantics<subcore_parallel>], iteration_bounds = array<i64: 2, 16>, scalar_prefetch = 0 : i64, scratch_operands = 6 : i64, tpu.core_type = #tpu.core_type<sc_vector_subcore>, window_params = [{transform_indices = #map}, {transform_indices = #map1}, {transform_indices = #map}, {transform_indices = #map2}]} {
    %mul3A = arith.constant 2 : i32
    %mul3A_0 = arith.muli %arg1, %mul3A : i32
    %add3A = arith.addi %mul3A_0, %arg0 : i32
    %mul3A_1 = arith.constant 640 : i32
    %mul3A_2 = arith.muli %arg1, %mul3A_1 : i32
    %mul3A_3 = arith.constant 640 : i32
    %mul3A_4 = arith.muli %arg1, %mul3A_3 : i32
    "tpu.region"() ({
      %run_scoped3A = tpu.sem_alloc : memref<!tpu.dma_semaphore, #tpu.memory_space<semaphore_mem>>
      %dma_start3A = arith.constant 0 : i32
      %dma_start3A_19 = tpu.memref_slice %arg10[%mul3A_4, %dma_start3A] : memref<10240x128xf32, #tpu.memory_space<vmem_shared>> -> memref<640x128xf32, #tpu.memory_space<vmem_shared>>
      %dma_start3A_20 = arith.constant 0 : i32
      %dma_start3A_21 = tpu.memref_slice %arg4[%mul3A_2, %dma_start3A_20] : memref<10240x128xf32, #tpu.memory_space<hbm>> -> memref<640x128xf32, #tpu.memory_space<hbm>>
      tpu.enqueue_dma source(%dma_start3A_21 : memref<640x128xf32, #tpu.memory_space<hbm>>) target(%dma_start3A_19 : memref<640x128xf32, #tpu.memory_space<vmem_shared>>) target_semaphore(%run_scoped3A : memref<!tpu.dma_semaphore, #tpu.memory_space<semaphore_mem>>)
      %dma_wait3A = arith.constant 0 : i32
      %dma_wait3A_22 = tpu.memref_slice %arg10[%mul3A_4, %dma_wait3A] : memref<10240x128xf32, #tpu.memory_space<vmem_shared>> -> memref<640x128xf32, #tpu.memory_space<vmem_shared>>
      %dma_wait3A_23 = arith.constant 0 : i32
      %dma_wait3A_24 = tpu.memref_slice %arg4[%mul3A_2, %dma_wait3A_23] : memref<10240x128xf32, #tpu.memory_space<hbm>> -> memref<640x128xf32, #tpu.memory_space<hbm>>
      tpu.wait_dma2 semaphore(%run_scoped3A : memref<!tpu.dma_semaphore, #tpu.memory_space<semaphore_mem>>) src(%dma_wait3A_24 : memref<640x128xf32, #tpu.memory_space<hbm>>) dst(%dma_wait3A_22 : memref<640x128xf32, #tpu.memory_space<vmem_shared>>)
      tpu.yield
    }) : () -> ()
    %barrier3A = arith.constant 0 : index
    tpu.barrier barrier_id(%barrier3A)
    %mul3A_5 = arith.constant 10000 : i32
    %mul3A_6 = arith.muli %add3A, %mul3A_5 : i32
    %scan3A = arith.constant 0 : i32
    %scan3A_7 = arith.constant 0 : i32
    %scan3A_8 = arith.constant 78 : i32
    %scan3A_9 = arith.addi %scan3A_7, %scan3A_8 : i32
    %scan3A_10 = arith.constant 1 : i32
    scf.for %scan3A_19 = %scan3A_7 to %scan3A_9 step %scan3A_10  : i32 {
      %mul3A_20 = arith.constant 128 : i32
      %mul3A_21 = arith.muli %scan3A_19, %mul3A_20 : i32
      %add3A_22 = arith.addi %mul3A_6, %mul3A_21 : i32
      "tpu.region"() ({
        %run_scoped3A = tpu.sem_alloc : memref<!tpu.dma_semaphore, #tpu.memory_space<semaphore_mem>>
        %dma_start3A = tpu.memref_slice %arg3[%add3A_22] : memref<320000xi32, #tpu.memory_space<hbm>> -> memref<128xi32, #tpu.memory_space<hbm>>
        %dma_start3A_23 = tpu.memref_slice %arg3[%add3A_22] : memref<320000xi32, #tpu.memory_space<hbm>> -> memref<128xi32, #tpu.memory_space<hbm>>
        tpu.enqueue_dma source(%dma_start3A_23 : memref<128xi32, #tpu.memory_space<hbm>>) target(%arg6 : memref<128xi32, #tpu.memory_space<vmem>>) target_semaphore(%run_scoped3A : memref<!tpu.dma_semaphore, #tpu.memory_space<semaphore_mem>>)
        %dma_wait3A = tpu.memref_slice %arg3[%add3A_22] : memref<320000xi32, #tpu.memory_space<hbm>> -> memref<128xi32, #tpu.memory_space<hbm>>
        %dma_wait3A_24 = tpu.memref_slice %arg3[%add3A_22] : memref<320000xi32, #tpu.memory_space<hbm>> -> memref<128xi32, #tpu.memory_space<hbm>>
        tpu.wait_dma2 semaphore(%run_scoped3A : memref<!tpu.dma_semaphore, #tpu.memory_space<semaphore_mem>>) src(%dma_wait3A_24 : memref<128xi32, #tpu.memory_space<hbm>>) dst(%arg6 : memref<128xi32, #tpu.memory_space<vmem>>)
        tpu.yield
      }) : () -> ()
      "tpu.region"() ({
        %run_scoped3A = tpu.sem_alloc : memref<!tpu.dma_semaphore, #tpu.memory_space<semaphore_mem>>
        %dma_start3A = arith.constant 0 : i32
        %dma_start3A_23 = tpu.memref_slice %arg2[%add3A_22, %dma_start3A] : memref<320000x128xf32, #tpu.memory_space<hbm>> -> memref<128x128xf32, #tpu.memory_space<hbm>>
        %dma_start3A_24 = arith.constant 0 : i32
        %dma_start3A_25 = tpu.memref_slice %arg2[%add3A_22, %dma_start3A_24] : memref<320000x128xf32, #tpu.memory_space<hbm>> -> memref<128x128xf32, #tpu.memory_space<hbm>>
        tpu.enqueue_dma source(%dma_start3A_25 : memref<128x128xf32, #tpu.memory_space<hbm>>) target(%arg7 : memref<128x128xf32, #tpu.memory_space<vmem>>) target_semaphore(%run_scoped3A : memref<!tpu.dma_semaphore, #tpu.memory_space<semaphore_mem>>)
        %dma_wait3A = arith.constant 0 : i32
        %dma_wait3A_26 = tpu.memref_slice %arg2[%add3A_22, %dma_wait3A] : memref<320000x128xf32, #tpu.memory_space<hbm>> -> memref<128x128xf32, #tpu.memory_space<hbm>>
        %dma_wait3A_27 = arith.constant 0 : i32
        %dma_wait3A_28 = tpu.memref_slice %arg2[%add3A_22, %dma_wait3A_27] : memref<320000x128xf32, #tpu.memory_space<hbm>> -> memref<128x128xf32, #tpu.memory_space<hbm>>
        tpu.wait_dma2 semaphore(%run_scoped3A : memref<!tpu.dma_semaphore, #tpu.memory_space<semaphore_mem>>) src(%dma_wait3A_28 : memref<128x128xf32, #tpu.memory_space<hbm>>) dst(%arg7 : memref<128x128xf32, #tpu.memory_space<vmem>>)
        tpu.yield
      }) : () -> ()
      "tpu.region"() ({
        %run_scoped3A = tpu.sem_alloc : memref<!tpu.dma_semaphore, #tpu.memory_space<semaphore_mem>>
        %dma_start3A = arith.constant 0 : i32
        %dma_start3A_23 = arith.constant 0 : i32
        %dma_start3A_24 = tpu.memref_slice %arg10[%dma_start3A, %dma_start3A_23] : memref<10240x128xf32, #tpu.memory_space<vmem_shared>> -> memref<10240x128xf32, #tpu.memory_space<vmem_shared>>
        tpu.enqueue_indirect_dma source(%arg7 : memref<128x128xf32, #tpu.memory_space<vmem>>) target(%dma_start3A_24 : memref<10240x128xf32, #tpu.memory_space<vmem_shared>>) offsets(%arg6 : memref<128xi32, #tpu.memory_space<vmem>>) semaphore(%run_scoped3A : memref<!tpu.dma_semaphore, #tpu.memory_space<semaphore_mem>>) {add = true}
        %dma_wait3A = arith.constant 0 : i32
        %dma_wait3A_25 = arith.constant 0 : i32
        %dma_wait3A_26 = tpu.memref_slice %arg10[%dma_wait3A, %dma_wait3A_25] : memref<10240x128xf32, #tpu.memory_space<vmem_shared>> -> memref<10240x128xf32, #tpu.memory_space<vmem_shared>>
        tpu.wait_indirect_dma semaphore(%run_scoped3A : memref<!tpu.dma_semaphore, #tpu.memory_space<semaphore_mem>>) src(%arg7 : memref<128x128xf32, #tpu.memory_space<vmem>>) dst(%dma_wait3A_26 : memref<10240x128xf32, #tpu.memory_space<vmem_shared>>)
        tpu.yield
      }) : () -> ()
    }
    %scan3A_11 = arith.constant 78 : i32
    %add3A_12 = arith.constant 9984 : i32
    %add3A_13 = arith.addi %mul3A_6, %add3A_12 : i32
    "tpu.region"() ({
      %run_scoped3A = tpu.sem_alloc : memref<!tpu.dma_semaphore, #tpu.memory_space<semaphore_mem>>
      %dma_start3A = tpu.memref_slice %arg3[%add3A_13] : memref<320000xi32, #tpu.memory_space<hbm>> -> memref<16xi32, #tpu.memory_space<hbm>>
      %dma_start3A_19 = tpu.memref_slice %arg3[%add3A_13] : memref<320000xi32, #tpu.memory_space<hbm>> -> memref<16xi32, #tpu.memory_space<hbm>>
      tpu.enqueue_dma source(%dma_start3A_19 : memref<16xi32, #tpu.memory_space<hbm>>) target(%arg8 : memref<16xi32, #tpu.memory_space<vmem>>) target_semaphore(%run_scoped3A : memref<!tpu.dma_semaphore, #tpu.memory_space<semaphore_mem>>)
      %dma_wait3A = tpu.memref_slice %arg3[%add3A_13] : memref<320000xi32, #tpu.memory_space<hbm>> -> memref<16xi32, #tpu.memory_space<hbm>>
      %dma_wait3A_20 = tpu.memref_slice %arg3[%add3A_13] : memref<320000xi32, #tpu.memory_space<hbm>> -> memref<16xi32, #tpu.memory_space<hbm>>
      tpu.wait_dma2 semaphore(%run_scoped3A : memref<!tpu.dma_semaphore, #tpu.memory_space<semaphore_mem>>) src(%dma_wait3A_20 : memref<16xi32, #tpu.memory_space<hbm>>) dst(%arg8 : memref<16xi32, #tpu.memory_space<vmem>>)
      tpu.yield
    }) : () -> ()
    "tpu.region"() ({
      %run_scoped3A = tpu.sem_alloc : memref<!tpu.dma_semaphore, #tpu.memory_space<semaphore_mem>>
      %dma_start3A = arith.constant 0 : i32
      %dma_start3A_19 = tpu.memref_slice %arg2[%add3A_13, %dma_start3A] : memref<320000x128xf32, #tpu.memory_space<hbm>> -> memref<16x128xf32, #tpu.memory_space<hbm>>
      %dma_start3A_20 = arith.constant 0 : i32
      %dma_start3A_21 = tpu.memref_slice %arg2[%add3A_13, %dma_start3A_20] : memref<320000x128xf32, #tpu.memory_space<hbm>> -> memref<16x128xf32, #tpu.memory_space<hbm>>
      tpu.enqueue_dma source(%dma_start3A_21 : memref<16x128xf32, #tpu.memory_space<hbm>>) target(%arg9 : memref<16x128xf32, #tpu.memory_space<vmem>>) target_semaphore(%run_scoped3A : memref<!tpu.dma_semaphore, #tpu.memory_space<semaphore_mem>>)
      %dma_wait3A = arith.constant 0 : i32
      %dma_wait3A_22 = tpu.memref_slice %arg2[%add3A_13, %dma_wait3A] : memref<320000x128xf32, #tpu.memory_space<hbm>> -> memref<16x128xf32, #tpu.memory_space<hbm>>
      %dma_wait3A_23 = arith.constant 0 : i32
      %dma_wait3A_24 = tpu.memref_slice %arg2[%add3A_13, %dma_wait3A_23] : memref<320000x128xf32, #tpu.memory_space<hbm>> -> memref<16x128xf32, #tpu.memory_space<hbm>>
      tpu.wait_dma2 semaphore(%run_scoped3A : memref<!tpu.dma_semaphore, #tpu.memory_space<semaphore_mem>>) src(%dma_wait3A_24 : memref<16x128xf32, #tpu.memory_space<hbm>>) dst(%arg9 : memref<16x128xf32, #tpu.memory_space<vmem>>)
      tpu.yield
    }) : () -> ()
    "tpu.region"() ({
      %run_scoped3A = tpu.sem_alloc : memref<!tpu.dma_semaphore, #tpu.memory_space<semaphore_mem>>
      %dma_start3A = arith.constant 0 : i32
      %dma_start3A_19 = arith.constant 0 : i32
      %dma_start3A_20 = tpu.memref_slice %arg10[%dma_start3A, %dma_start3A_19] : memref<10240x128xf32, #tpu.memory_space<vmem_shared>> -> memref<10240x128xf32, #tpu.memory_space<vmem_shared>>
      tpu.enqueue_indirect_dma source(%arg9 : memref<16x128xf32, #tpu.memory_space<vmem>>) target(%dma_start3A_20 : memref<10240x128xf32, #tpu.memory_space<vmem_shared>>) offsets(%arg8 : memref<16xi32, #tpu.memory_space<vmem>>) semaphore(%run_scoped3A : memref<!tpu.dma_semaphore, #tpu.memory_space<semaphore_mem>>) {add = true}
      %dma_wait3A = arith.constant 0 : i32
      %dma_wait3A_21 = arith.constant 0 : i32
      %dma_wait3A_22 = tpu.memref_slice %arg10[%dma_wait3A, %dma_wait3A_21] : memref<10240x128xf32, #tpu.memory_space<vmem_shared>> -> memref<10240x128xf32, #tpu.memory_space<vmem_shared>>
      tpu.wait_indirect_dma semaphore(%run_scoped3A : memref<!tpu.dma_semaphore, #tpu.memory_space<semaphore_mem>>) src(%arg9 : memref<16x128xf32, #tpu.memory_space<vmem>>) dst(%dma_wait3A_22 : memref<10240x128xf32, #tpu.memory_space<vmem_shared>>)
      tpu.yield
    }) : () -> ()
    %barrier3A_14 = arith.constant 0 : index
    tpu.barrier barrier_id(%barrier3A_14)
    %mul3A_15 = arith.constant 640 : i32
    %mul3A_16 = arith.muli %arg1, %mul3A_15 : i32
    %mul3A_17 = arith.constant 640 : i32
    %mul3A_18 = arith.muli %arg1, %mul3A_17 : i32
    "tpu.region"() ({
      %run_scoped3A = tpu.sem_alloc : memref<!tpu.dma_semaphore, #tpu.memory_space<semaphore_mem>>
      %dma_start3A = arith.constant 0 : i32
      %dma_start3A_19 = tpu.memref_slice %arg5[%arg0, %mul3A_18, %dma_start3A] : memref<2x10240x128xf32, #tpu.memory_space<hbm>> -> memref<1x640x128xf32, #tpu.memory_space<hbm>>
      %dma_start3A_20 = tpu.memref_squeeze %dma_start3A_19 : memref<1x640x128xf32, #tpu.memory_space<hbm>> -> memref<640x128xf32, #tpu.memory_space<hbm>>
      %dma_start3A_21 = arith.constant 0 : i32
      %dma_start3A_22 = tpu.memref_slice %arg10[%mul3A_16, %dma_start3A_21] : memref<10240x128xf32, #tpu.memory_space<vmem_shared>> -> memref<640x128xf32, #tpu.memory_space<vmem_shared>>
      tpu.enqueue_dma source(%dma_start3A_22 : memref<640x128xf32, #tpu.memory_space<vmem_shared>>) target(%dma_start3A_20 : memref<640x128xf32, #tpu.memory_space<hbm>>) target_semaphore(%run_scoped3A : memref<!tpu.dma_semaphore, #tpu.memory_space<semaphore_mem>>)
      %dma_wait3A = arith.constant 0 : i32
      %dma_wait3A_23 = tpu.memref_slice %arg5[%arg0, %mul3A_18, %dma_wait3A] : memref<2x10240x128xf32, #tpu.memory_space<hbm>> -> memref<1x640x128xf32, #tpu.memory_space<hbm>>
      %dma_wait3A_24 = tpu.memref_squeeze %dma_wait3A_23 : memref<1x640x128xf32, #tpu.memory_space<hbm>> -> memref<640x128xf32, #tpu.memory_space<hbm>>
      %dma_wait3A_25 = arith.constant 0 : i32
      %dma_wait3A_26 = tpu.memref_slice %arg10[%mul3A_16, %dma_wait3A_25] : memref<10240x128xf32, #tpu.memory_space<vmem_shared>> -> memref<640x128xf32, #tpu.memory_space<vmem_shared>>
      tpu.wait_dma2 semaphore(%run_scoped3A : memref<!tpu.dma_semaphore, #tpu.memory_space<semaphore_mem>>) src(%dma_wait3A_26 : memref<640x128xf32, #tpu.memory_space<vmem_shared>>) dst(%dma_wait3A_24 : memref<640x128xf32, #tpu.memory_space<hbm>>)
      tpu.yield
    }) : () -> ()
    return
  }
}

module attributes {stable_mosaic.version = 14 : i64} {
  func.func @_enc_node_body(%arg0: i32, %arg1: memref<2000x128xf32, #tpu.memory_space<vmem>>, %arg2: memref<128x128xf32, #tpu.memory_space<vmem>>, %arg3: memref<1x128xf32, #tpu.memory_space<vmem>>, %arg4: memref<128x128xf32, #tpu.memory_space<vmem>>, %arg5: memref<1x128xf32, #tpu.memory_space<vmem>>, %arg6: memref<128x128xf32, #tpu.memory_space<vmem>>, %arg7: memref<1x128xf32, #tpu.memory_space<vmem>>, %arg8: memref<128x128xf32, #tpu.memory_space<vmem>>, %arg9: memref<2000x128xf32, #tpu.memory_space<vmem>>, %arg10: memref<2000x128xf32, #tpu.memory_space<vmem>>) attributes {dimension_semantics = [#tpu.dimension_semantics<arbitrary>], iteration_bounds = array<i64: 5>, scalar_prefetch = 0 : i64, scratch_operands = 0 : i64, tpu.core_type = #tpu.core_type<tc>, window_params = [{transform_indices = @transform_0, window_bounds = array<i64: 2000, 128>}, {pipeline_mode = #tpu.pipeline_mode<synchronous>, transform_indices = @transform_1, window_bounds = array<i64: 128, 128>}, {pipeline_mode = #tpu.pipeline_mode<synchronous>, transform_indices = @transform_2, window_bounds = array<i64: 1, 128>}, {pipeline_mode = #tpu.pipeline_mode<synchronous>, transform_indices = @transform_3, window_bounds = array<i64: 128, 128>}, {pipeline_mode = #tpu.pipeline_mode<synchronous>, transform_indices = @transform_4, window_bounds = array<i64: 1, 128>}, {pipeline_mode = #tpu.pipeline_mode<synchronous>, transform_indices = @transform_5, window_bounds = array<i64: 128, 128>}, {pipeline_mode = #tpu.pipeline_mode<synchronous>, transform_indices = @transform_6, window_bounds = array<i64: 1, 128>}, {pipeline_mode = #tpu.pipeline_mode<synchronous>, transform_indices = @transform_7, window_bounds = array<i64: 128, 128>}, {transform_indices = @transform_8, window_bounds = array<i64: 2000, 128>}, {transform_indices = @transform_9, window_bounds = array<i64: 2000, 128>}]} {
    %get3A = arith.constant 0 : index
    %get3A_0 = arith.constant 0 : index
    %get3A_1 = vector.load %arg1[%get3A, %get3A_0] : memref<2000x128xf32, #tpu.memory_space<vmem>>, vector<2000x128xf32>
    %get3A_2 = arith.constant 0 : index
    %get3A_3 = arith.constant 0 : index
    %get3A_4 = vector.load %arg2[%get3A_2, %get3A_3] : memref<128x128xf32, #tpu.memory_space<vmem>>, vector<128x128xf32>
    %dot_general3A = arith.constant dense<0.000000e+00> : vector<2000x128xf32>
    %dot_general3A_5 = tpu.matmul %get3A_1, %get3A_4, %dot_general3A {dimension_numbers = #tpu.dot_dimension_numbers<[1], [0], [0], [1], [0, 0, 1, 1], [], []>, transpose_lhs_hint = false} : vector<2000x128xf32>, vector<128x128xf32>, vector<2000x128xf32> -> vector<2000x128xf32>
    %get3A_6 = arith.constant 0 : index
    %get3A_7 = arith.constant 0 : index
    %get3A_8 = vector.load %arg3[%get3A_6, %get3A_7] : memref<1x128xf32, #tpu.memory_space<vmem>>, vector<1x128xf32>
    %add3A = vector.broadcast %get3A_8 : vector<1x128xf32> to vector<2000x128xf32>
    %add3A_9 = arith.addf %dot_general3A_5, %add3A : vector<2000x128xf32>
    %max3A = arith.constant 0.000000e+00 : f32
    %max3A_10 = vector.broadcast %max3A : f32 to vector<2000x128xf32>
    %max3A_11 = arith.maximumf %add3A_9, %max3A_10 : vector<2000x128xf32>
    %get3A_12 = arith.constant 0 : index
    %get3A_13 = arith.constant 0 : index
    %get3A_14 = vector.load %arg4[%get3A_12, %get3A_13] : memref<128x128xf32, #tpu.memory_space<vmem>>, vector<128x128xf32>
    %dot_general3A_15 = arith.constant dense<0.000000e+00> : vector<2000x128xf32>
    %dot_general3A_16 = tpu.matmul %max3A_11, %get3A_14, %dot_general3A_15 {dimension_numbers = #tpu.dot_dimension_numbers<[1], [0], [0], [1], [0, 0, 1, 1], [], []>, transpose_lhs_hint = false} : vector<2000x128xf32>, vector<128x128xf32>, vector<2000x128xf32> -> vector<2000x128xf32>
    %get3A_17 = arith.constant 0 : index
    %get3A_18 = arith.constant 0 : index
    %get3A_19 = vector.load %arg5[%get3A_17, %get3A_18] : memref<1x128xf32, #tpu.memory_space<vmem>>, vector<1x128xf32>
    %add3A_20 = vector.broadcast %get3A_19 : vector<1x128xf32> to vector<2000x128xf32>
    %add3A_21 = arith.addf %dot_general3A_16, %add3A_20 : vector<2000x128xf32>
    %max3A_22 = arith.constant 0.000000e+00 : f32
    %max3A_23 = vector.broadcast %max3A_22 : f32 to vector<2000x128xf32>
    %max3A_24 = arith.maximumf %add3A_21, %max3A_23 : vector<2000x128xf32>
    %get3A_25 = arith.constant 0 : index
    %get3A_26 = arith.constant 0 : index
    %get3A_27 = vector.load %arg6[%get3A_25, %get3A_26] : memref<128x128xf32, #tpu.memory_space<vmem>>, vector<128x128xf32>
    %dot_general3A_28 = arith.constant dense<0.000000e+00> : vector<2000x128xf32>
    %dot_general3A_29 = tpu.matmul %max3A_24, %get3A_27, %dot_general3A_28 {dimension_numbers = #tpu.dot_dimension_numbers<[1], [0], [0], [1], [0, 0, 1, 1], [], []>, transpose_lhs_hint = false} : vector<2000x128xf32>, vector<128x128xf32>, vector<2000x128xf32> -> vector<2000x128xf32>
    %get3A_30 = arith.constant 0 : index
    %get3A_31 = arith.constant 0 : index
    %get3A_32 = vector.load %arg7[%get3A_30, %get3A_31] : memref<1x128xf32, #tpu.memory_space<vmem>>, vector<1x128xf32>
    %add3A_33 = vector.broadcast %get3A_32 : vector<1x128xf32> to vector<2000x128xf32>
    %add3A_34 = arith.addf %dot_general3A_29, %add3A_33 : vector<2000x128xf32>
    %swap3A = arith.constant 0 : index
    %swap3A_35 = arith.constant 0 : index
    %swap3A_36 = vector.load %arg9[%swap3A, %swap3A_35] : memref<2000x128xf32, #tpu.memory_space<vmem>>, vector<2000x128xf32>
    tpu.vector_store %arg9[%swap3A, %swap3A_35], %add3A_34 {strides = array<i32>} : memref<2000x128xf32, #tpu.memory_space<vmem>>, vector<2000x128xf32>,
    %get3A_37 = arith.constant 0 : index
    %get3A_38 = arith.constant 0 : index
    %get3A_39 = vector.load %arg8[%get3A_37, %get3A_38] : memref<128x128xf32, #tpu.memory_space<vmem>>, vector<128x128xf32>
    %dot_general3A_40 = arith.constant dense<0.000000e+00> : vector<2000x128xf32>
    %dot_general3A_41 = tpu.matmul %add3A_34, %get3A_39, %dot_general3A_40 {dimension_numbers = #tpu.dot_dimension_numbers<[1], [0], [0], [1], [0, 0, 1, 1], [], []>, transpose_lhs_hint = false} : vector<2000x128xf32>, vector<128x128xf32>, vector<2000x128xf32> -> vector<2000x128xf32>
    %swap3A_42 = arith.constant 0 : index
    %swap3A_43 = arith.constant 0 : index
    %swap3A_44 = vector.load %arg10[%swap3A_42, %swap3A_43] : memref<2000x128xf32, #tpu.memory_space<vmem>>, vector<2000x128xf32>
    tpu.vector_store %arg10[%swap3A_42, %swap3A_43], %dot_general3A_41 {strides = array<i32>} : memref<2000x128xf32, #tpu.memory_space<vmem>>, vector<2000x128xf32>,
    return
  }
  func.func @transform_0(%arg0: i32) -> (i32, i32) {
    %c0_i32 = arith.constant 0 : i32
    %c0_i32_0 = arith.constant 0 : i32
    return %arg0, %c0_i32 : i32, i32
  }
  func.func @transform_1(%arg0: i32) -> (i32, i32) {
    %c0_i32 = arith.constant 0 : i32
    %c0_i32_0 = arith.constant 0 : i32
    %c0_i32_1 = arith.constant 0 : i32
    return %c0_i32, %c0_i32_0 : i32, i32
  }
  func.func @transform_2(%arg0: i32) -> (i32, i32) {
    %c0_i32 = arith.constant 0 : i32
    %c0_i32_0 = arith.constant 0 : i32
    %c0_i32_1 = arith.constant 0 : i32
    return %c0_i32, %c0_i32_0 : i32, i32
  }
  func.func @transform_3(%arg0: i32) -> (i32, i32) {
    %c0_i32 = arith.constant 0 : i32
    %c0_i32_0 = arith.constant 0 : i32
    %c0_i32_1 = arith.constant 0 : i32
    return %c0_i32, %c0_i32_0 : i32, i32
  }
  func.func @transform_4(%arg0: i32) -> (i32, i32) {
    %c0_i32 = arith.constant 0 : i32
    %c0_i32_0 = arith.constant 0 : i32
    %c0_i32_1 = arith.constant 0 : i32
    return %c0_i32, %c0_i32_0 : i32, i32
  }
  func.func @transform_5(%arg0: i32) -> (i32, i32) {
    %c0_i32 = arith.constant 0 : i32
    %c0_i32_0 = arith.constant 0 : i32
    %c0_i32_1 = arith.constant 0 : i32
    return %c0_i32, %c0_i32_0 : i32, i32
  }
  func.func @transform_6(%arg0: i32) -> (i32, i32) {
    %c0_i32 = arith.constant 0 : i32
    %c0_i32_0 = arith.constant 0 : i32
    %c0_i32_1 = arith.constant 0 : i32
    return %c0_i32, %c0_i32_0 : i32, i32
  }
  func.func @transform_7(%arg0: i32) -> (i32, i32) {
    %c0_i32 = arith.constant 0 : i32
    %c0_i32_0 = arith.constant 0 : i32
    %c0_i32_1 = arith.constant 0 : i32
    return %c0_i32, %c0_i32_0 : i32, i32
  }
  func.func @transform_8(%arg0: i32) -> (i32, i32) {
    %c0_i32 = arith.constant 0 : i32
    %c0_i32_0 = arith.constant 0 : i32
    return %arg0, %c0_i32 : i32, i32
  }
  func.func @transform_9(%arg0: i32) -> (i32, i32) {
    %c0_i32 = arith.constant 0 : i32
    %c0_i32_0 = arith.constant 0 : i32
    return %arg0, %c0_i32 : i32, i32
  }
}

module attributes {stable_mosaic.version = 14 : i64} {
  func.func @_u_init_body(%arg0: memref<1x128xf32, #tpu.memory_space<vmem>>, %arg1: memref<1x128xf32, #tpu.memory_space<vmem>>, %arg2: memref<128x128xf32, #tpu.memory_space<vmem>>, %arg3: memref<1x128xf32, #tpu.memory_space<vmem>>, %arg4: memref<128x128xf32, #tpu.memory_space<vmem>>, %arg5: memref<1x128xf32, #tpu.memory_space<vmem>>, %arg6: memref<128x128xf32, #tpu.memory_space<vmem>>, %arg7: memref<1x128xf32, #tpu.memory_space<vmem>>, %arg8: memref<128x128xf32, #tpu.memory_space<vmem>>, %arg9: memref<128x128xf32, #tpu.memory_space<vmem>>, %arg10: memref<1x128xf32, #tpu.memory_space<vmem>>, %arg11: memref<128x128xf32, #tpu.memory_space<vmem>>, %arg12: memref<128x128xf32, #tpu.memory_space<vmem>>, %arg13: memref<1x128xf32, #tpu.memory_space<vmem>>, %arg14: memref<1x128xf32, #tpu.memory_space<vmem>>, %arg15: memref<1x128xf32, #tpu.memory_space<vmem>>, %arg16: memref<1x128xf32, #tpu.memory_space<vmem>>) attributes {dimension_semantics = [], scalar_prefetch = 0 : i64, scratch_operands = 0 : i64, tpu.core_type = #tpu.core_type<tc>} {
    %get3A = arith.constant 0 : index
    %get3A_0 = arith.constant 0 : index
    %get3A_1 = vector.load %arg0[%get3A, %get3A_0] : memref<1x128xf32, #tpu.memory_space<vmem>>, vector<1x128xf32>
    %get3A_2 = arith.constant 0 : index
    %get3A_3 = arith.constant 0 : index
    %get3A_4 = vector.load %arg2[%get3A_2, %get3A_3] : memref<128x128xf32, #tpu.memory_space<vmem>>, vector<128x128xf32>
    %dot_general3A = arith.constant dense<0.000000e+00> : vector<1x128xf32>
    %dot_general3A_5 = tpu.matmul %get3A_1, %get3A_4, %dot_general3A {dimension_numbers = #tpu.dot_dimension_numbers<[1], [0], [0], [1], [0, 0, 1, 1], [], []>, transpose_lhs_hint = false} : vector<1x128xf32>, vector<128x128xf32>, vector<1x128xf32> -> vector<1x128xf32>
    %get3A_6 = arith.constant 0 : index
    %get3A_7 = arith.constant 0 : index
    %get3A_8 = vector.load %arg3[%get3A_6, %get3A_7] : memref<1x128xf32, #tpu.memory_space<vmem>>, vector<1x128xf32>
    %add3A = arith.addf %dot_general3A_5, %get3A_8 : vector<1x128xf32>
    %max3A = arith.constant 0.000000e+00 : f32
    %max3A_9 = vector.broadcast %max3A : f32 to vector<1x128xf32>
    %max3A_10 = arith.maximumf %add3A, %max3A_9 : vector<1x128xf32>
    %get3A_11 = arith.constant 0 : index
    %get3A_12 = arith.constant 0 : index
    %get3A_13 = vector.load %arg4[%get3A_11, %get3A_12] : memref<128x128xf32, #tpu.memory_space<vmem>>, vector<128x128xf32>
    %dot_general3A_14 = arith.constant dense<0.000000e+00> : vector<1x128xf32>
    %dot_general3A_15 = tpu.matmul %max3A_10, %get3A_13, %dot_general3A_14 {dimension_numbers = #tpu.dot_dimension_numbers<[1], [0], [0], [1], [0, 0, 1, 1], [], []>, transpose_lhs_hint = false} : vector<1x128xf32>, vector<128x128xf32>, vector<1x128xf32> -> vector<1x128xf32>
    %get3A_16 = arith.constant 0 : index
    %get3A_17 = arith.constant 0 : index
    %get3A_18 = vector.load %arg5[%get3A_16, %get3A_17] : memref<1x128xf32, #tpu.memory_space<vmem>>, vector<1x128xf32>
    %add3A_19 = arith.addf %dot_general3A_15, %get3A_18 : vector<1x128xf32>
    %max3A_20 = arith.constant 0.000000e+00 : f32
    %max3A_21 = vector.broadcast %max3A_20 : f32 to vector<1x128xf32>
    %max3A_22 = arith.maximumf %add3A_19, %max3A_21 : vector<1x128xf32>
    %get3A_23 = arith.constant 0 : index
    %get3A_24 = arith.constant 0 : index
    %get3A_25 = vector.load %arg6[%get3A_23, %get3A_24] : memref<128x128xf32, #tpu.memory_space<vmem>>, vector<128x128xf32>
    %dot_general3A_26 = arith.constant dense<0.000000e+00> : vector<1x128xf32>
    %dot_general3A_27 = tpu.matmul %max3A_22, %get3A_25, %dot_general3A_26 {dimension_numbers = #tpu.dot_dimension_numbers<[1], [0], [0], [1], [0, 0, 1, 1], [], []>, transpose_lhs_hint = false} : vector<1x128xf32>, vector<128x128xf32>, vector<1x128xf32> -> vector<1x128xf32>
    %get3A_28 = arith.constant 0 : index
    %get3A_29 = arith.constant 0 : index
    %get3A_30 = vector.load %arg7[%get3A_28, %get3A_29] : memref<1x128xf32, #tpu.memory_space<vmem>>, vector<1x128xf32>
    %add3A_31 = arith.addf %dot_general3A_27, %get3A_30 : vector<1x128xf32>
    %get3A_32 = arith.constant 0 : index
    %get3A_33 = arith.constant 0 : index
    %get3A_34 = vector.load %arg1[%get3A_32, %get3A_33] : memref<1x128xf32, #tpu.memory_space<vmem>>, vector<1x128xf32>
    %get3A_35 = arith.constant 0 : index
    %get3A_36 = arith.constant 0 : index
    %get3A_37 = vector.load %arg2[%get3A_35, %get3A_36] : memref<128x128xf32, #tpu.memory_space<vmem>>, vector<128x128xf32>
    %dot_general3A_38 = arith.constant dense<0.000000e+00> : vector<1x128xf32>
    %dot_general3A_39 = tpu.matmul %get3A_34, %get3A_37, %dot_general3A_38 {dimension_numbers = #tpu.dot_dimension_numbers<[1], [0], [0], [1], [0, 0, 1, 1], [], []>, transpose_lhs_hint = false} : vector<1x128xf32>, vector<128x128xf32>, vector<1x128xf32> -> vector<1x128xf32>
    %get3A_40 = arith.constant 0 : index
    %get3A_41 = arith.constant 0 : index
    %get3A_42 = vector.load %arg3[%get3A_40, %get3A_41] : memref<1x128xf32, #tpu.memory_space<vmem>>, vector<1x128xf32>
    %add3A_43 = arith.addf %dot_general3A_39, %get3A_42 : vector<1x128xf32>
    %max3A_44 = arith.constant 0.000000e+00 : f32
    %max3A_45 = vector.broadcast %max3A_44 : f32 to vector<1x128xf32>
    %max3A_46 = arith.maximumf %add3A_43, %max3A_45 : vector<1x128xf32>
    %get3A_47 = arith.constant 0 : index
    %get3A_48 = arith.constant 0 : index
    %get3A_49 = vector.load %arg4[%get3A_47, %get3A_48] : memref<128x128xf32, #tpu.memory_space<vmem>>, vector<128x128xf32>
    %dot_general3A_50 = arith.constant dense<0.000000e+00> : vector<1x128xf32>
    %dot_general3A_51 = tpu.matmul %max3A_46, %get3A_49, %dot_general3A_50 {dimension_numbers = #tpu.dot_dimension_numbers<[1], [0], [0], [1], [0, 0, 1, 1], [], []>, transpose_lhs_hint = false} : vector<1x128xf32>, vector<128x128xf32>, vector<1x128xf32> -> vector<1x128xf32>
    %get3A_52 = arith.constant 0 : index
    %get3A_53 = arith.constant 0 : index
    %get3A_54 = vector.load %arg5[%get3A_52, %get3A_53] : memref<1x128xf32, #tpu.memory_space<vmem>>, vector<1x128xf32>
    %add3A_55 = arith.addf %dot_general3A_51, %get3A_54 : vector<1x128xf32>
    %max3A_56 = arith.constant 0.000000e+00 : f32
    %max3A_57 = vector.broadcast %max3A_56 : f32 to vector<1x128xf32>
    %max3A_58 = arith.maximumf %add3A_55, %max3A_57 : vector<1x128xf32>
    %get3A_59 = arith.constant 0 : index
    %get3A_60 = arith.constant 0 : index
    %get3A_61 = vector.load %arg6[%get3A_59, %get3A_60] : memref<128x128xf32, #tpu.memory_space<vmem>>, vector<128x128xf32>
    %dot_general3A_62 = arith.constant dense<0.000000e+00> : vector<1x128xf32>
    %dot_general3A_63 = tpu.matmul %max3A_58, %get3A_61, %dot_general3A_62 {dimension_numbers = #tpu.dot_dimension_numbers<[1], [0], [0], [1], [0, 0, 1, 1], [], []>, transpose_lhs_hint = false} : vector<1x128xf32>, vector<128x128xf32>, vector<1x128xf32> -> vector<1x128xf32>
    %get3A_64 = arith.constant 0 : index
    %get3A_65 = arith.constant 0 : index
    %get3A_66 = vector.load %arg7[%get3A_64, %get3A_65] : memref<1x128xf32, #tpu.memory_space<vmem>>, vector<1x128xf32>
    %add3A_67 = arith.addf %dot_general3A_63, %get3A_66 : vector<1x128xf32>
    %add3A_68 = arith.addf %add3A_31, %add3A_67 : vector<1x128xf32>
    %swap3A = arith.constant 0 : index
    %swap3A_69 = arith.constant 0 : index
    %swap3A_70 = vector.load %arg14[%swap3A, %swap3A_69] : memref<1x128xf32, #tpu.memory_space<vmem>>, vector<1x128xf32>
    tpu.vector_store %arg14[%swap3A, %swap3A_69], %add3A_68 {strides = array<i32>} : memref<1x128xf32, #tpu.memory_space<vmem>>, vector<1x128xf32>,
    %get3A_71 = arith.constant 0 : index
    %get3A_72 = arith.constant 0 : index
    %get3A_73 = vector.load %arg8[%get3A_71, %get3A_72] : memref<128x128xf32, #tpu.memory_space<vmem>>, vector<128x128xf32>
    %dot_general3A_74 = arith.constant dense<0.000000e+00> : vector<1x128xf32>
    %dot_general3A_75 = tpu.matmul %add3A_68, %get3A_73, %dot_general3A_74 {dimension_numbers = #tpu.dot_dimension_numbers<[1], [0], [0], [1], [0, 0, 1, 1], [], []>, transpose_lhs_hint = false} : vector<1x128xf32>, vector<128x128xf32>, vector<1x128xf32> -> vector<1x128xf32>
    %get3A_76 = arith.constant 0 : index
    %get3A_77 = arith.constant 0 : index
    %get3A_78 = vector.load %arg9[%get3A_76, %get3A_77] : memref<128x128xf32, #tpu.memory_space<vmem>>, vector<128x128xf32>
    %dot_general3A_79 = arith.constant dense<0.000000e+00> : vector<1x128xf32>
    %dot_general3A_80 = tpu.matmul %add3A_68, %get3A_78, %dot_general3A_79 {dimension_numbers = #tpu.dot_dimension_numbers<[1], [0], [0], [1], [0, 0, 1, 1], [], []>, transpose_lhs_hint = false} : vector<1x128xf32>, vector<128x128xf32>, vector<1x128xf32> -> vector<1x128xf32>
    %add3A_81 = arith.addf %dot_general3A_75, %dot_general3A_80 : vector<1x128xf32>
    %get3A_82 = arith.constant 0 : index
    %get3A_83 = arith.constant 0 : index
    %get3A_84 = vector.load %arg10[%get3A_82, %get3A_83] : memref<1x128xf32, #tpu.memory_space<vmem>>, vector<1x128xf32>
    %add3A_85 = arith.addf %add3A_81, %get3A_84 : vector<1x128xf32>
    %swap3A_86 = arith.constant 0 : index
    %swap3A_87 = arith.constant 0 : index
    %swap3A_88 = vector.load %arg15[%swap3A_86, %swap3A_87] : memref<1x128xf32, #tpu.memory_space<vmem>>, vector<1x128xf32>
    tpu.vector_store %arg15[%swap3A_86, %swap3A_87], %add3A_85 {strides = array<i32>} : memref<1x128xf32, #tpu.memory_space<vmem>>, vector<1x128xf32>,
    %get3A_89 = arith.constant 0 : index
    %get3A_90 = arith.constant 0 : index
    %get3A_91 = vector.load %arg11[%get3A_89, %get3A_90] : memref<128x128xf32, #tpu.memory_space<vmem>>, vector<128x128xf32>
    %dot_general3A_92 = arith.constant dense<0.000000e+00> : vector<1x128xf32>
    %dot_general3A_93 = tpu.matmul %add3A_68, %get3A_91, %dot_general3A_92 {dimension_numbers = #tpu.dot_dimension_numbers<[1], [0], [0], [1], [0, 0, 1, 1], [], []>, transpose_lhs_hint = false} : vector<1x128xf32>, vector<128x128xf32>, vector<1x128xf32> -> vector<1x128xf32>
    %get3A_94 = arith.constant 0 : index
    %get3A_95 = arith.constant 0 : index
    %get3A_96 = vector.load %arg12[%get3A_94, %get3A_95] : memref<128x128xf32, #tpu.memory_space<vmem>>, vector<128x128xf32>
    %dot_general3A_97 = arith.constant dense<0.000000e+00> : vector<1x128xf32>
    %dot_general3A_98 = tpu.matmul %add3A_68, %get3A_96, %dot_general3A_97 {dimension_numbers = #tpu.dot_dimension_numbers<[1], [0], [0], [1], [0, 0, 1, 1], [], []>, transpose_lhs_hint = false} : vector<1x128xf32>, vector<128x128xf32>, vector<1x128xf32> -> vector<1x128xf32>
    %add3A_99 = arith.addf %dot_general3A_93, %dot_general3A_98 : vector<1x128xf32>
    %get3A_100 = arith.constant 0 : index
    %get3A_101 = arith.constant 0 : index
    %get3A_102 = vector.load %arg13[%get3A_100, %get3A_101] : memref<1x128xf32, #tpu.memory_space<vmem>>, vector<1x128xf32>
    %add3A_103 = arith.addf %add3A_99, %get3A_102 : vector<1x128xf32>
    %swap3A_104 = arith.constant 0 : index
    %swap3A_105 = arith.constant 0 : index
    %swap3A_106 = vector.load %arg16[%swap3A_104, %swap3A_105] : memref<1x128xf32, #tpu.memory_space<vmem>>, vector<1x128xf32>
    tpu.vector_store %arg16[%swap3A_104, %swap3A_105], %add3A_103 {strides = array<i32>} : memref<1x128xf32, #tpu.memory_space<vmem>>, vector<1x128xf32>,
    return
  }
}

module attributes {stable_mosaic.version = 14 : i64} {
  func.func @_enc_edge_body(%arg0: i32, %arg1: memref<3200x16xf32, #tpu.memory_space<vmem>>, %arg2: memref<16x128xf32, #tpu.memory_space<vmem>>, %arg3: memref<1x128xf32, #tpu.memory_space<vmem>>, %arg4: memref<128x128xf32, #tpu.memory_space<vmem>>, %arg5: memref<1x128xf32, #tpu.memory_space<vmem>>, %arg6: memref<128x128xf32, #tpu.memory_space<vmem>>, %arg7: memref<1x128xf32, #tpu.memory_space<vmem>>, %arg8: memref<3200x128xf32, #tpu.memory_space<vmem>>) attributes {dimension_semantics = [#tpu.dimension_semantics<arbitrary>], iteration_bounds = array<i64: 100>, scalar_prefetch = 0 : i64, scratch_operands = 0 : i64, tpu.core_type = #tpu.core_type<tc>, window_params = [{transform_indices = @transform_0, window_bounds = array<i64: 3200, 16>}, {pipeline_mode = #tpu.pipeline_mode<synchronous>, transform_indices = @transform_1, window_bounds = array<i64: 16, 128>}, {pipeline_mode = #tpu.pipeline_mode<synchronous>, transform_indices = @transform_2, window_bounds = array<i64: 1, 128>}, {pipeline_mode = #tpu.pipeline_mode<synchronous>, transform_indices = @transform_3, window_bounds = array<i64: 128, 128>}, {pipeline_mode = #tpu.pipeline_mode<synchronous>, transform_indices = @transform_4, window_bounds = array<i64: 1, 128>}, {pipeline_mode = #tpu.pipeline_mode<synchronous>, transform_indices = @transform_5, window_bounds = array<i64: 128, 128>}, {pipeline_mode = #tpu.pipeline_mode<synchronous>, transform_indices = @transform_6, window_bounds = array<i64: 1, 128>}, {transform_indices = @transform_7, window_bounds = array<i64: 3200, 128>}]} {
    %get3A = arith.constant 0 : index
    %get3A_0 = arith.constant 0 : index
    %get3A_1 = vector.load %arg1[%get3A, %get3A_0] : memref<3200x16xf32, #tpu.memory_space<vmem>>, vector<3200x16xf32>
    %get3A_2 = arith.constant 0 : index
    %get3A_3 = arith.constant 0 : index
    %get3A_4 = vector.load %arg2[%get3A_2, %get3A_3] : memref<16x128xf32, #tpu.memory_space<vmem>>, vector<16x128xf32>
    %dot_general3A = arith.constant dense<0.000000e+00> : vector<3200x128xf32>
    %dot_general3A_5 = tpu.matmul %get3A_1, %get3A_4, %dot_general3A {dimension_numbers = #tpu.dot_dimension_numbers<[1], [0], [0], [1], [0, 0, 1, 1], [], []>, transpose_lhs_hint = false} : vector<3200x16xf32>, vector<16x128xf32>, vector<3200x128xf32> -> vector<3200x128xf32>
    %get3A_6 = arith.constant 0 : index
    %get3A_7 = arith.constant 0 : index
    %get3A_8 = vector.load %arg3[%get3A_6, %get3A_7] : memref<1x128xf32, #tpu.memory_space<vmem>>, vector<1x128xf32>
    %add3A = vector.broadcast %get3A_8 : vector<1x128xf32> to vector<3200x128xf32>
    %add3A_9 = arith.addf %dot_general3A_5, %add3A : vector<3200x128xf32>
    %max3A = arith.constant 0.000000e+00 : f32
    %max3A_10 = vector.broadcast %max3A : f32 to vector<3200x128xf32>
    %max3A_11 = arith.maximumf %add3A_9, %max3A_10 : vector<3200x128xf32>
    %get3A_12 = arith.constant 0 : index
    %get3A_13 = arith.constant 0 : index
    %get3A_14 = vector.load %arg4[%get3A_12, %get3A_13] : memref<128x128xf32, #tpu.memory_space<vmem>>, vector<128x128xf32>
    %dot_general3A_15 = arith.constant dense<0.000000e+00> : vector<3200x128xf32>
    %dot_general3A_16 = tpu.matmul %max3A_11, %get3A_14, %dot_general3A_15 {dimension_numbers = #tpu.dot_dimension_numbers<[1], [0], [0], [1], [0, 0, 1, 1], [], []>, transpose_lhs_hint = false} : vector<3200x128xf32>, vector<128x128xf32>, vector<3200x128xf32> -> vector<3200x128xf32>
    %get3A_17 = arith.constant 0 : index
    %get3A_18 = arith.constant 0 : index
    %get3A_19 = vector.load %arg5[%get3A_17, %get3A_18] : memref<1x128xf32, #tpu.memory_space<vmem>>, vector<1x128xf32>
    %add3A_20 = vector.broadcast %get3A_19 : vector<1x128xf32> to vector<3200x128xf32>
    %add3A_21 = arith.addf %dot_general3A_16, %add3A_20 : vector<3200x128xf32>
    %max3A_22 = arith.constant 0.000000e+00 : f32
    %max3A_23 = vector.broadcast %max3A_22 : f32 to vector<3200x128xf32>
    %max3A_24 = arith.maximumf %add3A_21, %max3A_23 : vector<3200x128xf32>
    %get3A_25 = arith.constant 0 : index
    %get3A_26 = arith.constant 0 : index
    %get3A_27 = vector.load %arg6[%get3A_25, %get3A_26] : memref<128x128xf32, #tpu.memory_space<vmem>>, vector<128x128xf32>
    %dot_general3A_28 = arith.constant dense<0.000000e+00> : vector<3200x128xf32>
    %dot_general3A_29 = tpu.matmul %max3A_24, %get3A_27, %dot_general3A_28 {dimension_numbers = #tpu.dot_dimension_numbers<[1], [0], [0], [1], [0, 0, 1, 1], [], []>, transpose_lhs_hint = false} : vector<3200x128xf32>, vector<128x128xf32>, vector<3200x128xf32> -> vector<3200x128xf32>
    %get3A_30 = arith.constant 0 : index
    %get3A_31 = arith.constant 0 : index
    %get3A_32 = vector.load %arg7[%get3A_30, %get3A_31] : memref<1x128xf32, #tpu.memory_space<vmem>>, vector<1x128xf32>
    %add3A_33 = vector.broadcast %get3A_32 : vector<1x128xf32> to vector<3200x128xf32>
    %add3A_34 = arith.addf %dot_general3A_29, %add3A_33 : vector<3200x128xf32>
    %swap3A = arith.constant 0 : index
    %swap3A_35 = arith.constant 0 : index
    %swap3A_36 = vector.load %arg8[%swap3A, %swap3A_35] : memref<3200x128xf32, #tpu.memory_space<vmem>>, vector<3200x128xf32>
    tpu.vector_store %arg8[%swap3A, %swap3A_35], %add3A_34 {strides = array<i32>} : memref<3200x128xf32, #tpu.memory_space<vmem>>, vector<3200x128xf32>,
    return
  }
  func.func @transform_0(%arg0: i32) -> (i32, i32) {
    %c0_i32 = arith.constant 0 : i32
    %c0_i32_0 = arith.constant 0 : i32
    return %arg0, %c0_i32 : i32, i32
  }
  func.func @transform_1(%arg0: i32) -> (i32, i32) {
    %c0_i32 = arith.constant 0 : i32
    %c0_i32_0 = arith.constant 0 : i32
    %c0_i32_1 = arith.constant 0 : i32
    return %c0_i32, %c0_i32_0 : i32, i32
  }
  func.func @transform_2(%arg0: i32) -> (i32, i32) {
    %c0_i32 = arith.constant 0 : i32
    %c0_i32_0 = arith.constant 0 : i32
    %c0_i32_1 = arith.constant 0 : i32
    return %c0_i32, %c0_i32_0 : i32, i32
  }
  func.func @transform_3(%arg0: i32) -> (i32, i32) {
    %c0_i32 = arith.constant 0 : i32
    %c0_i32_0 = arith.constant 0 : i32
    %c0_i32_1 = arith.constant 0 : i32
    return %c0_i32, %c0_i32_0 : i32, i32
  }
  func.func @transform_4(%arg0: i32) -> (i32, i32) {
    %c0_i32 = arith.constant 0 : i32
    %c0_i32_0 = arith.constant 0 : i32
    %c0_i32_1 = arith.constant 0 : i32
    return %c0_i32, %c0_i32_0 : i32, i32
  }
  func.func @transform_5(%arg0: i32) -> (i32, i32) {
    %c0_i32 = arith.constant 0 : i32
    %c0_i32_0 = arith.constant 0 : i32
    %c0_i32_1 = arith.constant 0 : i32
    return %c0_i32, %c0_i32_0 : i32, i32
  }
  func.func @transform_6(%arg0: i32) -> (i32, i32) {
    %c0_i32 = arith.constant 0 : i32
    %c0_i32_0 = arith.constant 0 : i32
    %c0_i32_1 = arith.constant 0 : i32
    return %c0_i32, %c0_i32_0 : i32, i32
  }
  func.func @transform_7(%arg0: i32) -> (i32, i32) {
    %c0_i32 = arith.constant 0 : i32
    %c0_i32_0 = arith.constant 0 : i32
    return %arg0, %c0_i32 : i32, i32
  }
}

module attributes {stable_mosaic.version = 14 : i64} {
  func.func @_edge_fused1_body(%arg0: i32, %arg1: memref<3200x128xf32, #tpu.memory_space<vmem>>, %arg2: memref<3200x128xf32, #tpu.memory_space<vmem>>, %arg3: memref<3200x128xf32, #tpu.memory_space<vmem>>, %arg4: memref<1x128xf32, #tpu.memory_space<vmem>>, %arg5: memref<128x128xf32, #tpu.memory_space<vmem>>, %arg6: memref<128x128xf32, #tpu.memory_space<vmem>>, %arg7: memref<128x128xf32, #tpu.memory_space<vmem>>, %arg8: memref<128x128xf32, #tpu.memory_space<vmem>>, %arg9: memref<128x128xf32, #tpu.memory_space<vmem>>, %arg10: memref<1x128xf32, #tpu.memory_space<vmem>>, %arg11: memref<128x128xf32, #tpu.memory_space<vmem>>, %arg12: memref<1x128xf32, #tpu.memory_space<vmem>>, %arg13: memref<3200x128xf32, #tpu.memory_space<vmem>>, %arg14: memref<3200x128xf32, #tpu.memory_space<vmem>>, %arg15: memref<1x128xf32, #tpu.memory_space<vmem>>) attributes {dimension_semantics = [#tpu.dimension_semantics<arbitrary>], iteration_bounds = array<i64: 100>, scalar_prefetch = 0 : i64, scratch_operands = 0 : i64, tpu.core_type = #tpu.core_type<tc>, window_params = [{transform_indices = @transform_0, window_bounds = array<i64: 3200, 128>}, {transform_indices = @transform_1, window_bounds = array<i64: 3200, 128>}, {transform_indices = @transform_2, window_bounds = array<i64: 3200, 128>}, {pipeline_mode = #tpu.pipeline_mode<synchronous>, transform_indices = @transform_3, window_bounds = array<i64: 1, 128>}, {pipeline_mode = #tpu.pipeline_mode<synchronous>, transform_indices = @transform_4, window_bounds = array<i64: 128, 128>}, {pipeline_mode = #tpu.pipeline_mode<synchronous>, transform_indices = @transform_5, window_bounds = array<i64: 128, 128>}, {pipeline_mode = #tpu.pipeline_mode<synchronous>, transform_indices = @transform_6, window_bounds = array<i64: 128, 128>}, {pipeline_mode = #tpu.pipeline_mode<synchronous>, transform_indices = @transform_7, window_bounds = array<i64: 128, 128>}, {pipeline_mode = #tpu.pipeline_mode<synchronous>, transform_indices = @transform_8, window_bounds = array<i64: 128, 128>}, {pipeline_mode = #tpu.pipeline_mode<synchronous>, transform_indices = @transform_9, window_bounds = array<i64: 1, 128>}, {pipeline_mode = #tpu.pipeline_mode<synchronous>, transform_indices = @transform_10, window_bounds = array<i64: 128, 128>}, {pipeline_mode = #tpu.pipeline_mode<synchronous>, transform_indices = @transform_11, window_bounds = array<i64: 1, 128>}, {transform_indices = @transform_12, window_bounds = array<i64: 3200, 128>}, {transform_indices = @transform_13, window_bounds = array<i64: 3200, 128>}, {pipeline_mode = #tpu.pipeline_mode<synchronous>, transform_indices = @transform_14, window_bounds = array<i64: 1, 128>}]} {
    %get3A = arith.constant 0 : index
    %get3A_0 = arith.constant 0 : index
    %get3A_1 = vector.load %arg1[%get3A, %get3A_0] : memref<3200x128xf32, #tpu.memory_space<vmem>>, vector<3200x128xf32>
    %get3A_2 = arith.constant 0 : index
    %get3A_3 = arith.constant 0 : index
    %get3A_4 = vector.load %arg2[%get3A_2, %get3A_3] : memref<3200x128xf32, #tpu.memory_space<vmem>>, vector<3200x128xf32>
    %sub3A = arith.subf %get3A_1, %get3A_4 : vector<3200x128xf32>
    %get3A_5 = arith.constant 0 : index
    %get3A_6 = arith.constant 0 : index
    %get3A_7 = vector.load %arg3[%get3A_5, %get3A_6] : memref<3200x128xf32, #tpu.memory_space<vmem>>, vector<3200x128xf32>
    %get3A_8 = arith.constant 0 : index
    %get3A_9 = arith.constant 0 : index
    %get3A_10 = vector.load %arg5[%get3A_8, %get3A_9] : memref<128x128xf32, #tpu.memory_space<vmem>>, vector<128x128xf32>
    %dot_general3A = arith.constant dense<0.000000e+00> : vector<3200x128xf32>
    %dot_general3A_11 = tpu.matmul %sub3A, %get3A_10, %dot_general3A {dimension_numbers = #tpu.dot_dimension_numbers<[1], [0], [0], [1], [0, 0, 1, 1], [], []>, transpose_lhs_hint = false} : vector<3200x128xf32>, vector<128x128xf32>, vector<3200x128xf32> -> vector<3200x128xf32>
    %get3A_12 = arith.constant 0 : index
    %get3A_13 = arith.constant 0 : index
    %get3A_14 = vector.load %arg6[%get3A_12, %get3A_13] : memref<128x128xf32, #tpu.memory_space<vmem>>, vector<128x128xf32>
    %dot_general3A_15 = arith.constant dense<0.000000e+00> : vector<3200x128xf32>
    %dot_general3A_16 = tpu.matmul %get3A_7, %get3A_14, %dot_general3A_15 {dimension_numbers = #tpu.dot_dimension_numbers<[1], [0], [0], [1], [0, 0, 1, 1], [], []>, transpose_lhs_hint = false} : vector<3200x128xf32>, vector<128x128xf32>, vector<3200x128xf32> -> vector<3200x128xf32>
    %add3A = arith.addf %dot_general3A_11, %dot_general3A_16 : vector<3200x128xf32>
    %swap3A = arith.constant 0 : index
    %swap3A_17 = arith.constant 0 : index
    %swap3A_18 = vector.load %arg13[%swap3A, %swap3A_17] : memref<3200x128xf32, #tpu.memory_space<vmem>>, vector<3200x128xf32>
    tpu.vector_store %arg13[%swap3A, %swap3A_17], %add3A {strides = array<i32>} : memref<3200x128xf32, #tpu.memory_space<vmem>>, vector<3200x128xf32>,
    %get3A_19 = arith.constant 0 : index
    %get3A_20 = arith.constant 0 : index
    %get3A_21 = vector.load %arg7[%get3A_19, %get3A_20] : memref<128x128xf32, #tpu.memory_space<vmem>>, vector<128x128xf32>
    %dot_general3A_22 = arith.constant dense<0.000000e+00> : vector<3200x128xf32>
    %dot_general3A_23 = tpu.matmul %sub3A, %get3A_21, %dot_general3A_22 {dimension_numbers = #tpu.dot_dimension_numbers<[1], [0], [0], [1], [0, 0, 1, 1], [], []>, transpose_lhs_hint = false} : vector<3200x128xf32>, vector<128x128xf32>, vector<3200x128xf32> -> vector<3200x128xf32>
    %add3A_24 = arith.addf %add3A, %dot_general3A_23 : vector<3200x128xf32>
    %get3A_25 = arith.constant 0 : index
    %get3A_26 = arith.constant 0 : index
    %get3A_27 = vector.load %arg8[%get3A_25, %get3A_26] : memref<128x128xf32, #tpu.memory_space<vmem>>, vector<128x128xf32>
    %dot_general3A_28 = arith.constant dense<0.000000e+00> : vector<3200x128xf32>
    %dot_general3A_29 = tpu.matmul %get3A_7, %get3A_27, %dot_general3A_28 {dimension_numbers = #tpu.dot_dimension_numbers<[1], [0], [0], [1], [0, 0, 1, 1], [], []>, transpose_lhs_hint = false} : vector<3200x128xf32>, vector<128x128xf32>, vector<3200x128xf32> -> vector<3200x128xf32>
    %add3A_30 = arith.addf %add3A_24, %dot_general3A_29 : vector<3200x128xf32>
    %get3A_31 = arith.constant 0 : index
    %get3A_32 = arith.constant 0 : index
    %get3A_33 = vector.load %arg4[%get3A_31, %get3A_32] : memref<1x128xf32, #tpu.memory_space<vmem>>, vector<1x128xf32>
    %add3A_34 = vector.broadcast %get3A_33 : vector<1x128xf32> to vector<3200x128xf32>
    %add3A_35 = arith.addf %add3A_30, %add3A_34 : vector<3200x128xf32>
    %max3A = arith.constant 0.000000e+00 : f32
    %max3A_36 = vector.broadcast %max3A : f32 to vector<3200x128xf32>
    %max3A_37 = arith.maximumf %add3A_35, %max3A_36 : vector<3200x128xf32>
    %get3A_38 = arith.constant 0 : index
    %get3A_39 = arith.constant 0 : index
    %get3A_40 = vector.load %arg9[%get3A_38, %get3A_39] : memref<128x128xf32, #tpu.memory_space<vmem>>, vector<128x128xf32>
    %dot_general3A_41 = arith.constant dense<0.000000e+00> : vector<3200x128xf32>
    %dot_general3A_42 = tpu.matmul %max3A_37, %get3A_40, %dot_general3A_41 {dimension_numbers = #tpu.dot_dimension_numbers<[1], [0], [0], [1], [0, 0, 1, 1], [], []>, transpose_lhs_hint = false} : vector<3200x128xf32>, vector<128x128xf32>, vector<3200x128xf32> -> vector<3200x128xf32>
    %get3A_43 = arith.constant 0 : index
    %get3A_44 = arith.constant 0 : index
    %get3A_45 = vector.load %arg10[%get3A_43, %get3A_44] : memref<1x128xf32, #tpu.memory_space<vmem>>, vector<1x128xf32>
    %add3A_46 = vector.broadcast %get3A_45 : vector<1x128xf32> to vector<3200x128xf32>
    %add3A_47 = arith.addf %dot_general3A_42, %add3A_46 : vector<3200x128xf32>
    %max3A_48 = arith.constant 0.000000e+00 : f32
    %max3A_49 = vector.broadcast %max3A_48 : f32 to vector<3200x128xf32>
    %max3A_50 = arith.maximumf %add3A_47, %max3A_49 : vector<3200x128xf32>
    %get3A_51 = arith.constant 0 : index
    %get3A_52 = arith.constant 0 : index
    %get3A_53 = vector.load %arg11[%get3A_51, %get3A_52] : memref<128x128xf32, #tpu.memory_space<vmem>>, vector<128x128xf32>
    %dot_general3A_54 = arith.constant dense<0.000000e+00> : vector<3200x128xf32>
    %dot_general3A_55 = tpu.matmul %max3A_50, %get3A_53, %dot_general3A_54 {dimension_numbers = #tpu.dot_dimension_numbers<[1], [0], [0], [1], [0, 0, 1, 1], [], []>, transpose_lhs_hint = false} : vector<3200x128xf32>, vector<128x128xf32>, vector<3200x128xf32> -> vector<3200x128xf32>
    %get3A_56 = arith.constant 0 : index
    %get3A_57 = arith.constant 0 : index
    %get3A_58 = vector.load %arg12[%get3A_56, %get3A_57] : memref<1x128xf32, #tpu.memory_space<vmem>>, vector<1x128xf32>
    %add3A_59 = vector.broadcast %get3A_58 : vector<1x128xf32> to vector<3200x128xf32>
    %add3A_60 = arith.addf %dot_general3A_55, %add3A_59 : vector<3200x128xf32>
    %swap3A_61 = arith.constant 0 : index
    %swap3A_62 = arith.constant 0 : index
    %swap3A_63 = vector.load %arg14[%swap3A_61, %swap3A_62] : memref<3200x128xf32, #tpu.memory_space<vmem>>, vector<3200x128xf32>
    tpu.vector_store %arg14[%swap3A_61, %swap3A_62], %add3A_60 {strides = array<i32>} : memref<3200x128xf32, #tpu.memory_space<vmem>>, vector<3200x128xf32>,
    %eq3A = arith.constant 0 : i32
    %eq3A_64 = arith.cmpi eq, %arg0, %eq3A : i32
    %convert_element_type3A = arith.extui %eq3A_64 : i1 to i32
    %cond3A = arith.constant 0 : i32
    %cond3A_65 = arith.cmpi ne, %convert_element_type3A, %cond3A : i32
    scf.if %cond3A_65 {
      %broadcast_in_dim3A_74 = arith.constant 0.000000e+00 : f32
      %broadcast_in_dim3A_75 = vector.broadcast %broadcast_in_dim3A_74 : f32 to vector<1x128xf32>
      %swap3A_76 = arith.constant 0 : index
      %swap3A_77 = arith.constant 0 : index
      %swap3A_78 = vector.load %arg15[%swap3A_76, %swap3A_77] : memref<1x128xf32, #tpu.memory_space<vmem>>, vector<1x128xf32>
      tpu.vector_store %arg15[%swap3A_76, %swap3A_77], %broadcast_in_dim3A_75 {strides = array<i32>} : memref<1x128xf32, #tpu.memory_space<vmem>>, vector<1x128xf32>,
    } else {
    }
    %get3A_66 = arith.constant 0 : index
    %get3A_67 = arith.constant 0 : index
    %get3A_68 = vector.load %arg15[%get3A_66, %get3A_67] : memref<1x128xf32, #tpu.memory_space<vmem>>, vector<1x128xf32>
    %reduce_sum3A = arith.constant dense<0.000000e+00> : vector<128xf32>
    %reduce_sum3A_69 = vector.multi_reduction <add>, %add3A_60, %reduce_sum3A [0] : vector<3200x128xf32> to vector<128xf32>
    %broadcast_in_dim3A = vector.shape_cast %reduce_sum3A_69 : vector<128xf32> to vector<1x128xf32>
    %add3A_70 = arith.addf %get3A_68, %broadcast_in_dim3A : vector<1x128xf32>
    %swap3A_71 = arith.constant 0 : index
    %swap3A_72 = arith.constant 0 : index
    %swap3A_73 = vector.load %arg15[%swap3A_71, %swap3A_72] : memref<1x128xf32, #tpu.memory_space<vmem>>, vector<1x128xf32>
    tpu.vector_store %arg15[%swap3A_71, %swap3A_72], %add3A_70 {strides = array<i32>} : memref<1x128xf32, #tpu.memory_space<vmem>>, vector<1x128xf32>,
    return
  }
  func.func @transform_0(%arg0: i32) -> (i32, i32) {
    %c0_i32 = arith.constant 0 : i32
    %c0_i32_0 = arith.constant 0 : i32
    return %arg0, %c0_i32 : i32, i32
  }
  func.func @transform_1(%arg0: i32) -> (i32, i32) {
    %c0_i32 = arith.constant 0 : i32
    %c0_i32_0 = arith.constant 0 : i32
    return %arg0, %c0_i32 : i32, i32
  }
  func.func @transform_2(%arg0: i32) -> (i32, i32) {
    %c0_i32 = arith.constant 0 : i32
    %c0_i32_0 = arith.constant 0 : i32
    return %arg0, %c0_i32 : i32, i32
  }
  func.func @transform_3(%arg0: i32) -> (i32, i32) {
    %c0_i32 = arith.constant 0 : i32
    %c0_i32_0 = arith.constant 0 : i32
    %c0_i32_1 = arith.constant 0 : i32
    return %c0_i32, %c0_i32_0 : i32, i32
  }
  func.func @transform_4(%arg0: i32) -> (i32, i32) {
    %c0_i32 = arith.constant 0 : i32
    %c0_i32_0 = arith.constant 0 : i32
    %c0_i32_1 = arith.constant 0 : i32
    return %c0_i32, %c0_i32_0 : i32, i32
  }
  func.func @transform_5(%arg0: i32) -> (i32, i32) {
    %c0_i32 = arith.constant 0 : i32
    %c0_i32_0 = arith.constant 0 : i32
    %c0_i32_1 = arith.constant 0 : i32
    return %c0_i32, %c0_i32_0 : i32, i32
  }
  func.func @transform_6(%arg0: i32) -> (i32, i32) {
    %c0_i32 = arith.constant 0 : i32
    %c0_i32_0 = arith.constant 0 : i32
    %c0_i32_1 = arith.constant 0 : i32
    return %c0_i32, %c0_i32_0 : i32, i32
  }
  func.func @transform_7(%arg0: i32) -> (i32, i32) {
    %c0_i32 = arith.constant 0 : i32
    %c0_i32_0 = arith.constant 0 : i32
    %c0_i32_1 = arith.constant 0 : i32
    return %c0_i32, %c0_i32_0 : i32, i32
  }
  func.func @transform_8(%arg0: i32) -> (i32, i32) {
    %c0_i32 = arith.constant 0 : i32
    %c0_i32_0 = arith.constant 0 : i32
    %c0_i32_1 = arith.constant 0 : i32
    return %c0_i32, %c0_i32_0 : i32, i32
  }
  func.func @transform_9(%arg0: i32) -> (i32, i32) {
    %c0_i32 = arith.constant 0 : i32
    %c0_i32_0 = arith.constant 0 : i32
    %c0_i32_1 = arith.constant 0 : i32
    return %c0_i32, %c0_i32_0 : i32, i32
  }
  func.func @transform_10(%arg0: i32) -> (i32, i32) {
    %c0_i32 = arith.constant 0 : i32
    %c0_i32_0 = arith.constant 0 : i32
    %c0_i32_1 = arith.constant 0 : i32
    return %c0_i32, %c0_i32_0 : i32, i32
  }
  func.func @transform_11(%arg0: i32) -> (i32, i32) {
    %c0_i32 = arith.constant 0 : i32
    %c0_i32_0 = arith.constant 0 : i32
    %c0_i32_1 = arith.constant 0 : i32
    return %c0_i32, %c0_i32_0 : i32, i32
  }
  func.func @transform_12(%arg0: i32) -> (i32, i32) {
    %c0_i32 = arith.constant 0 : i32
    %c0_i32_0 = arith.constant 0 : i32
    return %arg0, %c0_i32 : i32, i32
  }
  func.func @transform_13(%arg0: i32) -> (i32, i32) {
    %c0_i32 = arith.constant 0 : i32
    %c0_i32_0 = arith.constant 0 : i32
    return %arg0, %c0_i32 : i32, i32
  }
  func.func @transform_14(%arg0: i32) -> (i32, i32) {
    %c0_i32 = arith.constant 0 : i32
    %c0_i32_0 = arith.constant 0 : i32
    %c0_i32_1 = arith.constant 0 : i32
    return %c0_i32, %c0_i32_0 : i32, i32
  }
}

module attributes {stable_mosaic.version = 14 : i64} {
  func.func @_node_stage_body(%arg0: i32, %arg1: memref<2x2000x128xf32, #tpu.memory_space<vmem>>, %arg2: memref<2000x128xf32, #tpu.memory_space<vmem>>, %arg3: memref<2000x128xf32, #tpu.memory_space<vmem>>, %arg4: memref<1x128xf32, #tpu.memory_space<vmem>>, %arg5: memref<128x128xf32, #tpu.memory_space<vmem>>, %arg6: memref<128x128xf32, #tpu.memory_space<vmem>>, %arg7: memref<128x128xf32, #tpu.memory_space<vmem>>, %arg8: memref<1x128xf32, #tpu.memory_space<vmem>>, %arg9: memref<128x128xf32, #tpu.memory_space<vmem>>, %arg10: memref<1x128xf32, #tpu.memory_space<vmem>>, %arg11: memref<2000x128xf32, #tpu.memory_space<vmem>>, %arg12: memref<1x128xf32, #tpu.memory_space<vmem>>) attributes {dimension_semantics = [#tpu.dimension_semantics<arbitrary>], iteration_bounds = array<i64: 5>, scalar_prefetch = 0 : i64, scratch_operands = 0 : i64, tpu.core_type = #tpu.core_type<tc>, window_params = [{transform_indices = @transform_0, window_bounds = array<i64: 2, 2000, 128>}, {transform_indices = @transform_1, window_bounds = array<i64: 2000, 128>}, {transform_indices = @transform_2, window_bounds = array<i64: 2000, 128>}, {pipeline_mode = #tpu.pipeline_mode<synchronous>, transform_indices = @transform_3, window_bounds = array<i64: 1, 128>}, {pipeline_mode = #tpu.pipeline_mode<synchronous>, transform_indices = @transform_4, window_bounds = array<i64: 128, 128>}, {pipeline_mode = #tpu.pipeline_mode<synchronous>, transform_indices = @transform_5, window_bounds = array<i64: 128, 128>}, {pipeline_mode = #tpu.pipeline_mode<synchronous>, transform_indices = @transform_6, window_bounds = array<i64: 128, 128>}, {pipeline_mode = #tpu.pipeline_mode<synchronous>, transform_indices = @transform_7, window_bounds = array<i64: 1, 128>}, {pipeline_mode = #tpu.pipeline_mode<synchronous>, transform_indices = @transform_8, window_bounds = array<i64: 128, 128>}, {pipeline_mode = #tpu.pipeline_mode<synchronous>, transform_indices = @transform_9, window_bounds = array<i64: 1, 128>}, {transform_indices = @transform_10, window_bounds = array<i64: 2000, 128>}, {pipeline_mode = #tpu.pipeline_mode<synchronous>, transform_indices = @transform_11, window_bounds = array<i64: 1, 128>}]} {
    %get3A = arith.constant 0 : index
    %get3A_0 = arith.constant 0 : index
    %get3A_1 = arith.constant 0 : index
    %get3A_2 = vector.load %arg1[%get3A, %get3A_0, %get3A_1] : memref<2x2000x128xf32, #tpu.memory_space<vmem>>, vector<1x2000x128xf32>
    %get3A_3 = vector.shape_cast %get3A_2 : vector<1x2000x128xf32> to vector<2000x128xf32>
    %get3A_4 = arith.constant 1 : index
    %get3A_5 = arith.constant 0 : index
    %get3A_6 = arith.constant 0 : index
    %get3A_7 = vector.load %arg1[%get3A_4, %get3A_5, %get3A_6] : memref<2x2000x128xf32, #tpu.memory_space<vmem>>, vector<1x2000x128xf32>
    %get3A_8 = vector.shape_cast %get3A_7 : vector<1x2000x128xf32> to vector<2000x128xf32>
    %add3A = arith.addf %get3A_3, %get3A_8 : vector<2000x128xf32>
    %get3A_9 = arith.constant 0 : index
    %get3A_10 = arith.constant 0 : index
    %get3A_11 = vector.load %arg3[%get3A_9, %get3A_10] : memref<2000x128xf32, #tpu.memory_space<vmem>>, vector<2000x128xf32>
    %get3A_12 = arith.constant 0 : index
    %get3A_13 = arith.constant 0 : index
    %get3A_14 = vector.load %arg2[%get3A_12, %get3A_13] : memref<2000x128xf32, #tpu.memory_space<vmem>>, vector<2000x128xf32>
    %get3A_15 = arith.constant 0 : index
    %get3A_16 = arith.constant 0 : index
    %get3A_17 = vector.load %arg5[%get3A_15, %get3A_16] : memref<128x128xf32, #tpu.memory_space<vmem>>, vector<128x128xf32>
    %dot_general3A = arith.constant dense<0.000000e+00> : vector<2000x128xf32>
    %dot_general3A_18 = tpu.matmul %get3A_14, %get3A_17, %dot_general3A {dimension_numbers = #tpu.dot_dimension_numbers<[1], [0], [0], [1], [0, 0, 1, 1], [], []>, transpose_lhs_hint = false} : vector<2000x128xf32>, vector<128x128xf32>, vector<2000x128xf32> -> vector<2000x128xf32>
    %add3A_19 = arith.addf %get3A_11, %dot_general3A_18 : vector<2000x128xf32>
    %get3A_20 = arith.constant 0 : index
    %get3A_21 = arith.constant 0 : index
    %get3A_22 = vector.load %arg6[%get3A_20, %get3A_21] : memref<128x128xf32, #tpu.memory_space<vmem>>, vector<128x128xf32>
    %dot_general3A_23 = arith.constant dense<0.000000e+00> : vector<2000x128xf32>
    %dot_general3A_24 = tpu.matmul %add3A, %get3A_22, %dot_general3A_23 {dimension_numbers = #tpu.dot_dimension_numbers<[1], [0], [0], [1], [0, 0, 1, 1], [], []>, transpose_lhs_hint = false} : vector<2000x128xf32>, vector<128x128xf32>, vector<2000x128xf32> -> vector<2000x128xf32>
    %add3A_25 = arith.addf %add3A_19, %dot_general3A_24 : vector<2000x128xf32>
    %get3A_26 = arith.constant 0 : index
    %get3A_27 = arith.constant 0 : index
    %get3A_28 = vector.load %arg4[%get3A_26, %get3A_27] : memref<1x128xf32, #tpu.memory_space<vmem>>, vector<1x128xf32>
    %add3A_29 = vector.broadcast %get3A_28 : vector<1x128xf32> to vector<2000x128xf32>
    %add3A_30 = arith.addf %add3A_25, %add3A_29 : vector<2000x128xf32>
    %max3A = arith.constant 0.000000e+00 : f32
    %max3A_31 = vector.broadcast %max3A : f32 to vector<2000x128xf32>
    %max3A_32 = arith.maximumf %add3A_30, %max3A_31 : vector<2000x128xf32>
    %get3A_33 = arith.constant 0 : index
    %get3A_34 = arith.constant 0 : index
    %get3A_35 = vector.load %arg7[%get3A_33, %get3A_34] : memref<128x128xf32, #tpu.memory_space<vmem>>, vector<128x128xf32>
    %dot_general3A_36 = arith.constant dense<0.000000e+00> : vector<2000x128xf32>
    %dot_general3A_37 = tpu.matmul %max3A_32, %get3A_35, %dot_general3A_36 {dimension_numbers = #tpu.dot_dimension_numbers<[1], [0], [0], [1], [0, 0, 1, 1], [], []>, transpose_lhs_hint = false} : vector<2000x128xf32>, vector<128x128xf32>, vector<2000x128xf32> -> vector<2000x128xf32>
    %get3A_38 = arith.constant 0 : index
    %get3A_39 = arith.constant 0 : index
    %get3A_40 = vector.load %arg8[%get3A_38, %get3A_39] : memref<1x128xf32, #tpu.memory_space<vmem>>, vector<1x128xf32>
    %add3A_41 = vector.broadcast %get3A_40 : vector<1x128xf32> to vector<2000x128xf32>
    %add3A_42 = arith.addf %dot_general3A_37, %add3A_41 : vector<2000x128xf32>
    %max3A_43 = arith.constant 0.000000e+00 : f32
    %max3A_44 = vector.broadcast %max3A_43 : f32 to vector<2000x128xf32>
    %max3A_45 = arith.maximumf %add3A_42, %max3A_44 : vector<2000x128xf32>
    %get3A_46 = arith.constant 0 : index
    %get3A_47 = arith.constant 0 : index
    %get3A_48 = vector.load %arg9[%get3A_46, %get3A_47] : memref<128x128xf32, #tpu.memory_space<vmem>>, vector<128x128xf32>
    %dot_general3A_49 = arith.constant dense<0.000000e+00> : vector<2000x128xf32>
    %dot_general3A_50 = tpu.matmul %max3A_45, %get3A_48, %dot_general3A_49 {dimension_numbers = #tpu.dot_dimension_numbers<[1], [0], [0], [1], [0, 0, 1, 1], [], []>, transpose_lhs_hint = false} : vector<2000x128xf32>, vector<128x128xf32>, vector<2000x128xf32> -> vector<2000x128xf32>
    %get3A_51 = arith.constant 0 : index
    %get3A_52 = arith.constant 0 : index
    %get3A_53 = vector.load %arg10[%get3A_51, %get3A_52] : memref<1x128xf32, #tpu.memory_space<vmem>>, vector<1x128xf32>
    %add3A_54 = vector.broadcast %get3A_53 : vector<1x128xf32> to vector<2000x128xf32>
    %add3A_55 = arith.addf %dot_general3A_50, %add3A_54 : vector<2000x128xf32>
    %swap3A = arith.constant 0 : index
    %swap3A_56 = arith.constant 0 : index
    %swap3A_57 = vector.load %arg11[%swap3A, %swap3A_56] : memref<2000x128xf32, #tpu.memory_space<vmem>>, vector<2000x128xf32>
    tpu.vector_store %arg11[%swap3A, %swap3A_56], %add3A_55 {strides = array<i32>} : memref<2000x128xf32, #tpu.memory_space<vmem>>, vector<2000x128xf32>,
    %eq3A = arith.constant 0 : i32
    %eq3A_58 = arith.cmpi eq, %arg0, %eq3A : i32
    %convert_element_type3A = arith.extui %eq3A_58 : i1 to i32
    %cond3A = arith.constant 0 : i32
    %cond3A_59 = arith.cmpi ne, %convert_element_type3A, %cond3A : i32
    scf.if %cond3A_59 {
      %broadcast_in_dim3A_68 = arith.constant 0.000000e+00 : f32
      %broadcast_in_dim3A_69 = vector.broadcast %broadcast_in_dim3A_68 : f32 to vector<1x128xf32>
      %swap3A_70 = arith.constant 0 : index
      %swap3A_71 = arith.constant 0 : index
      %swap3A_72 = vector.load %arg12[%swap3A_70, %swap3A_71] : memref<1x128xf32, #tpu.memory_space<vmem>>, vector<1x128xf32>
      tpu.vector_store %arg12[%swap3A_70, %swap3A_71], %broadcast_in_dim3A_69 {strides = array<i32>} : memref<1x128xf32, #tpu.memory_space<vmem>>, vector<1x128xf32>,
    } else {
    }
    %get3A_60 = arith.constant 0 : index
    %get3A_61 = arith.constant 0 : index
    %get3A_62 = vector.load %arg12[%get3A_60, %get3A_61] : memref<1x128xf32, #tpu.memory_space<vmem>>, vector<1x128xf32>
    %reduce_sum3A = arith.constant dense<0.000000e+00> : vector<128xf32>
    %reduce_sum3A_63 = vector.multi_reduction <add>, %add3A_55, %reduce_sum3A [0] : vector<2000x128xf32> to vector<128xf32>
    %broadcast_in_dim3A = vector.shape_cast %reduce_sum3A_63 : vector<128xf32> to vector<1x128xf32>
    %add3A_64 = arith.addf %get3A_62, %broadcast_in_dim3A : vector<1x128xf32>
    %swap3A_65 = arith.constant 0 : index
    %swap3A_66 = arith.constant 0 : index
    %swap3A_67 = vector.load %arg12[%swap3A_65, %swap3A_66] : memref<1x128xf32, #tpu.memory_space<vmem>>, vector<1x128xf32>
    tpu.vector_store %arg12[%swap3A_65, %swap3A_66], %add3A_64 {strides = array<i32>} : memref<1x128xf32, #tpu.memory_space<vmem>>, vector<1x128xf32>,
    return
  }
  func.func @transform_0(%arg0: i32) -> (i32, i32, i32) {
    %c0_i32 = arith.constant 0 : i32
    %c0_i32_0 = arith.constant 0 : i32
    %c0_i32_1 = arith.constant 0 : i32
    return %c0_i32, %arg0, %c0_i32_0 : i32, i32, i32
  }
  func.func @transform_1(%arg0: i32) -> (i32, i32) {
    %c0_i32 = arith.constant 0 : i32
    %c0_i32_0 = arith.constant 0 : i32
    return %arg0, %c0_i32 : i32, i32
  }
  func.func @transform_2(%arg0: i32) -> (i32, i32) {
    %c0_i32 = arith.constant 0 : i32
    %c0_i32_0 = arith.constant 0 : i32
    return %arg0, %c0_i32 : i32, i32
  }
  func.func @transform_3(%arg0: i32) -> (i32, i32) {
    %c0_i32 = arith.constant 0 : i32
    %c0_i32_0 = arith.constant 0 : i32
    %c0_i32_1 = arith.constant 0 : i32
    return %c0_i32, %c0_i32_0 : i32, i32
  }
  func.func @transform_4(%arg0: i32) -> (i32, i32) {
    %c0_i32 = arith.constant 0 : i32
    %c0_i32_0 = arith.constant 0 : i32
    %c0_i32_1 = arith.constant 0 : i32
    return %c0_i32, %c0_i32_0 : i32, i32
  }
  func.func @transform_5(%arg0: i32) -> (i32, i32) {
    %c0_i32 = arith.constant 0 : i32
    %c0_i32_0 = arith.constant 0 : i32
    %c0_i32_1 = arith.constant 0 : i32
    return %c0_i32, %c0_i32_0 : i32, i32
  }
  func.func @transform_6(%arg0: i32) -> (i32, i32) {
    %c0_i32 = arith.constant 0 : i32
    %c0_i32_0 = arith.constant 0 : i32
    %c0_i32_1 = arith.constant 0 : i32
    return %c0_i32, %c0_i32_0 : i32, i32
  }
  func.func @transform_7(%arg0: i32) -> (i32, i32) {
    %c0_i32 = arith.constant 0 : i32
    %c0_i32_0 = arith.constant 0 : i32
    %c0_i32_1 = arith.constant 0 : i32
    return %c0_i32, %c0_i32_0 : i32, i32
  }
  func.func @transform_8(%arg0: i32) -> (i32, i32) {
    %c0_i32 = arith.constant 0 : i32
    %c0_i32_0 = arith.constant 0 : i32
    %c0_i32_1 = arith.constant 0 : i32
    return %c0_i32, %c0_i32_0 : i32, i32
  }
  func.func @transform_9(%arg0: i32) -> (i32, i32) {
    %c0_i32 = arith.constant 0 : i32
    %c0_i32_0 = arith.constant 0 : i32
    %c0_i32_1 = arith.constant 0 : i32
    return %c0_i32, %c0_i32_0 : i32, i32
  }
  func.func @transform_10(%arg0: i32) -> (i32, i32) {
    %c0_i32 = arith.constant 0 : i32
    %c0_i32_0 = arith.constant 0 : i32
    return %arg0, %c0_i32 : i32, i32
  }
  func.func @transform_11(%arg0: i32) -> (i32, i32) {
    %c0_i32 = arith.constant 0 : i32
    %c0_i32_0 = arith.constant 0 : i32
    %c0_i32_1 = arith.constant 0 : i32
    return %c0_i32, %c0_i32_0 : i32, i32
  }
}

module attributes {stable_mosaic.version = 14 : i64} {
  func.func @_u_update_body(%arg0: memref<1x128xf32, #tpu.memory_space<vmem>>, %arg1: memref<1x128xf32, #tpu.memory_space<vmem>>, %arg2: memref<1x128xf32, #tpu.memory_space<vmem>>, %arg3: memref<1x128xf32, #tpu.memory_space<vmem>>, %arg4: memref<128x128xf32, #tpu.memory_space<vmem>>, %arg5: memref<128x128xf32, #tpu.memory_space<vmem>>, %arg6: memref<128x128xf32, #tpu.memory_space<vmem>>, %arg7: memref<128x128xf32, #tpu.memory_space<vmem>>, %arg8: memref<1x128xf32, #tpu.memory_space<vmem>>, %arg9: memref<128x128xf32, #tpu.memory_space<vmem>>, %arg10: memref<1x128xf32, #tpu.memory_space<vmem>>, %arg11: memref<128x128xf32, #tpu.memory_space<vmem>>, %arg12: memref<1x128xf32, #tpu.memory_space<vmem>>, %arg13: memref<128x128xf32, #tpu.memory_space<vmem>>, %arg14: memref<128x128xf32, #tpu.memory_space<vmem>>, %arg15: memref<1x128xf32, #tpu.memory_space<vmem>>, %arg16: memref<128x128xf32, #tpu.memory_space<vmem>>, %arg17: memref<128x128xf32, #tpu.memory_space<vmem>>, %arg18: memref<1x128xf32, #tpu.memory_space<vmem>>, %arg19: memref<1x128xf32, #tpu.memory_space<vmem>>, %arg20: memref<1x128xf32, #tpu.memory_space<vmem>>, %arg21: memref<1x128xf32, #tpu.memory_space<vmem>>) attributes {dimension_semantics = [], scalar_prefetch = 0 : i64, scratch_operands = 0 : i64, tpu.core_type = #tpu.core_type<tc>} {
    %get3A = arith.constant 0 : index
    %get3A_0 = arith.constant 0 : index
    %get3A_1 = vector.load %arg0[%get3A, %get3A_0] : memref<1x128xf32, #tpu.memory_space<vmem>>, vector<1x128xf32>
    %get3A_2 = arith.constant 0 : index
    %get3A_3 = arith.constant 0 : index
    %get3A_4 = vector.load %arg4[%get3A_2, %get3A_3] : memref<128x128xf32, #tpu.memory_space<vmem>>, vector<128x128xf32>
    %dot_general3A = arith.constant dense<0.000000e+00> : vector<1x128xf32>
    %dot_general3A_5 = tpu.matmul %get3A_1, %get3A_4, %dot_general3A {dimension_numbers = #tpu.dot_dimension_numbers<[1], [0], [0], [1], [0, 0, 1, 1], [], []>, transpose_lhs_hint = false} : vector<1x128xf32>, vector<128x128xf32>, vector<1x128xf32> -> vector<1x128xf32>
    %get3A_6 = arith.constant 0 : index
    %get3A_7 = arith.constant 0 : index
    %get3A_8 = vector.load %arg1[%get3A_6, %get3A_7] : memref<1x128xf32, #tpu.memory_space<vmem>>, vector<1x128xf32>
    %get3A_9 = arith.constant 0 : index
    %get3A_10 = arith.constant 0 : index
    %get3A_11 = vector.load %arg5[%get3A_9, %get3A_10] : memref<128x128xf32, #tpu.memory_space<vmem>>, vector<128x128xf32>
    %dot_general3A_12 = arith.constant dense<0.000000e+00> : vector<1x128xf32>
    %dot_general3A_13 = tpu.matmul %get3A_8, %get3A_11, %dot_general3A_12 {dimension_numbers = #tpu.dot_dimension_numbers<[1], [0], [0], [1], [0, 0, 1, 1], [], []>, transpose_lhs_hint = false} : vector<1x128xf32>, vector<128x128xf32>, vector<1x128xf32> -> vector<1x128xf32>
    %add3A = arith.addf %dot_general3A_5, %dot_general3A_13 : vector<1x128xf32>
    %get3A_14 = arith.constant 0 : index
    %get3A_15 = arith.constant 0 : index
    %get3A_16 = vector.load %arg3[%get3A_14, %get3A_15] : memref<1x128xf32, #tpu.memory_space<vmem>>, vector<1x128xf32>
    %get3A_17 = arith.constant 0 : index
    %get3A_18 = arith.constant 0 : index
    %get3A_19 = vector.load %arg6[%get3A_17, %get3A_18] : memref<128x128xf32, #tpu.memory_space<vmem>>, vector<128x128xf32>
    %dot_general3A_20 = arith.constant dense<0.000000e+00> : vector<1x128xf32>
    %dot_general3A_21 = tpu.matmul %get3A_16, %get3A_19, %dot_general3A_20 {dimension_numbers = #tpu.dot_dimension_numbers<[1], [0], [0], [1], [0, 0, 1, 1], [], []>, transpose_lhs_hint = false} : vector<1x128xf32>, vector<128x128xf32>, vector<1x128xf32> -> vector<1x128xf32>
    %add3A_22 = arith.addf %add3A, %dot_general3A_21 : vector<1x128xf32>
    %get3A_23 = arith.constant 0 : index
    %get3A_24 = arith.constant 0 : index
    %get3A_25 = vector.load %arg2[%get3A_23, %get3A_24] : memref<1x128xf32, #tpu.memory_space<vmem>>, vector<1x128xf32>
    %get3A_26 = arith.constant 0 : index
    %get3A_27 = arith.constant 0 : index
    %get3A_28 = vector.load %arg7[%get3A_26, %get3A_27] : memref<128x128xf32, #tpu.memory_space<vmem>>, vector<128x128xf32>
    %dot_general3A_29 = arith.constant dense<0.000000e+00> : vector<1x128xf32>
    %dot_general3A_30 = tpu.matmul %get3A_25, %get3A_28, %dot_general3A_29 {dimension_numbers = #tpu.dot_dimension_numbers<[1], [0], [0], [1], [0, 0, 1, 1], [], []>, transpose_lhs_hint = false} : vector<1x128xf32>, vector<128x128xf32>, vector<1x128xf32> -> vector<1x128xf32>
    %add3A_31 = arith.addf %add3A_22, %dot_general3A_30 : vector<1x128xf32>
    %get3A_32 = arith.constant 0 : index
    %get3A_33 = arith.constant 0 : index
    %get3A_34 = vector.load %arg8[%get3A_32, %get3A_33] : memref<1x128xf32, #tpu.memory_space<vmem>>, vector<1x128xf32>
    %add3A_35 = arith.addf %add3A_31, %get3A_34 : vector<1x128xf32>
    %max3A = arith.constant 0.000000e+00 : f32
    %max3A_36 = vector.broadcast %max3A : f32 to vector<1x128xf32>
    %max3A_37 = arith.maximumf %add3A_35, %max3A_36 : vector<1x128xf32>
    %get3A_38 = arith.constant 0 : index
    %get3A_39 = arith.constant 0 : index
    %get3A_40 = vector.load %arg9[%get3A_38, %get3A_39] : memref<128x128xf32, #tpu.memory_space<vmem>>, vector<128x128xf32>
    %dot_general3A_41 = arith.constant dense<0.000000e+00> : vector<1x128xf32>
    %dot_general3A_42 = tpu.matmul %max3A_37, %get3A_40, %dot_general3A_41 {dimension_numbers = #tpu.dot_dimension_numbers<[1], [0], [0], [1], [0, 0, 1, 1], [], []>, transpose_lhs_hint = false} : vector<1x128xf32>, vector<128x128xf32>, vector<1x128xf32> -> vector<1x128xf32>
    %get3A_43 = arith.constant 0 : index
    %get3A_44 = arith.constant 0 : index
    %get3A_45 = vector.load %arg10[%get3A_43, %get3A_44] : memref<1x128xf32, #tpu.memory_space<vmem>>, vector<1x128xf32>
    %add3A_46 = arith.addf %dot_general3A_42, %get3A_45 : vector<1x128xf32>
    %max3A_47 = arith.constant 0.000000e+00 : f32
    %max3A_48 = vector.broadcast %max3A_47 : f32 to vector<1x128xf32>
    %max3A_49 = arith.maximumf %add3A_46, %max3A_48 : vector<1x128xf32>
    %get3A_50 = arith.constant 0 : index
    %get3A_51 = arith.constant 0 : index
    %get3A_52 = vector.load %arg11[%get3A_50, %get3A_51] : memref<128x128xf32, #tpu.memory_space<vmem>>, vector<128x128xf32>
    %dot_general3A_53 = arith.constant dense<0.000000e+00> : vector<1x128xf32>
    %dot_general3A_54 = tpu.matmul %max3A_49, %get3A_52, %dot_general3A_53 {dimension_numbers = #tpu.dot_dimension_numbers<[1], [0], [0], [1], [0, 0, 1, 1], [], []>, transpose_lhs_hint = false} : vector<1x128xf32>, vector<128x128xf32>, vector<1x128xf32> -> vector<1x128xf32>
    %get3A_55 = arith.constant 0 : index
    %get3A_56 = arith.constant 0 : index
    %get3A_57 = vector.load %arg12[%get3A_55, %get3A_56] : memref<1x128xf32, #tpu.memory_space<vmem>>, vector<1x128xf32>
    %add3A_58 = arith.addf %dot_general3A_54, %get3A_57 : vector<1x128xf32>
    %swap3A = arith.constant 0 : index
    %swap3A_59 = arith.constant 0 : index
    %swap3A_60 = vector.load %arg19[%swap3A, %swap3A_59] : memref<1x128xf32, #tpu.memory_space<vmem>>, vector<1x128xf32>
    tpu.vector_store %arg19[%swap3A, %swap3A_59], %add3A_58 {strides = array<i32>} : memref<1x128xf32, #tpu.memory_space<vmem>>, vector<1x128xf32>,
    %get3A_61 = arith.constant 0 : index
    %get3A_62 = arith.constant 0 : index
    %get3A_63 = vector.load %arg0[%get3A_61, %get3A_62] : memref<1x128xf32, #tpu.memory_space<vmem>>, vector<1x128xf32>
    %get3A_64 = arith.constant 0 : index
    %get3A_65 = arith.constant 0 : index
    %get3A_66 = vector.load %arg13[%get3A_64, %get3A_65] : memref<128x128xf32, #tpu.memory_space<vmem>>, vector<128x128xf32>
    %dot_general3A_67 = arith.constant dense<0.000000e+00> : vector<1x128xf32>
    %dot_general3A_68 = tpu.matmul %get3A_63, %get3A_66, %dot_general3A_67 {dimension_numbers = #tpu.dot_dimension_numbers<[1], [0], [0], [1], [0, 0, 1, 1], [], []>, transpose_lhs_hint = false} : vector<1x128xf32>, vector<128x128xf32>, vector<1x128xf32> -> vector<1x128xf32>
    %get3A_69 = arith.constant 0 : index
    %get3A_70 = arith.constant 0 : index
    %get3A_71 = vector.load %arg14[%get3A_69, %get3A_70] : memref<128x128xf32, #tpu.memory_space<vmem>>, vector<128x128xf32>
    %dot_general3A_72 = arith.constant dense<0.000000e+00> : vector<1x128xf32>
    %dot_general3A_73 = tpu.matmul %add3A_58, %get3A_71, %dot_general3A_72 {dimension_numbers = #tpu.dot_dimension_numbers<[1], [0], [0], [1], [0, 0, 1, 1], [], []>, transpose_lhs_hint = false} : vector<1x128xf32>, vector<128x128xf32>, vector<1x128xf32> -> vector<1x128xf32>
    %add3A_74 = arith.addf %dot_general3A_68, %dot_general3A_73 : vector<1x128xf32>
    %get3A_75 = arith.constant 0 : index
    %get3A_76 = arith.constant 0 : index
    %get3A_77 = vector.load %arg15[%get3A_75, %get3A_76] : memref<1x128xf32, #tpu.memory_space<vmem>>, vector<1x128xf32>
    %add3A_78 = arith.addf %add3A_74, %get3A_77 : vector<1x128xf32>
    %swap3A_79 = arith.constant 0 : index
    %swap3A_80 = arith.constant 0 : index
    %swap3A_81 = vector.load %arg20[%swap3A_79, %swap3A_80] : memref<1x128xf32, #tpu.memory_space<vmem>>, vector<1x128xf32>
    tpu.vector_store %arg20[%swap3A_79, %swap3A_80], %add3A_78 {strides = array<i32>} : memref<1x128xf32, #tpu.memory_space<vmem>>, vector<1x128xf32>,
    %get3A_82 = arith.constant 0 : index
    %get3A_83 = arith.constant 0 : index
    %get3A_84 = vector.load %arg0[%get3A_82, %get3A_83] : memref<1x128xf32, #tpu.memory_space<vmem>>, vector<1x128xf32>
    %get3A_85 = arith.constant 0 : index
    %get3A_86 = arith.constant 0 : index
    %get3A_87 = vector.load %arg16[%get3A_85, %get3A_86] : memref<128x128xf32, #tpu.memory_space<vmem>>, vector<128x128xf32>
    %dot_general3A_88 = arith.constant dense<0.000000e+00> : vector<1x128xf32>
    %dot_general3A_89 = tpu.matmul %get3A_84, %get3A_87, %dot_general3A_88 {dimension_numbers = #tpu.dot_dimension_numbers<[1], [0], [0], [1], [0, 0, 1, 1], [], []>, transpose_lhs_hint = false} : vector<1x128xf32>, vector<128x128xf32>, vector<1x128xf32> -> vector<1x128xf32>
    %get3A_90 = arith.constant 0 : index
    %get3A_91 = arith.constant 0 : index
    %get3A_92 = vector.load %arg17[%get3A_90, %get3A_91] : memref<128x128xf32, #tpu.memory_space<vmem>>, vector<128x128xf32>
    %dot_general3A_93 = arith.constant dense<0.000000e+00> : vector<1x128xf32>
    %dot_general3A_94 = tpu.matmul %add3A_58, %get3A_92, %dot_general3A_93 {dimension_numbers = #tpu.dot_dimension_numbers<[1], [0], [0], [1], [0, 0, 1, 1], [], []>, transpose_lhs_hint = false} : vector<1x128xf32>, vector<128x128xf32>, vector<1x128xf32> -> vector<1x128xf32>
    %add3A_95 = arith.addf %dot_general3A_89, %dot_general3A_94 : vector<1x128xf32>
    %get3A_96 = arith.constant 0 : index
    %get3A_97 = arith.constant 0 : index
    %get3A_98 = vector.load %arg18[%get3A_96, %get3A_97] : memref<1x128xf32, #tpu.memory_space<vmem>>, vector<1x128xf32>
    %add3A_99 = arith.addf %add3A_95, %get3A_98 : vector<1x128xf32>
    %swap3A_100 = arith.constant 0 : index
    %swap3A_101 = arith.constant 0 : index
    %swap3A_102 = vector.load %arg21[%swap3A_100, %swap3A_101] : memref<1x128xf32, #tpu.memory_space<vmem>>, vector<1x128xf32>
    tpu.vector_store %arg21[%swap3A_100, %swap3A_101], %add3A_99 {strides = array<i32>} : memref<1x128xf32, #tpu.memory_space<vmem>>, vector<1x128xf32>,
    return
  }
}

module attributes {stable_mosaic.version = 14 : i64} {
  func.func @_edge_stage2_body(%arg0: i32, %arg1: memref<3200x128xf32, #tpu.memory_space<vmem>>, %arg2: memref<3200x128xf32, #tpu.memory_space<vmem>>, %arg3: memref<3200x128xf32, #tpu.memory_space<vmem>>, %arg4: memref<3200x128xf32, #tpu.memory_space<vmem>>, %arg5: memref<1x128xf32, #tpu.memory_space<vmem>>, %arg6: memref<128x128xf32, #tpu.memory_space<vmem>>, %arg7: memref<128x128xf32, #tpu.memory_space<vmem>>, %arg8: memref<128x128xf32, #tpu.memory_space<vmem>>, %arg9: memref<1x128xf32, #tpu.memory_space<vmem>>, %arg10: memref<128x128xf32, #tpu.memory_space<vmem>>, %arg11: memref<1x128xf32, #tpu.memory_space<vmem>>, %arg12: memref<3200x128xf32, #tpu.memory_space<vmem>>, %arg13: memref<1x128xf32, #tpu.memory_space<vmem>>) attributes {dimension_semantics = [#tpu.dimension_semantics<arbitrary>], iteration_bounds = array<i64: 100>, scalar_prefetch = 0 : i64, scratch_operands = 0 : i64, tpu.core_type = #tpu.core_type<tc>, window_params = [{transform_indices = @transform_0, window_bounds = array<i64: 3200, 128>}, {transform_indices = @transform_1, window_bounds = array<i64: 3200, 128>}, {transform_indices = @transform_2, window_bounds = array<i64: 3200, 128>}, {transform_indices = @transform_3, window_bounds = array<i64: 3200, 128>}, {pipeline_mode = #tpu.pipeline_mode<synchronous>, transform_indices = @transform_4, window_bounds = array<i64: 1, 128>}, {pipeline_mode = #tpu.pipeline_mode<synchronous>, transform_indices = @transform_5, window_bounds = array<i64: 128, 128>}, {pipeline_mode = #tpu.pipeline_mode<synchronous>, transform_indices = @transform_6, window_bounds = array<i64: 128, 128>}, {pipeline_mode = #tpu.pipeline_mode<synchronous>, transform_indices = @transform_7, window_bounds = array<i64: 128, 128>}, {pipeline_mode = #tpu.pipeline_mode<synchronous>, transform_indices = @transform_8, window_bounds = array<i64: 1, 128>}, {pipeline_mode = #tpu.pipeline_mode<synchronous>, transform_indices = @transform_9, window_bounds = array<i64: 128, 128>}, {pipeline_mode = #tpu.pipeline_mode<synchronous>, transform_indices = @transform_10, window_bounds = array<i64: 1, 128>}, {transform_indices = @transform_11, window_bounds = array<i64: 3200, 128>}, {pipeline_mode = #tpu.pipeline_mode<synchronous>, transform_indices = @transform_12, window_bounds = array<i64: 1, 128>}]} {
    %get3A = arith.constant 0 : index
    %get3A_0 = arith.constant 0 : index
    %get3A_1 = vector.load %arg1[%get3A, %get3A_0] : memref<3200x128xf32, #tpu.memory_space<vmem>>, vector<3200x128xf32>
    %get3A_2 = arith.constant 0 : index
    %get3A_3 = arith.constant 0 : index
    %get3A_4 = vector.load %arg2[%get3A_2, %get3A_3] : memref<3200x128xf32, #tpu.memory_space<vmem>>, vector<3200x128xf32>
    %get3A_5 = arith.constant 0 : index
    %get3A_6 = arith.constant 0 : index
    %get3A_7 = vector.load %arg3[%get3A_5, %get3A_6] : memref<3200x128xf32, #tpu.memory_space<vmem>>, vector<3200x128xf32>
    %sub3A = arith.subf %get3A_4, %get3A_7 : vector<3200x128xf32>
    %get3A_8 = arith.constant 0 : index
    %get3A_9 = arith.constant 0 : index
    %get3A_10 = vector.load %arg6[%get3A_8, %get3A_9] : memref<128x128xf32, #tpu.memory_space<vmem>>, vector<128x128xf32>
    %dot_general3A = arith.constant dense<0.000000e+00> : vector<3200x128xf32>
    %dot_general3A_11 = tpu.matmul %sub3A, %get3A_10, %dot_general3A {dimension_numbers = #tpu.dot_dimension_numbers<[1], [0], [0], [1], [0, 0, 1, 1], [], []>, transpose_lhs_hint = false} : vector<3200x128xf32>, vector<128x128xf32>, vector<3200x128xf32> -> vector<3200x128xf32>
    %add3A = arith.addf %get3A_1, %dot_general3A_11 : vector<3200x128xf32>
    %get3A_12 = arith.constant 0 : index
    %get3A_13 = arith.constant 0 : index
    %get3A_14 = vector.load %arg4[%get3A_12, %get3A_13] : memref<3200x128xf32, #tpu.memory_space<vmem>>, vector<3200x128xf32>
    %get3A_15 = arith.constant 0 : index
    %get3A_16 = arith.constant 0 : index
    %get3A_17 = vector.load %arg7[%get3A_15, %get3A_16] : memref<128x128xf32, #tpu.memory_space<vmem>>, vector<128x128xf32>
    %dot_general3A_18 = arith.constant dense<0.000000e+00> : vector<3200x128xf32>
    %dot_general3A_19 = tpu.matmul %get3A_14, %get3A_17, %dot_general3A_18 {dimension_numbers = #tpu.dot_dimension_numbers<[1], [0], [0], [1], [0, 0, 1, 1], [], []>, transpose_lhs_hint = false} : vector<3200x128xf32>, vector<128x128xf32>, vector<3200x128xf32> -> vector<3200x128xf32>
    %add3A_20 = arith.addf %add3A, %dot_general3A_19 : vector<3200x128xf32>
    %get3A_21 = arith.constant 0 : index
    %get3A_22 = arith.constant 0 : index
    %get3A_23 = vector.load %arg5[%get3A_21, %get3A_22] : memref<1x128xf32, #tpu.memory_space<vmem>>, vector<1x128xf32>
    %add3A_24 = vector.broadcast %get3A_23 : vector<1x128xf32> to vector<3200x128xf32>
    %add3A_25 = arith.addf %add3A_20, %add3A_24 : vector<3200x128xf32>
    %max3A = arith.constant 0.000000e+00 : f32
    %max3A_26 = vector.broadcast %max3A : f32 to vector<3200x128xf32>
    %max3A_27 = arith.maximumf %add3A_25, %max3A_26 : vector<3200x128xf32>
    %get3A_28 = arith.constant 0 : index
    %get3A_29 = arith.constant 0 : index
    %get3A_30 = vector.load %arg8[%get3A_28, %get3A_29] : memref<128x128xf32, #tpu.memory_space<vmem>>, vector<128x128xf32>
    %dot_general3A_31 = arith.constant dense<0.000000e+00> : vector<3200x128xf32>
    %dot_general3A_32 = tpu.matmul %max3A_27, %get3A_30, %dot_general3A_31 {dimension_numbers = #tpu.dot_dimension_numbers<[1], [0], [0], [1], [0, 0, 1, 1], [], []>, transpose_lhs_hint = false} : vector<3200x128xf32>, vector<128x128xf32>, vector<3200x128xf32> -> vector<3200x128xf32>
    %get3A_33 = arith.constant 0 : index
    %get3A_34 = arith.constant 0 : index
    %get3A_35 = vector.load %arg9[%get3A_33, %get3A_34] : memref<1x128xf32, #tpu.memory_space<vmem>>, vector<1x128xf32>
    %add3A_36 = vector.broadcast %get3A_35 : vector<1x128xf32> to vector<3200x128xf32>
    %add3A_37 = arith.addf %dot_general3A_32, %add3A_36 : vector<3200x128xf32>
    %max3A_38 = arith.constant 0.000000e+00 : f32
    %max3A_39 = vector.broadcast %max3A_38 : f32 to vector<3200x128xf32>
    %max3A_40 = arith.maximumf %add3A_37, %max3A_39 : vector<3200x128xf32>
    %get3A_41 = arith.constant 0 : index
    %get3A_42 = arith.constant 0 : index
    %get3A_43 = vector.load %arg10[%get3A_41, %get3A_42] : memref<128x128xf32, #tpu.memory_space<vmem>>, vector<128x128xf32>
    %dot_general3A_44 = arith.constant dense<0.000000e+00> : vector<3200x128xf32>
    %dot_general3A_45 = tpu.matmul %max3A_40, %get3A_43, %dot_general3A_44 {dimension_numbers = #tpu.dot_dimension_numbers<[1], [0], [0], [1], [0, 0, 1, 1], [], []>, transpose_lhs_hint = false} : vector<3200x128xf32>, vector<128x128xf32>, vector<3200x128xf32> -> vector<3200x128xf32>
    %get3A_46 = arith.constant 0 : index
    %get3A_47 = arith.constant 0 : index
    %get3A_48 = vector.load %arg11[%get3A_46, %get3A_47] : memref<1x128xf32, #tpu.memory_space<vmem>>, vector<1x128xf32>
    %add3A_49 = vector.broadcast %get3A_48 : vector<1x128xf32> to vector<3200x128xf32>
    %add3A_50 = arith.addf %dot_general3A_45, %add3A_49 : vector<3200x128xf32>
    %swap3A = arith.constant 0 : index
    %swap3A_51 = arith.constant 0 : index
    %swap3A_52 = vector.load %arg12[%swap3A, %swap3A_51] : memref<3200x128xf32, #tpu.memory_space<vmem>>, vector<3200x128xf32>
    tpu.vector_store %arg12[%swap3A, %swap3A_51], %add3A_50 {strides = array<i32>} : memref<3200x128xf32, #tpu.memory_space<vmem>>, vector<3200x128xf32>,
    %eq3A = arith.constant 0 : i32
    %eq3A_53 = arith.cmpi eq, %arg0, %eq3A : i32
    %convert_element_type3A = arith.extui %eq3A_53 : i1 to i32
    %cond3A = arith.constant 0 : i32
    %cond3A_54 = arith.cmpi ne, %convert_element_type3A, %cond3A : i32
    scf.if %cond3A_54 {
      %broadcast_in_dim3A_63 = arith.constant 0.000000e+00 : f32
      %broadcast_in_dim3A_64 = vector.broadcast %broadcast_in_dim3A_63 : f32 to vector<1x128xf32>
      %swap3A_65 = arith.constant 0 : index
      %swap3A_66 = arith.constant 0 : index
      %swap3A_67 = vector.load %arg13[%swap3A_65, %swap3A_66] : memref<1x128xf32, #tpu.memory_space<vmem>>, vector<1x128xf32>
      tpu.vector_store %arg13[%swap3A_65, %swap3A_66], %broadcast_in_dim3A_64 {strides = array<i32>} : memref<1x128xf32, #tpu.memory_space<vmem>>, vector<1x128xf32>,
    } else {
    }
    %get3A_55 = arith.constant 0 : index
    %get3A_56 = arith.constant 0 : index
    %get3A_57 = vector.load %arg13[%get3A_55, %get3A_56] : memref<1x128xf32, #tpu.memory_space<vmem>>, vector<1x128xf32>
    %reduce_sum3A = arith.constant dense<0.000000e+00> : vector<128xf32>
    %reduce_sum3A_58 = vector.multi_reduction <add>, %add3A_50, %reduce_sum3A [0] : vector<3200x128xf32> to vector<128xf32>
    %broadcast_in_dim3A = vector.shape_cast %reduce_sum3A_58 : vector<128xf32> to vector<1x128xf32>
    %add3A_59 = arith.addf %get3A_57, %broadcast_in_dim3A : vector<1x128xf32>
    %swap3A_60 = arith.constant 0 : index
    %swap3A_61 = arith.constant 0 : index
    %swap3A_62 = vector.load %arg13[%swap3A_60, %swap3A_61] : memref<1x128xf32, #tpu.memory_space<vmem>>, vector<1x128xf32>
    tpu.vector_store %arg13[%swap3A_60, %swap3A_61], %add3A_59 {strides = array<i32>} : memref<1x128xf32, #tpu.memory_space<vmem>>, vector<1x128xf32>,
    return
  }
  func.func @transform_0(%arg0: i32) -> (i32, i32) {
    %c0_i32 = arith.constant 0 : i32
    %c0_i32_0 = arith.constant 0 : i32
    return %arg0, %c0_i32 : i32, i32
  }
  func.func @transform_1(%arg0: i32) -> (i32, i32) {
    %c0_i32 = arith.constant 0 : i32
    %c0_i32_0 = arith.constant 0 : i32
    return %arg0, %c0_i32 : i32, i32
  }
  func.func @transform_2(%arg0: i32) -> (i32, i32) {
    %c0_i32 = arith.constant 0 : i32
    %c0_i32_0 = arith.constant 0 : i32
    return %arg0, %c0_i32 : i32, i32
  }
  func.func @transform_3(%arg0: i32) -> (i32, i32) {
    %c0_i32 = arith.constant 0 : i32
    %c0_i32_0 = arith.constant 0 : i32
    return %arg0, %c0_i32 : i32, i32
  }
  func.func @transform_4(%arg0: i32) -> (i32, i32) {
    %c0_i32 = arith.constant 0 : i32
    %c0_i32_0 = arith.constant 0 : i32
    %c0_i32_1 = arith.constant 0 : i32
    return %c0_i32, %c0_i32_0 : i32, i32
  }
  func.func @transform_5(%arg0: i32) -> (i32, i32) {
    %c0_i32 = arith.constant 0 : i32
    %c0_i32_0 = arith.constant 0 : i32
    %c0_i32_1 = arith.constant 0 : i32
    return %c0_i32, %c0_i32_0 : i32, i32
  }
  func.func @transform_6(%arg0: i32) -> (i32, i32) {
    %c0_i32 = arith.constant 0 : i32
    %c0_i32_0 = arith.constant 0 : i32
    %c0_i32_1 = arith.constant 0 : i32
    return %c0_i32, %c0_i32_0 : i32, i32
  }
  func.func @transform_7(%arg0: i32) -> (i32, i32) {
    %c0_i32 = arith.constant 0 : i32
    %c0_i32_0 = arith.constant 0 : i32
    %c0_i32_1 = arith.constant 0 : i32
    return %c0_i32, %c0_i32_0 : i32, i32
  }
  func.func @transform_8(%arg0: i32) -> (i32, i32) {
    %c0_i32 = arith.constant 0 : i32
    %c0_i32_0 = arith.constant 0 : i32
    %c0_i32_1 = arith.constant 0 : i32
    return %c0_i32, %c0_i32_0 : i32, i32
  }
  func.func @transform_9(%arg0: i32) -> (i32, i32) {
    %c0_i32 = arith.constant 0 : i32
    %c0_i32_0 = arith.constant 0 : i32
    %c0_i32_1 = arith.constant 0 : i32
    return %c0_i32, %c0_i32_0 : i32, i32
  }
  func.func @transform_10(%arg0: i32) -> (i32, i32) {
    %c0_i32 = arith.constant 0 : i32
    %c0_i32_0 = arith.constant 0 : i32
    %c0_i32_1 = arith.constant 0 : i32
    return %c0_i32, %c0_i32_0 : i32, i32
  }
  func.func @transform_11(%arg0: i32) -> (i32, i32) {
    %c0_i32 = arith.constant 0 : i32
    %c0_i32_0 = arith.constant 0 : i32
    return %arg0, %c0_i32 : i32, i32
  }
  func.func @transform_12(%arg0: i32) -> (i32, i32) {
    %c0_i32 = arith.constant 0 : i32
    %c0_i32_0 = arith.constant 0 : i32
    %c0_i32_1 = arith.constant 0 : i32
    return %c0_i32, %c0_i32_0 : i32, i32
  }
}

module attributes {stable_mosaic.version = 14 : i64} {
  func.func @_node_stage_body(%arg0: i32, %arg1: memref<2x2000x128xf32, #tpu.memory_space<vmem>>, %arg2: memref<2000x128xf32, #tpu.memory_space<vmem>>, %arg3: memref<2000x128xf32, #tpu.memory_space<vmem>>, %arg4: memref<1x128xf32, #tpu.memory_space<vmem>>, %arg5: memref<128x128xf32, #tpu.memory_space<vmem>>, %arg6: memref<128x128xf32, #tpu.memory_space<vmem>>, %arg7: memref<128x128xf32, #tpu.memory_space<vmem>>, %arg8: memref<1x128xf32, #tpu.memory_space<vmem>>, %arg9: memref<128x128xf32, #tpu.memory_space<vmem>>, %arg10: memref<1x128xf32, #tpu.memory_space<vmem>>, %arg11: memref<2000x128xf32, #tpu.memory_space<vmem>>, %arg12: memref<1x128xf32, #tpu.memory_space<vmem>>) attributes {dimension_semantics = [#tpu.dimension_semantics<arbitrary>], iteration_bounds = array<i64: 5>, scalar_prefetch = 0 : i64, scratch_operands = 0 : i64, tpu.core_type = #tpu.core_type<tc>, window_params = [{transform_indices = @transform_0, window_bounds = array<i64: 2, 2000, 128>}, {transform_indices = @transform_1, window_bounds = array<i64: 2000, 128>}, {transform_indices = @transform_2, window_bounds = array<i64: 2000, 128>}, {pipeline_mode = #tpu.pipeline_mode<synchronous>, transform_indices = @transform_3, window_bounds = array<i64: 1, 128>}, {pipeline_mode = #tpu.pipeline_mode<synchronous>, transform_indices = @transform_4, window_bounds = array<i64: 128, 128>}, {pipeline_mode = #tpu.pipeline_mode<synchronous>, transform_indices = @transform_5, window_bounds = array<i64: 128, 128>}, {pipeline_mode = #tpu.pipeline_mode<synchronous>, transform_indices = @transform_6, window_bounds = array<i64: 128, 128>}, {pipeline_mode = #tpu.pipeline_mode<synchronous>, transform_indices = @transform_7, window_bounds = array<i64: 1, 128>}, {pipeline_mode = #tpu.pipeline_mode<synchronous>, transform_indices = @transform_8, window_bounds = array<i64: 128, 128>}, {pipeline_mode = #tpu.pipeline_mode<synchronous>, transform_indices = @transform_9, window_bounds = array<i64: 1, 128>}, {transform_indices = @transform_10, window_bounds = array<i64: 2000, 128>}, {pipeline_mode = #tpu.pipeline_mode<synchronous>, transform_indices = @transform_11, window_bounds = array<i64: 1, 128>}]} {
    %get3A = arith.constant 0 : index
    %get3A_0 = arith.constant 0 : index
    %get3A_1 = arith.constant 0 : index
    %get3A_2 = vector.load %arg1[%get3A, %get3A_0, %get3A_1] : memref<2x2000x128xf32, #tpu.memory_space<vmem>>, vector<1x2000x128xf32>
    %get3A_3 = vector.shape_cast %get3A_2 : vector<1x2000x128xf32> to vector<2000x128xf32>
    %get3A_4 = arith.constant 1 : index
    %get3A_5 = arith.constant 0 : index
    %get3A_6 = arith.constant 0 : index
    %get3A_7 = vector.load %arg1[%get3A_4, %get3A_5, %get3A_6] : memref<2x2000x128xf32, #tpu.memory_space<vmem>>, vector<1x2000x128xf32>
    %get3A_8 = vector.shape_cast %get3A_7 : vector<1x2000x128xf32> to vector<2000x128xf32>
    %add3A = arith.addf %get3A_3, %get3A_8 : vector<2000x128xf32>
    %get3A_9 = arith.constant 0 : index
    %get3A_10 = arith.constant 0 : index
    %get3A_11 = vector.load %arg3[%get3A_9, %get3A_10] : memref<2000x128xf32, #tpu.memory_space<vmem>>, vector<2000x128xf32>
    %get3A_12 = arith.constant 0 : index
    %get3A_13 = arith.constant 0 : index
    %get3A_14 = vector.load %arg2[%get3A_12, %get3A_13] : memref<2000x128xf32, #tpu.memory_space<vmem>>, vector<2000x128xf32>
    %get3A_15 = arith.constant 0 : index
    %get3A_16 = arith.constant 0 : index
    %get3A_17 = vector.load %arg5[%get3A_15, %get3A_16] : memref<128x128xf32, #tpu.memory_space<vmem>>, vector<128x128xf32>
    %dot_general3A = arith.constant dense<0.000000e+00> : vector<2000x128xf32>
    %dot_general3A_18 = tpu.matmul %get3A_14, %get3A_17, %dot_general3A {dimension_numbers = #tpu.dot_dimension_numbers<[1], [0], [0], [1], [0, 0, 1, 1], [], []>, transpose_lhs_hint = false} : vector<2000x128xf32>, vector<128x128xf32>, vector<2000x128xf32> -> vector<2000x128xf32>
    %add3A_19 = arith.addf %get3A_11, %dot_general3A_18 : vector<2000x128xf32>
    %get3A_20 = arith.constant 0 : index
    %get3A_21 = arith.constant 0 : index
    %get3A_22 = vector.load %arg6[%get3A_20, %get3A_21] : memref<128x128xf32, #tpu.memory_space<vmem>>, vector<128x128xf32>
    %dot_general3A_23 = arith.constant dense<0.000000e+00> : vector<2000x128xf32>
    %dot_general3A_24 = tpu.matmul %add3A, %get3A_22, %dot_general3A_23 {dimension_numbers = #tpu.dot_dimension_numbers<[1], [0], [0], [1], [0, 0, 1, 1], [], []>, transpose_lhs_hint = false} : vector<2000x128xf32>, vector<128x128xf32>, vector<2000x128xf32> -> vector<2000x128xf32>
    %add3A_25 = arith.addf %add3A_19, %dot_general3A_24 : vector<2000x128xf32>
    %get3A_26 = arith.constant 0 : index
    %get3A_27 = arith.constant 0 : index
    %get3A_28 = vector.load %arg4[%get3A_26, %get3A_27] : memref<1x128xf32, #tpu.memory_space<vmem>>, vector<1x128xf32>
    %add3A_29 = vector.broadcast %get3A_28 : vector<1x128xf32> to vector<2000x128xf32>
    %add3A_30 = arith.addf %add3A_25, %add3A_29 : vector<2000x128xf32>
    %max3A = arith.constant 0.000000e+00 : f32
    %max3A_31 = vector.broadcast %max3A : f32 to vector<2000x128xf32>
    %max3A_32 = arith.maximumf %add3A_30, %max3A_31 : vector<2000x128xf32>
    %get3A_33 = arith.constant 0 : index
    %get3A_34 = arith.constant 0 : index
    %get3A_35 = vector.load %arg7[%get3A_33, %get3A_34] : memref<128x128xf32, #tpu.memory_space<vmem>>, vector<128x128xf32>
    %dot_general3A_36 = arith.constant dense<0.000000e+00> : vector<2000x128xf32>
    %dot_general3A_37 = tpu.matmul %max3A_32, %get3A_35, %dot_general3A_36 {dimension_numbers = #tpu.dot_dimension_numbers<[1], [0], [0], [1], [0, 0, 1, 1], [], []>, transpose_lhs_hint = false} : vector<2000x128xf32>, vector<128x128xf32>, vector<2000x128xf32> -> vector<2000x128xf32>
    %get3A_38 = arith.constant 0 : index
    %get3A_39 = arith.constant 0 : index
    %get3A_40 = vector.load %arg8[%get3A_38, %get3A_39] : memref<1x128xf32, #tpu.memory_space<vmem>>, vector<1x128xf32>
    %add3A_41 = vector.broadcast %get3A_40 : vector<1x128xf32> to vector<2000x128xf32>
    %add3A_42 = arith.addf %dot_general3A_37, %add3A_41 : vector<2000x128xf32>
    %max3A_43 = arith.constant 0.000000e+00 : f32
    %max3A_44 = vector.broadcast %max3A_43 : f32 to vector<2000x128xf32>
    %max3A_45 = arith.maximumf %add3A_42, %max3A_44 : vector<2000x128xf32>
    %get3A_46 = arith.constant 0 : index
    %get3A_47 = arith.constant 0 : index
    %get3A_48 = vector.load %arg9[%get3A_46, %get3A_47] : memref<128x128xf32, #tpu.memory_space<vmem>>, vector<128x128xf32>
    %dot_general3A_49 = arith.constant dense<0.000000e+00> : vector<2000x128xf32>
    %dot_general3A_50 = tpu.matmul %max3A_45, %get3A_48, %dot_general3A_49 {dimension_numbers = #tpu.dot_dimension_numbers<[1], [0], [0], [1], [0, 0, 1, 1], [], []>, transpose_lhs_hint = false} : vector<2000x128xf32>, vector<128x128xf32>, vector<2000x128xf32> -> vector<2000x128xf32>
    %get3A_51 = arith.constant 0 : index
    %get3A_52 = arith.constant 0 : index
    %get3A_53 = vector.load %arg10[%get3A_51, %get3A_52] : memref<1x128xf32, #tpu.memory_space<vmem>>, vector<1x128xf32>
    %add3A_54 = vector.broadcast %get3A_53 : vector<1x128xf32> to vector<2000x128xf32>
    %add3A_55 = arith.addf %dot_general3A_50, %add3A_54 : vector<2000x128xf32>
    %swap3A = arith.constant 0 : index
    %swap3A_56 = arith.constant 0 : index
    %swap3A_57 = vector.load %arg11[%swap3A, %swap3A_56] : memref<2000x128xf32, #tpu.memory_space<vmem>>, vector<2000x128xf32>
    tpu.vector_store %arg11[%swap3A, %swap3A_56], %add3A_55 {strides = array<i32>} : memref<2000x128xf32, #tpu.memory_space<vmem>>, vector<2000x128xf32>,
    %eq3A = arith.constant 0 : i32
    %eq3A_58 = arith.cmpi eq, %arg0, %eq3A : i32
    %convert_element_type3A = arith.extui %eq3A_58 : i1 to i32
    %cond3A = arith.constant 0 : i32
    %cond3A_59 = arith.cmpi ne, %convert_element_type3A, %cond3A : i32
    scf.if %cond3A_59 {
      %broadcast_in_dim3A_68 = arith.constant 0.000000e+00 : f32
      %broadcast_in_dim3A_69 = vector.broadcast %broadcast_in_dim3A_68 : f32 to vector<1x128xf32>
      %swap3A_70 = arith.constant 0 : index
      %swap3A_71 = arith.constant 0 : index
      %swap3A_72 = vector.load %arg12[%swap3A_70, %swap3A_71] : memref<1x128xf32, #tpu.memory_space<vmem>>, vector<1x128xf32>
      tpu.vector_store %arg12[%swap3A_70, %swap3A_71], %broadcast_in_dim3A_69 {strides = array<i32>} : memref<1x128xf32, #tpu.memory_space<vmem>>, vector<1x128xf32>,
    } else {
    }
    %get3A_60 = arith.constant 0 : index
    %get3A_61 = arith.constant 0 : index
    %get3A_62 = vector.load %arg12[%get3A_60, %get3A_61] : memref<1x128xf32, #tpu.memory_space<vmem>>, vector<1x128xf32>
    %reduce_sum3A = arith.constant dense<0.000000e+00> : vector<128xf32>
    %reduce_sum3A_63 = vector.multi_reduction <add>, %add3A_55, %reduce_sum3A [0] : vector<2000x128xf32> to vector<128xf32>
    %broadcast_in_dim3A = vector.shape_cast %reduce_sum3A_63 : vector<128xf32> to vector<1x128xf32>
    %add3A_64 = arith.addf %get3A_62, %broadcast_in_dim3A : vector<1x128xf32>
    %swap3A_65 = arith.constant 0 : index
    %swap3A_66 = arith.constant 0 : index
    %swap3A_67 = vector.load %arg12[%swap3A_65, %swap3A_66] : memref<1x128xf32, #tpu.memory_space<vmem>>, vector<1x128xf32>
    tpu.vector_store %arg12[%swap3A_65, %swap3A_66], %add3A_64 {strides = array<i32>} : memref<1x128xf32, #tpu.memory_space<vmem>>, vector<1x128xf32>,
    return
  }
  func.func @transform_0(%arg0: i32) -> (i32, i32, i32) {
    %c0_i32 = arith.constant 0 : i32
    %c0_i32_0 = arith.constant 0 : i32
    %c0_i32_1 = arith.constant 0 : i32
    return %c0_i32, %arg0, %c0_i32_0 : i32, i32, i32
  }
  func.func @transform_1(%arg0: i32) -> (i32, i32) {
    %c0_i32 = arith.constant 0 : i32
    %c0_i32_0 = arith.constant 0 : i32
    return %arg0, %c0_i32 : i32, i32
  }
  func.func @transform_2(%arg0: i32) -> (i32, i32) {
    %c0_i32 = arith.constant 0 : i32
    %c0_i32_0 = arith.constant 0 : i32
    return %arg0, %c0_i32 : i32, i32
  }
  func.func @transform_3(%arg0: i32) -> (i32, i32) {
    %c0_i32 = arith.constant 0 : i32
    %c0_i32_0 = arith.constant 0 : i32
    %c0_i32_1 = arith.constant 0 : i32
    return %c0_i32, %c0_i32_0 : i32, i32
  }
  func.func @transform_4(%arg0: i32) -> (i32, i32) {
    %c0_i32 = arith.constant 0 : i32
    %c0_i32_0 = arith.constant 0 : i32
    %c0_i32_1 = arith.constant 0 : i32
    return %c0_i32, %c0_i32_0 : i32, i32
  }
  func.func @transform_5(%arg0: i32) -> (i32, i32) {
    %c0_i32 = arith.constant 0 : i32
    %c0_i32_0 = arith.constant 0 : i32
    %c0_i32_1 = arith.constant 0 : i32
    return %c0_i32, %c0_i32_0 : i32, i32
  }
  func.func @transform_6(%arg0: i32) -> (i32, i32) {
    %c0_i32 = arith.constant 0 : i32
    %c0_i32_0 = arith.constant 0 : i32
    %c0_i32_1 = arith.constant 0 : i32
    return %c0_i32, %c0_i32_0 : i32, i32
  }
  func.func @transform_7(%arg0: i32) -> (i32, i32) {
    %c0_i32 = arith.constant 0 : i32
    %c0_i32_0 = arith.constant 0 : i32
    %c0_i32_1 = arith.constant 0 : i32
    return %c0_i32, %c0_i32_0 : i32, i32
  }
  func.func @transform_8(%arg0: i32) -> (i32, i32) {
    %c0_i32 = arith.constant 0 : i32
    %c0_i32_0 = arith.constant 0 : i32
    %c0_i32_1 = arith.constant 0 : i32
    return %c0_i32, %c0_i32_0 : i32, i32
  }
  func.func @transform_9(%arg0: i32) -> (i32, i32) {
    %c0_i32 = arith.constant 0 : i32
    %c0_i32_0 = arith.constant 0 : i32
    %c0_i32_1 = arith.constant 0 : i32
    return %c0_i32, %c0_i32_0 : i32, i32
  }
  func.func @transform_10(%arg0: i32) -> (i32, i32) {
    %c0_i32 = arith.constant 0 : i32
    %c0_i32_0 = arith.constant 0 : i32
    return %arg0, %c0_i32 : i32, i32
  }
  func.func @transform_11(%arg0: i32) -> (i32, i32) {
    %c0_i32 = arith.constant 0 : i32
    %c0_i32_0 = arith.constant 0 : i32
    %c0_i32_1 = arith.constant 0 : i32
    return %c0_i32, %c0_i32_0 : i32, i32
  }
}

module attributes {stable_mosaic.version = 14 : i64} {
  func.func @_u_final_body(%arg0: memref<1x128xf32, #tpu.memory_space<vmem>>, %arg1: memref<1x128xf32, #tpu.memory_space<vmem>>, %arg2: memref<1x128xf32, #tpu.memory_space<vmem>>, %arg3: memref<1x128xf32, #tpu.memory_space<vmem>>, %arg4: memref<128x128xf32, #tpu.memory_space<vmem>>, %arg5: memref<128x128xf32, #tpu.memory_space<vmem>>, %arg6: memref<128x128xf32, #tpu.memory_space<vmem>>, %arg7: memref<128x128xf32, #tpu.memory_space<vmem>>, %arg8: memref<1x128xf32, #tpu.memory_space<vmem>>, %arg9: memref<128x128xf32, #tpu.memory_space<vmem>>, %arg10: memref<1x128xf32, #tpu.memory_space<vmem>>, %arg11: memref<128x128xf32, #tpu.memory_space<vmem>>, %arg12: memref<1x128xf32, #tpu.memory_space<vmem>>, %arg13: memref<128x128xf32, #tpu.memory_space<vmem>>, %arg14: memref<1x128xf32, #tpu.memory_space<vmem>>, %arg15: memref<128x128xf32, #tpu.memory_space<vmem>>, %arg16: memref<1x128xf32, #tpu.memory_space<vmem>>, %arg17: memref<128x128xf32, #tpu.memory_space<vmem>>, %arg18: memref<1x128xf32, #tpu.memory_space<vmem>>, %arg19: memref<1x128xf32, #tpu.memory_space<vmem>>) attributes {dimension_semantics = [], scalar_prefetch = 0 : i64, scratch_operands = 0 : i64, tpu.core_type = #tpu.core_type<tc>} {
    %get3A = arith.constant 0 : index
    %get3A_0 = arith.constant 0 : index
    %get3A_1 = vector.load %arg0[%get3A, %get3A_0] : memref<1x128xf32, #tpu.memory_space<vmem>>, vector<1x128xf32>
    %get3A_2 = arith.constant 0 : index
    %get3A_3 = arith.constant 0 : index
    %get3A_4 = vector.load %arg4[%get3A_2, %get3A_3] : memref<128x128xf32, #tpu.memory_space<vmem>>, vector<128x128xf32>
    %dot_general3A = arith.constant dense<0.000000e+00> : vector<1x128xf32>
    %dot_general3A_5 = tpu.matmul %get3A_1, %get3A_4, %dot_general3A {dimension_numbers = #tpu.dot_dimension_numbers<[1], [0], [0], [1], [0, 0, 1, 1], [], []>, transpose_lhs_hint = false} : vector<1x128xf32>, vector<128x128xf32>, vector<1x128xf32> -> vector<1x128xf32>
    %get3A_6 = arith.constant 0 : index
    %get3A_7 = arith.constant 0 : index
    %get3A_8 = vector.load %arg1[%get3A_6, %get3A_7] : memref<1x128xf32, #tpu.memory_space<vmem>>, vector<1x128xf32>
    %get3A_9 = arith.constant 0 : index
    %get3A_10 = arith.constant 0 : index
    %get3A_11 = vector.load %arg5[%get3A_9, %get3A_10] : memref<128x128xf32, #tpu.memory_space<vmem>>, vector<128x128xf32>
    %dot_general3A_12 = arith.constant dense<0.000000e+00> : vector<1x128xf32>
    %dot_general3A_13 = tpu.matmul %get3A_8, %get3A_11, %dot_general3A_12 {dimension_numbers = #tpu.dot_dimension_numbers<[1], [0], [0], [1], [0, 0, 1, 1], [], []>, transpose_lhs_hint = false} : vector<1x128xf32>, vector<128x128xf32>, vector<1x128xf32> -> vector<1x128xf32>
    %add3A = arith.addf %dot_general3A_5, %dot_general3A_13 : vector<1x128xf32>
    %get3A_14 = arith.constant 0 : index
    %get3A_15 = arith.constant 0 : index
    %get3A_16 = vector.load %arg3[%get3A_14, %get3A_15] : memref<1x128xf32, #tpu.memory_space<vmem>>, vector<1x128xf32>
    %get3A_17 = arith.constant 0 : index
    %get3A_18 = arith.constant 0 : index
    %get3A_19 = vector.load %arg6[%get3A_17, %get3A_18] : memref<128x128xf32, #tpu.memory_space<vmem>>, vector<128x128xf32>
    %dot_general3A_20 = arith.constant dense<0.000000e+00> : vector<1x128xf32>
    %dot_general3A_21 = tpu.matmul %get3A_16, %get3A_19, %dot_general3A_20 {dimension_numbers = #tpu.dot_dimension_numbers<[1], [0], [0], [1], [0, 0, 1, 1], [], []>, transpose_lhs_hint = false} : vector<1x128xf32>, vector<128x128xf32>, vector<1x128xf32> -> vector<1x128xf32>
    %add3A_22 = arith.addf %add3A, %dot_general3A_21 : vector<1x128xf32>
    %get3A_23 = arith.constant 0 : index
    %get3A_24 = arith.constant 0 : index
    %get3A_25 = vector.load %arg2[%get3A_23, %get3A_24] : memref<1x128xf32, #tpu.memory_space<vmem>>, vector<1x128xf32>
    %get3A_26 = arith.constant 0 : index
    %get3A_27 = arith.constant 0 : index
    %get3A_28 = vector.load %arg7[%get3A_26, %get3A_27] : memref<128x128xf32, #tpu.memory_space<vmem>>, vector<128x128xf32>
    %dot_general3A_29 = arith.constant dense<0.000000e+00> : vector<1x128xf32>
    %dot_general3A_30 = tpu.matmul %get3A_25, %get3A_28, %dot_general3A_29 {dimension_numbers = #tpu.dot_dimension_numbers<[1], [0], [0], [1], [0, 0, 1, 1], [], []>, transpose_lhs_hint = false} : vector<1x128xf32>, vector<128x128xf32>, vector<1x128xf32> -> vector<1x128xf32>
    %add3A_31 = arith.addf %add3A_22, %dot_general3A_30 : vector<1x128xf32>
    %get3A_32 = arith.constant 0 : index
    %get3A_33 = arith.constant 0 : index
    %get3A_34 = vector.load %arg8[%get3A_32, %get3A_33] : memref<1x128xf32, #tpu.memory_space<vmem>>, vector<1x128xf32>
    %add3A_35 = arith.addf %add3A_31, %get3A_34 : vector<1x128xf32>
    %max3A = arith.constant 0.000000e+00 : f32
    %max3A_36 = vector.broadcast %max3A : f32 to vector<1x128xf32>
    %max3A_37 = arith.maximumf %add3A_35, %max3A_36 : vector<1x128xf32>
    %get3A_38 = arith.constant 0 : index
    %get3A_39 = arith.constant 0 : index
    %get3A_40 = vector.load %arg9[%get3A_38, %get3A_39] : memref<128x128xf32, #tpu.memory_space<vmem>>, vector<128x128xf32>
    %dot_general3A_41 = arith.constant dense<0.000000e+00> : vector<1x128xf32>
    %dot_general3A_42 = tpu.matmul %max3A_37, %get3A_40, %dot_general3A_41 {dimension_numbers = #tpu.dot_dimension_numbers<[1], [0], [0], [1], [0, 0, 1, 1], [], []>, transpose_lhs_hint = false} : vector<1x128xf32>, vector<128x128xf32>, vector<1x128xf32> -> vector<1x128xf32>
    %get3A_43 = arith.constant 0 : index
    %get3A_44 = arith.constant 0 : index
    %get3A_45 = vector.load %arg10[%get3A_43, %get3A_44] : memref<1x128xf32, #tpu.memory_space<vmem>>, vector<1x128xf32>
    %add3A_46 = arith.addf %dot_general3A_42, %get3A_45 : vector<1x128xf32>
    %max3A_47 = arith.constant 0.000000e+00 : f32
    %max3A_48 = vector.broadcast %max3A_47 : f32 to vector<1x128xf32>
    %max3A_49 = arith.maximumf %add3A_46, %max3A_48 : vector<1x128xf32>
    %get3A_50 = arith.constant 0 : index
    %get3A_51 = arith.constant 0 : index
    %get3A_52 = vector.load %arg11[%get3A_50, %get3A_51] : memref<128x128xf32, #tpu.memory_space<vmem>>, vector<128x128xf32>
    %dot_general3A_53 = arith.constant dense<0.000000e+00> : vector<1x128xf32>
    %dot_general3A_54 = tpu.matmul %max3A_49, %get3A_52, %dot_general3A_53 {dimension_numbers = #tpu.dot_dimension_numbers<[1], [0], [0], [1], [0, 0, 1, 1], [], []>, transpose_lhs_hint = false} : vector<1x128xf32>, vector<128x128xf32>, vector<1x128xf32> -> vector<1x128xf32>
    %get3A_55 = arith.constant 0 : index
    %get3A_56 = arith.constant 0 : index
    %get3A_57 = vector.load %arg12[%get3A_55, %get3A_56] : memref<1x128xf32, #tpu.memory_space<vmem>>, vector<1x128xf32>
    %add3A_58 = arith.addf %dot_general3A_54, %get3A_57 : vector<1x128xf32>
    %get3A_59 = arith.constant 0 : index
    %get3A_60 = arith.constant 0 : index
    %get3A_61 = vector.load %arg13[%get3A_59, %get3A_60] : memref<128x128xf32, #tpu.memory_space<vmem>>, vector<128x128xf32>
    %dot_general3A_62 = arith.constant dense<0.000000e+00> : vector<1x128xf32>
    %dot_general3A_63 = tpu.matmul %add3A_58, %get3A_61, %dot_general3A_62 {dimension_numbers = #tpu.dot_dimension_numbers<[1], [0], [0], [1], [0, 0, 1, 1], [], []>, transpose_lhs_hint = false} : vector<1x128xf32>, vector<128x128xf32>, vector<1x128xf32> -> vector<1x128xf32>
    %get3A_64 = arith.constant 0 : index
    %get3A_65 = arith.constant 0 : index
    %get3A_66 = vector.load %arg14[%get3A_64, %get3A_65] : memref<1x128xf32, #tpu.memory_space<vmem>>, vector<1x128xf32>
    %add3A_67 = arith.addf %dot_general3A_63, %get3A_66 : vector<1x128xf32>
    %max3A_68 = arith.constant 0.000000e+00 : f32
    %max3A_69 = vector.broadcast %max3A_68 : f32 to vector<1x128xf32>
    %max3A_70 = arith.maximumf %add3A_67, %max3A_69 : vector<1x128xf32>
    %get3A_71 = arith.constant 0 : index
    %get3A_72 = arith.constant 0 : index
    %get3A_73 = vector.load %arg15[%get3A_71, %get3A_72] : memref<128x128xf32, #tpu.memory_space<vmem>>, vector<128x128xf32>
    %dot_general3A_74 = arith.constant dense<0.000000e+00> : vector<1x128xf32>
    %dot_general3A_75 = tpu.matmul %max3A_70, %get3A_73, %dot_general3A_74 {dimension_numbers = #tpu.dot_dimension_numbers<[1], [0], [0], [1], [0, 0, 1, 1], [], []>, transpose_lhs_hint = false} : vector<1x128xf32>, vector<128x128xf32>, vector<1x128xf32> -> vector<1x128xf32>
    %get3A_76 = arith.constant 0 : index
    %get3A_77 = arith.constant 0 : index
    %get3A_78 = vector.load %arg16[%get3A_76, %get3A_77] : memref<1x128xf32, #tpu.memory_space<vmem>>, vector<1x128xf32>
    %add3A_79 = arith.addf %dot_general3A_75, %get3A_78 : vector<1x128xf32>
    %max3A_80 = arith.constant 0.000000e+00 : f32
    %max3A_81 = vector.broadcast %max3A_80 : f32 to vector<1x128xf32>
    %max3A_82 = arith.maximumf %add3A_79, %max3A_81 : vector<1x128xf32>
    %get3A_83 = arith.constant 0 : index
    %get3A_84 = arith.constant 0 : index
    %get3A_85 = vector.load %arg17[%get3A_83, %get3A_84] : memref<128x128xf32, #tpu.memory_space<vmem>>, vector<128x128xf32>
    %dot_general3A_86 = arith.constant dense<0.000000e+00> : vector<1x128xf32>
    %dot_general3A_87 = tpu.matmul %max3A_82, %get3A_85, %dot_general3A_86 {dimension_numbers = #tpu.dot_dimension_numbers<[1], [0], [0], [1], [0, 0, 1, 1], [], []>, transpose_lhs_hint = false} : vector<1x128xf32>, vector<128x128xf32>, vector<1x128xf32> -> vector<1x128xf32>
    %get3A_88 = arith.constant 0 : index
    %get3A_89 = arith.constant 0 : index
    %get3A_90 = vector.load %arg18[%get3A_88, %get3A_89] : memref<1x128xf32, #tpu.memory_space<vmem>>, vector<1x128xf32>
    %add3A_91 = arith.addf %dot_general3A_87, %get3A_90 : vector<1x128xf32>
    %swap3A = arith.constant 0 : index
    %swap3A_92 = arith.constant 0 : index
    %swap3A_93 = vector.load %arg19[%swap3A, %swap3A_92] : memref<1x128xf32, #tpu.memory_space<vmem>>, vector<1x128xf32>
    tpu.vector_store %arg19[%swap3A, %swap3A_92], %add3A_91 {strides = array<i32>} : memref<1x128xf32, #tpu.memory_space<vmem>>, vector<1x128xf32>,
    return
  }
}

</mosaic_0001>

<sc_bundles>
// kernel: kernel.27.cloned.1.call-start
scs
__scs_entry_jumppad:
0x0: {  	(pc) =	sbr.rel $0x88, $3  }
0x1: {  	(tag) =	ssettag $0x0;
	lr =	simm.s32 $0x1  }
0x2: {  	[smem:$0x3F6F] =	sst lr;
	_ =	strace $0xD0000000  }
0x3: {  	_ = 	snop  }
0x4: {  	_ = 	snop  }
0x5: {  	_ = 	snop  }
0x6: {  	_ = 	snop  }
0x7: {  	_ = 	snop  }
__scs_overlays_trampoline_lowered:
0x8: {  	[smem:$0x3F7E] =	sst s0  }
0x9: {  	[smem:$0x3F7F] =	sst s1  }
0xa: {  	[smem:$0x3F80] =	sst s2  }
0xb: {  	[smem:$0x3F81] =	sst s3  }
0xc: {  	[smem:$0x3F82] =	sst s4  }
0xd: {  	[smem:$0x3F83] =	sst s5  }
0xe: {  	[smem:$0x3F84] =	sst s6  }
0xf: {  	[smem:$0x3F85] =	sst s7  }
0x10: {  	[smem:$0x3F86] =	sst s8  }
0x11: {  	[smem:$0x3F87] =	sst s9;
	s0 =	simm.s32 @!p0 $0x0  }
0x12: {  	s1 =	sld [smem:$0x3F6D];
	s0 =	simm.s32 @p0 $0x1  }
0x13: {  	[smem:$0x3F88] =	sst s0;
	s0 =	simm.s32 @!p1 $0x0  }
0x14: {  	s2 =	sld [smem:$0x3F6C];
	s0 =	simm.s32 @p1 $0x1  }
0x15: {  	[smem:$0x3F89] =	sst s0;
	s0 =	simm.s32 @!p2 $0x0  }
0x16: {  	s3 =	sld [smem:$0x3FDB];
	s0 =	simm.s32 @p2 $0x1  }
0x17: {  	s4 =	simm.s32 $0x1BF5;
	[smem:$0x3F8B] =	sst s0  }
0x18: {  	s0 =	sld [smem:$0x3F6E];
	_ =	swait.ge [sflag:s4], $0x0  }
0x19: {  	s7 =	sld [smem:$0x3F6F]  }
0x1a: {  	s8 =	sadd.s32 $0xFFFFE003, lr  }
0x1b: {  	s9 =	sadd.s32 $0xFFFFFEF7, lr;
	s5 =	simm.s32 $0xFFFFFFFF;
	p2 =	slt.u32 s8, $0xFFFFF086  }
0x1c: {  	p1 =	slt.u32 s9, $0xF7A;
	s5 =	simm.s32 @!p2 $0x0  }
0x1d: {  	s5 =	simm.s32 @p1 $0x1;
	p0 =	seq.s32 s7, s2  }
0x1e: {  	s7 =	smul.u32 @!p0 $0xF7A, s2;
	p2 =	seq.s32 @!p0 s5, $0x0  }
0x1f: {  	s9 =	smul.u32 $0xF7A, s1;
	s8 =	simm.s32 @!p0 $0x1BF5;
	p2 =	por !p2, p0  }
0x20: {  	[sflag:s8] =	ssyncset.s32 @!p0 $0xFFFFF086;
	s6 =	sadd.s32 @!p0 s3, s7;
	s7 =	simm.s32 @!p0 $0x108  }
0x21: {  	s3 =	sadd.s32 s3, s9;
	s6 =	sadd.s32 @!p0 $0x88, s6;
	s7 =	simm.s32 @p2 $0x1082  }
0x22: {  	[simem:s7], [sflag:s8] =	dma.local @!p0 [hbm:s6], $0xF7A  }
0x23: {  	s9 =	sor.u32 $0xD0000000, s2;
	s6 =	simm.s32 $0x108;
	_ =	swait.ge @!p0 [sflag:s8], $0x0  }
0x24: {  	s3 =	sadd.s32 $0x88, s3;
	s6 =	simm.s32 @!p1 $0x1082;
	[sflag:s4] =	ssyncset.s32 $0xFFFFF086  }
0x25: {  	[simem:s6], [sflag:s4] =	dma.local [hbm:s3], $0xF7A  }
0x26: {  	[smem:$0x3F6F] =	sst s1;
	(tag) =	ssettag s2;
	_ =	strace s9  }
0x27: {  	s1 =	sld [smem:$0x3F7F]  }
0x28: {  	s2 =	sld [smem:$0x3F80]  }
0x29: {  	s4 =	sld [smem:$0x3F82]  }
0x2a: {  	p0 =	seq.s32 s5, $0x0;
	s5 =	sld [smem:$0x3F83]  }
0x2b: {  	s6 =	sld [smem:$0x3F84]  }
0x2c: {  	s7 =	sld [smem:$0x3F85]  }
0x2d: {  	s3 =	simm.s32 $0x108;
	s8 =	sld [smem:$0x3F86]  }
0x2e: {  	s3 =	simm.s32 @!p0 $0x1082;
	s9 =	sld [smem:$0x3F87]  }
0x2f: {  	lr =	sadd.s32 s0, s3;
	s0 =	sld [smem:$0x3F7E]  }
0x30: {  	s3 =	sld [smem:$0x3F81]  }
0x31: {  	[smem:$0x3F8A] =	sst s10  }
0x32: {  	s10 =	sld [smem:$0x3F88];
	_ =	sdelay $0x3  }
0x33: {  	p0 =	seq.s32 s10, $0x1;
	s10 =	sld [smem:$0x3F8A];
	_ =	sdelay $0x3  }
0x34: {  	[smem:$0x3F8A] =	sst s10  }
0x35: {  	s10 =	sld [smem:$0x3F89];
	_ =	sdelay $0x3  }
0x36: {  	p1 =	seq.s32 s10, $0x1;
	s10 =	sld [smem:$0x3F8A];
	_ =	sdelay $0x3  }
0x37: {  	[smem:$0x3F8A] =	sst s10  }
0x38: {  	s10 =	sld [smem:$0x3F8B]  }
0x39: {  	_ = 	snop;
	(pc) =	sbr.ind lr, $3  }
0x3a: {  	_ = 	snop  }
0x3b: {  	_ = 	snop  }
0x3c: {  	p2 =	seq.s32 s10, $0x1;
	s10 =	sld [smem:$0x3F8A]  }
0x3d: {  	_ =	shalt  }
0x3e: {  	_ =	shalt  }
0x3f: {  	_ =	shalt  }
0x40: {  	_ =	shalt  }
0x41: {  	_ =	shalt  }
0x42: {  	_ =	shalt  }
0x43: {  	_ =	shalt  }
0x44: {  	_ =	shalt  }
0x45: {  	_ =	shalt  }
0x46: {  	_ =	shalt  }
0x47: {  	_ =	shalt  }
0x48: {  	_ =	shalt  }
0x49: {  	_ =	shalt  }
0x4a: {  	_ =	shalt  }
0x4b: {  	_ =	shalt  }
0x4c: {  	_ =	shalt  }
0x4d: {  	_ =	shalt  }
0x4e: {  	_ =	shalt  }
0x4f: {  	_ =	shalt  }
0x50: {  	_ =	shalt  }
0x51: {  	_ =	shalt  }
0x52: {  	_ =	shalt  }
0x53: {  	_ =	shalt  }
0x54: {  	_ =	shalt  }
0x55: {  	_ =	shalt  }
0x56: {  	_ =	shalt  }
0x57: {  	_ =	shalt  }
0x58: {  	_ =	shalt  }
0x59: {  	_ =	shalt  }
0x5a: {  	_ =	shalt  }
0x5b: {  	_ =	shalt  }
0x5c: {  	_ =	shalt  }
0x5d: {  	_ =	shalt  }
0x5e: {  	_ =	shalt  }
0x5f: {  	_ =	shalt  }
0x60: {  	_ =	shalt  }
0x61: {  	_ =	shalt  }
0x62: {  	_ =	shalt  }
0x63: {  	_ =	shalt  }
0x64: {  	_ =	shalt  }
0x65: {  	_ =	shalt  }
0x66: {  	_ =	shalt  }
0x67: {  	_ =	shalt  }
0x68: {  	_ =	shalt  }
0x69: {  	_ =	shalt  }
0x6a: {  	_ =	shalt  }
0x6b: {  	_ =	shalt  }
0x6c: {  	_ =	shalt  }
0x6d: {  	_ =	shalt  }
0x6e: {  	_ =	shalt  }
0x6f: {  	_ =	shalt  }
0x70: {  	_ =	shalt  }
0x71: {  	_ =	shalt  }
0x72: {  	_ =	shalt  }
0x73: {  	_ =	shalt  }
0x74: {  	_ =	shalt  }
0x75: {  	_ =	shalt  }
0x76: {  	_ =	shalt  }
0x77: {  	_ =	shalt  }
0x78: {  	_ =	shalt  }
0x79: {  	_ =	shalt  }
0x7a: {  	_ =	shalt  }
0x7b: {  	_ =	shalt  }
0x7c: {  	_ =	shalt  }
0x7d: {  	_ =	shalt  }
0x7e: {  	_ =	shalt  }
0x7f: {  	_ =	shalt  }
0x80: {  	_ =	shalt  }
0x81: {  	_ =	shalt  }
0x82: {  	_ =	shalt  }
0x83: {  	_ =	shalt  }
0x84: {  	_ =	shalt  }
0x85: {  	_ =	shalt  }
0x86: {  	_ =	shalt  }
0x87: {  	_ =	shalt  }
.Lfunc_end0:
.L_simem_size_0:
called_computation_lowered:
.L_overlay_start_0:
0x88: {  	s2 =	sld [smem:$0x3FD9]  }
0x89: {  	s3 =	sld [smem:$0x3FFE];
	_ =	sdelay $0x1  }
0x8a: {  	s1 =	srdreg.scid  }
0x8b: {  	s0 =	sand.u32 $0x1, s1  }
0x8c: {  	s16 =	sshll.u32 s0, $0xA;
	s2 =	sadd.s32 s3, s2  }
0x8d: {  	s2 =	sadd.s32 s2, s16  }
0x8e: {  	[smem:$0x3F96] =	sst s2  }
0x8f: {  	_ = 	snop  }
0x90: {  	(tm) =	ssettm $0x1  }
0x91: {  	s17 =	sld [smem:$0x3FFB];
	_ =	sdelay $0x3  }
0x92: {  	_ =	strace s17  }
0x93: {  	s2 =	sld [smem:$0x3FFC];
	_ =	sdelay $0x3  }
0x94: {  	_ =	strace s2  }
0x95: {  	s2 =	sld [smem:$0x3FFD];
	_ =	sdelay $0x3  }
0x96: {  	_ =	strace s2  }
0x97: {  	_ =	strace $0x8FFFFFFF  }
0x98: {  	s18 =	sld [smem:$0x3FDB];
	_ =	sdelay $0x1  }
0x99: {  	s19 =	simm.s32 $_scs_section_size  }
0x9a: {  	s4 =	simm.s32 $_size__tile_overlayer_lowered;
	s5 =	simm.s32 $_tile_overlayer_lowered  }
0x9b: {  	s22 =	simm.s32 $0x1BFF;
	s21 =	sshll.u32 s5, $0x1;
	s2 =	sadd.s32 s19, s18  }
0x9c: {  	s6 =	simm.s32 $0x0;
	s20 =	sshll.u32 s4, $0x1;
	s4 =	sadd.s32 s21, s2  }
0x9d: {  	[timem:s6], [sflag:s22] =	dma.local [hbm:s4], s20  }
0x9e: {  	_ =	swait.ge [sflag:s22], s20  }
0x9f: {  	s3 =	ssub.s32 $0x0, s20;
	[sflag:s22] =	ssyncset.done $0x0  }
0xa0: {  	[sflag:s22] =	ssyncadd.s32 s3;
	_ =	sdelay $0x1  }
0xa1: {  	s23 =	simm.s32 $0x1B8B  }
0xa2: {  	_ =	swait.ge [sflag:s23], $0x1  }
0xa3: {  	[sflag:s23] =	ssyncset.done $0x0  }
0xa4: {  	s25 =	simm.s32 $0x1B8E;
	s24 =	sld [smem:$0x3FFE];
	[sflag:s23] =	ssyncadd.s32 $0xFFFFFFFF  }
0xa5: {  	s26 =	simm.s32 $execute0_lowered;
	[smem:$0x3FD2] =	sst s25  }
0xa6: {  	s4 =	sshll.u32 s26, $0x1;
	_ =	strace $0x80000046;
	[dreg:$0x1] =	wrdreg $0xFFFFFFFF  }
0xa7: {  	s28 =	simm.s32 $_size_execute0_lowered;
	s2 =	sadd.s32 s2, s4;
	[dreg:$0x0] =	wrdreg $0x0  }
0xa8: {  	s4 =	sshll.u32 s28, $0x1;
	[dreg:$0x2] =	wrdreg s2  }
0xa9: {  	[dreg:$0x3] =	wrdreg s4  }
0xaa: {  	[dreg:$0x4] =	wrdreg $0xC0  }
0xab: {  	_ =	task [dreg:s6], $0x5FFFF  }
0xac: {  	[dreg:$0x1] =	wrdreg $0xFFFFFFFF  }
0xad: {  	[dreg:$0x0] =	wrdreg $0x60  }
0xae: {  	[dreg:$0x2] =	wrdreg s24  }
0xaf: {  	[dreg:$0x3] =	wrdreg $0x9  }
0xb0: {  	_ =	task.clear_ibuf [dreg:s6], $0x4FFFF;
	_ =	strace $0x90000046  }
0xb1: {  	s29 =	simm.s32 $0x9;
	_ =	strace $0x80000048  }
0xb2: {  	_ =	swait.ge [sflag:s29], $0x1  }
0xb3: {  	[sflag:s29] =	ssyncadd.s32 $0xFFFFFFFF  }
0xb4: {  	_ =	strace $0x90000048  }
0xb5: {  	_ =	sfence  }
0xb6: {  	s30 =	sld [smem:$0x0];
	_ =	sdelay $0x2  }
0xb7: {  	s31 =	sshll.u32 s1, $0xD;
	s1 =	sshrl.u32 s1, $0x2  }
0xb8: {  	s3 =	sand.u32 $0x4000, s31;
	s1 =	sadd.s32 s1, s30  }
0xb9: {  	s0 =	sor.u32 s3, s0;
	s1 =	sshll.u32 s1, $0x11  }
0xba: {  	s0 =	sor.u32 s1, s0  }
0xbb: {  	s0 =	sadd.s32 $0x8F2B, s0  }
0xbc: {  	[sflag:s0] =	ssyncadd.remote.s32 $0x1  }
0xbd: {  	_ =	sfence.sel $0xFFFF  }
0xbe: {  	[dreg:$0x0] =	wrdreg $0xFFFFFFFF;
	(pc) =	sbr.abs _section_cstart, $3  }
0xbf: {  	[dreg:$0x1] =	wrdreg $0xFFFFFFFF  }
0xc0: {  	_ =	task.clear_ibuf [dreg:s6], $0x2FFFF;
	_ =	strace $0x9FFFFFFF  }
0xc1: {  	(tm) =	ssettm $0x7FFFFFFF  }
tec
execute0_lowered:
.L_overlay_start_1:
0x0: {  	(tag) =	ssettag $0x1  }
0x1: {  	s4 =	rddreg [dreg:$0x0];
	s3 =	srdreg.scid  }
0x2: {  	s1 =	stileid.u32;
	s2 =	simm.s32 $0x0;
	s18 =	simm.s32 $0x2  }
0x3: {  	s19 =	simm.s32 $0x8100;
	s20 =	simm.s32 $0x8980;
	s21 =	simm.s32 $0x10  }
0x4: {  	s22 =	simm.s32 $0x8180;
	s23 =	simm.s32 $0x8A00;
	s24 =	simm.s32 $0x0  }
0x5: {  	s8 =	sand.u32 $0x1, s3;
	s25 =	sshll.u32 s1, $0x1;
	[smem:$0x7FF] =	sst s2  }
0x6: {  	s3 =	sadd.s32 $0x36E00, s4;
	s12 =	sadd.s32 $0x27800, s4;
	s13 =	smul.u32 $0x4E200, s1  }
0x7: {  	s11 =	sadd.s32 $0x1DA00, s4;
	s9 =	sadd.s32 $0x85200, s4;
	s15 =	smul.u32 $0x4E20, s1  }
0x8: {  	s10 =	sadd.s32 $0x567200, s4;
	s26 =	ssub.s32 $0x2, s8;
	s16 =	smul.u32 $0x2710, s8  }
0x9: {  	s5 =	sor.u32 s8, s25;
	s17 =	smul.u32 $0x27100, s8;
	s28 =	sshrl.u32 s26, $0x1  }
0xa: {  	_ =	strace $0x80000047;
	s5 =	smul.u32 $0x2710, s5;
	s14 =	ssub.s32 s26, s28  }
0xb: {  	s30 =	sadd.s32 s16, s15;
	s15 =	simm.s32 $0x80;
	s16 =	simm.s32 $0x4100  }
0xc: {  	s6 =	sadd.s32 $0x2700, s5;
	s8 =	smax.u32 s14, $0x1;
	s31 =	sshrl.u32 s30, $0x3  }
0xd: {  	s14 =	simm.s32 $0x4080;
	s7 =	sshrl.u32 s6, $0x3;
	s29 =	sshll.u32 s6, $0x4  }
0xe: {  	s4 =	sadd.s32 s12, s7;
	s5 =	sadd.s32 s11, s7;
	s6 =	sadd.s32 s9, s29  }
0xf: {  	s7 =	sadd.s32 s10, s29;
	s9 =	sadd.s32 s13, s9;
	s10 =	sadd.s32 s13, s10  }
0x10: {  	s11 =	sadd.s32 s31, s11;
	s12 =	sadd.s32 s31, s12;
	s13 =	simm.s32 $0x3  }
0x11: {  	s9 =	sadd.s32 s17, s9;
	s10 =	sadd.s32 s17, s10;
	s17 =	simm.s32 $0x1  }
.LBB2_1:
0x12: {  	s25 =	sadd.s32 $0x0, s12  }
0x13: {  	[tilespmem:s2], [sflag:$0x3] =	stream.linear.gather [hbm4b:s25+s2], $0x80, $0x38;
	[tilespmem:$0x9200] =	vst v63  }
0x14: {  	_ =	swait.ge [sflag:s13], $0x80  }
0x15: {  	[sflag:s13] =	ssyncset.done $0x0  }
0x16: {  	s31 =	sadd.s32 $0x0, s11;
	[sflag:s13] =	ssyncadd.s32 $0xFFFFFF80  }
0x17: {  	[tilespmem:s14], [sflag:$0x3] =	stream.linear.gather [hbm4b:s31+s2], $0x80, $0x38;
	[tilespmem:$0x9200] =	vst v63  }
0x18: {  	_ =	swait.ge [sflag:s13], $0x80  }
0x19: {  	[sflag:s13] =	ssyncset.done $0x0  }
0x1a: {  	[sflag:s13] =	ssyncadd.s32 $0xFFFFFF80  }
0x1b: {  	[tilespmem:s15], [sflag:$0x1] =	stream.indirect.gather [hbm4b:s3+s15], $0x80, s2, s15, $0xb8;
	[tilespmem:$0x9200] =	vst v63  }
0x1c: {  	_ = 	snop  }
0x1d: {  	[tilespmem:s16], [sflag:$0x2] =	stream.indirect.gather [hbm4b:s3+s15], $0x80, s14, s15, $0xb8;
	[tilespmem:$0x9200] =	vst v63  }
0x1e: {  	_ =	swait.ge [sflag:s17], $0x4000  }
0x1f: {  	[sflag:s17] =	ssyncset.done $0x0  }
0x20: {  	[sflag:s17] =	ssyncadd.s32 $0xFFFFC000  }
0x21: {  	[hbm4b:s9+s2] =	stream.linear.scatter [tilespmem:s15], [sflag:$0x3], $0x4000, $0x38;
	[tilespmem:$0x9200] =	vst v63  }
0x22: {  	_ =	swait.ge [sflag:s13], $0x4000  }
0x23: {  	[sflag:s13] =	ssyncset.done $0x0  }
0x24: {  	[sflag:s13] =	ssyncadd.s32 $0xFFFFC000  }
0x25: {  	_ =	swait.ge [sflag:s18], $0x4000  }
0x26: {  	[sflag:s18] =	ssyncset.done $0x0  }
0x27: {  	[sflag:s18] =	ssyncadd.s32 $0xFFFFC000  }
0x28: {  	[hbm4b:s10+s2] =	stream.linear.scatter [tilespmem:s16], [sflag:$0x3], $0x4000, $0x38;
	[tilespmem:$0x9200] =	vst v63  }
0x29: {  	s28 =	simm.s32 $0x10;
	s29 =	simm.s32 $0x20;
	_ =	swait.ge [sflag:s13], $0x4000  }
0x2a: {  	s26 =	sadd.s32 $0x800, s9;
	s25 =	sadd.s32 $0x800, s10;
	[sflag:s13] =	ssyncset.done $0x0  }
.LBB2_2:
0x2b: {  	s30 =	sadd.s32 s28, s12  }
0x2c: {  	[sflag:s13] =	ssyncadd.s32 $0xFFFFC000;
	s31 =	smov.u32 s29;
	s0 =	sadd.s32 $0x10, s29  }
0x2d: {  	[tilespmem:s2], [sflag:$0x3] =	stream.linear.gather [hbm4b:s30+s2], $0x80, $0x38;
	[tilespmem:$0x9200] =	vst v63  }
0x2e: {  	p0 =	sne.s32 s29, $0x4D0;
	_ =	swait.ge [sflag:s13], $0x80  }
0x2f: {  	[sflag:s13] =	ssyncset.done $0x0  }
0x30: {  	s29 =	sadd.s32 s28, s11;
	s28 =	smov.u32 s31;
	[sflag:s13] =	ssyncadd.s32 $0xFFFFFF80  }
0x31: {  	[tilespmem:s14], [sflag:$0x3] =	stream.linear.gather [hbm4b:s29+s2], $0x80, $0x38;
	[tilespmem:$0x9200] =	vst v63  }
0x32: {  	_ =	swait.ge [sflag:s13], $0x80  }
0x33: {  	[sflag:s13] =	ssyncset.done $0x0  }
0x34: {  	[sflag:s13] =	ssyncadd.s32 $0xFFFFFF80  }
0x35: {  	[tilespmem:s15], [sflag:$0x1] =	stream.indirect.gather [hbm4b:s3+s15], $0x80, s2, s15, $0xb8;
	[tilespmem:$0x9200] =	vst v63  }
0x36: {  	_ = 	snop  }
0x37: {  	[tilespmem:s16], [sflag:$0x2] =	stream.indirect.gather [hbm4b:s3+s15], $0x80, s14, s15, $0xb8;
	[tilespmem:$0x9200] =	vst v63  }
0x38: {  	_ =	swait.ge [sflag:s17], $0x4000  }
0x39: {  	[sflag:s17] =	ssyncset.done $0x0  }
0x3a: {  	[sflag:s17] =	ssyncadd.s32 $0xFFFFC000  }
0x3b: {  	[hbm4b:s26+s2] =	stream.linear.scatter [tilespmem:s15], [sflag:$0x3], $0x4000, $0x38;
	[tilespmem:$0x9200] =	vst v63  }
0x3c: {  	_ =	swait.ge [sflag:s13], $0x4000  }
0x3d: {  	[sflag:s13] =	ssyncset.done $0x0  }
0x3e: {  	[sflag:s13] =	ssyncadd.s32 $0xFFFFC000  }
0x3f: {  	_ =	swait.ge [sflag:s18], $0x4000  }
.Ltmp0:
0x40: {  	[sflag:s18] =	ssyncset.done $0x0;
	(pc) =	sbr.rel @p0 .LBB2_2-.Ltmp0, $4  }
0x41: {  	[sflag:s18] =	ssyncadd.s32 $0xFFFFC000  }
0x42: {  	[hbm4b:s25+s2] =	stream.linear.scatter [tilespmem:s16], [sflag:$0x3], $0x4000, $0x38;
	[tilespmem:$0x9200] =	vst v63  }
0x43: {  	s29 =	smov.u32 s0;
	_ =	swait.ge [sflag:s13], $0x4000  }
0x44: {  	s26 =	sadd.s32 $0x800, s26;
	s25 =	sadd.s32 $0x800, s25;
	[sflag:s13] =	ssyncset.done $0x0  }
0x45: {  	s0 =	sadd.s32 s28, s12;
	[sflag:s13] =	ssyncadd.s32 $0xFFFFC000  }
0x46: {  	[tilespmem:s2], [sflag:$0x3] =	stream.linear.gather [hbm4b:s0+s2], $0x80, $0x38;
	[tilespmem:$0x9200] =	vst v63  }
0x47: {  	_ =	swait.ge [sflag:s13], $0x80  }
0x48: {  	[sflag:s13] =	ssyncset.done $0x0  }
0x49: {  	s31 =	sadd.s32 s28, s11;
	[sflag:s13] =	ssyncadd.s32 $0xFFFFFF80  }
0x4a: {  	[tilespmem:s14], [sflag:$0x3] =	stream.linear.gather [hbm4b:s31+s2], $0x80, $0x38;
	[tilespmem:$0x9200] =	vst v63  }
0x4b: {  	_ =	swait.ge [sflag:s13], $0x80  }
0x4c: {  	[sflag:s13] =	ssyncset.done $0x0  }
0x4d: {  	[sflag:s13] =	ssyncadd.s32 $0xFFFFFF80  }
0x4e: {  	[tilespmem:s15], [sflag:$0x1] =	stream.indirect.gather [hbm4b:s3+s15], $0x80, s2, s15, $0xb8;
	[tilespmem:$0x9200] =	vst v63  }
0x4f: {  	_ = 	snop  }
0x50: {  	[tilespmem:s16], [sflag:$0x2] =	stream.indirect.gather [hbm4b:s3+s15], $0x80, s14, s15, $0xb8;
	[tilespmem:$0x9200] =	vst v63  }
0x51: {  	_ =	swait.ge [sflag:s17], $0x4000  }
0x52: {  	[sflag:s17] =	ssyncset.done $0x0  }
0x53: {  	[sflag:s17] =	ssyncadd.s32 $0xFFFFC000  }
0x54: {  	[hbm4b:s26+s2] =	stream.linear.scatter [tilespmem:s15], [sflag:$0x3], $0x4000, $0x38;
	[tilespmem:$0x9200] =	vst v63  }
0x55: {  	_ =	swait.ge [sflag:s13], $0x4000  }
0x56: {  	[sflag:s13] =	ssyncset.done $0x0  }
0x57: {  	[sflag:s13] =	ssyncadd.s32 $0xFFFFC000  }
0x58: {  	_ =	swait.ge [sflag:s18], $0x4000  }
0x59: {  	[sflag:s18] =	ssyncset.done $0x0  }
0x5a: {  	[sflag:s18] =	ssyncadd.s32 $0xFFFFC000  }
0x5b: {  	[hbm4b:s25+s2] =	stream.linear.scatter [tilespmem:s16], [sflag:$0x3], $0x4000, $0x38;
	[tilespmem:$0x9200] =	vst v63  }
0x5c: {  	_ =	swait.ge [sflag:s13], $0x4000  }
0x5d: {  	[sflag:s13] =	ssyncset.done $0x0  }
0x5e: {  	[sflag:s13] =	ssyncadd.s32 $0xFFFFC000  }
0x5f: {  	[tilespmem:s19], [sflag:$0x3] =	stream.linear.gather [hbm4b:s4+s2], $0x10, $0x38;
	[tilespmem:$0x9200] =	vst v63  }
0x60: {  	_ =	swait.ge [sflag:s13], $0x10  }
0x61: {  	[sflag:s13] =	ssyncset.done $0x0  }
0x62: {  	[sflag:s13] =	ssyncadd.s32 $0xFFFFFFF0  }
0x63: {  	[tilespmem:s20], [sflag:$0x3] =	stream.linear.gather [hbm4b:s5+s2], $0x10, $0x38;
	[tilespmem:$0x9200] =	vst v63  }
0x64: {  	_ =	swait.ge [sflag:s13], $0x10  }
0x65: {  	[sflag:s13] =	ssyncset.done $0x0  }
0x66: {  	[sflag:s13] =	ssyncadd.s32 $0xFFFFFFF0  }
0x67: {  	[tilespmem:s22], [sflag:$0x1] =	stream.indirect.gather [hbm4b:s3+s21], $0x80, s19, s21, $0xb8;
	[tilespmem:$0x9200] =	vst v63  }
0x68: {  	_ = 	snop  }
0x69: {  	[tilespmem:s23], [sflag:$0x2] =	stream.indirect.gather [hbm4b:s3+s21], $0x80, s20, s21, $0xb8;
	[tilespmem:$0x9200] =	vst v63  }
0x6a: {  	_ =	swait.ge [sflag:s17], $0x800  }
0x6b: {  	[sflag:s17] =	ssyncset.done $0x0  }
0x6c: {  	[sflag:s17] =	ssyncadd.s32 $0xFFFFF800  }
0x6d: {  	[hbm4b:s6+s2] =	stream.linear.scatter [tilespmem:s22], [sflag:$0x3], $0x800, $0x38;
	[tilespmem:$0x9200] =	vst v63  }
0x6e: {  	_ =	swait.ge [sflag:s13], $0x800  }
0x6f: {  	[sflag:s13] =	ssyncset.done $0x0  }
0x70: {  	[sflag:s13] =	ssyncadd.s32 $0xFFFFF800  }
0x71: {  	s24 =	sadd.s32 $0x1, s24;
	_ =	swait.ge [sflag:s18], $0x800  }
0x72: {  	p0 =	sne.s32 s24, s8;
	[sflag:s18] =	ssyncset.done $0x0  }
.Ltmp1:
0x73: {  	[sflag:s18] =	ssyncadd.s32 $0xFFFFF800;
	(pc) =	sbr.rel @p0 .LBB2_1-.Ltmp1, $4  }
0x74: {  	[hbm4b:s7+s2] =	stream.linear.scatter [tilespmem:s23], [sflag:$0x3], $0x800, $0x38;
	[tilespmem:$0x9200] =	vst v63  }
0x75: {  	_ =	swait.ge [sflag:s13], $0x800  }
0x76: {  	[sflag:s13] =	ssyncset.done $0x0  }
0x77: {  	[sflag:s13] =	ssyncadd.s32 $0xFFFFF800  }
0x78: {  	_ =	sfence.sel $0x180000  }
0x79: {  	[bflag:$0x0] =	sbarrier.arrive $0xFFFF  }
0x7a: {  	_ =	strace $0x90000047  }
0x7b: {  	[bflag:$0x2] =	sbarrier.arrive $0xFFFF  }
0x7c: {  	p0 =	sne.s32 s1, $0x0;
	s0 =	rddreg [dreg:$0x1]  }
0x7d: {  	s0 =	sadd.s32 @!p0 $0x100000, s0  }
0x7e: {  	[sflag:s0] =	ssyncadd.tile.s32 @!p0 $0x1;
	_ =	shalt  }
.Lfunc_end2:
_tile_overlayer_lowered:
.L_overlay_start_2:
0x7f: {  	(tag) =	ssettag $0x2  }
0x80: {  	s0 =	rddreg [dreg:$0x0];
	s2 =	stileid.u32  }
0x81: {  	s1 =	rddreg [dreg:$0x1];
	p0 =	sne.s32 s2, $0x0  }
0x82: {  	s3 =	rddreg [dreg:$0x2];
	[bflag:$0x3] =	sbarrier.arrive $0xFFFF;
	s2 =	simm.s32 @!p0 $0x1C03  }
0x83: {  	[timem:s3], [sflag:s2] =	dma.local @!p0 [hbm:s0], s1  }
0x84: {  	s0 =	simm.s32 @!p0 $0x3  }
0x85: {  	_ =	swait.ge @!p0 [sflag:s0], s1  }
0x86: {  	s1 =	ssub.s32 @!p0 $0x0, s1;
	[sflag:s0] =	ssyncset.done @!p0 $0x0  }
0x87: {  	[sflag:s0] =	ssyncadd.s32 @!p0 s1  }
0x88: {  	[bflag:$0x3] =	sbarrier.arrive $0xFFFF  }
0x89: {  	_ =	shalt  }

// kernel: kernel.30.cloned.1.call-start
scs
__scs_entry_jumppad:
0x0: {  	(pc) =	sbr.rel $0x88, $3  }
0x1: {  	(tag) =	ssettag $0x0;
	lr =	simm.s32 $0x1  }
0x2: {  	[smem:$0x3F6F] =	sst lr;
	_ =	strace $0xD0000000  }
0x3: {  	_ = 	snop  }
0x4: {  	_ = 	snop  }
0x5: {  	_ = 	snop  }
0x6: {  	_ = 	snop  }
0x7: {  	_ = 	snop  }
__scs_overlays_trampoline_lowered:
0x8: {  	[smem:$0x3F7E] =	sst s0  }
0x9: {  	[smem:$0x3F7F] =	sst s1  }
0xa: {  	[smem:$0x3F80] =	sst s2  }
0xb: {  	[smem:$0x3F81] =	sst s3  }
0xc: {  	[smem:$0x3F82] =	sst s4  }
0xd: {  	[smem:$0x3F83] =	sst s5  }
0xe: {  	[smem:$0x3F84] =	sst s6  }
0xf: {  	[smem:$0x3F85] =	sst s7  }
0x10: {  	[smem:$0x3F86] =	sst s8  }
0x11: {  	[smem:$0x3F87] =	sst s9;
	s0 =	simm.s32 @!p0 $0x0  }
0x12: {  	s1 =	sld [smem:$0x3F6D];
	s0 =	simm.s32 @p0 $0x1  }
0x13: {  	[smem:$0x3F88] =	sst s0;
	s0 =	simm.s32 @!p1 $0x0  }
0x14: {  	s2 =	sld [smem:$0x3F6C];
	s0 =	simm.s32 @p1 $0x1  }
0x15: {  	[smem:$0x3F89] =	sst s0;
	s0 =	simm.s32 @!p2 $0x0  }
0x16: {  	s3 =	sld [smem:$0x3FDB];
	s0 =	simm.s32 @p2 $0x1  }
0x17: {  	s4 =	simm.s32 $0x1BF5;
	[smem:$0x3F8B] =	sst s0  }
0x18: {  	s0 =	sld [smem:$0x3F6E];
	_ =	swait.ge [sflag:s4], $0x0  }
0x19: {  	s7 =	sld [smem:$0x3F6F]  }
0x1a: {  	s8 =	sadd.s32 $0xFFFFE003, lr  }
0x1b: {  	s9 =	sadd.s32 $0xFFFFFEF7, lr;
	s5 =	simm.s32 $0xFFFFFFFF;
	p2 =	slt.u32 s8, $0xFFFFF086  }
0x1c: {  	p1 =	slt.u32 s9, $0xF7A;
	s5 =	simm.s32 @!p2 $0x0  }
0x1d: {  	s5 =	simm.s32 @p1 $0x1;
	p0 =	seq.s32 s7, s2  }
0x1e: {  	s7 =	smul.u32 @!p0 $0xF7A, s2;
	p2 =	seq.s32 @!p0 s5, $0x0  }
0x1f: {  	s9 =	smul.u32 $0xF7A, s1;
	s8 =	simm.s32 @!p0 $0x1BF5;
	p2 =	por !p2, p0  }
0x20: {  	[sflag:s8] =	ssyncset.s32 @!p0 $0xFFFFF086;
	s6 =	sadd.s32 @!p0 s3, s7;
	s7 =	simm.s32 @!p0 $0x108  }
0x21: {  	s3 =	sadd.s32 s3, s9;
	s6 =	sadd.s32 @!p0 $0x88, s6;
	s7 =	simm.s32 @p2 $0x1082  }
0x22: {  	[simem:s7], [sflag:s8] =	dma.local @!p0 [hbm:s6], $0xF7A  }
0x23: {  	s9 =	sor.u32 $0xD0000000, s2;
	s6 =	simm.s32 $0x108;
	_ =	swait.ge @!p0 [sflag:s8], $0x0  }
0x24: {  	s3 =	sadd.s32 $0x88, s3;
	s6 =	simm.s32 @!p1 $0x1082;
	[sflag:s4] =	ssyncset.s32 $0xFFFFF086  }
0x25: {  	[simem:s6], [sflag:s4] =	dma.local [hbm:s3], $0xF7A  }
0x26: {  	[smem:$0x3F6F] =	sst s1;
	(tag) =	ssettag s2;
	_ =	strace s9  }
0x27: {  	s1 =	sld [smem:$0x3F7F]  }
0x28: {  	s2 =	sld [smem:$0x3F80]  }
0x29: {  	s4 =	sld [smem:$0x3F82]  }
0x2a: {  	p0 =	seq.s32 s5, $0x0;
	s5 =	sld [smem:$0x3F83]  }
0x2b: {  	s6 =	sld [smem:$0x3F84]  }
0x2c: {  	s7 =	sld [smem:$0x3F85]  }
0x2d: {  	s3 =	simm.s32 $0x108;
	s8 =	sld [smem:$0x3F86]  }
0x2e: {  	s3 =	simm.s32 @!p0 $0x1082;
	s9 =	sld [smem:$0x3F87]  }
0x2f: {  	lr =	sadd.s32 s0, s3;
	s0 =	sld [smem:$0x3F7E]  }
0x30: {  	s3 =	sld [smem:$0x3F81]  }
0x31: {  	[smem:$0x3F8A] =	sst s10  }
0x32: {  	s10 =	sld [smem:$0x3F88];
	_ =	sdelay $0x3  }
0x33: {  	p0 =	seq.s32 s10, $0x1;
	s10 =	sld [smem:$0x3F8A];
	_ =	sdelay $0x3  }
0x34: {  	[smem:$0x3F8A] =	sst s10  }
0x35: {  	s10 =	sld [smem:$0x3F89];
	_ =	sdelay $0x3  }
0x36: {  	p1 =	seq.s32 s10, $0x1;
	s10 =	sld [smem:$0x3F8A];
	_ =	sdelay $0x3  }
0x37: {  	[smem:$0x3F8A] =	sst s10  }
0x38: {  	s10 =	sld [smem:$0x3F8B]  }
0x39: {  	_ = 	snop;
	(pc) =	sbr.ind lr, $3  }
0x3a: {  	_ = 	snop  }
0x3b: {  	_ = 	snop  }
0x3c: {  	p2 =	seq.s32 s10, $0x1;
	s10 =	sld [smem:$0x3F8A]  }
0x3d: {  	_ =	shalt  }
0x3e: {  	_ =	shalt  }
0x3f: {  	_ =	shalt  }
0x40: {  	_ =	shalt  }
0x41: {  	_ =	shalt  }
0x42: {  	_ =	shalt  }
0x43: {  	_ =	shalt  }
0x44: {  	_ =	shalt  }
0x45: {  	_ =	shalt  }
0x46: {  	_ =	shalt  }
0x47: {  	_ =	shalt  }
0x48: {  	_ =	shalt  }
0x49: {  	_ =	shalt  }
0x4a: {  	_ =	shalt  }
0x4b: {  	_ =	shalt  }
0x4c: {  	_ =	shalt  }
0x4d: {  	_ =	shalt  }
0x4e: {  	_ =	shalt  }
0x4f: {  	_ =	shalt  }
0x50: {  	_ =	shalt  }
0x51: {  	_ =	shalt  }
0x52: {  	_ =	shalt  }
0x53: {  	_ =	shalt  }
0x54: {  	_ =	shalt  }
0x55: {  	_ =	shalt  }
0x56: {  	_ =	shalt  }
0x57: {  	_ =	shalt  }
0x58: {  	_ =	shalt  }
0x59: {  	_ =	shalt  }
0x5a: {  	_ =	shalt  }
0x5b: {  	_ =	shalt  }
0x5c: {  	_ =	shalt  }
0x5d: {  	_ =	shalt  }
0x5e: {  	_ =	shalt  }
0x5f: {  	_ =	shalt  }
0x60: {  	_ =	shalt  }
0x61: {  	_ =	shalt  }
0x62: {  	_ =	shalt  }
0x63: {  	_ =	shalt  }
0x64: {  	_ =	shalt  }
0x65: {  	_ =	shalt  }
0x66: {  	_ =	shalt  }
0x67: {  	_ =	shalt  }
0x68: {  	_ =	shalt  }
0x69: {  	_ =	shalt  }
0x6a: {  	_ =	shalt  }
0x6b: {  	_ =	shalt  }
0x6c: {  	_ =	shalt  }
0x6d: {  	_ =	shalt  }
0x6e: {  	_ =	shalt  }
0x6f: {  	_ =	shalt  }
0x70: {  	_ =	shalt  }
0x71: {  	_ =	shalt  }
0x72: {  	_ =	shalt  }
0x73: {  	_ =	shalt  }
0x74: {  	_ =	shalt  }
0x75: {  	_ =	shalt  }
0x76: {  	_ =	shalt  }
0x77: {  	_ =	shalt  }
0x78: {  	_ =	shalt  }
0x79: {  	_ =	shalt  }
0x7a: {  	_ =	shalt  }
0x7b: {  	_ =	shalt  }
0x7c: {  	_ =	shalt  }
0x7d: {  	_ =	shalt  }
0x7e: {  	_ =	shalt  }
0x7f: {  	_ =	shalt  }
0x80: {  	_ =	shalt  }
0x81: {  	_ =	shalt  }
0x82: {  	_ =	shalt  }
0x83: {  	_ =	shalt  }
0x84: {  	_ =	shalt  }
0x85: {  	_ =	shalt  }
0x86: {  	_ =	shalt  }
0x87: {  	_ =	shalt  }
.Lfunc_end0:
.L_simem_size_0:
called_computation.1_lowered:
.L_overlay_start_0:
0x88: {  	s2 =	sld [smem:$0x3FD9]  }
0x89: {  	s3 =	sld [smem:$0x3FFE];
	_ =	sdelay $0x1  }
0x8a: {  	s1 =	srdreg.scid  }
0x8b: {  	s0 =	sand.u32 $0x1, s1  }
0x8c: {  	s17 =	sshll.u32 s0, $0xA;
	s2 =	sadd.s32 s3, s2  }
0x8d: {  	s2 =	sadd.s32 s2, s17  }
0x8e: {  	[smem:$0x3F96] =	sst s2  }
0x8f: {  	_ = 	snop  }
0x90: {  	(tm) =	ssettm $0x1  }
0x91: {  	s18 =	sld [smem:$0x3FFB];
	_ =	sdelay $0x3  }
0x92: {  	_ =	strace s18  }
0x93: {  	s2 =	sld [smem:$0x3FFC];
	_ =	sdelay $0x3  }
0x94: {  	_ =	strace s2  }
0x95: {  	s2 =	sld [smem:$0x3FFD];
	_ =	sdelay $0x3  }
0x96: {  	_ =	strace s2  }
0x97: {  	_ =	strace $0x8FFFFFFF  }
0x98: {  	s19 =	sld [smem:$0x3FDB];
	_ =	sdelay $0x1  }
0x99: {  	s20 =	simm.s32 $_scs_section_size  }
0x9a: {  	s4 =	simm.s32 $_size__tile_overlayer_lowered;
	s5 =	simm.s32 $_tile_overlayer_lowered  }
0x9b: {  	s6 =	simm.s32 $0x1BFF;
	s21 =	sshll.u32 s5, $0x1;
	s3 =	sadd.s32 s20, s19  }
0x9c: {  	s22 =	simm.s32 $0x0;
	s4 =	sshll.u32 s4, $0x1;
	s5 =	sadd.s32 s21, s3  }
0x9d: {  	[timem:s22], [sflag:s6] =	dma.local [hbm:s5], s4  }
0x9e: {  	_ =	swait.ge [sflag:s6], s4  }
0x9f: {  	s4 =	ssub.s32 $0x0, s4;
	[sflag:s6] =	ssyncset.done $0x0  }
0xa0: {  	[sflag:s6] =	ssyncadd.s32 s4;
	_ =	sdelay $0x1  }
0xa1: {  	s23 =	simm.s32 $0x1B8B  }
0xa2: {  	_ =	swait.ge [sflag:s23], $0x1  }
0xa3: {  	[sflag:s23] =	ssyncset.done $0x0  }
0xa4: {  	[sflag:s23] =	ssyncadd.s32 $0xFFFFFFFF  }
0xa5: {  	s4 =	sld [smem:$0x0]  }
0xa6: {  	s5 =	sand.u32 $0xFFFFFFFE, s1  }
0xa7: {  	p0 =	sne.s32 s1, s5  }
0xa8: {  	s5 =	sshll.u32 @p0 s5, $0xE  }
0xa9: {  	s5 =	sadd.s32 @p0 $0x11B8D, s5;
	s6 =	sshll.u32 @p0 s4, $0x11  }
0xaa: {  	s5 =	sor.u32 @p0 s6, s5  }
0xab: {  	[sflag:s5] =	ssyncadd.remote.s32 @p0 $0x1;
	_ =	sdelay $0x1  }
0xac: {  	s5 =	simm.s32 @p0 $0x1B8D  }
0xad: {  	_ =	swait.eq @p0 [sflag:s5], $0x1  }
0xae: {  	[sflag:s5] =	ssyncadd.s32 @p0 $0xFFFFFFFF  }
0xaf: {  	s6 =	sshll.u32 @!p0 s1, $0xE  }
0xb0: {  	s6 =	sor.u32 @!p0 $0x4000, s6;
	s5 =	simm.s32 @!p0 $0x1B8D  }
0xb1: {  	s4 =	sshll.u32 @!p0 s4, $0x11;
	s6 =	sadd.s32 @!p0 $0x11B8D, s6;
	_ =	swait.eq @!p0 [sflag:s5], $0x1  }
0xb2: {  	s4 =	sor.u32 @!p0 s4, s6;
	[sflag:s5] =	ssyncadd.s32 @!p0 $0xFFFFFFFF  }
0xb3: {  	s25 =	simm.s32 $0x1B8E;
	s24 =	sld [smem:$0x3FFE];
	[sflag:s4] =	ssyncadd.remote.s32 @!p0 $0x1  }
0xb4: {  	s26 =	simm.s32 $execute0_lowered;
	[smem:$0x3FD2] =	sst s25  }
0xb5: {  	s5 =	sshll.u32 s26, $0x1;
	_ =	strace $0x8000004C;
	[dreg:$0x1] =	wrdreg $0xFFFFFFFF  }
0xb6: {  	s28 =	simm.s32 $_size_execute0_lowered;
	s3 =	sadd.s32 s3, s5;
	[dreg:$0x0] =	wrdreg $0x0  }
0xb7: {  	s5 =	sshll.u32 s28, $0x1;
	[dreg:$0x2] =	wrdreg s3  }
0xb8: {  	[dreg:$0x3] =	wrdreg s5  }
0xb9: {  	[dreg:$0x4] =	wrdreg $0xC0  }
0xba: {  	_ =	task [dreg:s22], $0x5FFFF  }
0xbb: {  	[dreg:$0x1] =	wrdreg $0xFFFFFFFF  }
0xbc: {  	[dreg:$0x0] =	wrdreg $0x60  }
0xbd: {  	[dreg:$0x2] =	wrdreg s24  }
0xbe: {  	[dreg:$0x3] =	wrdreg $0x9  }
0xbf: {  	_ =	task.clear_ibuf [dreg:s22], $0x4FFFF;
	_ =	strace $0x9000004C  }
0xc0: {  	s29 =	simm.s32 $0x9;
	_ =	strace $0x8000004E  }
0xc1: {  	_ =	swait.ge [sflag:s29], $0x1  }
0xc2: {  	[sflag:s29] =	ssyncadd.s32 $0xFFFFFFFF  }
0xc3: {  	_ =	strace $0x9000004E  }
0xc4: {  	_ =	sfence  }
0xc5: {  	s30 =	sld [smem:$0x0];
	_ =	sdelay $0x2  }
0xc6: {  	s31 =	sshll.u32 s1, $0xD;
	s1 =	sshrl.u32 s1, $0x2  }
0xc7: {  	s4 =	sand.u32 $0x4000, s31;
	s1 =	sadd.s32 s1, s30  }
0xc8: {  	s0 =	sor.u32 s4, s0;
	s1 =	sshll.u32 s1, $0x11  }
0xc9: {  	s0 =	sor.u32 s1, s0  }
0xca: {  	s0 =	sadd.s32 $0x8F2B, s0  }
0xcb: {  	[sflag:s0] =	ssyncadd.remote.s32 $0x1  }
0xcc: {  	_ =	sfence.sel $0xFFFF  }
0xcd: {  	[dreg:$0x0] =	wrdreg $0xFFFFFFFF;
	(pc) =	sbr.abs _section_cstart, $3  }
0xce: {  	[dreg:$0x1] =	wrdreg $0xFFFFFFFF  }
0xcf: {  	_ =	task.clear_ibuf [dreg:s22], $0x2FFFF;
	_ =	strace $0x9FFFFFFF  }
0xd0: {  	(tm) =	ssettm $0x7FFFFFFF  }
0xd1: {  	_ =	shalt  }
tec
execute0_lowered:
.L_overlay_start_1:
0x0: {  	(tag) =	ssettag $0x1  }
0x1: {  	s4 =	rddreg [dreg:$0x0];
	s2 =	simm.s32 $0x0  }
0x2: {  	s3 =	srdreg.scid;
	s1 =	stileid.u32;
	s18 =	simm.s32 $0x2  }
0x3: {  	s19 =	simm.s32 $0x8100;
	s20 =	simm.s32 $0x8980;
	s21 =	simm.s32 $0x10  }
0x4: {  	s22 =	simm.s32 $0x8180;
	s23 =	simm.s32 $0x8A00;
	s24 =	simm.s32 $0x0  }
0x5: {  	s8 =	sand.u32 $0x1, s3;
	s3 =	sadd.s32 $0xAC1600, s4;
	s12 =	sadd.s32 $0xB19800, s4  }
0x6: {  	[smem:$0x7FF] =	sst s2;
	s11 =	sadd.s32 $0xB0FA00, s4;
	s13 =	smul.u32 $0x4E200, s1  }
0x7: {  	s5 =	sshll.u32 s1, $0x1;
	s9 =	sadd.s32 $0xB23600, s4;
	s15 =	smul.u32 $0x4E20, s1  }
0x8: {  	s10 =	sadd.s32 $0x85200, s4;
	s26 =	ssub.s32 $0x2, s8;
	s16 =	smul.u32 $0x2710, s8  }
0x9: {  	s5 =	sor.u32 s8, s5;
	s17 =	smul.u32 $0x27100, s8;
	s28 =	sshrl.u32 s26, $0x1  }
0xa: {  	_ =	strace $0x8000004D;
	s5 =	smul.u32 $0x2710, s5;
	s14 =	ssub.s32 s26, s28  }
0xb: {  	s30 =	sadd.s32 s16, s15;
	s15 =	simm.s32 $0x80;
	s16 =	simm.s32 $0x4100  }
0xc: {  	s6 =	sadd.s32 $0x2700, s5;
	s8 =	smax.u32 s14, $0x1;
	s31 =	sshrl.u32 s30, $0x3  }
0xd: {  	s14 =	simm.s32 $0x4080;
	s7 =	sshrl.u32 s6, $0x3;
	s29 =	sshll.u32 s6, $0x4  }
0xe: {  	s4 =	sadd.s32 s12, s7;
	s5 =	sadd.s32 s11, s7;
	s6 =	sadd.s32 s9, s29  }
0xf: {  	s7 =	sadd.s32 s10, s29;
	s9 =	sadd.s32 s13, s9;
	s10 =	sadd.s32 s13, s10  }
0x10: {  	s11 =	sadd.s32 s31, s11;
	s12 =	sadd.s32 s31, s12;
	s13 =	simm.s32 $0x3  }
0x11: {  	s9 =	sadd.s32 s17, s9;
	s10 =	sadd.s32 s17, s10;
	s17 =	simm.s32 $0x1  }
.LBB2_1:
0x12: {  	s25 =	sadd.s32 $0x0, s12  }
0x13: {  	[tilespmem:s2], [sflag:$0x3] =	stream.linear.gather [hbm4b:s25+s2], $0x80, $0x38;
	[tilespmem:$0x9200] =	vst v63  }
0x14: {  	_ =	swait.ge [sflag:s13], $0x80  }
0x15: {  	[sflag:s13] =	ssyncset.done $0x0  }
0x16: {  	s31 =	sadd.s32 $0x0, s11;
	[sflag:s13] =	ssyncadd.s32 $0xFFFFFF80  }
0x17: {  	[tilespmem:s14], [sflag:$0x3] =	stream.linear.gather [hbm4b:s31+s2], $0x80, $0x38;
	[tilespmem:$0x9200] =	vst v63  }
0x18: {  	_ =	swait.ge [sflag:s13], $0x80  }
0x19: {  	[sflag:s13] =	ssyncset.done $0x0  }
0x1a: {  	[sflag:s13] =	ssyncadd.s32 $0xFFFFFF80  }
0x1b: {  	[tilespmem:s15], [sflag:$0x1] =	stream.indirect.gather [hbm4b:s3+s15], $0x80, s2, s15, $0xb8;
	[tilespmem:$0x9200] =	vst v63  }
0x1c: {  	_ = 	snop  }
0x1d: {  	[tilespmem:s16], [sflag:$0x2] =	stream.indirect.gather [hbm4b:s3+s15], $0x80, s14, s15, $0xb8;
	[tilespmem:$0x9200] =	vst v63  }
0x1e: {  	_ =	swait.ge [sflag:s17], $0x4000  }
0x1f: {  	[sflag:s17] =	ssyncset.done $0x0  }
0x20: {  	[sflag:s17] =	ssyncadd.s32 $0xFFFFC000  }
0x21: {  	[hbm4b:s9+s2] =	stream.linear.scatter [tilespmem:s15], [sflag:$0x3], $0x4000, $0x38;
	[tilespmem:$0x9200] =	vst v63  }
0x22: {  	_ =	swait.ge [sflag:s13], $0x4000  }
0x23: {  	[sflag:s13] =	ssyncset.done $0x0  }
0x24: {  	[sflag:s13] =	ssyncadd.s32 $0xFFFFC000  }
0x25: {  	_ =	swait.ge [sflag:s18], $0x4000  }
0x26: {  	[sflag:s18] =	ssyncset.done $0x0  }
0x27: {  	[sflag:s18] =	ssyncadd.s32 $0xFFFFC000  }
0x28: {  	[hbm4b:s10+s2] =	stream.linear.scatter [tilespmem:s16], [sflag:$0x3], $0x4000, $0x38;
	[tilespmem:$0x9200] =	vst v63  }
0x29: {  	s28 =	simm.s32 $0x10;
	s29 =	simm.s32 $0x20;
	_ =	swait.ge [sflag:s13], $0x4000  }
0x2a: {  	s26 =	sadd.s32 $0x800, s9;
	s25 =	sadd.s32 $0x800, s10;
	[sflag:s13] =	ssyncset.done $0x0  }
.LBB2_2:
0x2b: {  	s30 =	sadd.s32 s28, s12  }
0x2c: {  	[sflag:s13] =	ssyncadd.s32 $0xFFFFC000;
	s31 =	smov.u32 s29;
	s0 =	sadd.s32 $0x10, s29  }
0x2d: {  	[tilespmem:s2], [sflag:$0x3] =	stream.linear.gather [hbm4b:s30+s2], $0x80, $0x38;
	[tilespmem:$0x9200] =	vst v63  }
0x2e: {  	p0 =	sne.s32 s29, $0x4D0;
	_ =	swait.ge [sflag:s13], $0x80  }
0x2f: {  	[sflag:s13] =	ssyncset.done $0x0  }
0x30: {  	s29 =	sadd.s32 s28, s11;
	s28 =	smov.u32 s31;
	[sflag:s13] =	ssyncadd.s32 $0xFFFFFF80  }
0x31: {  	[tilespmem:s14], [sflag:$0x3] =	stream.linear.gather [hbm4b:s29+s2], $0x80, $0x38;
	[tilespmem:$0x9200] =	vst v63  }
0x32: {  	_ =	swait.ge [sflag:s13], $0x80  }
0x33: {  	[sflag:s13] =	ssyncset.done $0x0  }
0x34: {  	[sflag:s13] =	ssyncadd.s32 $0xFFFFFF80  }
0x35: {  	[tilespmem:s15], [sflag:$0x1] =	stream.indirect.gather [hbm4b:s3+s15], $0x80, s2, s15, $0xb8;
	[tilespmem:$0x9200] =	vst v63  }
0x36: {  	_ = 	snop  }
0x37: {  	[tilespmem:s16], [sflag:$0x2] =	stream.indirect.gather [hbm4b:s3+s15], $0x80, s14, s15, $0xb8;
	[tilespmem:$0x9200] =	vst v63  }
0x38: {  	_ =	swait.ge [sflag:s17], $0x4000  }
0x39: {  	[sflag:s17] =	ssyncset.done $0x0  }
0x3a: {  	[sflag:s17] =	ssyncadd.s32 $0xFFFFC000  }
0x3b: {  	[hbm4b:s26+s2] =	stream.linear.scatter [tilespmem:s15], [sflag:$0x3], $0x4000, $0x38;
	[tilespmem:$0x9200] =	vst v63  }
0x3c: {  	_ =	swait.ge [sflag:s13], $0x4000  }
0x3d: {  	[sflag:s13] =	ssyncset.done $0x0  }
0x3e: {  	[sflag:s13] =	ssyncadd.s32 $0xFFFFC000  }
0x3f: {  	_ =	swait.ge [sflag:s18], $0x4000  }
.Ltmp0:
0x40: {  	[sflag:s18] =	ssyncset.done $0x0;
	(pc) =	sbr.rel @p0 .LBB2_2-.Ltmp0, $4  }
0x41: {  	[sflag:s18] =	ssyncadd.s32 $0xFFFFC000  }
0x42: {  	[hbm4b:s25+s2] =	stream.linear.scatter [tilespmem:s16], [sflag:$0x3], $0x4000, $0x38;
	[tilespmem:$0x9200] =	vst v63  }
0x43: {  	s29 =	smov.u32 s0;
	_ =	swait.ge [sflag:s13], $0x4000  }
0x44: {  	s26 =	sadd.s32 $0x800, s26;
	s25 =	sadd.s32 $0x800, s25;
	[sflag:s13] =	ssyncset.done $0x0  }
0x45: {  	s0 =	sadd.s32 s28, s12;
	[sflag:s13] =	ssyncadd.s32 $0xFFFFC000  }
0x46: {  	[tilespmem:s2], [sflag:$0x3] =	stream.linear.gather [hbm4b:s0+s2], $0x80, $0x38;
	[tilespmem:$0x9200] =	vst v63  }
0x47: {  	_ =	swait.ge [sflag:s13], $0x80  }
0x48: {  	[sflag:s13] =	ssyncset.done $0x0  }
0x49: {  	s31 =	sadd.s32 s28, s11;
	[sflag:s13] =	ssyncadd.s32 $0xFFFFFF80  }
0x4a: {  	[tilespmem:s14], [sflag:$0x3] =	stream.linear.gather [hbm4b:s31+s2], $0x80, $0x38;
	[tilespmem:$0x9200] =	vst v63  }
0x4b: {  	_ =	swait.ge [sflag:s13], $0x80  }
0x4c: {  	[sflag:s13] =	ssyncset.done $0x0  }
0x4d: {  	[sflag:s13] =	ssyncadd.s32 $0xFFFFFF80  }
0x4e: {  	[tilespmem:s15], [sflag:$0x1] =	stream.indirect.gather [hbm4b:s3+s15], $0x80, s2, s15, $0xb8;
	[tilespmem:$0x9200] =	vst v63  }
0x4f: {  	_ = 	snop  }
0x50: {  	[tilespmem:s16], [sflag:$0x2] =	stream.indirect.gather [hbm4b:s3+s15], $0x80, s14, s15, $0xb8;
	[tilespmem:$0x9200] =	vst v63  }
0x51: {  	_ =	swait.ge [sflag:s17], $0x4000  }
0x52: {  	[sflag:s17] =	ssyncset.done $0x0  }
0x53: {  	[sflag:s17] =	ssyncadd.s32 $0xFFFFC000  }
0x54: {  	[hbm4b:s26+s2] =	stream.linear.scatter [tilespmem:s15], [sflag:$0x3], $0x4000, $0x38;
	[tilespmem:$0x9200] =	vst v63  }
0x55: {  	_ =	swait.ge [sflag:s13], $0x4000  }
0x56: {  	[sflag:s13] =	ssyncset.done $0x0  }
0x57: {  	[sflag:s13] =	ssyncadd.s32 $0xFFFFC000  }
0x58: {  	_ =	swait.ge [sflag:s18], $0x4000  }
0x59: {  	[sflag:s18] =	ssyncset.done $0x0  }
0x5a: {  	[sflag:s18] =	ssyncadd.s32 $0xFFFFC000  }
0x5b: {  	[hbm4b:s25+s2] =	stream.linear.scatter [tilespmem:s16], [sflag:$0x3], $0x4000, $0x38;
	[tilespmem:$0x9200] =	vst v63  }
0x5c: {  	_ =	swait.ge [sflag:s13], $0x4000  }
0x5d: {  	[sflag:s13] =	ssyncset.done $0x0  }
0x5e: {  	[sflag:s13] =	ssyncadd.s32 $0xFFFFC000  }
0x5f: {  	[tilespmem:s19], [sflag:$0x3] =	stream.linear.gather [hbm4b:s4+s2], $0x10, $0x38;
	[tilespmem:$0x9200] =	vst v63  }
0x60: {  	_ =	swait.ge [sflag:s13], $0x10  }
0x61: {  	[sflag:s13] =	ssyncset.done $0x0  }
0x62: {  	[sflag:s13] =	ssyncadd.s32 $0xFFFFFFF0  }
0x63: {  	[tilespmem:s20], [sflag:$0x3] =	stream.linear.gather [hbm4b:s5+s2], $0x10, $0x38;
	[tilespmem:$0x9200] =	vst v63  }
0x64: {  	_ =	swait.ge [sflag:s13], $0x10  }
0x65: {  	[sflag:s13] =	ssyncset.done $0x0  }
0x66: {  	[sflag:s13] =	ssyncadd.s32 $0xFFFFFFF0  }
0x67: {  	[tilespmem:s22], [sflag:$0x1] =	stream.indirect.gather [hbm4b:s3+s21], $0x80, s19, s21, $0xb8;
	[tilespmem:$0x9200] =	vst v63  }
0x68: {  	_ = 	snop  }
0x69: {  	[tilespmem:s23], [sflag:$0x2] =	stream.indirect.gather [hbm4b:s3+s21], $0x80, s20, s21, $0xb8;
	[tilespmem:$0x9200] =	vst v63  }
0x6a: {  	_ =	swait.ge [sflag:s17], $0x800  }
0x6b: {  	[sflag:s17] =	ssyncset.done $0x0  }
0x6c: {  	[sflag:s17] =	ssyncadd.s32 $0xFFFFF800  }
0x6d: {  	[hbm4b:s6+s2] =	stream.linear.scatter [tilespmem:s22], [sflag:$0x3], $0x800, $0x38;
	[tilespmem:$0x9200] =	vst v63  }
0x6e: {  	_ =	swait.ge [sflag:s13], $0x800  }
0x6f: {  	[sflag:s13] =	ssyncset.done $0x0  }
0x70: {  	[sflag:s13] =	ssyncadd.s32 $0xFFFFF800  }
0x71: {  	s24 =	sadd.s32 $0x1, s24;
	_ =	swait.ge [sflag:s18], $0x800  }
0x72: {  	p0 =	sne.s32 s24, s8;
	[sflag:s18] =	ssyncset.done $0x0  }
.Ltmp1:
0x73: {  	[sflag:s18] =	ssyncadd.s32 $0xFFFFF800;
	(pc) =	sbr.rel @p0 .LBB2_1-.Ltmp1, $4  }
0x74: {  	[hbm4b:s7+s2] =	stream.linear.scatter [tilespmem:s23], [sflag:$0x3], $0x800, $0x38;
	[tilespmem:$0x9200] =	vst v63  }
0x75: {  	_ =	swait.ge [sflag:s13], $0x800  }
0x76: {  	[sflag:s13] =	ssyncset.done $0x0  }
0x77: {  	[sflag:s13] =	ssyncadd.s32 $0xFFFFF800  }
0x78: {  	_ =	sfence.sel $0x180000  }
0x79: {  	[bflag:$0x0] =	sbarrier.arrive $0xFFFF  }
0x7a: {  	_ =	strace $0x9000004D  }
0x7b: {  	[bflag:$0x2] =	sbarrier.arrive $0xFFFF  }
0x7c: {  	p0 =	sne.s32 s1, $0x0;
	s0 =	rddreg [dreg:$0x1]  }
0x7d: {  	s0 =	sadd.s32 @!p0 $0x100000, s0  }
0x7e: {  	[sflag:s0] =	ssyncadd.tile.s32 @!p0 $0x1;
	_ =	shalt  }
.Lfunc_end2:
_tile_overlayer_lowered:
.L_overlay_start_2:
0x7f: {  	(tag) =	ssettag $0x2  }
0x80: {  	s0 =	rddreg [dreg:$0x0];
	s2 =	stileid.u32  }
0x81: {  	s1 =	rddreg [dreg:$0x1];
	p0 =	sne.s32 s2, $0x0  }
0x82: {  	s3 =	rddreg [dreg:$0x2];
	[bflag:$0x3] =	sbarrier.arrive $0xFFFF;
	s2 =	simm.s32 @!p0 $0x1C03  }
0x83: {  	[timem:s3], [sflag:s2] =	dma.local @!p0 [hbm:s0], s1  }
0x84: {  	s0 =	simm.s32 @!p0 $0x3  }
0x85: {  	_ =	swait.ge @!p0 [sflag:s0], s1  }
0x86: {  	s1 =	ssub.s32 @!p0 $0x0, s1;
	[sflag:s0] =	ssyncset.done @!p0 $0x0  }
0x87: {  	[sflag:s0] =	ssyncadd.s32 @!p0 s1  }
0x88: {  	[bflag:$0x3] =	sbarrier.arrive $0xFFFF  }
0x89: {  	_ =	shalt  }

// kernel: kernel.33.cloned.1.call-start
scs
__scs_entry_jumppad:
0x0: {  	(pc) =	sbr.rel $0x88, $3  }
0x1: {  	(tag) =	ssettag $0x0;
	lr =	simm.s32 $0x1  }
0x2: {  	[smem:$0x3F6F] =	sst lr;
	_ =	strace $0xD0000000  }
0x3: {  	_ = 	snop  }
0x4: {  	_ = 	snop  }
0x5: {  	_ = 	snop  }
0x6: {  	_ = 	snop  }
0x7: {  	_ = 	snop  }
__scs_overlays_trampoline_lowered:
0x8: {  	[smem:$0x3F7E] =	sst s0  }
0x9: {  	[smem:$0x3F7F] =	sst s1  }
0xa: {  	[smem:$0x3F80] =	sst s2  }
0xb: {  	[smem:$0x3F81] =	sst s3  }
0xc: {  	[smem:$0x3F82] =	sst s4  }
0xd: {  	[smem:$0x3F83] =	sst s5  }
0xe: {  	[smem:$0x3F84] =	sst s6  }
0xf: {  	[smem:$0x3F85] =	sst s7  }
0x10: {  	[smem:$0x3F86] =	sst s8  }
0x11: {  	[smem:$0x3F87] =	sst s9;
	s0 =	simm.s32 @!p0 $0x0  }
0x12: {  	s1 =	sld [smem:$0x3F6D];
	s0 =	simm.s32 @p0 $0x1  }
0x13: {  	[smem:$0x3F88] =	sst s0;
	s0 =	simm.s32 @!p1 $0x0  }
0x14: {  	s2 =	sld [smem:$0x3F6C];
	s0 =	simm.s32 @p1 $0x1  }
0x15: {  	[smem:$0x3F89] =	sst s0;
	s0 =	simm.s32 @!p2 $0x0  }
0x16: {  	s3 =	sld [smem:$0x3FDB];
	s0 =	simm.s32 @p2 $0x1  }
0x17: {  	s4 =	simm.s32 $0x1BF5;
	[smem:$0x3F8B] =	sst s0  }
0x18: {  	s0 =	sld [smem:$0x3F6E];
	_ =	swait.ge [sflag:s4], $0x0  }
0x19: {  	s7 =	sld [smem:$0x3F6F]  }
0x1a: {  	s8 =	sadd.s32 $0xFFFFE003, lr  }
0x1b: {  	s9 =	sadd.s32 $0xFFFFFEF7, lr;
	s5 =	simm.s32 $0xFFFFFFFF;
	p2 =	slt.u32 s8, $0xFFFFF086  }
0x1c: {  	p1 =	slt.u32 s9, $0xF7A;
	s5 =	simm.s32 @!p2 $0x0  }
0x1d: {  	s5 =	simm.s32 @p1 $0x1;
	p0 =	seq.s32 s7, s2  }
0x1e: {  	s7 =	smul.u32 @!p0 $0xF7A, s2;
	p2 =	seq.s32 @!p0 s5, $0x0  }
0x1f: {  	s9 =	smul.u32 $0xF7A, s1;
	s8 =	simm.s32 @!p0 $0x1BF5;
	p2 =	por !p2, p0  }
0x20: {  	[sflag:s8] =	ssyncset.s32 @!p0 $0xFFFFF086;
	s6 =	sadd.s32 @!p0 s3, s7;
	s7 =	simm.s32 @!p0 $0x108  }
0x21: {  	s3 =	sadd.s32 s3, s9;
	s6 =	sadd.s32 @!p0 $0x88, s6;
	s7 =	simm.s32 @p2 $0x1082  }
0x22: {  	[simem:s7], [sflag:s8] =	dma.local @!p0 [hbm:s6], $0xF7A  }
0x23: {  	s9 =	sor.u32 $0xD0000000, s2;
	s6 =	simm.s32 $0x108;
	_ =	swait.ge @!p0 [sflag:s8], $0x0  }
0x24: {  	s3 =	sadd.s32 $0x88, s3;
	s6 =	simm.s32 @!p1 $0x1082;
	[sflag:s4] =	ssyncset.s32 $0xFFFFF086  }
0x25: {  	[simem:s6], [sflag:s4] =	dma.local [hbm:s3], $0xF7A  }
0x26: {  	[smem:$0x3F6F] =	sst s1;
	(tag) =	ssettag s2;
	_ =	strace s9  }
0x27: {  	s1 =	sld [smem:$0x3F7F]  }
0x28: {  	s2 =	sld [smem:$0x3F80]  }
0x29: {  	s4 =	sld [smem:$0x3F82]  }
0x2a: {  	p0 =	seq.s32 s5, $0x0;
	s5 =	sld [smem:$0x3F83]  }
0x2b: {  	s6 =	sld [smem:$0x3F84]  }
0x2c: {  	s7 =	sld [smem:$0x3F85]  }
0x2d: {  	s3 =	simm.s32 $0x108;
	s8 =	sld [smem:$0x3F86]  }
0x2e: {  	s3 =	simm.s32 @!p0 $0x1082;
	s9 =	sld [smem:$0x3F87]  }
0x2f: {  	lr =	sadd.s32 s0, s3;
	s0 =	sld [smem:$0x3F7E]  }
0x30: {  	s3 =	sld [smem:$0x3F81]  }
0x31: {  	[smem:$0x3F8A] =	sst s10  }
0x32: {  	s10 =	sld [smem:$0x3F88];
	_ =	sdelay $0x3  }
0x33: {  	p0 =	seq.s32 s10, $0x1;
	s10 =	sld [smem:$0x3F8A];
	_ =	sdelay $0x3  }
0x34: {  	[smem:$0x3F8A] =	sst s10  }
0x35: {  	s10 =	sld [smem:$0x3F89];
	_ =	sdelay $0x3  }
0x36: {  	p1 =	seq.s32 s10, $0x1;
	s10 =	sld [smem:$0x3F8A];
	_ =	sdelay $0x3  }
0x37: {  	[smem:$0x3F8A] =	sst s10  }
0x38: {  	s10 =	sld [smem:$0x3F8B]  }
0x39: {  	_ = 	snop;
	(pc) =	sbr.ind lr, $3  }
0x3a: {  	_ = 	snop  }
0x3b: {  	_ = 	snop  }
0x3c: {  	p2 =	seq.s32 s10, $0x1;
	s10 =	sld [smem:$0x3F8A]  }
0x3d: {  	_ =	shalt  }
0x3e: {  	_ =	shalt  }
0x3f: {  	_ =	shalt  }
0x40: {  	_ =	shalt  }
0x41: {  	_ =	shalt  }
0x42: {  	_ =	shalt  }
0x43: {  	_ =	shalt  }
0x44: {  	_ =	shalt  }
0x45: {  	_ =	shalt  }
0x46: {  	_ =	shalt  }
0x47: {  	_ =	shalt  }
0x48: {  	_ =	shalt  }
0x49: {  	_ =	shalt  }
0x4a: {  	_ =	shalt  }
0x4b: {  	_ =	shalt  }
0x4c: {  	_ =	shalt  }
0x4d: {  	_ =	shalt  }
0x4e: {  	_ =	shalt  }
0x4f: {  	_ =	shalt  }
0x50: {  	_ =	shalt  }
0x51: {  	_ =	shalt  }
0x52: {  	_ =	shalt  }
0x53: {  	_ =	shalt  }
0x54: {  	_ =	shalt  }
0x55: {  	_ =	shalt  }
0x56: {  	_ =	shalt  }
0x57: {  	_ =	shalt  }
0x58: {  	_ =	shalt  }
0x59: {  	_ =	shalt  }
0x5a: {  	_ =	shalt  }
0x5b: {  	_ =	shalt  }
0x5c: {  	_ =	shalt  }
0x5d: {  	_ =	shalt  }
0x5e: {  	_ =	shalt  }
0x5f: {  	_ =	shalt  }
0x60: {  	_ =	shalt  }
0x61: {  	_ =	shalt  }
0x62: {  	_ =	shalt  }
0x63: {  	_ =	shalt  }
0x64: {  	_ =	shalt  }
0x65: {  	_ =	shalt  }
0x66: {  	_ =	shalt  }
0x67: {  	_ =	shalt  }
0x68: {  	_ =	shalt  }
0x69: {  	_ =	shalt  }
0x6a: {  	_ =	shalt  }
0x6b: {  	_ =	shalt  }
0x6c: {  	_ =	shalt  }
0x6d: {  	_ =	shalt  }
0x6e: {  	_ =	shalt  }
0x6f: {  	_ =	shalt  }
0x70: {  	_ =	shalt  }
0x71: {  	_ =	shalt  }
0x72: {  	_ =	shalt  }
0x73: {  	_ =	shalt  }
0x74: {  	_ =	shalt  }
0x75: {  	_ =	shalt  }
0x76: {  	_ =	shalt  }
0x77: {  	_ =	shalt  }
0x78: {  	_ =	shalt  }
0x79: {  	_ =	shalt  }
0x7a: {  	_ =	shalt  }
0x7b: {  	_ =	shalt  }
0x7c: {  	_ =	shalt  }
0x7d: {  	_ =	shalt  }
0x7e: {  	_ =	shalt  }
0x7f: {  	_ =	shalt  }
0x80: {  	_ =	shalt  }
0x81: {  	_ =	shalt  }
0x82: {  	_ =	shalt  }
0x83: {  	_ =	shalt  }
0x84: {  	_ =	shalt  }
0x85: {  	_ =	shalt  }
0x86: {  	_ =	shalt  }
0x87: {  	_ =	shalt  }
.Lfunc_end0:
.L_simem_size_0:
called_computation.2_lowered:
.L_overlay_start_0:
0x88: {  	s2 =	sld [smem:$0x3FD9]  }
0x89: {  	s3 =	sld [smem:$0x3FFE];
	_ =	sdelay $0x1  }
0x8a: {  	s1 =	srdreg.scid  }
0x8b: {  	s0 =	sand.u32 $0x1, s1  }
0x8c: {  	s16 =	sshll.u32 s0, $0xA;
	s2 =	sadd.s32 s3, s2  }
0x8d: {  	s2 =	sadd.s32 s2, s16  }
0x8e: {  	[smem:$0x3F96] =	sst s2  }
0x8f: {  	_ = 	snop  }
0x90: {  	(tm) =	ssettm $0x1  }
0x91: {  	s17 =	sld [smem:$0x3FFB];
	_ =	sdelay $0x3  }
0x92: {  	_ =	strace s17  }
0x93: {  	s2 =	sld [smem:$0x3FFC];
	_ =	sdelay $0x3  }
0x94: {  	_ =	strace s2  }
0x95: {  	s2 =	sld [smem:$0x3FFD];
	_ =	sdelay $0x3  }
0x96: {  	_ =	strace s2  }
0x97: {  	_ =	strace $0x8FFFFFFF  }
0x98: {  	s18 =	sld [smem:$0x3FDB];
	_ =	sdelay $0x1  }
0x99: {  	s19 =	simm.s32 $_scs_section_size  }
0x9a: {  	s4 =	simm.s32 $_size__tile_overlayer_lowered;
	s5 =	simm.s32 $_tile_overlayer_lowered  }
0x9b: {  	s22 =	simm.s32 $0x1BFF;
	s21 =	sshll.u32 s5, $0x1;
	s2 =	sadd.s32 s19, s18  }
0x9c: {  	s6 =	simm.s32 $0x0;
	s20 =	sshll.u32 s4, $0x1;
	s4 =	sadd.s32 s21, s2  }
0x9d: {  	[timem:s6], [sflag:s22] =	dma.local [hbm:s4], s20  }
0x9e: {  	_ =	swait.ge [sflag:s22], s20  }
0x9f: {  	s3 =	ssub.s32 $0x0, s20;
	[sflag:s22] =	ssyncset.done $0x0  }
0xa0: {  	[sflag:s22] =	ssyncadd.s32 s3;
	_ =	sdelay $0x1  }
0xa1: {  	s23 =	simm.s32 $0x1B8B  }
0xa2: {  	_ =	swait.ge [sflag:s23], $0x1  }
0xa3: {  	[sflag:s23] =	ssyncset.done $0x0  }
0xa4: {  	s25 =	simm.s32 $0x1B8E;
	s24 =	sld [smem:$0x3FFE];
	[sflag:s23] =	ssyncadd.s32 $0xFFFFFFFF  }
0xa5: {  	s26 =	simm.s32 $execute0_lowered;
	[smem:$0x3FD2] =	sst s25  }
0xa6: {  	s4 =	sshll.u32 s26, $0x1;
	_ =	strace $0x80000049;
	[dreg:$0x1] =	wrdreg $0xFFFFFFFF  }
0xa7: {  	s28 =	simm.s32 $_size_execute0_lowered;
	s2 =	sadd.s32 s2, s4;
	[dreg:$0x0] =	wrdreg $0x0  }
0xa8: {  	s4 =	sshll.u32 s28, $0x1;
	[dreg:$0x2] =	wrdreg s2  }
0xa9: {  	[dreg:$0x3] =	wrdreg s4  }
0xaa: {  	[dreg:$0x4] =	wrdreg $0xC0  }
0xab: {  	_ =	task [dreg:s6], $0x5FFFF  }
0xac: {  	[dreg:$0x1] =	wrdreg $0xFFFFFFFF  }
0xad: {  	[dreg:$0x0] =	wrdreg $0x60  }
0xae: {  	[dreg:$0x2] =	wrdreg s24  }
0xaf: {  	[dreg:$0x3] =	wrdreg $0x49000  }
0xb0: {  	[dreg:$0x4] =	wrdreg $0xA  }
0xb1: {  	_ =	task.clear_ibuf [dreg:s6], $0x5FFFF;
	_ =	strace $0x90000049  }
0xb2: {  	s29 =	simm.s32 $0xA;
	_ =	strace $0x8000004B  }
0xb3: {  	_ =	swait.ge [sflag:s29], $0x1  }
0xb4: {  	[sflag:s29] =	ssyncadd.s32 $0xFFFFFFFF  }
0xb5: {  	_ =	strace $0x9000004B  }
0xb6: {  	_ =	sfence  }
0xb7: {  	s30 =	sld [smem:$0x0];
	_ =	sdelay $0x2  }
0xb8: {  	s31 =	sshll.u32 s1, $0xD;
	s1 =	sshrl.u32 s1, $0x2  }
0xb9: {  	s3 =	sand.u32 $0x4000, s31;
	s1 =	sadd.s32 s1, s30  }
0xba: {  	s0 =	sor.u32 s3, s0;
	s1 =	sshll.u32 s1, $0x11  }
0xbb: {  	s0 =	sor.u32 s1, s0  }
0xbc: {  	s0 =	sadd.s32 $0x8F2B, s0  }
0xbd: {  	[sflag:s0] =	ssyncadd.remote.s32 $0x1  }
0xbe: {  	_ =	sfence.sel $0xFFFF  }
0xbf: {  	[dreg:$0x0] =	wrdreg $0xFFFFFFFF;
	(pc) =	sbr.abs _section_cstart, $3  }
0xc0: {  	[dreg:$0x1] =	wrdreg $0xFFFFFFFF  }
0xc1: {  	_ =	task.clear_ibuf [dreg:s6], $0x2FFFF;
	_ =	strace $0x9FFFFFFF  }
0xc2: {  	(tm) =	ssettm $0x7FFFFFFF  }
0xc3: {  	_ =	shalt  }
tec
execute0_lowered:
.L_overlay_start_1:
0x0: {  	(tag) =	ssettag $0x1  }
0x1: {  	s4 =	rddreg [dreg:$0x0]  }
0x2: {  	s2 =	rddreg [dreg:$0x1];
	s1 =	stileid.u32  }
0x3: {  	s0 =	rddreg [dreg:$0x2];
	s6 =	smul.u32 $0x14000, s1  }
0x4: {  	s5 =	srdreg.scid;
	s3 =	simm.s32 $0x0;
	s8 =	smul.u32 $0x50000, s1  }
0x5: {  	s18 =	simm.s32 $0x0;
	s9 =	sand.u32 $0x1, s5;
	s15 =	smul.u32 $0x4E20, s1  }
0x6: {  	[smem:$0x7FF] =	sst s3;
	s10 =	sadd.s32 $0x18EF200, s4;
	s17 =	smul.u32 $0x4E200, s1  }
0x7: {  	s11 =	sadd.s32 $0x27800, s4;
	s12 =	sshll.u32 s1, $0x1;
	s5 =	smul.u32 $0x140000, s9  }
0x8: {  	s26 =	sshll.u32 s1, $0x6;
	_ =	strace $0x8000004A;
	s16 =	smul.u32 $0x2710, s9  }
0x9: {  	s20 =	ssub.s32 $0x2, s9;
	s22 =	sor.u32 s9, s12;
	s30 =	smul.u32 $0x27100, s9  }
0xa: {  	s7 =	sshrl.u32 s6, $0x3;
	s21 =	sshrl.u32 s20, $0x1;
	s24 =	sshrl.u32 s8, $0x2  }
0xb: {  	s25 =	smul.u32 $0x2710, s22;
	s5 =	sadd.s32 s6, s5;
	s19 =	sadd.s32 s7, s4  }
0xc: {  	s23 =	ssub.s32 s20, s21;
	s14 =	sadd.s32 s24, s2;
	s15 =	sadd.s32 s16, s15  }
0xd: {  	s16 =	simm.s32 $0x4100;
	s5 =	sshrl.u32 s5, $0x3;
	s28 =	sadd.s32 $0x2700, s25  }
0xe: {  	s9 =	smax.u32 s23, $0x1;
	s31 =	sshrl.u32 s15, $0x3;
	s12 =	sshrl.u32 s14, $0x3  }
0xf: {  	s14 =	simm.s32 $0x80;
	s15 =	simm.s32 $0x4080;
	s13 =	sadd.s32 s5, s4  }
0x10: {  	s4 =	sadd.s32 $0xA49600, s19;
	s7 =	sshrl.u32 s28, $0x3;
	s29 =	sshll.u32 s28, $0x4  }
0x11: {  	s5 =	sor.u32 $0x1C01, s26;
	s6 =	sadd.s32 s11, s7;
	s7 =	sadd.s32 s10, s29  }
0x12: {  	s8 =	sadd.s32 $0xA71600, s13;
	s10 =	sadd.s32 s17, s10;
	s11 =	sadd.s32 s31, s11  }
0x13: {  	s13 =	simm.s32 $0x1;
	s17 =	simm.s32 $0x10;
	s10 =	sadd.s32 s30, s10  }
.LBB2_1:
0x14: {  	[spmem:s12], [sflag:s5] =	dma.local [hbm:s4], $0x2800  }
0x15: {  	_ =	swait.ge [sflag:s13], $0x2800  }
0x16: {  	[sflag:s13] =	ssyncset.done $0x0  }
0x17: {  	[sflag:s13] =	ssyncadd.s32 $0xFFFFD800  }
0x18: {  	s19 =	sadd.s32 $0x0, s11;
	[bflag:$0x0] =	sbarrier.arrive $0xFFFF  }
0x19: {  	[tilespmem:s3], [sflag:$0x1] =	stream.linear.gather [hbm4b:s19+s3], $0x80, $0x38;
	[tilespmem:$0x18900] =	vst v63  }
0x1a: {  	_ =	swait.ge [sflag:s13], $0x80  }
0x1b: {  	[sflag:s13] =	ssyncset.done $0x0  }
0x1c: {  	[sflag:s13] =	ssyncadd.s32 $0xFFFFFF80  }
0x1d: {  	[tilespmem:s14], [sflag:$0x1] =	stream.linear.gather [hbm4b:s10+s3], $0x4000, $0x38;
	[tilespmem:$0x18900] =	vst v63  }
0x1e: {  	_ =	swait.ge [sflag:s13], $0x4000  }
0x1f: {  	[sflag:s13] =	ssyncset.done $0x0  }
0x20: {  	[sflag:s13] =	ssyncadd.s32 $0xFFFFC000  }
0x21: {  	[spmem:s2] =	stream.indirect.scatter.add.f32 [tilespmem:s14], [sflag:$0x1], $0x80, s3, s14, $0xb8;
	[tilespmem:$0x18900] =	vst v63  }
0x22: {  	s20 =	simm.s32 $0x10;
	_ =	swait.ge [sflag:s13], $0x4000  }
0x23: {  	s21 =	simm.s32 $0x20;
	s19 =	sadd.s32 $0x800, s10;
	[sflag:s13] =	ssyncset.done $0x0  }
.LBB2_2:
0x24: {  	s22 =	sadd.s32 s20, s11  }
0x25: {  	[sflag:s13] =	ssyncadd.s32 $0xFFFFC000;
	s20 =	smov.u32 s21;
	s23 =	sadd.s32 $0x10, s21  }
0x26: {  	[tilespmem:s3], [sflag:$0x1] =	stream.linear.gather [hbm4b:s22+s3], $0x80, $0x38;
	[tilespmem:$0x18900] =	vst v63  }
0x27: {  	p0 =	sne.s32 s21, $0x4D0;
	_ =	swait.ge [sflag:s13], $0x80  }
0x28: {  	[sflag:s13] =	ssyncset.done $0x0  }
0x29: {  	[sflag:s13] =	ssyncadd.s32 $0xFFFFFF80  }
0x2a: {  	[tilespmem:s14], [sflag:$0x1] =	stream.linear.gather [hbm4b:s19+s3], $0x4000, $0x38;
	[tilespmem:$0x18900] =	vst v63  }
0x2b: {  	_ =	swait.ge [sflag:s13], $0x4000  }
.Ltmp0:
0x2c: {  	[sflag:s13] =	ssyncset.done $0x0;
	(pc) =	sbr.rel @p0 .LBB2_2-.Ltmp0, $4  }
0x2d: {  	[sflag:s13] =	ssyncadd.s32 $0xFFFFC000  }
0x2e: {  	[spmem:s2] =	stream.indirect.scatter.add.f32 [tilespmem:s14], [sflag:$0x1], $0x80, s3, s14, $0xb8;
	[tilespmem:$0x18900] =	vst v63  }
0x2f: {  	_ =	swait.ge [sflag:s13], $0x4000  }
0x30: {  	s21 =	smov.u32 s23;
	s19 =	sadd.s32 $0x800, s19;
	[sflag:s13] =	ssyncset.done $0x0  }
0x31: {  	s20 =	sadd.s32 s20, s11;
	[sflag:s13] =	ssyncadd.s32 $0xFFFFC000  }
0x32: {  	[tilespmem:s3], [sflag:$0x1] =	stream.linear.gather [hbm4b:s20+s3], $0x80, $0x38;
	[tilespmem:$0x18900] =	vst v63  }
0x33: {  	_ =	swait.ge [sflag:s13], $0x80  }
0x34: {  	[sflag:s13] =	ssyncset.done $0x0  }
0x35: {  	[sflag:s13] =	ssyncadd.s32 $0xFFFFFF80  }
0x36: {  	[tilespmem:s14], [sflag:$0x1] =	stream.linear.gather [hbm4b:s19+s3], $0x4000, $0x38;
	[tilespmem:$0x18900] =	vst v63  }
0x37: {  	_ =	swait.ge [sflag:s13], $0x4000  }
0x38: {  	[sflag:s13] =	ssyncset.done $0x0  }
0x39: {  	[sflag:s13] =	ssyncadd.s32 $0xFFFFC000  }
0x3a: {  	[spmem:s2] =	stream.indirect.scatter.add.f32 [tilespmem:s14], [sflag:$0x1], $0x80, s3, s14, $0xb8;
	[tilespmem:$0x18900] =	vst v63  }
0x3b: {  	_ =	swait.ge [sflag:s13], $0x4000  }
0x3c: {  	[sflag:s13] =	ssyncset.done $0x0  }
0x3d: {  	[sflag:s13] =	ssyncadd.s32 $0xFFFFC000  }
0x3e: {  	[tilespmem:s15], [sflag:$0x1] =	stream.linear.gather [hbm4b:s6+s3], $0x10, $0x38;
	[tilespmem:$0x18900] =	vst v63  }
0x3f: {  	_ =	swait.ge [sflag:s13], $0x10  }
0x40: {  	[sflag:s13] =	ssyncset.done $0x0  }
0x41: {  	[sflag:s13] =	ssyncadd.s32 $0xFFFFFFF0  }
0x42: {  	[tilespmem:s16], [sflag:$0x1] =	stream.linear.gather [hbm4b:s7+s3], $0x800, $0x38;
	[tilespmem:$0x18900] =	vst v63  }
0x43: {  	_ =	swait.ge [sflag:s13], $0x800  }
0x44: {  	[sflag:s13] =	ssyncset.done $0x0  }
0x45: {  	[sflag:s13] =	ssyncadd.s32 $0xFFFFF800  }
0x46: {  	[spmem:s2] =	stream.indirect.scatter.add.f32 [tilespmem:s16], [sflag:$0x1], $0x80, s15, s17, $0xb8;
	[tilespmem:$0x18900] =	vst v63  }
0x47: {  	_ =	swait.ge [sflag:s13], $0x800  }
0x48: {  	s18 =	sadd.s32 $0x1, s18;
	[sflag:s13] =	ssyncset.done $0x0  }
0x49: {  	p0 =	sne.s32 s18, s9;
	[sflag:s13] =	ssyncadd.s32 $0xFFFFF800  }
.Ltmp1:
0x4a: {  	[bflag:$0x0] =	sbarrier.arrive $0xFFFF;
	(pc) =	sbr.rel @p0 .LBB2_1-.Ltmp1, $4  }
0x4b: {  	[hbm:s8], [sflag:s5] =	dma.local [spmem:s12], $0x2800  }
0x4c: {  	_ =	swait.ge [sflag:s13], $0x2800  }
0x4d: {  	[sflag:s13] =	ssyncset.done $0x0  }
0x4e: {  	[sflag:s13] =	ssyncadd.s32 $0xFFFFD800  }
0x4f: {  	_ =	sfence.sel $0x180000  }
0x50: {  	[bflag:$0x0] =	sbarrier.arrive $0xFFFF  }
0x51: {  	p0 =	sne.s32 s1, $0x0;
	_ =	strace $0x9000004A  }
0x52: {  	s0 =	sadd.s32 @!p0 $0x100000, s0;
	[bflag:$0x2] =	sbarrier.arrive $0xFFFF  }
0x53: {  	[sflag:s0] =	ssyncadd.tile.s32 @!p0 $0x1;
	_ =	shalt  }
.Lfunc_end2:
_tile_overlayer_lowered:
.L_overlay_start_2:
0x54: {  	(tag) =	ssettag $0x2  }
0x55: {  	s0 =	rddreg [dreg:$0x0];
	s2 =	stileid.u32  }
0x56: {  	s1 =	rddreg [dreg:$0x1];
	p0 =	sne.s32 s2, $0x0  }
0x57: {  	s3 =	rddreg [dreg:$0x2];
	[bflag:$0x3] =	sbarrier.arrive $0xFFFF;
	s2 =	simm.s32 @!p0 $0x1C01  }
0x58: {  	[timem:s3], [sflag:s2] =	dma.local @!p0 [hbm:s0], s1  }
0x59: {  	s0 =	simm.s32 @!p0 $0x1  }
0x5a: {  	_ =	swait.ge @!p0 [sflag:s0], s1  }
0x5b: {  	s1 =	ssub.s32 @!p0 $0x0, s1;
	[sflag:s0] =	ssyncset.done @!p0 $0x0  }
0x5c: {  	[sflag:s0] =	ssyncadd.s32 @!p0 s1  }
0x5d: {  	[bflag:$0x3] =	sbarrier.arrive $0xFFFF  }
0x5e: {  	_ =	shalt  }

// kernel: kernel.36.cloned.1.call-start
scs
__scs_entry_jumppad:
0x0: {  	(pc) =	sbr.rel $0x88, $3  }
0x1: {  	(tag) =	ssettag $0x0;
	lr =	simm.s32 $0x1  }
0x2: {  	[smem:$0x3F6F] =	sst lr;
	_ =	strace $0xD0000000  }
0x3: {  	_ = 	snop  }
0x4: {  	_ = 	snop  }
0x5: {  	_ = 	snop  }
0x6: {  	_ = 	snop  }
0x7: {  	_ = 	snop  }
__scs_overlays_trampoline_lowered:
0x8: {  	[smem:$0x3F7E] =	sst s0  }
0x9: {  	[smem:$0x3F7F] =	sst s1  }
0xa: {  	[smem:$0x3F80] =	sst s2  }
0xb: {  	[smem:$0x3F81] =	sst s3  }
0xc: {  	[smem:$0x3F82] =	sst s4  }
0xd: {  	[smem:$0x3F83] =	sst s5  }
0xe: {  	[smem:$0x3F84] =	sst s6  }
0xf: {  	[smem:$0x3F85] =	sst s7  }
0x10: {  	[smem:$0x3F86] =	sst s8  }
0x11: {  	[smem:$0x3F87] =	sst s9;
	s0 =	simm.s32 @!p0 $0x0  }
0x12: {  	s1 =	sld [smem:$0x3F6D];
	s0 =	simm.s32 @p0 $0x1  }
0x13: {  	[smem:$0x3F88] =	sst s0;
	s0 =	simm.s32 @!p1 $0x0  }
0x14: {  	s2 =	sld [smem:$0x3F6C];
	s0 =	simm.s32 @p1 $0x1  }
0x15: {  	[smem:$0x3F89] =	sst s0;
	s0 =	simm.s32 @!p2 $0x0  }
0x16: {  	s3 =	sld [smem:$0x3FDB];
	s0 =	simm.s32 @p2 $0x1  }
0x17: {  	s4 =	simm.s32 $0x1BF5;
	[smem:$0x3F8B] =	sst s0  }
0x18: {  	s0 =	sld [smem:$0x3F6E];
	_ =	swait.ge [sflag:s4], $0x0  }
0x19: {  	s7 =	sld [smem:$0x3F6F]  }
0x1a: {  	s8 =	sadd.s32 $0xFFFFE003, lr  }
0x1b: {  	s9 =	sadd.s32 $0xFFFFFEF7, lr;
	s5 =	simm.s32 $0xFFFFFFFF;
	p2 =	slt.u32 s8, $0xFFFFF086  }
0x1c: {  	p1 =	slt.u32 s9, $0xF7A;
	s5 =	simm.s32 @!p2 $0x0  }
0x1d: {  	s5 =	simm.s32 @p1 $0x1;
	p0 =	seq.s32 s7, s2  }
0x1e: {  	s7 =	smul.u32 @!p0 $0xF7A, s2;
	p2 =	seq.s32 @!p0 s5, $0x0  }
0x1f: {  	s9 =	smul.u32 $0xF7A, s1;
	s8 =	simm.s32 @!p0 $0x1BF5;
	p2 =	por !p2, p0  }
0x20: {  	[sflag:s8] =	ssyncset.s32 @!p0 $0xFFFFF086;
	s6 =	sadd.s32 @!p0 s3, s7;
	s7 =	simm.s32 @!p0 $0x108  }
0x21: {  	s3 =	sadd.s32 s3, s9;
	s6 =	sadd.s32 @!p0 $0x88, s6;
	s7 =	simm.s32 @p2 $0x1082  }
0x22: {  	[simem:s7], [sflag:s8] =	dma.local @!p0 [hbm:s6], $0xF7A  }
0x23: {  	s9 =	sor.u32 $0xD0000000, s2;
	s6 =	simm.s32 $0x108;
	_ =	swait.ge @!p0 [sflag:s8], $0x0  }
0x24: {  	s3 =	sadd.s32 $0x88, s3;
	s6 =	simm.s32 @!p1 $0x1082;
	[sflag:s4] =	ssyncset.s32 $0xFFFFF086  }
0x25: {  	[simem:s6], [sflag:s4] =	dma.local [hbm:s3], $0xF7A  }
0x26: {  	[smem:$0x3F6F] =	sst s1;
	(tag) =	ssettag s2;
	_ =	strace s9  }
0x27: {  	s1 =	sld [smem:$0x3F7F]  }
0x28: {  	s2 =	sld [smem:$0x3F80]  }
0x29: {  	s4 =	sld [smem:$0x3F82]  }
0x2a: {  	p0 =	seq.s32 s5, $0x0;
	s5 =	sld [smem:$0x3F83]  }
0x2b: {  	s6 =	sld [smem:$0x3F84]  }
0x2c: {  	s7 =	sld [smem:$0x3F85]  }
0x2d: {  	s3 =	simm.s32 $0x108;
	s8 =	sld [smem:$0x3F86]  }
0x2e: {  	s3 =	simm.s32 @!p0 $0x1082;
	s9 =	sld [smem:$0x3F87]  }
0x2f: {  	lr =	sadd.s32 s0, s3;
	s0 =	sld [smem:$0x3F7E]  }
0x30: {  	s3 =	sld [smem:$0x3F81]  }
0x31: {  	[smem:$0x3F8A] =	sst s10  }
0x32: {  	s10 =	sld [smem:$0x3F88];
	_ =	sdelay $0x3  }
0x33: {  	p0 =	seq.s32 s10, $0x1;
	s10 =	sld [smem:$0x3F8A];
	_ =	sdelay $0x3  }
0x34: {  	[smem:$0x3F8A] =	sst s10  }
0x35: {  	s10 =	sld [smem:$0x3F89];
	_ =	sdelay $0x3  }
0x36: {  	p1 =	seq.s32 s10, $0x1;
	s10 =	sld [smem:$0x3F8A];
	_ =	sdelay $0x3  }
0x37: {  	[smem:$0x3F8A] =	sst s10  }
0x38: {  	s10 =	sld [smem:$0x3F8B]  }
0x39: {  	_ = 	snop;
	(pc) =	sbr.ind lr, $3  }
0x3a: {  	_ = 	snop  }
0x3b: {  	_ = 	snop  }
0x3c: {  	p2 =	seq.s32 s10, $0x1;
	s10 =	sld [smem:$0x3F8A]  }
0x3d: {  	_ =	shalt  }
0x3e: {  	_ =	shalt  }
0x3f: {  	_ =	shalt  }
0x40: {  	_ =	shalt  }
0x41: {  	_ =	shalt  }
0x42: {  	_ =	shalt  }
0x43: {  	_ =	shalt  }
0x44: {  	_ =	shalt  }
0x45: {  	_ =	shalt  }
0x46: {  	_ =	shalt  }
0x47: {  	_ =	shalt  }
0x48: {  	_ =	shalt  }
0x49: {  	_ =	shalt  }
0x4a: {  	_ =	shalt  }
0x4b: {  	_ =	shalt  }
0x4c: {  	_ =	shalt  }
0x4d: {  	_ =	shalt  }
0x4e: {  	_ =	shalt  }
0x4f: {  	_ =	shalt  }
0x50: {  	_ =	shalt  }
0x51: {  	_ =	shalt  }
0x52: {  	_ =	shalt  }
0x53: {  	_ =	shalt  }
0x54: {  	_ =	shalt  }
0x55: {  	_ =	shalt  }
0x56: {  	_ =	shalt  }
0x57: {  	_ =	shalt  }
0x58: {  	_ =	shalt  }
0x59: {  	_ =	shalt  }
0x5a: {  	_ =	shalt  }
0x5b: {  	_ =	shalt  }
0x5c: {  	_ =	shalt  }
0x5d: {  	_ =	shalt  }
0x5e: {  	_ =	shalt  }
0x5f: {  	_ =	shalt  }
0x60: {  	_ =	shalt  }
0x61: {  	_ =	shalt  }
0x62: {  	_ =	shalt  }
0x63: {  	_ =	shalt  }
0x64: {  	_ =	shalt  }
0x65: {  	_ =	shalt  }
0x66: {  	_ =	shalt  }
0x67: {  	_ =	shalt  }
0x68: {  	_ =	shalt  }
0x69: {  	_ =	shalt  }
0x6a: {  	_ =	shalt  }
0x6b: {  	_ =	shalt  }
0x6c: {  	_ =	shalt  }
0x6d: {  	_ =	shalt  }
0x6e: {  	_ =	shalt  }
0x6f: {  	_ =	shalt  }
0x70: {  	_ =	shalt  }
0x71: {  	_ =	shalt  }
0x72: {  	_ =	shalt  }
0x73: {  	_ =	shalt  }
0x74: {  	_ =	shalt  }
0x75: {  	_ =	shalt  }
0x76: {  	_ =	shalt  }
0x77: {  	_ =	shalt  }
0x78: {  	_ =	shalt  }
0x79: {  	_ =	shalt  }
0x7a: {  	_ =	shalt  }
0x7b: {  	_ =	shalt  }
0x7c: {  	_ =	shalt  }
0x7d: {  	_ =	shalt  }
0x7e: {  	_ =	shalt  }
0x7f: {  	_ =	shalt  }
0x80: {  	_ =	shalt  }
0x81: {  	_ =	shalt  }
0x82: {  	_ =	shalt  }
0x83: {  	_ =	shalt  }
0x84: {  	_ =	shalt  }
0x85: {  	_ =	shalt  }
0x86: {  	_ =	shalt  }
0x87: {  	_ =	shalt  }
.Lfunc_end0:
.L_simem_size_0:
called_computation.3_lowered:
.L_overlay_start_0:
0x88: {  	s2 =	sld [smem:$0x3FD9]  }
0x89: {  	s3 =	sld [smem:$0x3FFE];
	_ =	sdelay $0x1  }
0x8a: {  	s1 =	srdreg.scid  }
0x8b: {  	s0 =	sand.u32 $0x1, s1  }
0x8c: {  	s16 =	sshll.u32 s0, $0xA;
	s2 =	sadd.s32 s3, s2  }
0x8d: {  	s2 =	sadd.s32 s2, s16  }
0x8e: {  	[smem:$0x3F96] =	sst s2  }
0x8f: {  	_ = 	snop  }
0x90: {  	(tm) =	ssettm $0x1  }
0x91: {  	s17 =	sld [smem:$0x3FFB];
	_ =	sdelay $0x3  }
0x92: {  	_ =	strace s17  }
0x93: {  	s2 =	sld [smem:$0x3FFC];
	_ =	sdelay $0x3  }
0x94: {  	_ =	strace s2  }
0x95: {  	s2 =	sld [smem:$0x3FFD];
	_ =	sdelay $0x3  }
0x96: {  	_ =	strace s2  }
0x97: {  	_ =	strace $0x8FFFFFFF  }
0x98: {  	s18 =	sld [smem:$0x3FDB];
	_ =	sdelay $0x1  }
0x99: {  	s19 =	simm.s32 $_scs_section_size  }
0x9a: {  	s4 =	simm.s32 $_size__tile_overlayer_lowered;
	s5 =	simm.s32 $_tile_overlayer_lowered  }
0x9b: {  	s22 =	simm.s32 $0x1BFF;
	s21 =	sshll.u32 s5, $0x1;
	s2 =	sadd.s32 s19, s18  }
0x9c: {  	s6 =	simm.s32 $0x0;
	s20 =	sshll.u32 s4, $0x1;
	s4 =	sadd.s32 s21, s2  }
0x9d: {  	[timem:s6], [sflag:s22] =	dma.local [hbm:s4], s20  }
0x9e: {  	_ =	swait.ge [sflag:s22], s20  }
0x9f: {  	s3 =	ssub.s32 $0x0, s20;
	[sflag:s22] =	ssyncset.done $0x0  }
0xa0: {  	[sflag:s22] =	ssyncadd.s32 s3;
	_ =	sdelay $0x1  }
0xa1: {  	s23 =	simm.s32 $0x1B8B  }
0xa2: {  	_ =	swait.ge [sflag:s23], $0x1  }
0xa3: {  	[sflag:s23] =	ssyncset.done $0x0  }
0xa4: {  	s25 =	simm.s32 $0x1B8E;
	s24 =	sld [smem:$0x3FFE];
	[sflag:s23] =	ssyncadd.s32 $0xFFFFFFFF  }
0xa5: {  	s26 =	simm.s32 $execute0_lowered;
	[smem:$0x3FD2] =	sst s25  }
0xa6: {  	s4 =	sshll.u32 s26, $0x1;
	_ =	strace $0x8000004F;
	[dreg:$0x1] =	wrdreg $0xFFFFFFFF  }
0xa7: {  	s28 =	simm.s32 $_size_execute0_lowered;
	s2 =	sadd.s32 s2, s4;
	[dreg:$0x0] =	wrdreg $0x0  }
0xa8: {  	s4 =	sshll.u32 s28, $0x1;
	[dreg:$0x2] =	wrdreg s2  }
0xa9: {  	[dreg:$0x3] =	wrdreg s4  }
0xaa: {  	[dreg:$0x4] =	wrdreg $0xC0  }
0xab: {  	_ =	task [dreg:s6], $0x5FFFF  }
0xac: {  	[dreg:$0x1] =	wrdreg $0xFFFFFFFF  }
0xad: {  	[dreg:$0x0] =	wrdreg $0x60  }
0xae: {  	[dreg:$0x2] =	wrdreg s24  }
0xaf: {  	[dreg:$0x3] =	wrdreg $0x49000  }
0xb0: {  	[dreg:$0x4] =	wrdreg $0x9  }
0xb1: {  	_ =	task.clear_ibuf [dreg:s6], $0x5FFFF;
	_ =	strace $0x9000004F  }
0xb2: {  	s29 =	simm.s32 $0x9;
	_ =	strace $0x80000051  }
0xb3: {  	_ =	swait.ge [sflag:s29], $0x1  }
0xb4: {  	[sflag:s29] =	ssyncadd.s32 $0xFFFFFFFF  }
0xb5: {  	_ =	strace $0x90000051  }
0xb6: {  	_ =	sfence  }
0xb7: {  	s30 =	sld [smem:$0x0];
	_ =	sdelay $0x2  }
0xb8: {  	s31 =	sshll.u32 s1, $0xD;
	s1 =	sshrl.u32 s1, $0x2  }
0xb9: {  	s3 =	sand.u32 $0x4000, s31;
	s1 =	sadd.s32 s1, s30  }
0xba: {  	s0 =	sor.u32 s3, s0;
	s1 =	sshll.u32 s1, $0x11  }
0xbb: {  	s0 =	sor.u32 s1, s0  }
0xbc: {  	s0 =	sadd.s32 $0x8F2B, s0  }
0xbd: {  	[sflag:s0] =	ssyncadd.remote.s32 $0x1  }
0xbe: {  	_ =	sfence.sel $0xFFFF  }
0xbf: {  	[dreg:$0x0] =	wrdreg $0xFFFFFFFF;
	(pc) =	sbr.abs _section_cstart, $3  }
0xc0: {  	[dreg:$0x1] =	wrdreg $0xFFFFFFFF  }
0xc1: {  	_ =	task.clear_ibuf [dreg:s6], $0x2FFFF;
	_ =	strace $0x9FFFFFFF  }
0xc2: {  	(tm) =	ssettm $0x7FFFFFFF  }
0xc3: {  	_ =	shalt  }
tec
execute0_lowered:
.L_overlay_start_1:
0x0: {  	(tag) =	ssettag $0x1  }
0x1: {  	s4 =	rddreg [dreg:$0x0]  }
0x2: {  	s2 =	rddreg [dreg:$0x1];
	s1 =	stileid.u32  }
0x3: {  	s0 =	rddreg [dreg:$0x2];
	s6 =	smul.u32 $0x14000, s1  }
0x4: {  	s5 =	srdreg.scid;
	s3 =	simm.s32 $0x0;
	s8 =	smul.u32 $0x50000, s1  }
0x5: {  	s18 =	simm.s32 $0x0;
	s9 =	sand.u32 $0x1, s5;
	s15 =	smul.u32 $0x4E20, s1  }
0x6: {  	[smem:$0x7FF] =	sst s3;
	s10 =	sadd.s32 $0x22B3200, s4;
	s17 =	smul.u32 $0x4E200, s1  }
0x7: {  	s11 =	sadd.s32 $0xB19800, s4;
	s12 =	sshll.u32 s1, $0x1;
	s5 =	smul.u32 $0x140000, s9  }
0x8: {  	s26 =	sshll.u32 s1, $0x6;
	_ =	strace $0x80000050;
	s16 =	smul.u32 $0x2710, s9  }
0x9: {  	s20 =	ssub.s32 $0x2, s9;
	s22 =	sor.u32 s9, s12;
	s30 =	smul.u32 $0x27100, s9  }
0xa: {  	s7 =	sshrl.u32 s6, $0x3;
	s21 =	sshrl.u32 s20, $0x1;
	s24 =	sshrl.u32 s8, $0x2  }
0xb: {  	s25 =	smul.u32 $0x2710, s22;
	s5 =	sadd.s32 s6, s5;
	s19 =	sadd.s32 s7, s4  }
0xc: {  	s23 =	ssub.s32 s20, s21;
	s14 =	sadd.s32 s24, s2;
	s15 =	sadd.s32 s16, s15  }
0xd: {  	s16 =	simm.s32 $0x4100;
	s5 =	sshrl.u32 s5, $0x3;
	s28 =	sadd.s32 $0x2700, s25  }
0xe: {  	s9 =	smax.u32 s23, $0x1;
	s31 =	sshrl.u32 s15, $0x3;
	s12 =	sshrl.u32 s14, $0x3  }
0xf: {  	s14 =	simm.s32 $0x80;
	s15 =	simm.s32 $0x4080;
	s13 =	sadd.s32 s5, s4  }
0x10: {  	s4 =	sadd.s32 $0xA49600, s19;
	s7 =	sshrl.u32 s28, $0x3;
	s29 =	sshll.u32 s28, $0x4  }
0x11: {  	s5 =	sor.u32 $0x1C01, s26;
	s6 =	sadd.s32 s11, s7;
	s7 =	sadd.s32 s10, s29  }
0x12: {  	s8 =	sadd.s32 $0x1006E00, s13;
	s10 =	sadd.s32 s17, s10;
	s11 =	sadd.s32 s31, s11  }
0x13: {  	s13 =	simm.s32 $0x1;
	s17 =	simm.s32 $0x10;
	s10 =	sadd.s32 s30, s10  }
.LBB2_1:
0x14: {  	[spmem:s12], [sflag:s5] =	dma.local [hbm:s4], $0x2800  }
0x15: {  	_ =	swait.ge [sflag:s13], $0x2800  }
0x16: {  	[sflag:s13] =	ssyncset.done $0x0  }
0x17: {  	[sflag:s13] =	ssyncadd.s32 $0xFFFFD800  }
0x18: {  	s19 =	sadd.s32 $0x0, s11;
	[bflag:$0x0] =	sbarrier.arrive $0xFFFF  }
0x19: {  	[tilespmem:s3], [sflag:$0x1] =	stream.linear.gather [hbm4b:s19+s3], $0x80, $0x38;
	[tilespmem:$0x18900] =	vst v63  }
0x1a: {  	_ =	swait.ge [sflag:s13], $0x80  }
0x1b: {  	[sflag:s13] =	ssyncset.done $0x0  }
0x1c: {  	[sflag:s13] =	ssyncadd.s32 $0xFFFFFF80  }
0x1d: {  	[tilespmem:s14], [sflag:$0x1] =	stream.linear.gather [hbm4b:s10+s3], $0x4000, $0x38;
	[tilespmem:$0x18900] =	vst v63  }
0x1e: {  	_ =	swait.ge [sflag:s13], $0x4000  }
0x1f: {  	[sflag:s13] =	ssyncset.done $0x0  }
0x20: {  	[sflag:s13] =	ssyncadd.s32 $0xFFFFC000  }
0x21: {  	[spmem:s2] =	stream.indirect.scatter.add.f32 [tilespmem:s14], [sflag:$0x1], $0x80, s3, s14, $0xb8;
	[tilespmem:$0x18900] =	vst v63  }
0x22: {  	s20 =	simm.s32 $0x10;
	_ =	swait.ge [sflag:s13], $0x4000  }
0x23: {  	s21 =	simm.s32 $0x20;
	s19 =	sadd.s32 $0x800, s10;
	[sflag:s13] =	ssyncset.done $0x0  }
.LBB2_2:
0x24: {  	s22 =	sadd.s32 s20, s11  }
0x25: {  	[sflag:s13] =	ssyncadd.s32 $0xFFFFC000;
	s20 =	smov.u32 s21;
	s23 =	sadd.s32 $0x10, s21  }
0x26: {  	[tilespmem:s3], [sflag:$0x1] =	stream.linear.gather [hbm4b:s22+s3], $0x80, $0x38;
	[tilespmem:$0x18900] =	vst v63  }
0x27: {  	p0 =	sne.s32 s21, $0x4D0;
	_ =	swait.ge [sflag:s13], $0x80  }
0x28: {  	[sflag:s13] =	ssyncset.done $0x0  }
0x29: {  	[sflag:s13] =	ssyncadd.s32 $0xFFFFFF80  }
0x2a: {  	[tilespmem:s14], [sflag:$0x1] =	stream.linear.gather [hbm4b:s19+s3], $0x4000, $0x38;
	[tilespmem:$0x18900] =	vst v63  }
0x2b: {  	_ =	swait.ge [sflag:s13], $0x4000  }
.Ltmp0:
0x2c: {  	[sflag:s13] =	ssyncset.done $0x0;
	(pc) =	sbr.rel @p0 .LBB2_2-.Ltmp0, $4  }
0x2d: {  	[sflag:s13] =	ssyncadd.s32 $0xFFFFC000  }
0x2e: {  	[spmem:s2] =	stream.indirect.scatter.add.f32 [tilespmem:s14], [sflag:$0x1], $0x80, s3, s14, $0xb8;
	[tilespmem:$0x18900] =	vst v63  }
0x2f: {  	_ =	swait.ge [sflag:s13], $0x4000  }
0x30: {  	s21 =	smov.u32 s23;
	s19 =	sadd.s32 $0x800, s19;
	[sflag:s13] =	ssyncset.done $0x0  }
0x31: {  	s20 =	sadd.s32 s20, s11;
	[sflag:s13] =	ssyncadd.s32 $0xFFFFC000  }
0x32: {  	[tilespmem:s3], [sflag:$0x1] =	stream.linear.gather [hbm4b:s20+s3], $0x80, $0x38;
	[tilespmem:$0x18900] =	vst v63  }
0x33: {  	_ =	swait.ge [sflag:s13], $0x80  }
0x34: {  	[sflag:s13] =	ssyncset.done $0x0  }
0x35: {  	[sflag:s13] =	ssyncadd.s32 $0xFFFFFF80  }
0x36: {  	[tilespmem:s14], [sflag:$0x1] =	stream.linear.gather [hbm4b:s19+s3], $0x4000, $0x38;
	[tilespmem:$0x18900] =	vst v63  }
0x37: {  	_ =	swait.ge [sflag:s13], $0x4000  }
0x38: {  	[sflag:s13] =	ssyncset.done $0x0  }
0x39: {  	[sflag:s13] =	ssyncadd.s32 $0xFFFFC000  }
0x3a: {  	[spmem:s2] =	stream.indirect.scatter.add.f32 [tilespmem:s14], [sflag:$0x1], $0x80, s3, s14, $0xb8;
	[tilespmem:$0x18900] =	vst v63  }
0x3b: {  	_ =	swait.ge [sflag:s13], $0x4000  }
0x3c: {  	[sflag:s13] =	ssyncset.done $0x0  }
0x3d: {  	[sflag:s13] =	ssyncadd.s32 $0xFFFFC000  }
0x3e: {  	[tilespmem:s15], [sflag:$0x1] =	stream.linear.gather [hbm4b:s6+s3], $0x10, $0x38;
	[tilespmem:$0x18900] =	vst v63  }
0x3f: {  	_ =	swait.ge [sflag:s13], $0x10  }
0x40: {  	[sflag:s13] =	ssyncset.done $0x0  }
0x41: {  	[sflag:s13] =	ssyncadd.s32 $0xFFFFFFF0  }
0x42: {  	[tilespmem:s16], [sflag:$0x1] =	stream.linear.gather [hbm4b:s7+s3], $0x800, $0x38;
	[tilespmem:$0x18900] =	vst v63  }
0x43: {  	_ =	swait.ge [sflag:s13], $0x800  }
0x44: {  	[sflag:s13] =	ssyncset.done $0x0  }
0x45: {  	[sflag:s13] =	ssyncadd.s32 $0xFFFFF800  }
0x46: {  	[spmem:s2] =	stream.indirect.scatter.add.f32 [tilespmem:s16], [sflag:$0x1], $0x80, s15, s17, $0xb8;
	[tilespmem:$0x18900] =	vst v63  }
0x47: {  	_ =	swait.ge [sflag:s13], $0x800  }
0x48: {  	s18 =	sadd.s32 $0x1, s18;
	[sflag:s13] =	ssyncset.done $0x0  }
0x49: {  	p0 =	sne.s32 s18, s9;
	[sflag:s13] =	ssyncadd.s32 $0xFFFFF800  }
.Ltmp1:
0x4a: {  	[bflag:$0x0] =	sbarrier.arrive $0xFFFF;
	(pc) =	sbr.rel @p0 .LBB2_1-.Ltmp1, $4  }
0x4b: {  	[hbm:s8], [sflag:s5] =	dma.local [spmem:s12], $0x2800  }
0x4c: {  	_ =	swait.ge [sflag:s13], $0x2800  }
0x4d: {  	[sflag:s13] =	ssyncset.done $0x0  }
0x4e: {  	[sflag:s13] =	ssyncadd.s32 $0xFFFFD800  }
0x4f: {  	_ =	sfence.sel $0x180000  }
0x50: {  	[bflag:$0x0] =	sbarrier.arrive $0xFFFF  }
0x51: {  	p0 =	sne.s32 s1, $0x0;
	_ =	strace $0x90000050  }
0x52: {  	s0 =	sadd.s32 @!p0 $0x100000, s0;
	[bflag:$0x2] =	sbarrier.arrive $0xFFFF  }
0x53: {  	[sflag:s0] =	ssyncadd.tile.s32 @!p0 $0x1;
	_ =	shalt  }
.Lfunc_end2:
_tile_overlayer_lowered:
.L_overlay_start_2:
0x54: {  	(tag) =	ssettag $0x2  }
0x55: {  	s0 =	rddreg [dreg:$0x0];
	s2 =	stileid.u32  }
0x56: {  	s1 =	rddreg [dreg:$0x1];
	p0 =	sne.s32 s2, $0x0  }
0x57: {  	s3 =	rddreg [dreg:$0x2];
	[bflag:$0x3] =	sbarrier.arrive $0xFFFF;
	s2 =	simm.s32 @!p0 $0x1C01  }
0x58: {  	[timem:s3], [sflag:s2] =	dma.local @!p0 [hbm:s0], s1  }
0x59: {  	s0 =	simm.s32 @!p0 $0x1  }
0x5a: {  	_ =	swait.ge @!p0 [sflag:s0], s1  }
0x5b: {  	s1 =	ssub.s32 @!p0 $0x0, s1;
	[sflag:s0] =	ssyncset.done @!p0 $0x0  }
0x5c: {  	[sflag:s0] =	ssyncadd.s32 @!p0 s1  }
0x5d: {  	[bflag:$0x3] =	sbarrier.arrive $0xFFFF  }
0x5e: {  	_ =	shalt  }

// kernel: kernel.39.cloned.1.call-start
scs
__scs_entry_jumppad:
0x0: {  	(pc) =	sbr.rel $0x88, $3  }
0x1: {  	(tag) =	ssettag $0x0;
	lr =	simm.s32 $0x1  }
0x2: {  	[smem:$0x3F6F] =	sst lr;
	_ =	strace $0xD0000000  }
0x3: {  	_ = 	snop  }
0x4: {  	_ = 	snop  }
0x5: {  	_ = 	snop  }
0x6: {  	_ = 	snop  }
0x7: {  	_ = 	snop  }
__scs_overlays_trampoline_lowered:
0x8: {  	[smem:$0x3F7E] =	sst s0  }
0x9: {  	[smem:$0x3F7F] =	sst s1  }
0xa: {  	[smem:$0x3F80] =	sst s2  }
0xb: {  	[smem:$0x3F81] =	sst s3  }
0xc: {  	[smem:$0x3F82] =	sst s4  }
0xd: {  	[smem:$0x3F83] =	sst s5  }
0xe: {  	[smem:$0x3F84] =	sst s6  }
0xf: {  	[smem:$0x3F85] =	sst s7  }
0x10: {  	[smem:$0x3F86] =	sst s8  }
0x11: {  	[smem:$0x3F87] =	sst s9;
	s0 =	simm.s32 @!p0 $0x0  }
0x12: {  	s1 =	sld [smem:$0x3F6D];
	s0 =	simm.s32 @p0 $0x1  }
0x13: {  	[smem:$0x3F88] =	sst s0;
	s0 =	simm.s32 @!p1 $0x0  }
0x14: {  	s2 =	sld [smem:$0x3F6C];
	s0 =	simm.s32 @p1 $0x1  }
0x15: {  	[smem:$0x3F89] =	sst s0;
	s0 =	simm.s32 @!p2 $0x0  }
0x16: {  	s3 =	sld [smem:$0x3FDB];
	s0 =	simm.s32 @p2 $0x1  }
0x17: {  	s4 =	simm.s32 $0x1BF5;
	[smem:$0x3F8B] =	sst s0  }
0x18: {  	s0 =	sld [smem:$0x3F6E];
	_ =	swait.ge [sflag:s4], $0x0  }
0x19: {  	s7 =	sld [smem:$0x3F6F]  }
0x1a: {  	s8 =	sadd.s32 $0xFFFFE003, lr  }
0x1b: {  	s9 =	sadd.s32 $0xFFFFFEF7, lr;
	s5 =	simm.s32 $0xFFFFFFFF;
	p2 =	slt.u32 s8, $0xFFFFF086  }
0x1c: {  	p1 =	slt.u32 s9, $0xF7A;
	s5 =	simm.s32 @!p2 $0x0  }
0x1d: {  	s5 =	simm.s32 @p1 $0x1;
	p0 =	seq.s32 s7, s2  }
0x1e: {  	s7 =	smul.u32 @!p0 $0xF7A, s2;
	p2 =	seq.s32 @!p0 s5, $0x0  }
0x1f: {  	s9 =	smul.u32 $0xF7A, s1;
	s8 =	simm.s32 @!p0 $0x1BF5;
	p2 =	por !p2, p0  }
0x20: {  	[sflag:s8] =	ssyncset.s32 @!p0 $0xFFFFF086;
	s6 =	sadd.s32 @!p0 s3, s7;
	s7 =	simm.s32 @!p0 $0x108  }
0x21: {  	s3 =	sadd.s32 s3, s9;
	s6 =	sadd.s32 @!p0 $0x88, s6;
	s7 =	simm.s32 @p2 $0x1082  }
0x22: {  	[simem:s7], [sflag:s8] =	dma.local @!p0 [hbm:s6], $0xF7A  }
0x23: {  	s9 =	sor.u32 $0xD0000000, s2;
	s6 =	simm.s32 $0x108;
	_ =	swait.ge @!p0 [sflag:s8], $0x0  }
0x24: {  	s3 =	sadd.s32 $0x88, s3;
	s6 =	simm.s32 @!p1 $0x1082;
	[sflag:s4] =	ssyncset.s32 $0xFFFFF086  }
0x25: {  	[simem:s6], [sflag:s4] =	dma.local [hbm:s3], $0xF7A  }
0x26: {  	[smem:$0x3F6F] =	sst s1;
	(tag) =	ssettag s2;
	_ =	strace s9  }
0x27: {  	s1 =	sld [smem:$0x3F7F]  }
0x28: {  	s2 =	sld [smem:$0x3F80]  }
0x29: {  	s4 =	sld [smem:$0x3F82]  }
0x2a: {  	p0 =	seq.s32 s5, $0x0;
	s5 =	sld [smem:$0x3F83]  }
0x2b: {  	s6 =	sld [smem:$0x3F84]  }
0x2c: {  	s7 =	sld [smem:$0x3F85]  }
0x2d: {  	s3 =	simm.s32 $0x108;
	s8 =	sld [smem:$0x3F86]  }
0x2e: {  	s3 =	simm.s32 @!p0 $0x1082;
	s9 =	sld [smem:$0x3F87]  }
0x2f: {  	lr =	sadd.s32 s0, s3;
	s0 =	sld [smem:$0x3F7E]  }
0x30: {  	s3 =	sld [smem:$0x3F81]  }
0x31: {  	[smem:$0x3F8A] =	sst s10  }
0x32: {  	s10 =	sld [smem:$0x3F88];
	_ =	sdelay $0x3  }
0x33: {  	p0 =	seq.s32 s10, $0x1;
	s10 =	sld [smem:$0x3F8A];
	_ =	sdelay $0x3  }
0x34: {  	[smem:$0x3F8A] =	sst s10  }
0x35: {  	s10 =	sld [smem:$0x3F89];
	_ =	sdelay $0x3  }
0x36: {  	p1 =	seq.s32 s10, $0x1;
	s10 =	sld [smem:$0x3F8A];
	_ =	sdelay $0x3  }
0x37: {  	[smem:$0x3F8A] =	sst s10  }
0x38: {  	s10 =	sld [smem:$0x3F8B]  }
0x39: {  	_ = 	snop;
	(pc) =	sbr.ind lr, $3  }
0x3a: {  	_ = 	snop  }
0x3b: {  	_ = 	snop  }
0x3c: {  	p2 =	seq.s32 s10, $0x1;
	s10 =	sld [smem:$0x3F8A]  }
0x3d: {  	_ =	shalt  }
0x3e: {  	_ =	shalt  }
0x3f: {  	_ =	shalt  }
0x40: {  	_ =	shalt  }
0x41: {  	_ =	shalt  }
0x42: {  	_ =	shalt  }
0x43: {  	_ =	shalt  }
0x44: {  	_ =	shalt  }
0x45: {  	_ =	shalt  }
0x46: {  	_ =	shalt  }
0x47: {  	_ =	shalt  }
0x48: {  	_ =	shalt  }
0x49: {  	_ =	shalt  }
0x4a: {  	_ =	shalt  }
0x4b: {  	_ =	shalt  }
0x4c: {  	_ =	shalt  }
0x4d: {  	_ =	shalt  }
0x4e: {  	_ =	shalt  }
0x4f: {  	_ =	shalt  }
0x50: {  	_ =	shalt  }
0x51: {  	_ =	shalt  }
0x52: {  	_ =	shalt  }
0x53: {  	_ =	shalt  }
0x54: {  	_ =	shalt  }
0x55: {  	_ =	shalt  }
0x56: {  	_ =	shalt  }
0x57: {  	_ =	shalt  }
0x58: {  	_ =	shalt  }
0x59: {  	_ =	shalt  }
0x5a: {  	_ =	shalt  }
0x5b: {  	_ =	shalt  }
0x5c: {  	_ =	shalt  }
0x5d: {  	_ =	shalt  }
0x5e: {  	_ =	shalt  }
0x5f: {  	_ =	shalt  }
0x60: {  	_ =	shalt  }
0x61: {  	_ =	shalt  }
0x62: {  	_ =	shalt  }
0x63: {  	_ =	shalt  }
0x64: {  	_ =	shalt  }
0x65: {  	_ =	shalt  }
0x66: {  	_ =	shalt  }
0x67: {  	_ =	shalt  }
0x68: {  	_ =	shalt  }
0x69: {  	_ =	shalt  }
0x6a: {  	_ =	shalt  }
0x6b: {  	_ =	shalt  }
0x6c: {  	_ =	shalt  }
0x6d: {  	_ =	shalt  }
0x6e: {  	_ =	shalt  }
0x6f: {  	_ =	shalt  }
0x70: {  	_ =	shalt  }
0x71: {  	_ =	shalt  }
0x72: {  	_ =	shalt  }
0x73: {  	_ =	shalt  }
0x74: {  	_ =	shalt  }
0x75: {  	_ =	shalt  }
0x76: {  	_ =	shalt  }
0x77: {  	_ =	shalt  }
0x78: {  	_ =	shalt  }
0x79: {  	_ =	shalt  }
0x7a: {  	_ =	shalt  }
0x7b: {  	_ =	shalt  }
0x7c: {  	_ =	shalt  }
0x7d: {  	_ =	shalt  }
0x7e: {  	_ =	shalt  }
0x7f: {  	_ =	shalt  }
0x80: {  	_ =	shalt  }
0x81: {  	_ =	shalt  }
0x82: {  	_ =	shalt  }
0x83: {  	_ =	shalt  }
0x84: {  	_ =	shalt  }
0x85: {  	_ =	shalt  }
0x86: {  	_ =	shalt  }
0x87: {  	_ =	shalt  }
.Lfunc_end0:
.L_simem_size_0:
called_computation.4_lowered:
.L_overlay_start_0:
0x88: {  	s2 =	sld [smem:$0x3FD9]  }
0x89: {  	s3 =	sld [smem:$0x3FFE];
	_ =	sdelay $0x1  }
0x8a: {  	s1 =	srdreg.scid  }
0x8b: {  	s0 =	sand.u32 $0x1, s1  }
0x8c: {  	s17 =	sshll.u32 s0, $0xA;
	s2 =	sadd.s32 s3, s2  }
0x8d: {  	s2 =	sadd.s32 s2, s17  }
0x8e: {  	[smem:$0x3F96] =	sst s2  }
0x8f: {  	_ = 	snop  }
0x90: {  	(tm) =	ssettm $0x1  }
0x91: {  	s18 =	sld [smem:$0x3FFB];
	_ =	sdelay $0x3  }
0x92: {  	_ =	strace s18  }
0x93: {  	s2 =	sld [smem:$0x3FFC];
	_ =	sdelay $0x3  }
0x94: {  	_ =	strace s2  }
0x95: {  	s2 =	sld [smem:$0x3FFD];
	_ =	sdelay $0x3  }
0x96: {  	_ =	strace s2  }
0x97: {  	_ =	strace $0x8FFFFFFF  }
0x98: {  	s19 =	sld [smem:$0x3FDB];
	_ =	sdelay $0x1  }
0x99: {  	s20 =	simm.s32 $_scs_section_size  }
0x9a: {  	s4 =	simm.s32 $_size__tile_overlayer_lowered;
	s5 =	simm.s32 $_tile_overlayer_lowered  }
0x9b: {  	s6 =	simm.s32 $0x1BFF;
	s21 =	sshll.u32 s5, $0x1;
	s3 =	sadd.s32 s20, s19  }
0x9c: {  	s22 =	simm.s32 $0x0;
	s4 =	sshll.u32 s4, $0x1;
	s5 =	sadd.s32 s21, s3  }
0x9d: {  	[timem:s22], [sflag:s6] =	dma.local [hbm:s5], s4  }
0x9e: {  	_ =	swait.ge [sflag:s6], s4  }
0x9f: {  	s4 =	ssub.s32 $0x0, s4;
	[sflag:s6] =	ssyncset.done $0x0  }
0xa0: {  	[sflag:s6] =	ssyncadd.s32 s4;
	_ =	sdelay $0x1  }
0xa1: {  	s23 =	simm.s32 $0x1B8B  }
0xa2: {  	_ =	swait.ge [sflag:s23], $0x1  }
0xa3: {  	[sflag:s23] =	ssyncset.done $0x0  }
0xa4: {  	[sflag:s23] =	ssyncadd.s32 $0xFFFFFFFF  }
0xa5: {  	s4 =	sld [smem:$0x0]  }
0xa6: {  	s5 =	sand.u32 $0xFFFFFFFE, s1  }
0xa7: {  	p0 =	sne.s32 s1, s5  }
0xa8: {  	s5 =	sshll.u32 @p0 s5, $0xE  }
0xa9: {  	s5 =	sadd.s32 @p0 $0x11B8D, s5;
	s6 =	sshll.u32 @p0 s4, $0x11  }
0xaa: {  	s5 =	sor.u32 @p0 s6, s5  }
0xab: {  	[sflag:s5] =	ssyncadd.remote.s32 @p0 $0x1;
	_ =	sdelay $0x1  }
0xac: {  	s5 =	simm.s32 @p0 $0x1B8D  }
0xad: {  	_ =	swait.eq @p0 [sflag:s5], $0x1  }
0xae: {  	[sflag:s5] =	ssyncadd.s32 @p0 $0xFFFFFFFF  }
0xaf: {  	s6 =	sshll.u32 @!p0 s1, $0xE  }
0xb0: {  	s6 =	sor.u32 @!p0 $0x4000, s6;
	s5 =	simm.s32 @!p0 $0x1B8D  }
0xb1: {  	s4 =	sshll.u32 @!p0 s4, $0x11;
	s6 =	sadd.s32 @!p0 $0x11B8D, s6;
	_ =	swait.eq @!p0 [sflag:s5], $0x1  }
0xb2: {  	s4 =	sor.u32 @!p0 s4, s6;
	[sflag:s5] =	ssyncadd.s32 @!p0 $0xFFFFFFFF  }
0xb3: {  	s25 =	simm.s32 $0x1B8E;
	s24 =	sld [smem:$0x3FFE];
	[sflag:s4] =	ssyncadd.remote.s32 @!p0 $0x1  }
0xb4: {  	s26 =	simm.s32 $execute0_lowered;
	[smem:$0x3FD2] =	sst s25  }
0xb5: {  	s5 =	sshll.u32 s26, $0x1;
	_ =	strace $0x80000052;
	[dreg:$0x1] =	wrdreg $0xFFFFFFFF  }
0xb6: {  	s28 =	simm.s32 $_size_execute0_lowered;
	s3 =	sadd.s32 s3, s5;
	[dreg:$0x0] =	wrdreg $0x0  }
0xb7: {  	s5 =	sshll.u32 s28, $0x1;
	[dreg:$0x2] =	wrdreg s3  }
0xb8: {  	[dreg:$0x3] =	wrdreg s5  }
0xb9: {  	[dreg:$0x4] =	wrdreg $0xC0  }
0xba: {  	_ =	task [dreg:s22], $0x5FFFF  }
0xbb: {  	[dreg:$0x1] =	wrdreg $0xFFFFFFFF  }
0xbc: {  	[dreg:$0x0] =	wrdreg $0x60  }
0xbd: {  	[dreg:$0x2] =	wrdreg s24  }
0xbe: {  	[dreg:$0x3] =	wrdreg $0xA  }
0xbf: {  	_ =	task.clear_ibuf [dreg:s22], $0x4FFFF;
	_ =	strace $0x90000052  }
0xc0: {  	s29 =	simm.s32 $0xA;
	_ =	strace $0x80000054  }
0xc1: {  	_ =	swait.ge [sflag:s29], $0x1  }
0xc2: {  	[sflag:s29] =	ssyncadd.s32 $0xFFFFFFFF  }
0xc3: {  	_ =	strace $0x90000054  }
0xc4: {  	_ =	sfence  }
0xc5: {  	s30 =	sld [smem:$0x0];
	_ =	sdelay $0x2  }
0xc6: {  	s31 =	sshll.u32 s1, $0xD;
	s1 =	sshrl.u32 s1, $0x2  }
0xc7: {  	s4 =	sand.u32 $0x4000, s31;
	s1 =	sadd.s32 s1, s30  }
0xc8: {  	s0 =	sor.u32 s4, s0;
	s1 =	sshll.u32 s1, $0x11  }
0xc9: {  	s0 =	sor.u32 s1, s0  }
0xca: {  	s0 =	sadd.s32 $0x8F2B, s0  }
0xcb: {  	[sflag:s0] =	ssyncadd.remote.s32 $0x1  }
0xcc: {  	_ =	sfence.sel $0xFFFF  }
0xcd: {  	[dreg:$0x0] =	wrdreg $0xFFFFFFFF;
	(pc) =	sbr.abs _section_cstart, $3  }
0xce: {  	[dreg:$0x1] =	wrdreg $0xFFFFFFFF  }
0xcf: {  	_ =	task.clear_ibuf [dreg:s22], $0x2FFFF;
	_ =	strace $0x9FFFFFFF  }
0xd0: {  	(tm) =	ssettm $0x7FFFFFFF  }
0xd1: {  	_ =	shalt  }
tec
execute0_lowered:
.L_overlay_start_1:
0x0: {  	(tag) =	ssettag $0x1  }
0x1: {  	s4 =	rddreg [dreg:$0x0];
	s3 =	srdreg.scid  }
0x2: {  	s1 =	stileid.u32;
	s2 =	simm.s32 $0x0;
	s18 =	simm.s32 $0x2  }
0x3: {  	s19 =	simm.s32 $0x8100;
	s20 =	simm.s32 $0x8980;
	s21 =	simm.s32 $0x10  }
0x4: {  	s22 =	simm.s32 $0x8180;
	s23 =	simm.s32 $0x8A00;
	s24 =	simm.s32 $0x0  }
0x5: {  	s8 =	sand.u32 $0x1, s3;
	s25 =	sshll.u32 s1, $0x1;
	[smem:$0x7FF] =	sst s2  }
0x6: {  	s3 =	sadd.s32 $0x36E00, s4;
	s12 =	sadd.s32 $0x27800, s4;
	s13 =	smul.u32 $0x4E200, s1  }
0x7: {  	s11 =	sadd.s32 $0x1DA00, s4;
	s9 =	sadd.s32 $0x85200, s4;
	s15 =	smul.u32 $0x4E20, s1  }
0x8: {  	s10 =	sadd.s32 $0xB23600, s4;
	s26 =	ssub.s32 $0x2, s8;
	s16 =	smul.u32 $0x2710, s8  }
0x9: {  	s5 =	sor.u32 s8, s25;
	s17 =	smul.u32 $0x27100, s8;
	s28 =	sshrl.u32 s26, $0x1  }
0xa: {  	_ =	strace $0x80000053;
	s5 =	smul.u32 $0x2710, s5;
	s14 =	ssub.s32 s26, s28  }
0xb: {  	s30 =	sadd.s32 s16, s15;
	s15 =	simm.s32 $0x80;
	s16 =	simm.s32 $0x4100  }
0xc: {  	s6 =	sadd.s32 $0x2700, s5;
	s8 =	smax.u32 s14, $0x1;
	s31 =	sshrl.u32 s30, $0x3  }
0xd: {  	s14 =	simm.s32 $0x4080;
	s7 =	sshrl.u32 s6, $0x3;
	s29 =	sshll.u32 s6, $0x4  }
0xe: {  	s4 =	sadd.s32 s12, s7;
	s5 =	sadd.s32 s11, s7;
	s6 =	sadd.s32 s9, s29  }
0xf: {  	s7 =	sadd.s32 s10, s29;
	s9 =	sadd.s32 s13, s9;
	s10 =	sadd.s32 s13, s10  }
0x10: {  	s11 =	sadd.s32 s31, s11;
	s12 =	sadd.s32 s31, s12;
	s13 =	simm.s32 $0x3  }
0x11: {  	s9 =	sadd.s32 s17, s9;
	s10 =	sadd.s32 s17, s10;
	s17 =	simm.s32 $0x1  }
.LBB2_1:
0x12: {  	s25 =	sadd.s32 $0x0, s12  }
0x13: {  	[tilespmem:s2], [sflag:$0x3] =	stream.linear.gather [hbm4b:s25+s2], $0x80, $0x38;
	[tilespmem:$0x9200] =	vst v63  }
0x14: {  	_ =	swait.ge [sflag:s13], $0x80  }
0x15: {  	[sflag:s13] =	ssyncset.done $0x0  }
0x16: {  	s31 =	sadd.s32 $0x0, s11;
	[sflag:s13] =	ssyncadd.s32 $0xFFFFFF80  }
0x17: {  	[tilespmem:s14], [sflag:$0x3] =	stream.linear.gather [hbm4b:s31+s2], $0x80, $0x38;
	[tilespmem:$0x9200] =	vst v63  }
0x18: {  	_ =	swait.ge [sflag:s13], $0x80  }
0x19: {  	[sflag:s13] =	ssyncset.done $0x0  }
0x1a: {  	[sflag:s13] =	ssyncadd.s32 $0xFFFFFF80  }
0x1b: {  	[tilespmem:s15], [sflag:$0x1] =	stream.indirect.gather [hbm4b:s3+s15], $0x80, s2, s15, $0xb8;
	[tilespmem:$0x9200] =	vst v63  }
0x1c: {  	_ = 	snop  }
0x1d: {  	[tilespmem:s16], [sflag:$0x2] =	stream.indirect.gather [hbm4b:s3+s15], $0x80, s14, s15, $0xb8;
	[tilespmem:$0x9200] =	vst v63  }
0x1e: {  	_ =	swait.ge [sflag:s17], $0x4000  }
0x1f: {  	[sflag:s17] =	ssyncset.done $0x0  }
0x20: {  	[sflag:s17] =	ssyncadd.s32 $0xFFFFC000  }
0x21: {  	[hbm4b:s9+s2] =	stream.linear.scatter [tilespmem:s15], [sflag:$0x3], $0x4000, $0x38;
	[tilespmem:$0x9200] =	vst v63  }
0x22: {  	_ =	swait.ge [sflag:s13], $0x4000  }
0x23: {  	[sflag:s13] =	ssyncset.done $0x0  }
0x24: {  	[sflag:s13] =	ssyncadd.s32 $0xFFFFC000  }
0x25: {  	_ =	swait.ge [sflag:s18], $0x4000  }
0x26: {  	[sflag:s18] =	ssyncset.done $0x0  }
0x27: {  	[sflag:s18] =	ssyncadd.s32 $0xFFFFC000  }
0x28: {  	[hbm4b:s10+s2] =	stream.linear.scatter [tilespmem:s16], [sflag:$0x3], $0x4000, $0x38;
	[tilespmem:$0x9200] =	vst v63  }
0x29: {  	s28 =	simm.s32 $0x10;
	s29 =	simm.s32 $0x20;
	_ =	swait.ge [sflag:s13], $0x4000  }
0x2a: {  	s26 =	sadd.s32 $0x800, s9;
	s25 =	sadd.s32 $0x800, s10;
	[sflag:s13] =	ssyncset.done $0x0  }
.LBB2_2:
0x2b: {  	s30 =	sadd.s32 s28, s12  }
0x2c: {  	[sflag:s13] =	ssyncadd.s32 $0xFFFFC000;
	s31 =	smov.u32 s29;
	s0 =	sadd.s32 $0x10, s29  }
0x2d: {  	[tilespmem:s2], [sflag:$0x3] =	stream.linear.gather [hbm4b:s30+s2], $0x80, $0x38;
	[tilespmem:$0x9200] =	vst v63  }
0x2e: {  	p0 =	sne.s32 s29, $0x4D0;
	_ =	swait.ge [sflag:s13], $0x80  }
0x2f: {  	[sflag:s13] =	ssyncset.done $0x0  }
0x30: {  	s29 =	sadd.s32 s28, s11;
	s28 =	smov.u32 s31;
	[sflag:s13] =	ssyncadd.s32 $0xFFFFFF80  }
0x31: {  	[tilespmem:s14], [sflag:$0x3] =	stream.linear.gather [hbm4b:s29+s2], $0x80, $0x38;
	[tilespmem:$0x9200] =	vst v63  }
0x32: {  	_ =	swait.ge [sflag:s13], $0x80  }
0x33: {  	[sflag:s13] =	ssyncset.done $0x0  }
0x34: {  	[sflag:s13] =	ssyncadd.s32 $0xFFFFFF80  }
0x35: {  	[tilespmem:s15], [sflag:$0x1] =	stream.indirect.gather [hbm4b:s3+s15], $0x80, s2, s15, $0xb8;
	[tilespmem:$0x9200] =	vst v63  }
0x36: {  	_ = 	snop  }
0x37: {  	[tilespmem:s16], [sflag:$0x2] =	stream.indirect.gather [hbm4b:s3+s15], $0x80, s14, s15, $0xb8;
	[tilespmem:$0x9200] =	vst v63  }
0x38: {  	_ =	swait.ge [sflag:s17], $0x4000  }
0x39: {  	[sflag:s17] =	ssyncset.done $0x0  }
0x3a: {  	[sflag:s17] =	ssyncadd.s32 $0xFFFFC000  }
0x3b: {  	[hbm4b:s26+s2] =	stream.linear.scatter [tilespmem:s15], [sflag:$0x3], $0x4000, $0x38;
	[tilespmem:$0x9200] =	vst v63  }
0x3c: {  	_ =	swait.ge [sflag:s13], $0x4000  }
0x3d: {  	[sflag:s13] =	ssyncset.done $0x0  }
0x3e: {  	[sflag:s13] =	ssyncadd.s32 $0xFFFFC000  }
0x3f: {  	_ =	swait.ge [sflag:s18], $0x4000  }
.Ltmp0:
0x40: {  	[sflag:s18] =	ssyncset.done $0x0;
	(pc) =	sbr.rel @p0 .LBB2_2-.Ltmp0, $4  }
0x41: {  	[sflag:s18] =	ssyncadd.s32 $0xFFFFC000  }
0x42: {  	[hbm4b:s25+s2] =	stream.linear.scatter [tilespmem:s16], [sflag:$0x3], $0x4000, $0x38;
	[tilespmem:$0x9200] =	vst v63  }
0x43: {  	s29 =	smov.u32 s0;
	_ =	swait.ge [sflag:s13], $0x4000  }
0x44: {  	s26 =	sadd.s32 $0x800, s26;
	s25 =	sadd.s32 $0x800, s25;
	[sflag:s13] =	ssyncset.done $0x0  }
0x45: {  	s0 =	sadd.s32 s28, s12;
	[sflag:s13] =	ssyncadd.s32 $0xFFFFC000  }
0x46: {  	[tilespmem:s2], [sflag:$0x3] =	stream.linear.gather [hbm4b:s0+s2], $0x80, $0x38;
	[tilespmem:$0x9200] =	vst v63  }
0x47: {  	_ =	swait.ge [sflag:s13], $0x80  }
0x48: {  	[sflag:s13] =	ssyncset.done $0x0  }
0x49: {  	s31 =	sadd.s32 s28, s11;
	[sflag:s13] =	ssyncadd.s32 $0xFFFFFF80  }
0x4a: {  	[tilespmem:s14], [sflag:$0x3] =	stream.linear.gather [hbm4b:s31+s2], $0x80, $0x38;
	[tilespmem:$0x9200] =	vst v63  }
0x4b: {  	_ =	swait.ge [sflag:s13], $0x80  }
0x4c: {  	[sflag:s13] =	ssyncset.done $0x0  }
0x4d: {  	[sflag:s13] =	ssyncadd.s32 $0xFFFFFF80  }
0x4e: {  	[tilespmem:s15], [sflag:$0x1] =	stream.indirect.gather [hbm4b:s3+s15], $0x80, s2, s15, $0xb8;
	[tilespmem:$0x9200] =	vst v63  }
0x4f: {  	_ = 	snop  }
0x50: {  	[tilespmem:s16], [sflag:$0x2] =	stream.indirect.gather [hbm4b:s3+s15], $0x80, s14, s15, $0xb8;
	[tilespmem:$0x9200] =	vst v63  }
0x51: {  	_ =	swait.ge [sflag:s17], $0x4000  }
0x52: {  	[sflag:s17] =	ssyncset.done $0x0  }
0x53: {  	[sflag:s17] =	ssyncadd.s32 $0xFFFFC000  }
0x54: {  	[hbm4b:s26+s2] =	stream.linear.scatter [tilespmem:s15], [sflag:$0x3], $0x4000, $0x38;
	[tilespmem:$0x9200] =	vst v63  }
0x55: {  	_ =	swait.ge [sflag:s13], $0x4000  }
0x56: {  	[sflag:s13] =	ssyncset.done $0x0  }
0x57: {  	[sflag:s13] =	ssyncadd.s32 $0xFFFFC000  }
0x58: {  	_ =	swait.ge [sflag:s18], $0x4000  }
0x59: {  	[sflag:s18] =	ssyncset.done $0x0  }
0x5a: {  	[sflag:s18] =	ssyncadd.s32 $0xFFFFC000  }
0x5b: {  	[hbm4b:s25+s2] =	stream.linear.scatter [tilespmem:s16], [sflag:$0x3], $0x4000, $0x38;
	[tilespmem:$0x9200] =	vst v63  }
0x5c: {  	_ =	swait.ge [sflag:s13], $0x4000  }
0x5d: {  	[sflag:s13] =	ssyncset.done $0x0  }
0x5e: {  	[sflag:s13] =	ssyncadd.s32 $0xFFFFC000  }
0x5f: {  	[tilespmem:s19], [sflag:$0x3] =	stream.linear.gather [hbm4b:s4+s2], $0x10, $0x38;
	[tilespmem:$0x9200] =	vst v63  }
0x60: {  	_ =	swait.ge [sflag:s13], $0x10  }
0x61: {  	[sflag:s13] =	ssyncset.done $0x0  }
0x62: {  	[sflag:s13] =	ssyncadd.s32 $0xFFFFFFF0  }
0x63: {  	[tilespmem:s20], [sflag:$0x3] =	stream.linear.gather [hbm4b:s5+s2], $0x10, $0x38;
	[tilespmem:$0x9200] =	vst v63  }
0x64: {  	_ =	swait.ge [sflag:s13], $0x10  }
0x65: {  	[sflag:s13] =	ssyncset.done $0x0  }
0x66: {  	[sflag:s13] =	ssyncadd.s32 $0xFFFFFFF0  }
0x67: {  	[tilespmem:s22], [sflag:$0x1] =	stream.indirect.gather [hbm4b:s3+s21], $0x80, s19, s21, $0xb8;
	[tilespmem:$0x9200] =	vst v63  }
0x68: {  	_ = 	snop  }
0x69: {  	[tilespmem:s23], [sflag:$0x2] =	stream.indirect.gather [hbm4b:s3+s21], $0x80, s20, s21, $0xb8;
	[tilespmem:$0x9200] =	vst v63  }
0x6a: {  	_ =	swait.ge [sflag:s17], $0x800  }
0x6b: {  	[sflag:s17] =	ssyncset.done $0x0  }
0x6c: {  	[sflag:s17] =	ssyncadd.s32 $0xFFFFF800  }
0x6d: {  	[hbm4b:s6+s2] =	stream.linear.scatter [tilespmem:s22], [sflag:$0x3], $0x800, $0x38;
	[tilespmem:$0x9200] =	vst v63  }
0x6e: {  	_ =	swait.ge [sflag:s13], $0x800  }
0x6f: {  	[sflag:s13] =	ssyncset.done $0x0  }
0x70: {  	[sflag:s13] =	ssyncadd.s32 $0xFFFFF800  }
0x71: {  	s24 =	sadd.s32 $0x1, s24;
	_ =	swait.ge [sflag:s18], $0x800  }
0x72: {  	p0 =	sne.s32 s24, s8;
	[sflag:s18] =	ssyncset.done $0x0  }
.Ltmp1:
0x73: {  	[sflag:s18] =	ssyncadd.s32 $0xFFFFF800;
	(pc) =	sbr.rel @p0 .LBB2_1-.Ltmp1, $4  }
0x74: {  	[hbm4b:s7+s2] =	stream.linear.scatter [tilespmem:s23], [sflag:$0x3], $0x800, $0x38;
	[tilespmem:$0x9200] =	vst v63  }
0x75: {  	_ =	swait.ge [sflag:s13], $0x800  }
0x76: {  	[sflag:s13] =	ssyncset.done $0x0  }
0x77: {  	[sflag:s13] =	ssyncadd.s32 $0xFFFFF800  }
0x78: {  	_ =	sfence.sel $0x180000  }
0x79: {  	[bflag:$0x0] =	sbarrier.arrive $0xFFFF  }
0x7a: {  	_ =	strace $0x90000053  }
0x7b: {  	[bflag:$0x2] =	sbarrier.arrive $0xFFFF  }
0x7c: {  	p0 =	sne.s32 s1, $0x0;
	s0 =	rddreg [dreg:$0x1]  }
0x7d: {  	s0 =	sadd.s32 @!p0 $0x100000, s0  }
0x7e: {  	[sflag:s0] =	ssyncadd.tile.s32 @!p0 $0x1;
	_ =	shalt  }
.Lfunc_end2:
_tile_overlayer_lowered:
.L_overlay_start_2:
0x7f: {  	(tag) =	ssettag $0x2  }
0x80: {  	s0 =	rddreg [dreg:$0x0];
	s2 =	stileid.u32  }
0x81: {  	s1 =	rddreg [dreg:$0x1];
	p0 =	sne.s32 s2, $0x0  }
0x82: {  	s3 =	rddreg [dreg:$0x2];
	[bflag:$0x3] =	sbarrier.arrive $0xFFFF;
	s2 =	simm.s32 @!p0 $0x1C03  }
0x83: {  	[timem:s3], [sflag:s2] =	dma.local @!p0 [hbm:s0], s1  }
0x84: {  	s0 =	simm.s32 @!p0 $0x3  }
0x85: {  	_ =	swait.ge @!p0 [sflag:s0], s1  }
0x86: {  	s1 =	ssub.s32 @!p0 $0x0, s1;
	[sflag:s0] =	ssyncset.done @!p0 $0x0  }
0x87: {  	[sflag:s0] =	ssyncadd.s32 @!p0 s1  }
0x88: {  	[bflag:$0x3] =	sbarrier.arrive $0xFFFF  }
0x89: {  	_ =	shalt  }

// kernel: kernel.42.cloned.1.call-start
scs
__scs_entry_jumppad:
0x0: {  	(pc) =	sbr.rel $0x88, $3  }
0x1: {  	(tag) =	ssettag $0x0;
	lr =	simm.s32 $0x1  }
0x2: {  	[smem:$0x3F6F] =	sst lr;
	_ =	strace $0xD0000000  }
0x3: {  	_ = 	snop  }
0x4: {  	_ = 	snop  }
0x5: {  	_ = 	snop  }
0x6: {  	_ = 	snop  }
0x7: {  	_ = 	snop  }
__scs_overlays_trampoline_lowered:
0x8: {  	[smem:$0x3F7E] =	sst s0  }
0x9: {  	[smem:$0x3F7F] =	sst s1  }
0xa: {  	[smem:$0x3F80] =	sst s2  }
0xb: {  	[smem:$0x3F81] =	sst s3  }
0xc: {  	[smem:$0x3F82] =	sst s4  }
0xd: {  	[smem:$0x3F83] =	sst s5  }
0xe: {  	[smem:$0x3F84] =	sst s6  }
0xf: {  	[smem:$0x3F85] =	sst s7  }
0x10: {  	[smem:$0x3F86] =	sst s8  }
0x11: {  	[smem:$0x3F87] =	sst s9;
	s0 =	simm.s32 @!p0 $0x0  }
0x12: {  	s1 =	sld [smem:$0x3F6D];
	s0 =	simm.s32 @p0 $0x1  }
0x13: {  	[smem:$0x3F88] =	sst s0;
	s0 =	simm.s32 @!p1 $0x0  }
0x14: {  	s2 =	sld [smem:$0x3F6C];
	s0 =	simm.s32 @p1 $0x1  }
0x15: {  	[smem:$0x3F89] =	sst s0;
	s0 =	simm.s32 @!p2 $0x0  }
0x16: {  	s3 =	sld [smem:$0x3FDB];
	s0 =	simm.s32 @p2 $0x1  }
0x17: {  	s4 =	simm.s32 $0x1BF5;
	[smem:$0x3F8B] =	sst s0  }
0x18: {  	s0 =	sld [smem:$0x3F6E];
	_ =	swait.ge [sflag:s4], $0x0  }
0x19: {  	s7 =	sld [smem:$0x3F6F]  }
0x1a: {  	s8 =	sadd.s32 $0xFFFFE003, lr  }
0x1b: {  	s9 =	sadd.s32 $0xFFFFFEF7, lr;
	s5 =	simm.s32 $0xFFFFFFFF;
	p2 =	slt.u32 s8, $0xFFFFF086  }
0x1c: {  	p1 =	slt.u32 s9, $0xF7A;
	s5 =	simm.s32 @!p2 $0x0  }
0x1d: {  	s5 =	simm.s32 @p1 $0x1;
	p0 =	seq.s32 s7, s2  }
0x1e: {  	s7 =	smul.u32 @!p0 $0xF7A, s2;
	p2 =	seq.s32 @!p0 s5, $0x0  }
0x1f: {  	s9 =	smul.u32 $0xF7A, s1;
	s8 =	simm.s32 @!p0 $0x1BF5;
	p2 =	por !p2, p0  }
0x20: {  	[sflag:s8] =	ssyncset.s32 @!p0 $0xFFFFF086;
	s6 =	sadd.s32 @!p0 s3, s7;
	s7 =	simm.s32 @!p0 $0x108  }
0x21: {  	s3 =	sadd.s32 s3, s9;
	s6 =	sadd.s32 @!p0 $0x88, s6;
	s7 =	simm.s32 @p2 $0x1082  }
0x22: {  	[simem:s7], [sflag:s8] =	dma.local @!p0 [hbm:s6], $0xF7A  }
0x23: {  	s9 =	sor.u32 $0xD0000000, s2;
	s6 =	simm.s32 $0x108;
	_ =	swait.ge @!p0 [sflag:s8], $0x0  }
0x24: {  	s3 =	sadd.s32 $0x88, s3;
	s6 =	simm.s32 @!p1 $0x1082;
	[sflag:s4] =	ssyncset.s32 $0xFFFFF086  }
0x25: {  	[simem:s6], [sflag:s4] =	dma.local [hbm:s3], $0xF7A  }
0x26: {  	[smem:$0x3F6F] =	sst s1;
	(tag) =	ssettag s2;
	_ =	strace s9  }
0x27: {  	s1 =	sld [smem:$0x3F7F]  }
0x28: {  	s2 =	sld [smem:$0x3F80]  }
0x29: {  	s4 =	sld [smem:$0x3F82]  }
0x2a: {  	p0 =	seq.s32 s5, $0x0;
	s5 =	sld [smem:$0x3F83]  }
0x2b: {  	s6 =	sld [smem:$0x3F84]  }
0x2c: {  	s7 =	sld [smem:$0x3F85]  }
0x2d: {  	s3 =	simm.s32 $0x108;
	s8 =	sld [smem:$0x3F86]  }
0x2e: {  	s3 =	simm.s32 @!p0 $0x1082;
	s9 =	sld [smem:$0x3F87]  }
0x2f: {  	lr =	sadd.s32 s0, s3;
	s0 =	sld [smem:$0x3F7E]  }
0x30: {  	s3 =	sld [smem:$0x3F81]  }
0x31: {  	[smem:$0x3F8A] =	sst s10  }
0x32: {  	s10 =	sld [smem:$0x3F88];
	_ =	sdelay $0x3  }
0x33: {  	p0 =	seq.s32 s10, $0x1;
	s10 =	sld [smem:$0x3F8A];
	_ =	sdelay $0x3  }
0x34: {  	[smem:$0x3F8A] =	sst s10  }
0x35: {  	s10 =	sld [smem:$0x3F89];
	_ =	sdelay $0x3  }
0x36: {  	p1 =	seq.s32 s10, $0x1;
	s10 =	sld [smem:$0x3F8A];
	_ =	sdelay $0x3  }
0x37: {  	[smem:$0x3F8A] =	sst s10  }
0x38: {  	s10 =	sld [smem:$0x3F8B]  }
0x39: {  	_ = 	snop;
	(pc) =	sbr.ind lr, $3  }
0x3a: {  	_ = 	snop  }
0x3b: {  	_ = 	snop  }
0x3c: {  	p2 =	seq.s32 s10, $0x1;
	s10 =	sld [smem:$0x3F8A]  }
0x3d: {  	_ =	shalt  }
0x3e: {  	_ =	shalt  }
0x3f: {  	_ =	shalt  }
0x40: {  	_ =	shalt  }
0x41: {  	_ =	shalt  }
0x42: {  	_ =	shalt  }
0x43: {  	_ =	shalt  }
0x44: {  	_ =	shalt  }
0x45: {  	_ =	shalt  }
0x46: {  	_ =	shalt  }
0x47: {  	_ =	shalt  }
0x48: {  	_ =	shalt  }
0x49: {  	_ =	shalt  }
0x4a: {  	_ =	shalt  }
0x4b: {  	_ =	shalt  }
0x4c: {  	_ =	shalt  }
0x4d: {  	_ =	shalt  }
0x4e: {  	_ =	shalt  }
0x4f: {  	_ =	shalt  }
0x50: {  	_ =	shalt  }
0x51: {  	_ =	shalt  }
0x52: {  	_ =	shalt  }
0x53: {  	_ =	shalt  }
0x54: {  	_ =	shalt  }
0x55: {  	_ =	shalt  }
0x56: {  	_ =	shalt  }
0x57: {  	_ =	shalt  }
0x58: {  	_ =	shalt  }
0x59: {  	_ =	shalt  }
0x5a: {  	_ =	shalt  }
0x5b: {  	_ =	shalt  }
0x5c: {  	_ =	shalt  }
0x5d: {  	_ =	shalt  }
0x5e: {  	_ =	shalt  }
0x5f: {  	_ =	shalt  }
0x60: {  	_ =	shalt  }
0x61: {  	_ =	shalt  }
0x62: {  	_ =	shalt  }
0x63: {  	_ =	shalt  }
0x64: {  	_ =	shalt  }
0x65: {  	_ =	shalt  }
0x66: {  	_ =	shalt  }
0x67: {  	_ =	shalt  }
0x68: {  	_ =	shalt  }
0x69: {  	_ =	shalt  }
0x6a: {  	_ =	shalt  }
0x6b: {  	_ =	shalt  }
0x6c: {  	_ =	shalt  }
0x6d: {  	_ =	shalt  }
0x6e: {  	_ =	shalt  }
0x6f: {  	_ =	shalt  }
0x70: {  	_ =	shalt  }
0x71: {  	_ =	shalt  }
0x72: {  	_ =	shalt  }
0x73: {  	_ =	shalt  }
0x74: {  	_ =	shalt  }
0x75: {  	_ =	shalt  }
0x76: {  	_ =	shalt  }
0x77: {  	_ =	shalt  }
0x78: {  	_ =	shalt  }
0x79: {  	_ =	shalt  }
0x7a: {  	_ =	shalt  }
0x7b: {  	_ =	shalt  }
0x7c: {  	_ =	shalt  }
0x7d: {  	_ =	shalt  }
0x7e: {  	_ =	shalt  }
0x7f: {  	_ =	shalt  }
0x80: {  	_ =	shalt  }
0x81: {  	_ =	shalt  }
0x82: {  	_ =	shalt  }
0x83: {  	_ =	shalt  }
0x84: {  	_ =	shalt  }
0x85: {  	_ =	shalt  }
0x86: {  	_ =	shalt  }
0x87: {  	_ =	shalt  }
.Lfunc_end0:
.L_simem_size_0:
called_computation.5_lowered:
.L_overlay_start_0:
0x88: {  	s2 =	sld [smem:$0x3FD9]  }
0x89: {  	s3 =	sld [smem:$0x3FFE];
	_ =	sdelay $0x1  }
0x8a: {  	s1 =	srdreg.scid  }
0x8b: {  	s0 =	sand.u32 $0x1, s1  }
0x8c: {  	s16 =	sshll.u32 s0, $0xA;
	s2 =	sadd.s32 s3, s2  }
0x8d: {  	s2 =	sadd.s32 s2, s16  }
0x8e: {  	[smem:$0x3F96] =	sst s2  }
0x8f: {  	_ = 	snop  }
0x90: {  	(tm) =	ssettm $0x1  }
0x91: {  	s17 =	sld [smem:$0x3FFB];
	_ =	sdelay $0x3  }
0x92: {  	_ =	strace s17  }
0x93: {  	s2 =	sld [smem:$0x3FFC];
	_ =	sdelay $0x3  }
0x94: {  	_ =	strace s2  }
0x95: {  	s2 =	sld [smem:$0x3FFD];
	_ =	sdelay $0x3  }
0x96: {  	_ =	strace s2  }
0x97: {  	_ =	strace $0x8FFFFFFF  }
0x98: {  	s18 =	sld [smem:$0x3FDB];
	_ =	sdelay $0x1  }
0x99: {  	s19 =	simm.s32 $_scs_section_size  }
0x9a: {  	s4 =	simm.s32 $_size__tile_overlayer_lowered;
	s5 =	simm.s32 $_tile_overlayer_lowered  }
0x9b: {  	s22 =	simm.s32 $0x1BFF;
	s21 =	sshll.u32 s5, $0x1;
	s2 =	sadd.s32 s19, s18  }
0x9c: {  	s6 =	simm.s32 $0x0;
	s20 =	sshll.u32 s4, $0x1;
	s4 =	sadd.s32 s21, s2  }
0x9d: {  	[timem:s6], [sflag:s22] =	dma.local [hbm:s4], s20  }
0x9e: {  	_ =	swait.ge [sflag:s22], s20  }
0x9f: {  	s3 =	ssub.s32 $0x0, s20;
	[sflag:s22] =	ssyncset.done $0x0  }
0xa0: {  	[sflag:s22] =	ssyncadd.s32 s3;
	_ =	sdelay $0x1  }
0xa1: {  	s23 =	simm.s32 $0x1B8B  }
0xa2: {  	_ =	swait.ge [sflag:s23], $0x1  }
0xa3: {  	[sflag:s23] =	ssyncset.done $0x0  }
0xa4: {  	s25 =	simm.s32 $0x1B8E;
	s24 =	sld [smem:$0x3FFE];
	[sflag:s23] =	ssyncadd.s32 $0xFFFFFFFF  }
0xa5: {  	s26 =	simm.s32 $execute0_lowered;
	[smem:$0x3FD2] =	sst s25  }
0xa6: {  	s4 =	sshll.u32 s26, $0x1;
	_ =	strace $0x80000055;
	[dreg:$0x1] =	wrdreg $0xFFFFFFFF  }
0xa7: {  	s28 =	simm.s32 $_size_execute0_lowered;
	s2 =	sadd.s32 s2, s4;
	[dreg:$0x0] =	wrdreg $0x0  }
0xa8: {  	s4 =	sshll.u32 s28, $0x1;
	[dreg:$0x2] =	wrdreg s2  }
0xa9: {  	[dreg:$0x3] =	wrdreg s4  }
0xaa: {  	[dreg:$0x4] =	wrdreg $0xC0  }
0xab: {  	_ =	task [dreg:s6], $0x5FFFF  }
0xac: {  	[dreg:$0x1] =	wrdreg $0xFFFFFFFF  }
0xad: {  	[dreg:$0x0] =	wrdreg $0x60  }
0xae: {  	[dreg:$0x2] =	wrdreg s24  }
0xaf: {  	[dreg:$0x3] =	wrdreg $0x49000  }
0xb0: {  	[dreg:$0x4] =	wrdreg $0x9  }
0xb1: {  	_ =	task.clear_ibuf [dreg:s6], $0x5FFFF;
	_ =	strace $0x90000055  }
0xb2: {  	s29 =	simm.s32 $0x9;
	_ =	strace $0x80000057  }
0xb3: {  	_ =	swait.ge [sflag:s29], $0x1  }
0xb4: {  	[sflag:s29] =	ssyncadd.s32 $0xFFFFFFFF  }
0xb5: {  	_ =	strace $0x90000057  }
0xb6: {  	_ =	sfence  }
0xb7: {  	s30 =	sld [smem:$0x0];
	_ =	sdelay $0x2  }
0xb8: {  	s31 =	sshll.u32 s1, $0xD;
	s1 =	sshrl.u32 s1, $0x2  }
0xb9: {  	s3 =	sand.u32 $0x4000, s31;
	s1 =	sadd.s32 s1, s30  }
0xba: {  	s0 =	sor.u32 s3, s0;
	s1 =	sshll.u32 s1, $0x11  }
0xbb: {  	s0 =	sor.u32 s1, s0  }
0xbc: {  	s0 =	sadd.s32 $0x8F2B, s0  }
0xbd: {  	[sflag:s0] =	ssyncadd.remote.s32 $0x1  }
0xbe: {  	_ =	sfence.sel $0xFFFF  }
0xbf: {  	[dreg:$0x0] =	wrdreg $0xFFFFFFFF;
	(pc) =	sbr.abs _section_cstart, $3  }
0xc0: {  	[dreg:$0x1] =	wrdreg $0xFFFFFFFF  }
0xc1: {  	_ =	task.clear_ibuf [dreg:s6], $0x2FFFF;
	_ =	strace $0x9FFFFFFF  }
0xc2: {  	(tm) =	ssettm $0x7FFFFFFF  }
0xc3: {  	_ =	shalt  }
tec
execute0_lowered:
.L_overlay_start_1:
0x0: {  	(tag) =	ssettag $0x1  }
0x1: {  	s4 =	rddreg [dreg:$0x0]  }
0x2: {  	s2 =	rddreg [dreg:$0x1];
	s1 =	stileid.u32  }
0x3: {  	s0 =	rddreg [dreg:$0x2];
	s6 =	smul.u32 $0x14000, s1  }
0x4: {  	s5 =	srdreg.scid;
	s3 =	simm.s32 $0x0;
	s8 =	smul.u32 $0x50000, s1  }
0x5: {  	s18 =	simm.s32 $0x0;
	s9 =	sand.u32 $0x1, s5;
	s15 =	smul.u32 $0x4E20, s1  }
0x6: {  	[smem:$0x7FF] =	sst s3;
	s10 =	sadd.s32 $0x1DD1200, s4;
	s17 =	smul.u32 $0x4E200, s1  }
0x7: {  	s11 =	sadd.s32 $0x27800, s4;
	s12 =	sshll.u32 s1, $0x1;
	s5 =	smul.u32 $0x140000, s9  }
0x8: {  	s26 =	sshll.u32 s1, $0x6;
	_ =	strace $0x80000056;
	s16 =	smul.u32 $0x2710, s9  }
0x9: {  	s20 =	ssub.s32 $0x2, s9;
	s22 =	sor.u32 s9, s12;
	s30 =	smul.u32 $0x27100, s9  }
0xa: {  	s7 =	sshrl.u32 s6, $0x3;
	s21 =	sshrl.u32 s20, $0x1;
	s24 =	sshrl.u32 s8, $0x2  }
0xb: {  	s25 =	smul.u32 $0x2710, s22;
	s5 =	sadd.s32 s6, s5;
	s19 =	sadd.s32 s7, s4  }
0xc: {  	s23 =	ssub.s32 s20, s21;
	s14 =	sadd.s32 s24, s2;
	s15 =	sadd.s32 s16, s15  }
0xd: {  	s16 =	simm.s32 $0x4100;
	s5 =	sshrl.u32 s5, $0x3;
	s28 =	sadd.s32 $0x2700, s25  }
0xe: {  	s9 =	smax.u32 s23, $0x1;
	s31 =	sshrl.u32 s15, $0x3;
	s12 =	sshrl.u32 s14, $0x3  }
0xf: {  	s14 =	simm.s32 $0x80;
	s15 =	simm.s32 $0x4080;
	s13 =	sadd.s32 s5, s4  }
0x10: {  	s4 =	sadd.s32 $0xA49600, s19;
	s7 =	sshrl.u32 s28, $0x3;
	s29 =	sshll.u32 s28, $0x4  }
0x11: {  	s5 =	sor.u32 $0x1C01, s26;
	s6 =	sadd.s32 s11, s7;
	s7 =	sadd.s32 s10, s29  }
0x12: {  	s8 =	sadd.s32 $0x85200, s13;
	s10 =	sadd.s32 s17, s10;
	s11 =	sadd.s32 s31, s11  }
0x13: {  	s13 =	simm.s32 $0x1;
	s17 =	simm.s32 $0x10;
	s10 =	sadd.s32 s30, s10  }
.LBB2_1:
0x14: {  	[spmem:s12], [sflag:s5] =	dma.local [hbm:s4], $0x2800  }
0x15: {  	_ =	swait.ge [sflag:s13], $0x2800  }
0x16: {  	[sflag:s13] =	ssyncset.done $0x0  }
0x17: {  	[sflag:s13] =	ssyncadd.s32 $0xFFFFD800  }
0x18: {  	s19 =	sadd.s32 $0x0, s11;
	[bflag:$0x0] =	sbarrier.arrive $0xFFFF  }
0x19: {  	[tilespmem:s3], [sflag:$0x1] =	stream.linear.gather [hbm4b:s19+s3], $0x80, $0x38;
	[tilespmem:$0x18900] =	vst v63  }
0x1a: {  	_ =	swait.ge [sflag:s13], $0x80  }
0x1b: {  	[sflag:s13] =	ssyncset.done $0x0  }
0x1c: {  	[sflag:s13] =	ssyncadd.s32 $0xFFFFFF80  }
0x1d: {  	[tilespmem:s14], [sflag:$0x1] =	stream.linear.gather [hbm4b:s10+s3], $0x4000, $0x38;
	[tilespmem:$0x18900] =	vst v63  }
0x1e: {  	_ =	swait.ge [sflag:s13], $0x4000  }
0x1f: {  	[sflag:s13] =	ssyncset.done $0x0  }
0x20: {  	[sflag:s13] =	ssyncadd.s32 $0xFFFFC000  }
0x21: {  	[spmem:s2] =	stream.indirect.scatter.add.f32 [tilespmem:s14], [sflag:$0x1], $0x80, s3, s14, $0xb8;
	[tilespmem:$0x18900] =	vst v63  }
0x22: {  	s20 =	simm.s32 $0x10;
	_ =	swait.ge [sflag:s13], $0x4000  }
0x23: {  	s21 =	simm.s32 $0x20;
	s19 =	sadd.s32 $0x800, s10;
	[sflag:s13] =	ssyncset.done $0x0  }
.LBB2_2:
0x24: {  	s22 =	sadd.s32 s20, s11  }
0x25: {  	[sflag:s13] =	ssyncadd.s32 $0xFFFFC000;
	s20 =	smov.u32 s21;
	s23 =	sadd.s32 $0x10, s21  }
0x26: {  	[tilespmem:s3], [sflag:$0x1] =	stream.linear.gather [hbm4b:s22+s3], $0x80, $0x38;
	[tilespmem:$0x18900] =	vst v63  }
0x27: {  	p0 =	sne.s32 s21, $0x4D0;
	_ =	swait.ge [sflag:s13], $0x80  }
0x28: {  	[sflag:s13] =	ssyncset.done $0x0  }
0x29: {  	[sflag:s13] =	ssyncadd.s32 $0xFFFFFF80  }
0x2a: {  	[tilespmem:s14], [sflag:$0x1] =	stream.linear.gather [hbm4b:s19+s3], $0x4000, $0x38;
	[tilespmem:$0x18900] =	vst v63  }
0x2b: {  	_ =	swait.ge [sflag:s13], $0x4000  }
.Ltmp0:
0x2c: {  	[sflag:s13] =	ssyncset.done $0x0;
	(pc) =	sbr.rel @p0 .LBB2_2-.Ltmp0, $4  }
0x2d: {  	[sflag:s13] =	ssyncadd.s32 $0xFFFFC000  }
0x2e: {  	[spmem:s2] =	stream.indirect.scatter.add.f32 [tilespmem:s14], [sflag:$0x1], $0x80, s3, s14, $0xb8;
	[tilespmem:$0x18900] =	vst v63  }
0x2f: {  	_ =	swait.ge [sflag:s13], $0x4000  }
0x30: {  	s21 =	smov.u32 s23;
	s19 =	sadd.s32 $0x800, s19;
	[sflag:s13] =	ssyncset.done $0x0  }
0x31: {  	s20 =	sadd.s32 s20, s11;
	[sflag:s13] =	ssyncadd.s32 $0xFFFFC000  }
0x32: {  	[tilespmem:s3], [sflag:$0x1] =	stream.linear.gather [hbm4b:s20+s3], $0x80, $0x38;
	[tilespmem:$0x18900] =	vst v63  }
0x33: {  	_ =	swait.ge [sflag:s13], $0x80  }
0x34: {  	[sflag:s13] =	ssyncset.done $0x0  }
0x35: {  	[sflag:s13] =	ssyncadd.s32 $0xFFFFFF80  }
0x36: {  	[tilespmem:s14], [sflag:$0x1] =	stream.linear.gather [hbm4b:s19+s3], $0x4000, $0x38;
	[tilespmem:$0x18900] =	vst v63  }
0x37: {  	_ =	swait.ge [sflag:s13], $0x4000  }
0x38: {  	[sflag:s13] =	ssyncset.done $0x0  }
0x39: {  	[sflag:s13] =	ssyncadd.s32 $0xFFFFC000  }
0x3a: {  	[spmem:s2] =	stream.indirect.scatter.add.f32 [tilespmem:s14], [sflag:$0x1], $0x80, s3, s14, $0xb8;
	[tilespmem:$0x18900] =	vst v63  }
0x3b: {  	_ =	swait.ge [sflag:s13], $0x4000  }
0x3c: {  	[sflag:s13] =	ssyncset.done $0x0  }
0x3d: {  	[sflag:s13] =	ssyncadd.s32 $0xFFFFC000  }
0x3e: {  	[tilespmem:s15], [sflag:$0x1] =	stream.linear.gather [hbm4b:s6+s3], $0x10, $0x38;
	[tilespmem:$0x18900] =	vst v63  }
0x3f: {  	_ =	swait.ge [sflag:s13], $0x10  }
0x40: {  	[sflag:s13] =	ssyncset.done $0x0  }
0x41: {  	[sflag:s13] =	ssyncadd.s32 $0xFFFFFFF0  }
0x42: {  	[tilespmem:s16], [sflag:$0x1] =	stream.linear.gather [hbm4b:s7+s3], $0x800, $0x38;
	[tilespmem:$0x18900] =	vst v63  }
0x43: {  	_ =	swait.ge [sflag:s13], $0x800  }
0x44: {  	[sflag:s13] =	ssyncset.done $0x0  }
0x45: {  	[sflag:s13] =	ssyncadd.s32 $0xFFFFF800  }
0x46: {  	[spmem:s2] =	stream.indirect.scatter.add.f32 [tilespmem:s16], [sflag:$0x1], $0x80, s15, s17, $0xb8;
	[tilespmem:$0x18900] =	vst v63  }
0x47: {  	_ =	swait.ge [sflag:s13], $0x800  }
0x48: {  	s18 =	sadd.s32 $0x1, s18;
	[sflag:s13] =	ssyncset.done $0x0  }
0x49: {  	p0 =	sne.s32 s18, s9;
	[sflag:s13] =	ssyncadd.s32 $0xFFFFF800  }
.Ltmp1:
0x4a: {  	[bflag:$0x0] =	sbarrier.arrive $0xFFFF;
	(pc) =	sbr.rel @p0 .LBB2_1-.Ltmp1, $4  }
0x4b: {  	[hbm:s8], [sflag:s5] =	dma.local [spmem:s12], $0x2800  }
0x4c: {  	_ =	swait.ge [sflag:s13], $0x2800  }
0x4d: {  	[sflag:s13] =	ssyncset.done $0x0  }
0x4e: {  	[sflag:s13] =	ssyncadd.s32 $0xFFFFD800  }
0x4f: {  	_ =	sfence.sel $0x180000  }
0x50: {  	[bflag:$0x0] =	sbarrier.arrive $0xFFFF  }
0x51: {  	p0 =	sne.s32 s1, $0x0;
	_ =	strace $0x90000056  }
0x52: {  	s0 =	sadd.s32 @!p0 $0x100000, s0;
	[bflag:$0x2] =	sbarrier.arrive $0xFFFF  }
0x53: {  	[sflag:s0] =	ssyncadd.tile.s32 @!p0 $0x1;
	_ =	shalt  }
.Lfunc_end2:
_tile_overlayer_lowered:
.L_overlay_start_2:
0x54: {  	(tag) =	ssettag $0x2  }
0x55: {  	s0 =	rddreg [dreg:$0x0];
	s2 =	stileid.u32  }
0x56: {  	s1 =	rddreg [dreg:$0x1];
	p0 =	sne.s32 s2, $0x0  }
0x57: {  	s3 =	rddreg [dreg:$0x2];
	[bflag:$0x3] =	sbarrier.arrive $0xFFFF;
	s2 =	simm.s32 @!p0 $0x1C01  }
0x58: {  	[timem:s3], [sflag:s2] =	dma.local @!p0 [hbm:s0], s1  }
0x59: {  	s0 =	simm.s32 @!p0 $0x1  }
0x5a: {  	_ =	swait.ge @!p0 [sflag:s0], s1  }
0x5b: {  	s1 =	ssub.s32 @!p0 $0x0, s1;
	[sflag:s0] =	ssyncset.done @!p0 $0x0  }
0x5c: {  	[sflag:s0] =	ssyncadd.s32 @!p0 s1  }
0x5d: {  	[bflag:$0x3] =	sbarrier.arrive $0xFFFF  }
0x5e: {  	_ =	shalt  }

// kernel: kernel.45.cloned.1.call-start
scs
__scs_entry_jumppad:
0x0: {  	(pc) =	sbr.rel $0x88, $3  }
0x1: {  	(tag) =	ssettag $0x0;
	lr =	simm.s32 $0x1  }
0x2: {  	[smem:$0x3F6F] =	sst lr;
	_ =	strace $0xD0000000  }
0x3: {  	_ = 	snop  }
0x4: {  	_ = 	snop  }
0x5: {  	_ = 	snop  }
0x6: {  	_ = 	snop  }
0x7: {  	_ = 	snop  }
__scs_overlays_trampoline_lowered:
0x8: {  	[smem:$0x3F7E] =	sst s0  }
0x9: {  	[smem:$0x3F7F] =	sst s1  }
0xa: {  	[smem:$0x3F80] =	sst s2  }
0xb: {  	[smem:$0x3F81] =	sst s3  }
0xc: {  	[smem:$0x3F82] =	sst s4  }
0xd: {  	[smem:$0x3F83] =	sst s5  }
0xe: {  	[smem:$0x3F84] =	sst s6  }
0xf: {  	[smem:$0x3F85] =	sst s7  }
0x10: {  	[smem:$0x3F86] =	sst s8  }
0x11: {  	[smem:$0x3F87] =	sst s9;
	s0 =	simm.s32 @!p0 $0x0  }
0x12: {  	s1 =	sld [smem:$0x3F6D];
	s0 =	simm.s32 @p0 $0x1  }
0x13: {  	[smem:$0x3F88] =	sst s0;
	s0 =	simm.s32 @!p1 $0x0  }
0x14: {  	s2 =	sld [smem:$0x3F6C];
	s0 =	simm.s32 @p1 $0x1  }
0x15: {  	[smem:$0x3F89] =	sst s0;
	s0 =	simm.s32 @!p2 $0x0  }
0x16: {  	s3 =	sld [smem:$0x3FDB];
	s0 =	simm.s32 @p2 $0x1  }
0x17: {  	s4 =	simm.s32 $0x1BF5;
	[smem:$0x3F8B] =	sst s0  }
0x18: {  	s0 =	sld [smem:$0x3F6E];
	_ =	swait.ge [sflag:s4], $0x0  }
0x19: {  	s7 =	sld [smem:$0x3F6F]  }
0x1a: {  	s8 =	sadd.s32 $0xFFFFE003, lr  }
0x1b: {  	s9 =	sadd.s32 $0xFFFFFEF7, lr;
	s5 =	simm.s32 $0xFFFFFFFF;
	p2 =	slt.u32 s8, $0xFFFFF086  }
0x1c: {  	p1 =	slt.u32 s9, $0xF7A;
	s5 =	simm.s32 @!p2 $0x0  }
0x1d: {  	s5 =	simm.s32 @p1 $0x1;
	p0 =	seq.s32 s7, s2  }
0x1e: {  	s7 =	smul.u32 @!p0 $0xF7A, s2;
	p2 =	seq.s32 @!p0 s5, $0x0  }
0x1f: {  	s9 =	smul.u32 $0xF7A, s1;
	s8 =	simm.s32 @!p0 $0x1BF5;
	p2 =	por !p2, p0  }
0x20: {  	[sflag:s8] =	ssyncset.s32 @!p0 $0xFFFFF086;
	s6 =	sadd.s32 @!p0 s3, s7;
	s7 =	simm.s32 @!p0 $0x108  }
0x21: {  	s3 =	sadd.s32 s3, s9;
	s6 =	sadd.s32 @!p0 $0x88, s6;
	s7 =	simm.s32 @p2 $0x1082  }
0x22: {  	[simem:s7], [sflag:s8] =	dma.local @!p0 [hbm:s6], $0xF7A  }
0x23: {  	s9 =	sor.u32 $0xD0000000, s2;
	s6 =	simm.s32 $0x108;
	_ =	swait.ge @!p0 [sflag:s8], $0x0  }
0x24: {  	s3 =	sadd.s32 $0x88, s3;
	s6 =	simm.s32 @!p1 $0x1082;
	[sflag:s4] =	ssyncset.s32 $0xFFFFF086  }
0x25: {  	[simem:s6], [sflag:s4] =	dma.local [hbm:s3], $0xF7A  }
0x26: {  	[smem:$0x3F6F] =	sst s1;
	(tag) =	ssettag s2;
	_ =	strace s9  }
0x27: {  	s1 =	sld [smem:$0x3F7F]  }
0x28: {  	s2 =	sld [smem:$0x3F80]  }
0x29: {  	s4 =	sld [smem:$0x3F82]  }
0x2a: {  	p0 =	seq.s32 s5, $0x0;
	s5 =	sld [smem:$0x3F83]  }
0x2b: {  	s6 =	sld [smem:$0x3F84]  }
0x2c: {  	s7 =	sld [smem:$0x3F85]  }
0x2d: {  	s3 =	simm.s32 $0x108;
	s8 =	sld [smem:$0x3F86]  }
0x2e: {  	s3 =	simm.s32 @!p0 $0x1082;
	s9 =	sld [smem:$0x3F87]  }
0x2f: {  	lr =	sadd.s32 s0, s3;
	s0 =	sld [smem:$0x3F7E]  }
0x30: {  	s3 =	sld [smem:$0x3F81]  }
0x31: {  	[smem:$0x3F8A] =	sst s10  }
0x32: {  	s10 =	sld [smem:$0x3F88];
	_ =	sdelay $0x3  }
0x33: {  	p0 =	seq.s32 s10, $0x1;
	s10 =	sld [smem:$0x3F8A];
	_ =	sdelay $0x3  }
0x34: {  	[smem:$0x3F8A] =	sst s10  }
0x35: {  	s10 =	sld [smem:$0x3F89];
	_ =	sdelay $0x3  }
0x36: {  	p1 =	seq.s32 s10, $0x1;
	s10 =	sld [smem:$0x3F8A];
	_ =	sdelay $0x3  }
0x37: {  	[smem:$0x3F8A] =	sst s10  }
0x38: {  	s10 =	sld [smem:$0x3F8B]  }
0x39: {  	_ = 	snop;
	(pc) =	sbr.ind lr, $3  }
0x3a: {  	_ = 	snop  }
0x3b: {  	_ = 	snop  }
0x3c: {  	p2 =	seq.s32 s10, $0x1;
	s10 =	sld [smem:$0x3F8A]  }
0x3d: {  	_ =	shalt  }
0x3e: {  	_ =	shalt  }
0x3f: {  	_ =	shalt  }
0x40: {  	_ =	shalt  }
0x41: {  	_ =	shalt  }
0x42: {  	_ =	shalt  }
0x43: {  	_ =	shalt  }
0x44: {  	_ =	shalt  }
0x45: {  	_ =	shalt  }
0x46: {  	_ =	shalt  }
0x47: {  	_ =	shalt  }
0x48: {  	_ =	shalt  }
0x49: {  	_ =	shalt  }
0x4a: {  	_ =	shalt  }
0x4b: {  	_ =	shalt  }
0x4c: {  	_ =	shalt  }
0x4d: {  	_ =	shalt  }
0x4e: {  	_ =	shalt  }
0x4f: {  	_ =	shalt  }
0x50: {  	_ =	shalt  }
0x51: {  	_ =	shalt  }
0x52: {  	_ =	shalt  }
0x53: {  	_ =	shalt  }
0x54: {  	_ =	shalt  }
0x55: {  	_ =	shalt  }
0x56: {  	_ =	shalt  }
0x57: {  	_ =	shalt  }
0x58: {  	_ =	shalt  }
0x59: {  	_ =	shalt  }
0x5a: {  	_ =	shalt  }
0x5b: {  	_ =	shalt  }
0x5c: {  	_ =	shalt  }
0x5d: {  	_ =	shalt  }
0x5e: {  	_ =	shalt  }
0x5f: {  	_ =	shalt  }
0x60: {  	_ =	shalt  }
0x61: {  	_ =	shalt  }
0x62: {  	_ =	shalt  }
0x63: {  	_ =	shalt  }
0x64: {  	_ =	shalt  }
0x65: {  	_ =	shalt  }
0x66: {  	_ =	shalt  }
0x67: {  	_ =	shalt  }
0x68: {  	_ =	shalt  }
0x69: {  	_ =	shalt  }
0x6a: {  	_ =	shalt  }
0x6b: {  	_ =	shalt  }
0x6c: {  	_ =	shalt  }
0x6d: {  	_ =	shalt  }
0x6e: {  	_ =	shalt  }
0x6f: {  	_ =	shalt  }
0x70: {  	_ =	shalt  }
0x71: {  	_ =	shalt  }
0x72: {  	_ =	shalt  }
0x73: {  	_ =	shalt  }
0x74: {  	_ =	shalt  }
0x75: {  	_ =	shalt  }
0x76: {  	_ =	shalt  }
0x77: {  	_ =	shalt  }
0x78: {  	_ =	shalt  }
0x79: {  	_ =	shalt  }
0x7a: {  	_ =	shalt  }
0x7b: {  	_ =	shalt  }
0x7c: {  	_ =	shalt  }
0x7d: {  	_ =	shalt  }
0x7e: {  	_ =	shalt  }
0x7f: {  	_ =	shalt  }
0x80: {  	_ =	shalt  }
0x81: {  	_ =	shalt  }
0x82: {  	_ =	shalt  }
0x83: {  	_ =	shalt  }
0x84: {  	_ =	shalt  }
0x85: {  	_ =	shalt  }
0x86: {  	_ =	shalt  }
0x87: {  	_ =	shalt  }
.Lfunc_end0:
.L_simem_size_0:
called_computation.6_lowered:
.L_overlay_start_0:
0x88: {  	s2 =	sld [smem:$0x3FD9]  }
0x89: {  	s3 =	sld [smem:$0x3FFE];
	_ =	sdelay $0x1  }
0x8a: {  	s1 =	srdreg.scid  }
0x8b: {  	s0 =	sand.u32 $0x1, s1  }
0x8c: {  	s17 =	sshll.u32 s0, $0xA;
	s2 =	sadd.s32 s3, s2  }
0x8d: {  	s2 =	sadd.s32 s2, s17  }
0x8e: {  	[smem:$0x3F96] =	sst s2  }
0x8f: {  	_ = 	snop  }
0x90: {  	(tm) =	ssettm $0x1  }
0x91: {  	s18 =	sld [smem:$0x3FFB];
	_ =	sdelay $0x3  }
0x92: {  	_ =	strace s18  }
0x93: {  	s2 =	sld [smem:$0x3FFC];
	_ =	sdelay $0x3  }
0x94: {  	_ =	strace s2  }
0x95: {  	s2 =	sld [smem:$0x3FFD];
	_ =	sdelay $0x3  }
0x96: {  	_ =	strace s2  }
0x97: {  	_ =	strace $0x8FFFFFFF  }
0x98: {  	s19 =	sld [smem:$0x3FDB];
	_ =	sdelay $0x1  }
0x99: {  	s20 =	simm.s32 $_scs_section_size  }
0x9a: {  	s4 =	simm.s32 $_size__tile_overlayer_lowered;
	s5 =	simm.s32 $_tile_overlayer_lowered  }
0x9b: {  	s6 =	simm.s32 $0x1BFF;
	s21 =	sshll.u32 s5, $0x1;
	s3 =	sadd.s32 s20, s19  }
0x9c: {  	s22 =	simm.s32 $0x0;
	s4 =	sshll.u32 s4, $0x1;
	s5 =	sadd.s32 s21, s3  }
0x9d: {  	[timem:s22], [sflag:s6] =	dma.local [hbm:s5], s4  }
0x9e: {  	_ =	swait.ge [sflag:s6], s4  }
0x9f: {  	s4 =	ssub.s32 $0x0, s4;
	[sflag:s6] =	ssyncset.done $0x0  }
0xa0: {  	[sflag:s6] =	ssyncadd.s32 s4;
	_ =	sdelay $0x1  }
0xa1: {  	s23 =	simm.s32 $0x1B8B  }
0xa2: {  	_ =	swait.ge [sflag:s23], $0x1  }
0xa3: {  	[sflag:s23] =	ssyncset.done $0x0  }
0xa4: {  	[sflag:s23] =	ssyncadd.s32 $0xFFFFFFFF  }
0xa5: {  	s4 =	sld [smem:$0x0]  }
0xa6: {  	s5 =	sand.u32 $0xFFFFFFFE, s1  }
0xa7: {  	p0 =	sne.s32 s1, s5  }
0xa8: {  	s5 =	sshll.u32 @p0 s5, $0xE  }
0xa9: {  	s5 =	sadd.s32 @p0 $0x11B8D, s5;
	s6 =	sshll.u32 @p0 s4, $0x11  }
0xaa: {  	s5 =	sor.u32 @p0 s6, s5  }
0xab: {  	[sflag:s5] =	ssyncadd.remote.s32 @p0 $0x1;
	_ =	sdelay $0x1  }
0xac: {  	s5 =	simm.s32 @p0 $0x1B8D  }
0xad: {  	_ =	swait.eq @p0 [sflag:s5], $0x1  }
0xae: {  	[sflag:s5] =	ssyncadd.s32 @p0 $0xFFFFFFFF  }
0xaf: {  	s6 =	sshll.u32 @!p0 s1, $0xE  }
0xb0: {  	s6 =	sor.u32 @!p0 $0x4000, s6;
	s5 =	simm.s32 @!p0 $0x1B8D  }
0xb1: {  	s4 =	sshll.u32 @!p0 s4, $0x11;
	s6 =	sadd.s32 @!p0 $0x11B8D, s6;
	_ =	swait.eq @!p0 [sflag:s5], $0x1  }
0xb2: {  	s4 =	sor.u32 @!p0 s4, s6;
	[sflag:s5] =	ssyncadd.s32 @!p0 $0xFFFFFFFF  }
0xb3: {  	s25 =	simm.s32 $0x1B8E;
	s24 =	sld [smem:$0x3FFE];
	[sflag:s4] =	ssyncadd.remote.s32 @!p0 $0x1  }
0xb4: {  	s26 =	simm.s32 $execute0_lowered;
	[smem:$0x3FD2] =	sst s25  }
0xb5: {  	s5 =	sshll.u32 s26, $0x1;
	_ =	strace $0x80000058;
	[dreg:$0x1] =	wrdreg $0xFFFFFFFF  }
0xb6: {  	s28 =	simm.s32 $_size_execute0_lowered;
	s3 =	sadd.s32 s3, s5;
	[dreg:$0x0] =	wrdreg $0x0  }
0xb7: {  	s5 =	sshll.u32 s28, $0x1;
	[dreg:$0x2] =	wrdreg s3  }
0xb8: {  	[dreg:$0x3] =	wrdreg s5  }
0xb9: {  	[dreg:$0x4] =	wrdreg $0xC0  }
0xba: {  	_ =	task [dreg:s22], $0x5FFFF  }
0xbb: {  	[dreg:$0x1] =	wrdreg $0xFFFFFFFF  }
0xbc: {  	[dreg:$0x0] =	wrdreg $0x60  }
0xbd: {  	[dreg:$0x2] =	wrdreg s24  }
0xbe: {  	[dreg:$0x3] =	wrdreg $0xA  }
0xbf: {  	_ =	task.clear_ibuf [dreg:s22], $0x4FFFF;
	_ =	strace $0x90000058  }
0xc0: {  	s29 =	simm.s32 $0xA;
	_ =	strace $0x8000005A  }
0xc1: {  	_ =	swait.ge [sflag:s29], $0x1  }
0xc2: {  	[sflag:s29] =	ssyncadd.s32 $0xFFFFFFFF  }
0xc3: {  	_ =	strace $0x9000005A  }
0xc4: {  	_ =	sfence  }
0xc5: {  	s30 =	sld [smem:$0x0];
	_ =	sdelay $0x2  }
0xc6: {  	s31 =	sshll.u32 s1, $0xD;
	s1 =	sshrl.u32 s1, $0x2  }
0xc7: {  	s4 =	sand.u32 $0x4000, s31;
	s1 =	sadd.s32 s1, s30  }
0xc8: {  	s0 =	sor.u32 s4, s0;
	s1 =	sshll.u32 s1, $0x11  }
0xc9: {  	s0 =	sor.u32 s1, s0  }
0xca: {  	s0 =	sadd.s32 $0x8F2B, s0  }
0xcb: {  	[sflag:s0] =	ssyncadd.remote.s32 $0x1  }
0xcc: {  	_ =	sfence.sel $0xFFFF  }
0xcd: {  	[dreg:$0x0] =	wrdreg $0xFFFFFFFF;
	(pc) =	sbr.abs _section_cstart, $3  }
0xce: {  	[dreg:$0x1] =	wrdreg $0xFFFFFFFF  }
0xcf: {  	_ =	task.clear_ibuf [dreg:s22], $0x2FFFF;
	_ =	strace $0x9FFFFFFF  }
0xd0: {  	(tm) =	ssettm $0x7FFFFFFF  }
0xd1: {  	_ =	shalt  }
tec
execute0_lowered:
.L_overlay_start_1:
0x0: {  	(tag) =	ssettag $0x1  }
0x1: {  	s4 =	rddreg [dreg:$0x0];
	s2 =	simm.s32 $0x0  }
0x2: {  	s3 =	srdreg.scid;
	s1 =	stileid.u32;
	s18 =	simm.s32 $0x2  }
0x3: {  	s19 =	simm.s32 $0x8100;
	s20 =	simm.s32 $0x8980;
	s21 =	simm.s32 $0x10  }
0x4: {  	s22 =	simm.s32 $0x8180;
	s23 =	simm.s32 $0x8A00;
	s24 =	simm.s32 $0x0  }
0x5: {  	s8 =	sand.u32 $0x1, s3;
	s3 =	sadd.s32 $0xA71A00, s4;
	s12 =	sadd.s32 $0xB19800, s4  }
0x6: {  	[smem:$0x7FF] =	sst s2;
	s11 =	sadd.s32 $0xB0FA00, s4;
	s13 =	smul.u32 $0x4E200, s1  }
0x7: {  	s5 =	sshll.u32 s1, $0x1;
	s9 =	sadd.s32 $0xB23600, s4;
	s15 =	smul.u32 $0x4E20, s1  }
0x8: {  	s10 =	sadd.s32 $0x1006E00, s4;
	s26 =	ssub.s32 $0x2, s8;
	s16 =	smul.u32 $0x2710, s8  }
0x9: {  	s5 =	sor.u32 s8, s5;
	s17 =	smul.u32 $0x27100, s8;
	s28 =	sshrl.u32 s26, $0x1  }
0xa: {  	_ =	strace $0x80000059;
	s5 =	smul.u32 $0x2710, s5;
	s14 =	ssub.s32 s26, s28  }
0xb: {  	s30 =	sadd.s32 s16, s15;
	s15 =	simm.s32 $0x80;
	s16 =	simm.s32 $0x4100  }
0xc: {  	s6 =	sadd.s32 $0x2700, s5;
	s8 =	smax.u32 s14, $0x1;
	s31 =	sshrl.u32 s30, $0x3  }
0xd: {  	s14 =	simm.s32 $0x4080;
	s7 =	sshrl.u32 s6, $0x3;
	s29 =	sshll.u32 s6, $0x4  }
0xe: {  	s4 =	sadd.s32 s12, s7;
	s5 =	sadd.s32 s11, s7;
	s6 =	sadd.s32 s9, s29  }
0xf: {  	s7 =	sadd.s32 s10, s29;
	s9 =	sadd.s32 s13, s9;
	s10 =	sadd.s32 s13, s10  }
0x10: {  	s11 =	sadd.s32 s31, s11;
	s12 =	sadd.s32 s31, s12;
	s13 =	simm.s32 $0x3  }
0x11: {  	s9 =	sadd.s32 s17, s9;
	s10 =	sadd.s32 s17, s10;
	s17 =	simm.s32 $0x1  }
.LBB2_1:
0x12: {  	s25 =	sadd.s32 $0x0, s12  }
0x13: {  	[tilespmem:s2], [sflag:$0x3] =	stream.linear.gather [hbm4b:s25+s2], $0x80, $0x38;
	[tilespmem:$0x9200] =	vst v63  }
0x14: {  	_ =	swait.ge [sflag:s13], $0x80  }
0x15: {  	[sflag:s13] =	ssyncset.done $0x0  }
0x16: {  	s31 =	sadd.s32 $0x0, s11;
	[sflag:s13] =	ssyncadd.s32 $0xFFFFFF80  }
0x17: {  	[tilespmem:s14], [sflag:$0x3] =	stream.linear.gather [hbm4b:s31+s2], $0x80, $0x38;
	[tilespmem:$0x9200] =	vst v63  }
0x18: {  	_ =	swait.ge [sflag:s13], $0x80  }
0x19: {  	[sflag:s13] =	ssyncset.done $0x0  }
0x1a: {  	[sflag:s13] =	ssyncadd.s32 $0xFFFFFF80  }
0x1b: {  	[tilespmem:s15], [sflag:$0x1] =	stream.indirect.gather [hbm4b:s3+s15], $0x80, s2, s15, $0xb8;
	[tilespmem:$0x9200] =	vst v63  }
0x1c: {  	_ = 	snop  }
0x1d: {  	[tilespmem:s16], [sflag:$0x2] =	stream.indirect.gather [hbm4b:s3+s15], $0x80, s14, s15, $0xb8;
	[tilespmem:$0x9200] =	vst v63  }
0x1e: {  	_ =	swait.ge [sflag:s17], $0x4000  }
0x1f: {  	[sflag:s17] =	ssyncset.done $0x0  }
0x20: {  	[sflag:s17] =	ssyncadd.s32 $0xFFFFC000  }
0x21: {  	[hbm4b:s9+s2] =	stream.linear.scatter [tilespmem:s15], [sflag:$0x3], $0x4000, $0x38;
	[tilespmem:$0x9200] =	vst v63  }
0x22: {  	_ =	swait.ge [sflag:s13], $0x4000  }
0x23: {  	[sflag:s13] =	ssyncset.done $0x0  }
0x24: {  	[sflag:s13] =	ssyncadd.s32 $0xFFFFC000  }
0x25: {  	_ =	swait.ge [sflag:s18], $0x4000  }
0x26: {  	[sflag:s18] =	ssyncset.done $0x0  }
0x27: {  	[sflag:s18] =	ssyncadd.s32 $0xFFFFC000  }
0x28: {  	[hbm4b:s10+s2] =	stream.linear.scatter [tilespmem:s16], [sflag:$0x3], $0x4000, $0x38;
	[tilespmem:$0x9200] =	vst v63  }
0x29: {  	s28 =	simm.s32 $0x10;
	s29 =	simm.s32 $0x20;
	_ =	swait.ge [sflag:s13], $0x4000  }
0x2a: {  	s26 =	sadd.s32 $0x800, s9;
	s25 =	sadd.s32 $0x800, s10;
	[sflag:s13] =	ssyncset.done $0x0  }
.LBB2_2:
0x2b: {  	s30 =	sadd.s32 s28, s12  }
0x2c: {  	[sflag:s13] =	ssyncadd.s32 $0xFFFFC000;
	s31 =	smov.u32 s29;
	s0 =	sadd.s32 $0x10, s29  }
0x2d: {  	[tilespmem:s2], [sflag:$0x3] =	stream.linear.gather [hbm4b:s30+s2], $0x80, $0x38;
	[tilespmem:$0x9200] =	vst v63  }
0x2e: {  	p0 =	sne.s32 s29, $0x4D0;
	_ =	swait.ge [sflag:s13], $0x80  }
0x2f: {  	[sflag:s13] =	ssyncset.done $0x0  }
0x30: {  	s29 =	sadd.s32 s28, s11;
	s28 =	smov.u32 s31;
	[sflag:s13] =	ssyncadd.s32 $0xFFFFFF80  }
0x31: {  	[tilespmem:s14], [sflag:$0x3] =	stream.linear.gather [hbm4b:s29+s2], $0x80, $0x38;
	[tilespmem:$0x9200] =	vst v63  }
0x32: {  	_ =	swait.ge [sflag:s13], $0x80  }
0x33: {  	[sflag:s13] =	ssyncset.done $0x0  }
0x34: {  	[sflag:s13] =	ssyncadd.s32 $0xFFFFFF80  }
0x35: {  	[tilespmem:s15], [sflag:$0x1] =	stream.indirect.gather [hbm4b:s3+s15], $0x80, s2, s15, $0xb8;
	[tilespmem:$0x9200] =	vst v63  }
0x36: {  	_ = 	snop  }
0x37: {  	[tilespmem:s16], [sflag:$0x2] =	stream.indirect.gather [hbm4b:s3+s15], $0x80, s14, s15, $0xb8;
	[tilespmem:$0x9200] =	vst v63  }
0x38: {  	_ =	swait.ge [sflag:s17], $0x4000  }
0x39: {  	[sflag:s17] =	ssyncset.done $0x0  }
0x3a: {  	[sflag:s17] =	ssyncadd.s32 $0xFFFFC000  }
0x3b: {  	[hbm4b:s26+s2] =	stream.linear.scatter [tilespmem:s15], [sflag:$0x3], $0x4000, $0x38;
	[tilespmem:$0x9200] =	vst v63  }
0x3c: {  	_ =	swait.ge [sflag:s13], $0x4000  }
0x3d: {  	[sflag:s13] =	ssyncset.done $0x0  }
0x3e: {  	[sflag:s13] =	ssyncadd.s32 $0xFFFFC000  }
0x3f: {  	_ =	swait.ge [sflag:s18], $0x4000  }
.Ltmp0:
0x40: {  	[sflag:s18] =	ssyncset.done $0x0;
	(pc) =	sbr.rel @p0 .LBB2_2-.Ltmp0, $4  }
0x41: {  	[sflag:s18] =	ssyncadd.s32 $0xFFFFC000  }
0x42: {  	[hbm4b:s25+s2] =	stream.linear.scatter [tilespmem:s16], [sflag:$0x3], $0x4000, $0x38;
	[tilespmem:$0x9200] =	vst v63  }
0x43: {  	s29 =	smov.u32 s0;
	_ =	swait.ge [sflag:s13], $0x4000  }
0x44: {  	s26 =	sadd.s32 $0x800, s26;
	s25 =	sadd.s32 $0x800, s25;
	[sflag:s13] =	ssyncset.done $0x0  }
0x45: {  	s0 =	sadd.s32 s28, s12;
	[sflag:s13] =	ssyncadd.s32 $0xFFFFC000  }
0x46: {  	[tilespmem:s2], [sflag:$0x3] =	stream.linear.gather [hbm4b:s0+s2], $0x80, $0x38;
	[tilespmem:$0x9200] =	vst v63  }
0x47: {  	_ =	swait.ge [sflag:s13], $0x80  }
0x48: {  	[sflag:s13] =	ssyncset.done $0x0  }
0x49: {  	s31 =	sadd.s32 s28, s11;
	[sflag:s13] =	ssyncadd.s32 $0xFFFFFF80  }
0x4a: {  	[tilespmem:s14], [sflag:$0x3] =	stream.linear.gather [hbm4b:s31+s2], $0x80, $0x38;
	[tilespmem:$0x9200] =	vst v63  }
0x4b: {  	_ =	swait.ge [sflag:s13], $0x80  }
0x4c: {  	[sflag:s13] =	ssyncset.done $0x0  }
0x4d: {  	[sflag:s13] =	ssyncadd.s32 $0xFFFFFF80  }
0x4e: {  	[tilespmem:s15], [sflag:$0x1] =	stream.indirect.gather [hbm4b:s3+s15], $0x80, s2, s15, $0xb8;
	[tilespmem:$0x9200] =	vst v63  }
0x4f: {  	_ = 	snop  }
0x50: {  	[tilespmem:s16], [sflag:$0x2] =	stream.indirect.gather [hbm4b:s3+s15], $0x80, s14, s15, $0xb8;
	[tilespmem:$0x9200] =	vst v63  }
0x51: {  	_ =	swait.ge [sflag:s17], $0x4000  }
0x52: {  	[sflag:s17] =	ssyncset.done $0x0  }
0x53: {  	[sflag:s17] =	ssyncadd.s32 $0xFFFFC000  }
0x54: {  	[hbm4b:s26+s2] =	stream.linear.scatter [tilespmem:s15], [sflag:$0x3], $0x4000, $0x38;
	[tilespmem:$0x9200] =	vst v63  }
0x55: {  	_ =	swait.ge [sflag:s13], $0x4000  }
0x56: {  	[sflag:s13] =	ssyncset.done $0x0  }
0x57: {  	[sflag:s13] =	ssyncadd.s32 $0xFFFFC000  }
0x58: {  	_ =	swait.ge [sflag:s18], $0x4000  }
0x59: {  	[sflag:s18] =	ssyncset.done $0x0  }
0x5a: {  	[sflag:s18] =	ssyncadd.s32 $0xFFFFC000  }
0x5b: {  	[hbm4b:s25+s2] =	stream.linear.scatter [tilespmem:s16], [sflag:$0x3], $0x4000, $0x38;
	[tilespmem:$0x9200] =	vst v63  }
0x5c: {  	_ =	swait.ge [sflag:s13], $0x4000  }
0x5d: {  	[sflag:s13] =	ssyncset.done $0x0  }
0x5e: {  	[sflag:s13] =	ssyncadd.s32 $0xFFFFC000  }
0x5f: {  	[tilespmem:s19], [sflag:$0x3] =	stream.linear.gather [hbm4b:s4+s2], $0x10, $0x38;
	[tilespmem:$0x9200] =	vst v63  }
0x60: {  	_ =	swait.ge [sflag:s13], $0x10  }
0x61: {  	[sflag:s13] =	ssyncset.done $0x0  }
0x62: {  	[sflag:s13] =	ssyncadd.s32 $0xFFFFFFF0  }
0x63: {  	[tilespmem:s20], [sflag:$0x3] =	stream.linear.gather [hbm4b:s5+s2], $0x10, $0x38;
	[tilespmem:$0x9200] =	vst v63  }
0x64: {  	_ =	swait.ge [sflag:s13], $0x10  }
0x65: {  	[sflag:s13] =	ssyncset.done $0x0  }
0x66: {  	[sflag:s13] =	ssyncadd.s32 $0xFFFFFFF0  }
0x67: {  	[tilespmem:s22], [sflag:$0x1] =	stream.indirect.gather [hbm4b:s3+s21], $0x80, s19, s21, $0xb8;
	[tilespmem:$0x9200] =	vst v63  }
0x68: {  	_ = 	snop  }
0x69: {  	[tilespmem:s23], [sflag:$0x2] =	stream.indirect.gather [hbm4b:s3+s21], $0x80, s20, s21, $0xb8;
	[tilespmem:$0x9200] =	vst v63  }
0x6a: {  	_ =	swait.ge [sflag:s17], $0x800  }
0x6b: {  	[sflag:s17] =	ssyncset.done $0x0  }
0x6c: {  	[sflag:s17] =	ssyncadd.s32 $0xFFFFF800  }
0x6d: {  	[hbm4b:s6+s2] =	stream.linear.scatter [tilespmem:s22], [sflag:$0x3], $0x800, $0x38;
	[tilespmem:$0x9200] =	vst v63  }
0x6e: {  	_ =	swait.ge [sflag:s13], $0x800  }
0x6f: {  	[sflag:s13] =	ssyncset.done $0x0  }
0x70: {  	[sflag:s13] =	ssyncadd.s32 $0xFFFFF800  }
0x71: {  	s24 =	sadd.s32 $0x1, s24;
	_ =	swait.ge [sflag:s18], $0x800  }
0x72: {  	p0 =	sne.s32 s24, s8;
	[sflag:s18] =	ssyncset.done $0x0  }
.Ltmp1:
0x73: {  	[sflag:s18] =	ssyncadd.s32 $0xFFFFF800;
	(pc) =	sbr.rel @p0 .LBB2_1-.Ltmp1, $4  }
0x74: {  	[hbm4b:s7+s2] =	stream.linear.scatter [tilespmem:s23], [sflag:$0x3], $0x800, $0x38;
	[tilespmem:$0x9200] =	vst v63  }
0x75: {  	_ =	swait.ge [sflag:s13], $0x800  }
0x76: {  	[sflag:s13] =	ssyncset.done $0x0  }
0x77: {  	[sflag:s13] =	ssyncadd.s32 $0xFFFFF800  }
0x78: {  	_ =	sfence.sel $0x180000  }
0x79: {  	[bflag:$0x0] =	sbarrier.arrive $0xFFFF  }
0x7a: {  	_ =	strace $0x90000059  }
0x7b: {  	[bflag:$0x2] =	sbarrier.arrive $0xFFFF  }
0x7c: {  	p0 =	sne.s32 s1, $0x0;
	s0 =	rddreg [dreg:$0x1]  }
0x7d: {  	s0 =	sadd.s32 @!p0 $0x100000, s0  }
0x7e: {  	[sflag:s0] =	ssyncadd.tile.s32 @!p0 $0x1;
	_ =	shalt  }
.Lfunc_end2:
_tile_overlayer_lowered:
.L_overlay_start_2:
0x7f: {  	(tag) =	ssettag $0x2  }
0x80: {  	s0 =	rddreg [dreg:$0x0];
	s2 =	stileid.u32  }
0x81: {  	s1 =	rddreg [dreg:$0x1];
	p0 =	sne.s32 s2, $0x0  }
0x82: {  	s3 =	rddreg [dreg:$0x2];
	[bflag:$0x3] =	sbarrier.arrive $0xFFFF;
	s2 =	simm.s32 @!p0 $0x1C03  }
0x83: {  	[timem:s3], [sflag:s2] =	dma.local @!p0 [hbm:s0], s1  }
0x84: {  	s0 =	simm.s32 @!p0 $0x3  }
0x85: {  	_ =	swait.ge @!p0 [sflag:s0], s1  }
0x86: {  	s1 =	ssub.s32 @!p0 $0x0, s1;
	[sflag:s0] =	ssyncset.done @!p0 $0x0  }
0x87: {  	[sflag:s0] =	ssyncadd.s32 @!p0 s1  }
0x88: {  	[bflag:$0x3] =	sbarrier.arrive $0xFFFF  }
0x89: {  	_ =	shalt  }

// kernel: kernel.48.cloned.1.call-start
scs
__scs_entry_jumppad:
0x0: {  	(pc) =	sbr.rel $0x88, $3  }
0x1: {  	(tag) =	ssettag $0x0;
	lr =	simm.s32 $0x1  }
0x2: {  	[smem:$0x3F6F] =	sst lr;
	_ =	strace $0xD0000000  }
0x3: {  	_ = 	snop  }
0x4: {  	_ = 	snop  }
0x5: {  	_ = 	snop  }
0x6: {  	_ = 	snop  }
0x7: {  	_ = 	snop  }
__scs_overlays_trampoline_lowered:
0x8: {  	[smem:$0x3F7E] =	sst s0  }
0x9: {  	[smem:$0x3F7F] =	sst s1  }
0xa: {  	[smem:$0x3F80] =	sst s2  }
0xb: {  	[smem:$0x3F81] =	sst s3  }
0xc: {  	[smem:$0x3F82] =	sst s4  }
0xd: {  	[smem:$0x3F83] =	sst s5  }
0xe: {  	[smem:$0x3F84] =	sst s6  }
0xf: {  	[smem:$0x3F85] =	sst s7  }
0x10: {  	[smem:$0x3F86] =	sst s8  }
0x11: {  	[smem:$0x3F87] =	sst s9;
	s0 =	simm.s32 @!p0 $0x0  }
0x12: {  	s1 =	sld [smem:$0x3F6D];
	s0 =	simm.s32 @p0 $0x1  }
0x13: {  	[smem:$0x3F88] =	sst s0;
	s0 =	simm.s32 @!p1 $0x0  }
0x14: {  	s2 =	sld [smem:$0x3F6C];
	s0 =	simm.s32 @p1 $0x1  }
0x15: {  	[smem:$0x3F89] =	sst s0;
	s0 =	simm.s32 @!p2 $0x0  }
0x16: {  	s3 =	sld [smem:$0x3FDB];
	s0 =	simm.s32 @p2 $0x1  }
0x17: {  	s4 =	simm.s32 $0x1BF5;
	[smem:$0x3F8B] =	sst s0  }
0x18: {  	s0 =	sld [smem:$0x3F6E];
	_ =	swait.ge [sflag:s4], $0x0  }
0x19: {  	s7 =	sld [smem:$0x3F6F]  }
0x1a: {  	s8 =	sadd.s32 $0xFFFFE003, lr  }
0x1b: {  	s9 =	sadd.s32 $0xFFFFFEF7, lr;
	s5 =	simm.s32 $0xFFFFFFFF;
	p2 =	slt.u32 s8, $0xFFFFF086  }
0x1c: {  	p1 =	slt.u32 s9, $0xF7A;
	s5 =	simm.s32 @!p2 $0x0  }
0x1d: {  	s5 =	simm.s32 @p1 $0x1;
	p0 =	seq.s32 s7, s2  }
0x1e: {  	s7 =	smul.u32 @!p0 $0xF7A, s2;
	p2 =	seq.s32 @!p0 s5, $0x0  }
0x1f: {  	s9 =	smul.u32 $0xF7A, s1;
	s8 =	simm.s32 @!p0 $0x1BF5;
	p2 =	por !p2, p0  }
0x20: {  	[sflag:s8] =	ssyncset.s32 @!p0 $0xFFFFF086;
	s6 =	sadd.s32 @!p0 s3, s7;
	s7 =	simm.s32 @!p0 $0x108  }
0x21: {  	s3 =	sadd.s32 s3, s9;
	s6 =	sadd.s32 @!p0 $0x88, s6;
	s7 =	simm.s32 @p2 $0x1082  }
0x22: {  	[simem:s7], [sflag:s8] =	dma.local @!p0 [hbm:s6], $0xF7A  }
0x23: {  	s9 =	sor.u32 $0xD0000000, s2;
	s6 =	simm.s32 $0x108;
	_ =	swait.ge @!p0 [sflag:s8], $0x0  }
0x24: {  	s3 =	sadd.s32 $0x88, s3;
	s6 =	simm.s32 @!p1 $0x1082;
	[sflag:s4] =	ssyncset.s32 $0xFFFFF086  }
0x25: {  	[simem:s6], [sflag:s4] =	dma.local [hbm:s3], $0xF7A  }
0x26: {  	[smem:$0x3F6F] =	sst s1;
	(tag) =	ssettag s2;
	_ =	strace s9  }
0x27: {  	s1 =	sld [smem:$0x3F7F]  }
0x28: {  	s2 =	sld [smem:$0x3F80]  }
0x29: {  	s4 =	sld [smem:$0x3F82]  }
0x2a: {  	p0 =	seq.s32 s5, $0x0;
	s5 =	sld [smem:$0x3F83]  }
0x2b: {  	s6 =	sld [smem:$0x3F84]  }
0x2c: {  	s7 =	sld [smem:$0x3F85]  }
0x2d: {  	s3 =	simm.s32 $0x108;
	s8 =	sld [smem:$0x3F86]  }
0x2e: {  	s3 =	simm.s32 @!p0 $0x1082;
	s9 =	sld [smem:$0x3F87]  }
0x2f: {  	lr =	sadd.s32 s0, s3;
	s0 =	sld [smem:$0x3F7E]  }
0x30: {  	s3 =	sld [smem:$0x3F81]  }
0x31: {  	[smem:$0x3F8A] =	sst s10  }
0x32: {  	s10 =	sld [smem:$0x3F88];
	_ =	sdelay $0x3  }
0x33: {  	p0 =	seq.s32 s10, $0x1;
	s10 =	sld [smem:$0x3F8A];
	_ =	sdelay $0x3  }
0x34: {  	[smem:$0x3F8A] =	sst s10  }
0x35: {  	s10 =	sld [smem:$0x3F89];
	_ =	sdelay $0x3  }
0x36: {  	p1 =	seq.s32 s10, $0x1;
	s10 =	sld [smem:$0x3F8A];
	_ =	sdelay $0x3  }
0x37: {  	[smem:$0x3F8A] =	sst s10  }
0x38: {  	s10 =	sld [smem:$0x3F8B]  }
0x39: {  	_ = 	snop;
	(pc) =	sbr.ind lr, $3  }
0x3a: {  	_ = 	snop  }
0x3b: {  	_ = 	snop  }
0x3c: {  	p2 =	seq.s32 s10, $0x1;
	s10 =	sld [smem:$0x3F8A]  }
0x3d: {  	_ =	shalt  }
0x3e: {  	_ =	shalt  }
0x3f: {  	_ =	shalt  }
0x40: {  	_ =	shalt  }
0x41: {  	_ =	shalt  }
0x42: {  	_ =	shalt  }
0x43: {  	_ =	shalt  }
0x44: {  	_ =	shalt  }
0x45: {  	_ =	shalt  }
0x46: {  	_ =	shalt  }
0x47: {  	_ =	shalt  }
0x48: {  	_ =	shalt  }
0x49: {  	_ =	shalt  }
0x4a: {  	_ =	shalt  }
0x4b: {  	_ =	shalt  }
0x4c: {  	_ =	shalt  }
0x4d: {  	_ =	shalt  }
0x4e: {  	_ =	shalt  }
0x4f: {  	_ =	shalt  }
0x50: {  	_ =	shalt  }
0x51: {  	_ =	shalt  }
0x52: {  	_ =	shalt  }
0x53: {  	_ =	shalt  }
0x54: {  	_ =	shalt  }
0x55: {  	_ =	shalt  }
0x56: {  	_ =	shalt  }
0x57: {  	_ =	shalt  }
0x58: {  	_ =	shalt  }
0x59: {  	_ =	shalt  }
0x5a: {  	_ =	shalt  }
0x5b: {  	_ =	shalt  }
0x5c: {  	_ =	shalt  }
0x5d: {  	_ =	shalt  }
0x5e: {  	_ =	shalt  }
0x5f: {  	_ =	shalt  }
0x60: {  	_ =	shalt  }
0x61: {  	_ =	shalt  }
0x62: {  	_ =	shalt  }
0x63: {  	_ =	shalt  }
0x64: {  	_ =	shalt  }
0x65: {  	_ =	shalt  }
0x66: {  	_ =	shalt  }
0x67: {  	_ =	shalt  }
0x68: {  	_ =	shalt  }
0x69: {  	_ =	shalt  }
0x6a: {  	_ =	shalt  }
0x6b: {  	_ =	shalt  }
0x6c: {  	_ =	shalt  }
0x6d: {  	_ =	shalt  }
0x6e: {  	_ =	shalt  }
0x6f: {  	_ =	shalt  }
0x70: {  	_ =	shalt  }
0x71: {  	_ =	shalt  }
0x72: {  	_ =	shalt  }
0x73: {  	_ =	shalt  }
0x74: {  	_ =	shalt  }
0x75: {  	_ =	shalt  }
0x76: {  	_ =	shalt  }
0x77: {  	_ =	shalt  }
0x78: {  	_ =	shalt  }
0x79: {  	_ =	shalt  }
0x7a: {  	_ =	shalt  }
0x7b: {  	_ =	shalt  }
0x7c: {  	_ =	shalt  }
0x7d: {  	_ =	shalt  }
0x7e: {  	_ =	shalt  }
0x7f: {  	_ =	shalt  }
0x80: {  	_ =	shalt  }
0x81: {  	_ =	shalt  }
0x82: {  	_ =	shalt  }
0x83: {  	_ =	shalt  }
0x84: {  	_ =	shalt  }
0x85: {  	_ =	shalt  }
0x86: {  	_ =	shalt  }
0x87: {  	_ =	shalt  }
.Lfunc_end0:
.L_simem_size_0:
called_computation.7_lowered:
.L_overlay_start_0:
0x88: {  	s2 =	sld [smem:$0x3FD9]  }
0x89: {  	s3 =	sld [smem:$0x3FFE];
	_ =	sdelay $0x1  }
0x8a: {  	s1 =	srdreg.scid  }
0x8b: {  	s0 =	sand.u32 $0x1, s1  }
0x8c: {  	s16 =	sshll.u32 s0, $0xA;
	s2 =	sadd.s32 s3, s2  }
0x8d: {  	s2 =	sadd.s32 s2, s16  }
0x8e: {  	[smem:$0x3F96] =	sst s2  }
0x8f: {  	_ = 	snop  }
0x90: {  	(tm) =	ssettm $0x1  }
0x91: {  	s17 =	sld [smem:$0x3FFB];
	_ =	sdelay $0x3  }
0x92: {  	_ =	strace s17  }
0x93: {  	s2 =	sld [smem:$0x3FFC];
	_ =	sdelay $0x3  }
0x94: {  	_ =	strace s2  }
0x95: {  	s2 =	sld [smem:$0x3FFD];
	_ =	sdelay $0x3  }
0x96: {  	_ =	strace s2  }
0x97: {  	_ =	strace $0x8FFFFFFF  }
0x98: {  	s18 =	sld [smem:$0x3FDB];
	_ =	sdelay $0x1  }
0x99: {  	s19 =	simm.s32 $_scs_section_size  }
0x9a: {  	s4 =	simm.s32 $_size__tile_overlayer_lowered;
	s5 =	simm.s32 $_tile_overlayer_lowered  }
0x9b: {  	s22 =	simm.s32 $0x1BFF;
	s21 =	sshll.u32 s5, $0x1;
	s2 =	sadd.s32 s19, s18  }
0x9c: {  	s6 =	simm.s32 $0x0;
	s20 =	sshll.u32 s4, $0x1;
	s4 =	sadd.s32 s21, s2  }
0x9d: {  	[timem:s6], [sflag:s22] =	dma.local [hbm:s4], s20  }
0x9e: {  	_ =	swait.ge [sflag:s22], s20  }
0x9f: {  	s3 =	ssub.s32 $0x0, s20;
	[sflag:s22] =	ssyncset.done $0x0  }
0xa0: {  	[sflag:s22] =	ssyncadd.s32 s3;
	_ =	sdelay $0x1  }
0xa1: {  	s23 =	simm.s32 $0x1B8B  }
0xa2: {  	_ =	swait.ge [sflag:s23], $0x1  }
0xa3: {  	[sflag:s23] =	ssyncset.done $0x0  }
0xa4: {  	s25 =	simm.s32 $0x1B8E;
	s24 =	sld [smem:$0x3FFE];
	[sflag:s23] =	ssyncadd.s32 $0xFFFFFFFF  }
0xa5: {  	s26 =	simm.s32 $execute0_lowered;
	[smem:$0x3FD2] =	sst s25  }
0xa6: {  	s4 =	sshll.u32 s26, $0x1;
	_ =	strace $0x8000005B;
	[dreg:$0x1] =	wrdreg $0xFFFFFFFF  }
0xa7: {  	s28 =	simm.s32 $_size_execute0_lowered;
	s2 =	sadd.s32 s2, s4;
	[dreg:$0x0] =	wrdreg $0x0  }
0xa8: {  	s4 =	sshll.u32 s28, $0x1;
	[dreg:$0x2] =	wrdreg s2  }
0xa9: {  	[dreg:$0x3] =	wrdreg s4  }
0xaa: {  	[dreg:$0x4] =	wrdreg $0xC0  }
0xab: {  	_ =	task [dreg:s6], $0x5FFFF  }
0xac: {  	[dreg:$0x1] =	wrdreg $0xFFFFFFFF  }
0xad: {  	[dreg:$0x0] =	wrdreg $0x60  }
0xae: {  	[dreg:$0x2] =	wrdreg s24  }
0xaf: {  	[dreg:$0x3] =	wrdreg $0x49000  }
0xb0: {  	[dreg:$0x4] =	wrdreg $0x9  }
0xb1: {  	_ =	task.clear_ibuf [dreg:s6], $0x5FFFF;
	_ =	strace $0x9000005B  }
0xb2: {  	s29 =	simm.s32 $0x9;
	_ =	strace $0x8000005D  }
0xb3: {  	_ =	swait.ge [sflag:s29], $0x1  }
0xb4: {  	[sflag:s29] =	ssyncadd.s32 $0xFFFFFFFF  }
0xb5: {  	_ =	strace $0x9000005D  }
0xb6: {  	_ =	sfence  }
0xb7: {  	s30 =	sld [smem:$0x0];
	_ =	sdelay $0x2  }
0xb8: {  	s31 =	sshll.u32 s1, $0xD;
	s1 =	sshrl.u32 s1, $0x2  }
0xb9: {  	s3 =	sand.u32 $0x4000, s31;
	s1 =	sadd.s32 s1, s30  }
0xba: {  	s0 =	sor.u32 s3, s0;
	s1 =	sshll.u32 s1, $0x11  }
0xbb: {  	s0 =	sor.u32 s1, s0  }
0xbc: {  	s0 =	sadd.s32 $0x8F2B, s0  }
0xbd: {  	[sflag:s0] =	ssyncadd.remote.s32 $0x1  }
0xbe: {  	_ =	sfence.sel $0xFFFF  }
0xbf: {  	[dreg:$0x0] =	wrdreg $0xFFFFFFFF;
	(pc) =	sbr.abs _section_cstart, $3  }
0xc0: {  	[dreg:$0x1] =	wrdreg $0xFFFFFFFF  }
0xc1: {  	_ =	task.clear_ibuf [dreg:s6], $0x2FFFF;
	_ =	strace $0x9FFFFFFF  }
0xc2: {  	(tm) =	ssettm $0x7FFFFFFF  }
0xc3: {  	_ =	shalt  }
tec
execute0_lowered:
.L_overlay_start_1:
0x0: {  	(tag) =	ssettag $0x1  }
0x1: {  	s4 =	rddreg [dreg:$0x0]  }
0x2: {  	s2 =	rddreg [dreg:$0x1];
	s1 =	stileid.u32  }
0x3: {  	s0 =	rddreg [dreg:$0x2];
	s6 =	smul.u32 $0x14000, s1  }
0x4: {  	s5 =	srdreg.scid;
	s3 =	simm.s32 $0x0;
	s8 =	smul.u32 $0x50000, s1  }
0x5: {  	s18 =	simm.s32 $0x0;
	s9 =	sand.u32 $0x1, s5;
	s15 =	smul.u32 $0x4E20, s1  }
0x6: {  	[smem:$0x7FF] =	sst s3;
	s10 =	sadd.s32 $0x36E00, s4;
	s17 =	smul.u32 $0x4E200, s1  }
0x7: {  	s11 =	sadd.s32 $0xB19800, s4;
	s12 =	sshll.u32 s1, $0x1;
	s5 =	smul.u32 $0x140000, s9  }
0x8: {  	s26 =	sshll.u32 s1, $0x6;
	_ =	strace $0x8000005C;
	s16 =	smul.u32 $0x2710, s9  }
0x9: {  	s20 =	ssub.s32 $0x2, s9;
	s22 =	sor.u32 s9, s12;
	s30 =	smul.u32 $0x27100, s9  }
0xa: {  	s7 =	sshrl.u32 s6, $0x3;
	s21 =	sshrl.u32 s20, $0x1;
	s24 =	sshrl.u32 s8, $0x2  }
0xb: {  	s25 =	smul.u32 $0x2710, s22;
	s5 =	sadd.s32 s6, s5;
	s19 =	sadd.s32 s7, s4  }
0xc: {  	s23 =	ssub.s32 s20, s21;
	s14 =	sadd.s32 s24, s2;
	s15 =	sadd.s32 s16, s15  }
0xd: {  	s16 =	simm.s32 $0x4100;
	s5 =	sshrl.u32 s5, $0x3;
	s28 =	sadd.s32 $0x2700, s25  }
0xe: {  	s9 =	smax.u32 s23, $0x1;
	s31 =	sshrl.u32 s15, $0x3;
	s12 =	sshrl.u32 s14, $0x3  }
0xf: {  	s14 =	simm.s32 $0x80;
	s15 =	simm.s32 $0x4080;
	s13 =	sadd.s32 s5, s4  }
0x10: {  	s4 =	sadd.s32 $0xA49600, s19;
	s7 =	sshrl.u32 s28, $0x3;
	s29 =	sshll.u32 s28, $0x4  }
0x11: {  	s5 =	sor.u32 $0x1C01, s26;
	s6 =	sadd.s32 s11, s7;
	s7 =	sadd.s32 s10, s29  }
0x12: {  	s8 =	sadd.s32 $0xB23600, s13;
	s10 =	sadd.s32 s17, s10;
	s11 =	sadd.s32 s31, s11  }
0x13: {  	s13 =	simm.s32 $0x1;
	s17 =	simm.s32 $0x10;
	s10 =	sadd.s32 s30, s10  }
.LBB2_1:
0x14: {  	[spmem:s12], [sflag:s5] =	dma.local [hbm:s4], $0x2800  }
0x15: {  	_ =	swait.ge [sflag:s13], $0x2800  }
0x16: {  	[sflag:s13] =	ssyncset.done $0x0  }
0x17: {  	[sflag:s13] =	ssyncadd.s32 $0xFFFFD800  }
0x18: {  	s19 =	sadd.s32 $0x0, s11;
	[bflag:$0x0] =	sbarrier.arrive $0xFFFF  }
0x19: {  	[tilespmem:s3], [sflag:$0x1] =	stream.linear.gather [hbm4b:s19+s3], $0x80, $0x38;
	[tilespmem:$0x18900] =	vst v63  }
0x1a: {  	_ =	swait.ge [sflag:s13], $0x80  }
0x1b: {  	[sflag:s13] =	ssyncset.done $0x0  }
0x1c: {  	[sflag:s13] =	ssyncadd.s32 $0xFFFFFF80  }
0x1d: {  	[tilespmem:s14], [sflag:$0x1] =	stream.linear.gather [hbm4b:s10+s3], $0x4000, $0x38;
	[tilespmem:$0x18900] =	vst v63  }
0x1e: {  	_ =	swait.ge [sflag:s13], $0x4000  }
0x1f: {  	[sflag:s13] =	ssyncset.done $0x0  }
0x20: {  	[sflag:s13] =	ssyncadd.s32 $0xFFFFC000  }
0x21: {  	[spmem:s2] =	stream.indirect.scatter.add.f32 [tilespmem:s14], [sflag:$0x1], $0x80, s3, s14, $0xb8;
	[tilespmem:$0x18900] =	vst v63  }
0x22: {  	s20 =	simm.s32 $0x10;
	_ =	swait.ge [sflag:s13], $0x4000  }
0x23: {  	s21 =	simm.s32 $0x20;
	s19 =	sadd.s32 $0x800, s10;
	[sflag:s13] =	ssyncset.done $0x0  }
.LBB2_2:
0x24: {  	s22 =	sadd.s32 s20, s11  }
0x25: {  	[sflag:s13] =	ssyncadd.s32 $0xFFFFC000;
	s20 =	smov.u32 s21;
	s23 =	sadd.s32 $0x10, s21  }
0x26: {  	[tilespmem:s3], [sflag:$0x1] =	stream.linear.gather [hbm4b:s22+s3], $0x80, $0x38;
	[tilespmem:$0x18900] =	vst v63  }
0x27: {  	p0 =	sne.s32 s21, $0x4D0;
	_ =	swait.ge [sflag:s13], $0x80  }
0x28: {  	[sflag:s13] =	ssyncset.done $0x0  }
0x29: {  	[sflag:s13] =	ssyncadd.s32 $0xFFFFFF80  }
0x2a: {  	[tilespmem:s14], [sflag:$0x1] =	stream.linear.gather [hbm4b:s19+s3], $0x4000, $0x38;
	[tilespmem:$0x18900] =	vst v63  }
0x2b: {  	_ =	swait.ge [sflag:s13], $0x4000  }
.Ltmp0:
0x2c: {  	[sflag:s13] =	ssyncset.done $0x0;
	(pc) =	sbr.rel @p0 .LBB2_2-.Ltmp0, $4  }
0x2d: {  	[sflag:s13] =	ssyncadd.s32 $0xFFFFC000  }
0x2e: {  	[spmem:s2] =	stream.indirect.scatter.add.f32 [tilespmem:s14], [sflag:$0x1], $0x80, s3, s14, $0xb8;
	[tilespmem:$0x18900] =	vst v63  }
0x2f: {  	_ =	swait.ge [sflag:s13], $0x4000  }
0x30: {  	s21 =	smov.u32 s23;
	s19 =	sadd.s32 $0x800, s19;
	[sflag:s13] =	ssyncset.done $0x0  }
0x31: {  	s20 =	sadd.s32 s20, s11;
	[sflag:s13] =	ssyncadd.s32 $0xFFFFC000  }
0x32: {  	[tilespmem:s3], [sflag:$0x1] =	stream.linear.gather [hbm4b:s20+s3], $0x80, $0x38;
	[tilespmem:$0x18900] =	vst v63  }
0x33: {  	_ =	swait.ge [sflag:s13], $0x80  }
0x34: {  	[sflag:s13] =	ssyncset.done $0x0  }
0x35: {  	[sflag:s13] =	ssyncadd.s32 $0xFFFFFF80  }
0x36: {  	[tilespmem:s14], [sflag:$0x1] =	stream.linear.gather [hbm4b:s19+s3], $0x4000, $0x38;
	[tilespmem:$0x18900] =	vst v63  }
0x37: {  	_ =	swait.ge [sflag:s13], $0x4000  }
0x38: {  	[sflag:s13] =	ssyncset.done $0x0  }
0x39: {  	[sflag:s13] =	ssyncadd.s32 $0xFFFFC000  }
0x3a: {  	[spmem:s2] =	stream.indirect.scatter.add.f32 [tilespmem:s14], [sflag:$0x1], $0x80, s3, s14, $0xb8;
	[tilespmem:$0x18900] =	vst v63  }
0x3b: {  	_ =	swait.ge [sflag:s13], $0x4000  }
0x3c: {  	[sflag:s13] =	ssyncset.done $0x0  }
0x3d: {  	[sflag:s13] =	ssyncadd.s32 $0xFFFFC000  }
0x3e: {  	[tilespmem:s15], [sflag:$0x1] =	stream.linear.gather [hbm4b:s6+s3], $0x10, $0x38;
	[tilespmem:$0x18900] =	vst v63  }
0x3f: {  	_ =	swait.ge [sflag:s13], $0x10  }
0x40: {  	[sflag:s13] =	ssyncset.done $0x0  }
0x41: {  	[sflag:s13] =	ssyncadd.s32 $0xFFFFFFF0  }
0x42: {  	[tilespmem:s16], [sflag:$0x1] =	stream.linear.gather [hbm4b:s7+s3], $0x800, $0x38;
	[tilespmem:$0x18900] =	vst v63  }
0x43: {  	_ =	swait.ge [sflag:s13], $0x800  }
0x44: {  	[sflag:s13] =	ssyncset.done $0x0  }
0x45: {  	[sflag:s13] =	ssyncadd.s32 $0xFFFFF800  }
0x46: {  	[spmem:s2] =	stream.indirect.scatter.add.f32 [tilespmem:s16], [sflag:$0x1], $0x80, s15, s17, $0xb8;
	[tilespmem:$0x18900] =	vst v63  }
0x47: {  	_ =	swait.ge [sflag:s13], $0x800  }
0x48: {  	s18 =	sadd.s32 $0x1, s18;
	[sflag:s13] =	ssyncset.done $0x0  }
0x49: {  	p0 =	sne.s32 s18, s9;
	[sflag:s13] =	ssyncadd.s32 $0xFFFFF800  }
.Ltmp1:
0x4a: {  	[bflag:$0x0] =	sbarrier.arrive $0xFFFF;
	(pc) =	sbr.rel @p0 .LBB2_1-.Ltmp1, $4  }
0x4b: {  	[hbm:s8], [sflag:s5] =	dma.local [spmem:s12], $0x2800  }
0x4c: {  	_ =	swait.ge [sflag:s13], $0x2800  }
0x4d: {  	[sflag:s13] =	ssyncset.done $0x0  }
0x4e: {  	[sflag:s13] =	ssyncadd.s32 $0xFFFFD800  }
0x4f: {  	_ =	sfence.sel $0x180000  }
0x50: {  	[bflag:$0x0] =	sbarrier.arrive $0xFFFF  }
0x51: {  	p0 =	sne.s32 s1, $0x0;
	_ =	strace $0x9000005C  }
0x52: {  	s0 =	sadd.s32 @!p0 $0x100000, s0;
	[bflag:$0x2] =	sbarrier.arrive $0xFFFF  }
0x53: {  	[sflag:s0] =	ssyncadd.tile.s32 @!p0 $0x1;
	_ =	shalt  }
.Lfunc_end2:
_tile_overlayer_lowered:
.L_overlay_start_2:
0x54: {  	(tag) =	ssettag $0x2  }
0x55: {  	s0 =	rddreg [dreg:$0x0];
	s2 =	stileid.u32  }
0x56: {  	s1 =	rddreg [dreg:$0x1];
	p0 =	sne.s32 s2, $0x0  }
0x57: {  	s3 =	rddreg [dreg:$0x2];
	[bflag:$0x3] =	sbarrier.arrive $0xFFFF;
	s2 =	simm.s32 @!p0 $0x1C01  }
0x58: {  	[timem:s3], [sflag:s2] =	dma.local @!p0 [hbm:s0], s1  }
0x59: {  	s0 =	simm.s32 @!p0 $0x1  }
0x5a: {  	_ =	swait.ge @!p0 [sflag:s0], s1  }
0x5b: {  	s1 =	ssub.s32 @!p0 $0x0, s1;
	[sflag:s0] =	ssyncset.done @!p0 $0x0  }
0x5c: {  	[sflag:s0] =	ssyncadd.s32 @!p0 s1  }
0x5d: {  	[bflag:$0x3] =	sbarrier.arrive $0xFFFF  }
0x5e: {  	_ =	shalt  }

</sc_bundles>
